<compile_context>
chip_gen: v7x
topology: tpu7x:2x2x1
jax: 0.10.2.dev20260603
libtpu: 0.0.44.dev20260713+nightly
codegen_flags: <defaults>
</compile_context>

<pallas_src>
import jax
import jax.numpy as jnp
from jax import lax
from jax.experimental import pallas as pl
from jax.experimental.pallas import tpu as pltpu
from jax.experimental.pallas import tpu_sc as plsc

N = 4096
D = 128
NG32 = N // 32
NTILES = 32
GPT = NG32 // NTILES
CAPW = 4096
CAPE = 4096
CHUNK = 128
HALF = N // 2
DUMMY = HALF

BLK1 = 512


def _pack_body(thr_ref, a_ref, qt_ref, f_ref, pk_ref, dout_ref, din_ref,
               hs_ref):
    i = pl.program_id(0)
    mask_f = (a_ref[...] >= thr_ref[0]).astype(jnp.float32)
    mask = mask_f.astype(jnp.bfloat16)
    pkt = lax.dot_general(mask, qt_ref[...], (((1,), (0,)), ((), ())),
                          preferred_element_type=jnp.float32)
    dout = jnp.sum(mask_f, axis=1, keepdims=True)
    dout_ref[...] = dout
    hs_ref[...] = f_ref[...] * lax.rsqrt(dout + 1.0)

    @pl.when(i == 0)
    def _():
        din_ref[...] = jnp.zeros_like(din_ref)

    ones8 = jnp.full((8, BLK1), jnp.bfloat16(1), jnp.bfloat16)
    din_ref[...] += lax.dot_general(ones8, mask, (((1,), (0,)), ((), ())),
                                    preferred_element_type=jnp.float32)

    pk32 = jnp.transpose(pkt.astype(jnp.int32), (1, 0))
    lo = lax.slice(pk32, (0, 0), (NG32, BLK1))
    hi = lax.slice(pk32, (NG32, 0), (2 * NG32, BLK1))
    pk_ref[...] = lo | lax.shift_left(hi, 16)


def _pack_and_degrees(A, features, thr):
    col = lax.iota(jnp.int32, N)
    gp = lax.iota(jnp.int32, 2 * NG32)[:, None]
    grp16 = jnp.where(gp < NG32, 2 * gp, 2 * (gp - NG32) + 1)
    q = jnp.where((col[None, :] // 16) == grp16,
                  jnp.exp2((col % 16).astype(jnp.float32))[None, :], 0.0)
    qt = q.T.astype(jnp.bfloat16)
    grid = (N // BLK1,)
    return pl.pallas_call(
        _pack_body,
        grid=grid,
        in_specs=[
            pl.BlockSpec(memory_space=pltpu.SMEM),
            pl.BlockSpec((BLK1, N), lambda i: (i, 0)),
            pl.BlockSpec((N, 2 * NG32), lambda i: (0, 0)),
            pl.BlockSpec((BLK1, D), lambda i: (i, 0)),
        ],
        out_specs=[
            pl.BlockSpec((NG32, BLK1), lambda i: (0, i)),
            pl.BlockSpec((BLK1, 1), lambda i: (i, 0)),
            pl.BlockSpec((8, N), lambda i: (0, 0)),
            pl.BlockSpec((BLK1, D), lambda i: (i, 0)),
        ],
        out_shape=[
            jax.ShapeDtypeStruct((NG32, N), jnp.int32),
            jax.ShapeDtypeStruct((N, 1), jnp.float32),
            jax.ShapeDtypeStruct((8, N), jnp.float32),
            jax.ShapeDtypeStruct((N, D), jnp.float32),
        ],
        compiler_params=pltpu.CompilerParams(
            dimension_semantics=("arbitrary",),
        ),
    )(thr, A, qt, features)


def _agg_loop(sh_hs, hs_hbm, src_v, dst_v, n, shared,
              sidx0, didx0, rows0, sem0, sidx1, didx1, rows1, sem1):
    nch = (n + CHUNK - 1) // CHUNK

    def load_idx(ci, sref, dref):
        for k in range(CHUNK // 16):
            sref[pl.ds(k * 16, 16)] = src_v[pl.ds(ci * CHUNK + k * 16, 16)]
            dref[pl.ds(k * 16, 16)] = dst_v[pl.ds(ci * CHUNK + k * 16, 16)]

    def drain(rows, sem):
        pltpu.make_async_copy(hs_hbm.at[pl.ds(0, CHUNK), :], rows, sem).wait()

    @pl.when(nch > 0)
    def _():
        load_idx(0, sidx0, didx0)
        pltpu.async_copy(sh_hs.at[sidx0], rows0, sem0)

    def body(ci, _):
        p = lax.rem(ci, 2)

        @pl.when((p == 0) & (ci + 1 < nch))
        def _():
            @pl.when(ci >= 1)
            def _():
                drain(rows1, sem1)
            load_idx(ci + 1, sidx1, didx1)
            pltpu.async_copy(sh_hs.at[sidx1], rows1, sem1)

        @pl.when((p == 1) & (ci + 1 < nch))
        def _():
            drain(rows0, sem0)
            load_idx(ci + 1, sidx0, didx0)
            pltpu.async_copy(sh_hs.at[sidx0], rows0, sem0)

        @pl.when(p == 0)
        def _():
            drain(rows0, sem0)
            pltpu.async_copy(rows0, shared.at[didx0], sem0, add=True)

        @pl.when(p == 1)
        def _():
            drain(rows1, sem1)
            pltpu.async_copy(rows1, shared.at[didx1], sem1, add=True)

        return 0

    lax.fori_loop(0, nch, body, 0)
    @pl.when(nch > 0)
    def _():
        p = lax.rem(nch - 1, 2)

        @pl.when(p == 0)
        def _():
            drain(rows0, sem0)

        @pl.when(p == 1)
        def _():
            drain(rows1, sem1)

    @pl.when(nch > 1)
    def _():
        p = lax.rem(nch - 2, 2)

        @pl.when(p == 0)
        def _():
            drain(rows0, sem0)

        @pl.when(p == 1)
        def _():
            drain(rows1, sem1)


def _extract_agg_body(pk_hbm, hs_hbm, esrc_hbm, edst_hbm, cnt_hbm, agg_hbm,
                      pk_v, src_v, dst_v, nzw_v, nzi_v, out16_v,
                      sidx0, didx0, rows0, sidx1, didx1, rows1,
                      shared, sh_hs, sem0, sem1, sem_st):
    c = lax.axis_index("c")
    s = lax.axis_index("s")
    wid = c * 16 + s
    g0 = wid * GPT
    iota = lax.iota(jnp.int32, 16)

    pltpu.sync_copy(pk_hbm.at[pl.ds(g0, GPT), :], pk_v)
    pltpu.async_copy(hs_hbm.at[pl.ds(s * 256, 256), :],
                     sh_hs.at[pl.ds(s * 256, 256), :], sem_st)
    pltpu.sync_copy(hs_hbm.at[pl.ds(wid * 128, 128), :],
                    shared.at[pl.ds(s * 128, 128), :])

    offv = jnp.zeros((16,), jnp.int32)
    for gl in range(GPT):
        def body_a(i, offv, gl=gl):
            v0 = pk_v[gl, pl.ds(i * 32, 16)]
            v1 = pk_v[gl, pl.ds(i * 32 + 16, 16)]
            m0 = v0 != 0
            m1 = v1 != 0
            i0 = m0.astype(jnp.int32)
            i1 = m1.astype(jnp.int32)
            c0 = plsc.all_reduce_population_count(m0)
            c1 = plsc.all_reduce_population_count(m1)
            e0 = plsc.cumsum(i0) - i0
            e1 = plsc.cumsum(i1) - i1
            d0 = jnp.where(m0, offv + e0, CAPW)
            d1 = jnp.where(m1, offv + c0 + e1, CAPW)
            plsc.store_scatter(nzw_v, [d0], v0)
            plsc.store_scatter(nzi_v, [d0], gl * N + i * 32 + iota)
            plsc.store_scatter(nzw_v, [d1], v1)
            plsc.store_scatter(nzi_v, [d1], gl * N + i * 32 + 16 + iota)
            return jnp.minimum(offv + c0 + c1, CAPW - 16)
        offv = lax.fori_loop(0, N // 32, body_a, offv)

    nw = jnp.max(offv, axis=0)
    dbase0 = g0 * 32 - c * HALF

    def body_b(j, ecv):
        lanem = iota < (nw - j * 16)
        w = jnp.where(lanem, nzw_v[pl.ds(j * 16, 16)], 0)
        fi = nzi_v[pl.ds(j * 16, 16)]
        r = fi & (N - 1)
        gl = lax.shift_right_logical(fi, 12)
        dstbase = dbase0 + gl * 32

        def peel_cond(carry):
            return jnp.any(carry[0] != 0)

        def peel(carry):
            w, ecv = carry
            b = w & (-w)
            mm = b != 0
            bf = b.astype(jnp.float32)
            bi = (lax.shift_right_logical(
                lax.bitcast_convert_type(bf, jnp.int32), 23) & 0xFF) - 127
            mi = mm.astype(jnp.int32)
            excl = plsc.cumsum(mi) - mi
            dest = jnp.where(mm, ecv + excl, CAPE)
            plsc.store_scatter(src_v, [dest], r)
            plsc.store_scatter(dst_v, [dest], dstbase + bi)
            cnt = plsc.all_reduce_population_count(mm)
            ecv = jnp.minimum(ecv + cnt, CAPE - 16)
            return (w & (w - 1), ecv)

        _, ecv = lax.while_loop(peel_cond, peel, (w, ecv))
        return ecv

    ecv = lax.fori_loop(0, (nw + 15) // 16, body_b,
                        jnp.zeros((16,), jnp.int32))
    ec = jnp.max(ecv, axis=0)

    target = ((ec + CHUNK - 1) // CHUNK) * CHUNK

    def pad(o):
        src_v[pl.ds(o, 16)] = jnp.zeros((16,), jnp.int32)
        dst_v[pl.ds(o, 16)] = jnp.full((16,), DUMMY, jnp.int32)
        return o + 16

    lax.while_loop(lambda o: o < target, pad, ec)

    out16_v[...] = jnp.full((16,), ec, jnp.int32)
    pltpu.sync_copy(out16_v, cnt_hbm.at[pl.ds(wid * 16, 16)])
    pltpu.sync_copy(src_v.at[pl.ds(0, CAPE)], esrc_hbm.at[wid])
    pltpu.sync_copy(dst_v.at[pl.ds(0, CAPE)], edst_hbm.at[wid])

    pltpu.make_async_copy(hs_hbm.at[pl.ds(0, 256), :],
                          sh_hs.at[pl.ds(0, 256), :], sem_st).wait()
    plsc.subcore_barrier()
    _agg_loop(sh_hs, hs_hbm, src_v, dst_v, ec, shared,
              sidx0, didx0, rows0, sem0, sidx1, didx1, rows1, sem1)
    pltpu.sync_copy(shared.at[pl.ds(s * 128, 128), :],
                    agg_hbm.at[pl.ds(wid * 128, 128), :])


def _extract_agg(packed, hs0):
    mesh = plsc.VectorSubcoreMesh(core_axis_name="c", subcore_axis_name="s")
    return pl.kernel(
        _extract_agg_body,
        out_type=[
            jax.ShapeDtypeStruct((NTILES, CAPE), jnp.int32),
            jax.ShapeDtypeStruct((NTILES, CAPE), jnp.int32),
            jax.ShapeDtypeStruct((NTILES * 16,), jnp.int32),
            jax.ShapeDtypeStruct((N, D), jnp.float32),
        ],
        mesh=mesh,
        scratch_types=[
            pltpu.VMEM((GPT, N), jnp.int32),
            pltpu.VMEM((CAPE + 16,), jnp.int32),
            pltpu.VMEM((CAPE + 16,), jnp.int32),
            pltpu.VMEM((CAPW + 16,), jnp.int32),
            pltpu.VMEM((CAPW + 16,), jnp.int32),
            pltpu.VMEM((16,), jnp.int32),
            pltpu.VMEM((CHUNK,), jnp.int32),
            pltpu.VMEM((CHUNK,), jnp.int32),
            pltpu.VMEM((CHUNK, D), jnp.float32),
            pltpu.VMEM((CHUNK,), jnp.int32),
            pltpu.VMEM((CHUNK,), jnp.int32),
            pltpu.VMEM((CHUNK, D), jnp.float32),
            pltpu.VMEM_SHARED((HALF + 16, D), jnp.float32),
            pltpu.VMEM_SHARED((N, D), jnp.float32),
            pltpu.SemaphoreType.DMA,
            pltpu.SemaphoreType.DMA,
            pltpu.SemaphoreType.DMA,
        ],
        compiler_params=pltpu.CompilerParams(needs_layout_passes=False),
    )(packed, hs0)


def _agg2_body(hs_hbm, esrc_hbm, edst_hbm, cnt_hbm, agg_hbm,
               src_v, dst_v, cnt_v,
               sidx0, didx0, rows0, sidx1, didx1, rows1,
               shared, sh_hs, sem0, sem1, sem_st):
    c = lax.axis_index("c")
    s = lax.axis_index("s")
    wid = c * 16 + s

    pltpu.async_copy(hs_hbm.at[pl.ds(s * 256, 256), :],
                     sh_hs.at[pl.ds(s * 256, 256), :], sem_st)
    pltpu.sync_copy(hs_hbm.at[pl.ds(wid * 128, 128), :],
                    shared.at[pl.ds(s * 128, 128), :])
    pltpu.sync_copy(cnt_hbm.at[pl.ds(wid * 16, 16)], cnt_v)
    n = jnp.max(cnt_v[...], axis=0)
    pltpu.sync_copy(esrc_hbm.at[wid], src_v.at[pl.ds(0, CAPE)])
    pltpu.sync_copy(edst_hbm.at[wid], dst_v.at[pl.ds(0, CAPE)])
    pltpu.make_async_copy(hs_hbm.at[pl.ds(0, 256), :],
                          sh_hs.at[pl.ds(0, 256), :], sem_st).wait()
    plsc.subcore_barrier()

    _agg_loop(sh_hs, hs_hbm, src_v, dst_v, n, shared,
              sidx0, didx0, rows0, sem0, sidx1, didx1, rows1, sem1)
    pltpu.sync_copy(shared.at[pl.ds(s * 128, 128), :],
                    agg_hbm.at[pl.ds(wid * 128, 128), :])


def _aggregate2(hs, esrc, edst, cnt):
    mesh = plsc.VectorSubcoreMesh(core_axis_name="c", subcore_axis_name="s")
    return pl.kernel(
        _agg2_body,
        out_type=jax.ShapeDtypeStruct((N, D), jnp.float32),
        mesh=mesh,
        scratch_types=[
            pltpu.VMEM((CAPE + 16,), jnp.int32),
            pltpu.VMEM((CAPE + 16,), jnp.int32),
            pltpu.VMEM((16,), jnp.int32),
            pltpu.VMEM((CHUNK,), jnp.int32),
            pltpu.VMEM((CHUNK,), jnp.int32),
            pltpu.VMEM((CHUNK, D), jnp.float32),
            pltpu.VMEM((CHUNK,), jnp.int32),
            pltpu.VMEM((CHUNK,), jnp.int32),
            pltpu.VMEM((CHUNK, D), jnp.float32),
            pltpu.VMEM_SHARED((HALF + 16, D), jnp.float32),
            pltpu.VMEM_SHARED((N, D), jnp.float32),
            pltpu.SemaphoreType.DMA,
            pltpu.SemaphoreType.DMA,
            pltpu.SemaphoreType.DMA,
        ],
        compiler_params=pltpu.CompilerParams(needs_layout_passes=False),
    )(hs, esrc, edst, cnt)


def _post_body(agg_ref, ni_ref, no_ref, w_ref, b_ref, h_ref, hs_ref):
    hd = agg_ref[...] * ni_ref[...]
    h = jax.nn.relu(
        jnp.dot(hd, w_ref[...], preferred_element_type=jnp.float32)
        + b_ref[...])
    h_ref[...] = h
    hs_ref[...] = h * no_ref[...]


def _post(agg, ni_col, no_col, W, b):
    grid = (4,)
    blk = N // 4
    return pl.pallas_call(
        _post_body,
        grid=grid,
        in_specs=[
            pl.BlockSpec((blk, D), lambda i: (i, 0)),
            pl.BlockSpec((blk, 1), lambda i: (i, 0)),
            pl.BlockSpec((blk, 1), lambda i: (i, 0)),
            pl.BlockSpec((D, D), lambda i: (0, 0)),
            pl.BlockSpec((1, D), lambda i: (0, 0)),
        ],
        out_specs=[
            pl.BlockSpec((blk, D), lambda i: (i, 0)),
            pl.BlockSpec((blk, D), lambda i: (i, 0)),
        ],
        out_shape=[
            jax.ShapeDtypeStruct((N, D), jnp.float32),
            jax.ShapeDtypeStruct((N, D), jnp.float32),
        ],
    )(agg, ni_col, no_col, W, b[None, :])


def kernel(A, features, threshold, W1, b1, W2, b2):
    thr = jnp.asarray(threshold, jnp.float32).reshape(1)
    packed, dout_col, din8, hs0 = _pack_and_degrees(A, features, thr)
    no_col = lax.rsqrt(dout_col + 1.0)
    ni_col = lax.rsqrt(din8[0] + 1.0)[:, None]
    esrc, edst, cnt, agg1 = _extract_agg(packed, hs0)
    h1, hs1 = _post(agg1, ni_col, no_col, W1, b1)
    agg2 = _aggregate2(hs1, esrc, edst, cnt)
    h2, _ = _post(agg2, ni_col, no_col, W2, b2)
    return (h1, h2)

# --- scband reference (transcript-rebuilt; emitter-appended) ---
"""Pipeline reference for scband-multi-layer-gcn-68298569941180 (READ-ONLY COPY).

The authoritative reference and input builder live on the scoring server;
editing this copy changes nothing except your own understanding.
"""

import jax, jax.numpy as jnp
import numpy as np

N = 4096
D = 128

def setup_inputs(seed: int = 0) -> dict:
    key = jax.random.key(seed)
    k1, k2, k3, k4 = jax.random.split(key, 4)
    A = jax.random.normal(k1, (N, N), dtype=jnp.float32)
    features = jax.random.normal(k2, (N, D), dtype=jnp.float32)
    # GraphConv params (xavier-like init), two layers: feats=[128,128,128]
    W1 = jax.random.normal(k3, (D, D), dtype=jnp.float32) * (1.0 / np.sqrt(D))
    b1 = jnp.zeros((D,), dtype=jnp.float32)
    W2 = jax.random.normal(k4, (D, D), dtype=jnp.float32) * (1.0 / np.sqrt(D))
    b2 = jnp.zeros((D,), dtype=jnp.float32)
    return {"A": A, "features": features, "threshold": 3,
            "W1": W1, "b1": b1, "W2": W2, "b2": b2}

def reference(A, features, threshold, W1, b1, W2, b2):
    # torch.where(A >= threshold, A, 0.0) under no_grad
    A_thr = jnp.where(A >= threshold, A, 0.0)
    # dgl.graph((row, col)) from nonzero entries -> binary (unweighted) adjacency,
    # edges row->col; then add self-loops for every node (duplicate diagonal edges
    # become multiplicity 2, matching DGL multigraph semantics).
    M = (A_thr != 0).astype(jnp.float32)
    M = M + jnp.eye(A.shape[0], dtype=jnp.float32)
    # DGL GraphConv norm='both': src scaled by out_deg^-1/2, dst by in_deg^-1/2,
    # degrees clamped to min 1.
    deg_out = jnp.clip(jnp.sum(M, axis=1), 1.0, None)
    deg_in = jnp.clip(jnp.sum(M, axis=0), 1.0, None)
    norm_out = deg_out ** -0.5
    norm_in = deg_in ** -0.5

    def gcn_layer(h, W, b):
        h = h * norm_out[:, None]
        h = M.T @ h  # aggregate src -> dst (sum over incoming edges)
        h = h * norm_in[:, None]
        h = h @ W + b
        return h

    h1 = jax.nn.relu(gcn_layer(features, W1, b1))
    h2 = jax.nn.relu(gcn_layer(h1, W2, b2))
    return (h1, h2)

if __name__ == "__main__":
    import jax
    _d = setup_inputs()
    print(jax.jit(kernel)(*tuple(_d.values())))

</pallas_src>

<mosaic_0001>
#map = affine_map<(d0, d1) -> (0, 0)>
#map1 = affine_map<(d0, d1) -> (0)>
module attributes {stable_mosaic.version = 14 : i64} {
  func.func @_agg2_body(%arg0: i32, %arg1: i32, %arg2: memref<4096x128xf32, #tpu.memory_space<hbm>>, %arg3: memref<32x4096xi32, #tpu.memory_space<hbm>>, %arg4: memref<32x4096xi32, #tpu.memory_space<hbm>>, %arg5: memref<512xi32, #tpu.memory_space<hbm>>, %arg6: memref<4096x128xf32, #tpu.memory_space<hbm>>, %arg7: memref<4112xi32, #tpu.memory_space<vmem>>, %arg8: memref<4112xi32, #tpu.memory_space<vmem>>, %arg9: memref<16xi32, #tpu.memory_space<vmem>>, %arg10: memref<128xi32, #tpu.memory_space<vmem>>, %arg11: memref<128xi32, #tpu.memory_space<vmem>>, %arg12: memref<128x128xf32, #tpu.memory_space<vmem>>, %arg13: memref<128xi32, #tpu.memory_space<vmem>>, %arg14: memref<128xi32, #tpu.memory_space<vmem>>, %arg15: memref<128x128xf32, #tpu.memory_space<vmem>>, %arg16: memref<2064x128xf32, #tpu.memory_space<vmem_shared>>, %arg17: memref<4096x128xf32, #tpu.memory_space<vmem_shared>>, %arg18: memref<!tpu.dma_semaphore, #tpu.memory_space<semaphore_mem>>, %arg19: memref<!tpu.dma_semaphore, #tpu.memory_space<semaphore_mem>>, %arg20: memref<!tpu.dma_semaphore, #tpu.memory_space<semaphore_mem>>) attributes {dimension_semantics = [#tpu.dimension_semantics<core_parallel>, #tpu.dimension_semantics<subcore_parallel>], iteration_bounds = array<i64: 2, 16>, scalar_prefetch = 0 : i64, scratch_operands = 14 : i64, tpu.core_type = #tpu.core_type<sc_vector_subcore>, window_params = [{transform_indices = #map}, {transform_indices = #map}, {transform_indices = #map}, {transform_indices = #map1}, {transform_indices = #map}]} {
    %mul3A = arith.constant 16 : i32
    %mul3A_0 = arith.muli %arg0, %mul3A : i32
    %add3A = arith.addi %mul3A_0, %arg1 : i32
    %mul3A_1 = arith.constant 256 : i32
    %mul3A_2 = arith.muli %arg1, %mul3A_1 : i32
    %mul3A_3 = arith.constant 256 : i32
    %mul3A_4 = arith.muli %arg1, %mul3A_3 : i32
    %dma_start3A = arith.constant 0 : i32
    %dma_start3A_5 = tpu.memref_slice %arg17[%mul3A_4, %dma_start3A] : memref<4096x128xf32, #tpu.memory_space<vmem_shared>> -> memref<256x128xf32, #tpu.memory_space<vmem_shared>>
    %dma_start3A_6 = arith.constant 0 : i32
    %dma_start3A_7 = tpu.memref_slice %arg2[%mul3A_2, %dma_start3A_6] : memref<4096x128xf32, #tpu.memory_space<hbm>> -> memref<256x128xf32, #tpu.memory_space<hbm>>
    tpu.enqueue_dma source(%dma_start3A_7 : memref<256x128xf32, #tpu.memory_space<hbm>>) target(%dma_start3A_5 : memref<256x128xf32, #tpu.memory_space<vmem_shared>>) target_semaphore(%arg20 : memref<!tpu.dma_semaphore, #tpu.memory_space<semaphore_mem>>)
    %mul3A_8 = arith.constant 128 : i32
    %mul3A_9 = arith.muli %add3A, %mul3A_8 : i32
    %mul3A_10 = arith.constant 128 : i32
    %mul3A_11 = arith.muli %arg1, %mul3A_10 : i32
    "tpu.region"() ({
      %run_scoped3A = tpu.sem_alloc : memref<!tpu.dma_semaphore, #tpu.memory_space<semaphore_mem>>
      %dma_start3A_74 = arith.constant 0 : i32
      %dma_start3A_75 = tpu.memref_slice %arg16[%mul3A_11, %dma_start3A_74] : memref<2064x128xf32, #tpu.memory_space<vmem_shared>> -> memref<128x128xf32, #tpu.memory_space<vmem_shared>>
      %dma_start3A_76 = arith.constant 0 : i32
      %dma_start3A_77 = tpu.memref_slice %arg2[%mul3A_9, %dma_start3A_76] : memref<4096x128xf32, #tpu.memory_space<hbm>> -> memref<128x128xf32, #tpu.memory_space<hbm>>
      tpu.enqueue_dma source(%dma_start3A_77 : memref<128x128xf32, #tpu.memory_space<hbm>>) target(%dma_start3A_75 : memref<128x128xf32, #tpu.memory_space<vmem_shared>>) target_semaphore(%run_scoped3A : memref<!tpu.dma_semaphore, #tpu.memory_space<semaphore_mem>>)
      %dma_wait3A_78 = arith.constant 0 : i32
      %dma_wait3A_79 = tpu.memref_slice %arg16[%mul3A_11, %dma_wait3A_78] : memref<2064x128xf32, #tpu.memory_space<vmem_shared>> -> memref<128x128xf32, #tpu.memory_space<vmem_shared>>
      %dma_wait3A_80 = arith.constant 0 : i32
      %dma_wait3A_81 = tpu.memref_slice %arg2[%mul3A_9, %dma_wait3A_80] : memref<4096x128xf32, #tpu.memory_space<hbm>> -> memref<128x128xf32, #tpu.memory_space<hbm>>
      tpu.wait_dma2 semaphore(%run_scoped3A : memref<!tpu.dma_semaphore, #tpu.memory_space<semaphore_mem>>) src(%dma_wait3A_81 : memref<128x128xf32, #tpu.memory_space<hbm>>) dst(%dma_wait3A_79 : memref<128x128xf32, #tpu.memory_space<vmem_shared>>)
      tpu.yield
    }) : () -> ()
    %mul3A_12 = arith.constant 16 : i32
    %mul3A_13 = arith.muli %add3A, %mul3A_12 : i32
    "tpu.region"() ({
      %run_scoped3A = tpu.sem_alloc : memref<!tpu.dma_semaphore, #tpu.memory_space<semaphore_mem>>
      %dma_start3A_74 = tpu.memref_slice %arg5[%mul3A_13] : memref<512xi32, #tpu.memory_space<hbm>> -> memref<16xi32, #tpu.memory_space<hbm>>
      %dma_start3A_75 = tpu.memref_slice %arg5[%mul3A_13] : memref<512xi32, #tpu.memory_space<hbm>> -> memref<16xi32, #tpu.memory_space<hbm>>
      tpu.enqueue_dma source(%dma_start3A_75 : memref<16xi32, #tpu.memory_space<hbm>>) target(%arg9 : memref<16xi32, #tpu.memory_space<vmem>>) target_semaphore(%run_scoped3A : memref<!tpu.dma_semaphore, #tpu.memory_space<semaphore_mem>>)
      %dma_wait3A_76 = tpu.memref_slice %arg5[%mul3A_13] : memref<512xi32, #tpu.memory_space<hbm>> -> memref<16xi32, #tpu.memory_space<hbm>>
      %dma_wait3A_77 = tpu.memref_slice %arg5[%mul3A_13] : memref<512xi32, #tpu.memory_space<hbm>> -> memref<16xi32, #tpu.memory_space<hbm>>
      tpu.wait_dma2 semaphore(%run_scoped3A : memref<!tpu.dma_semaphore, #tpu.memory_space<semaphore_mem>>) src(%dma_wait3A_77 : memref<16xi32, #tpu.memory_space<hbm>>) dst(%arg9 : memref<16xi32, #tpu.memory_space<vmem>>)
      tpu.yield
    }) : () -> ()
    %get3A = arith.constant 0 : index
    %get3A_14 = tpu.vector_load %arg9[%get3A] {strides = array<i32>} : memref<16xi32, #tpu.memory_space<vmem>>, vector<16xi32>,
    %reduce_max3A = arith.constant true
    %reduce_max3A_15 = vector.broadcast %reduce_max3A : i1 to vector<16xi1>
    %reduce_max3A_16 = arith.constant -2147483648 : i32
    %reduce_max3A_17 = vector.broadcast %reduce_max3A_16 : i32 to vector<16xi32>
    %reduce_max3A_18 = arith.xori %get3A_14, %reduce_max3A_17 : vector<16xi32>
    %reduce_max3A_19 = tpu.scan <max>, %reduce_max3A_18 masked %reduce_max3A_15 : vector<16xi32>, vector<16xi1> -> vector<16xi32>
    %reduce_max3A_20 = arith.xori %reduce_max3A_19, %reduce_max3A_17 : vector<16xi32>
    %reduce_max3A_21 = vector.extract %reduce_max3A_20[15] : i32 from vector<16xi32>
    "tpu.region"() ({
      %run_scoped3A = tpu.sem_alloc : memref<!tpu.dma_semaphore, #tpu.memory_space<semaphore_mem>>
      %dma_start3A_74 = arith.constant 0 : i32
      %dma_start3A_75 = tpu.memref_slice %arg7[%dma_start3A_74] : memref<4112xi32, #tpu.memory_space<vmem>> -> memref<4096xi32, #tpu.memory_space<vmem>>
      %dma_start3A_76 = arith.constant 0 : i32
      %dma_start3A_77 = tpu.memref_slice %arg3[%add3A, %dma_start3A_76] : memref<32x4096xi32, #tpu.memory_space<hbm>> -> memref<1x4096xi32, #tpu.memory_space<hbm>>
      %dma_start3A_78 = tpu.memref_squeeze %dma_start3A_77 : memref<1x4096xi32, #tpu.memory_space<hbm>> -> memref<4096xi32, #tpu.memory_space<hbm>>
      %dma_start3A_79 = arith.constant 0 : i32
      %dma_start3A_80 = tpu.memref_slice %arg7[%dma_start3A_79] : memref<4112xi32, #tpu.memory_space<vmem>> -> memref<4096xi32, #tpu.memory_space<vmem>>
      %dma_start3A_81 = arith.constant 0 : i32
      %dma_start3A_82 = tpu.memref_slice %arg3[%add3A, %dma_start3A_81] : memref<32x4096xi32, #tpu.memory_space<hbm>> -> memref<1x4096xi32, #tpu.memory_space<hbm>>
      %dma_start3A_83 = tpu.memref_squeeze %dma_start3A_82 : memref<1x4096xi32, #tpu.memory_space<hbm>> -> memref<4096xi32, #tpu.memory_space<hbm>>
      tpu.enqueue_dma source(%dma_start3A_83 : memref<4096xi32, #tpu.memory_space<hbm>>) target(%dma_start3A_80 : memref<4096xi32, #tpu.memory_space<vmem>>) target_semaphore(%run_scoped3A : memref<!tpu.dma_semaphore, #tpu.memory_space<semaphore_mem>>)
      %dma_wait3A_84 = arith.constant 0 : i32
      %dma_wait3A_85 = tpu.memref_slice %arg7[%dma_wait3A_84] : memref<4112xi32, #tpu.memory_space<vmem>> -> memref<4096xi32, #tpu.memory_space<vmem>>
      %dma_wait3A_86 = arith.constant 0 : i32
      %dma_wait3A_87 = tpu.memref_slice %arg3[%add3A, %dma_wait3A_86] : memref<32x4096xi32, #tpu.memory_space<hbm>> -> memref<1x4096xi32, #tpu.memory_space<hbm>>
      %dma_wait3A_88 = tpu.memref_squeeze %dma_wait3A_87 : memref<1x4096xi32, #tpu.memory_space<hbm>> -> memref<4096xi32, #tpu.memory_space<hbm>>
      %dma_wait3A_89 = arith.constant 0 : i32
      %dma_wait3A_90 = tpu.memref_slice %arg7[%dma_wait3A_89] : memref<4112xi32, #tpu.memory_space<vmem>> -> memref<4096xi32, #tpu.memory_space<vmem>>
      %dma_wait3A_91 = arith.constant 0 : i32
      %dma_wait3A_92 = tpu.memref_slice %arg3[%add3A, %dma_wait3A_91] : memref<32x4096xi32, #tpu.memory_space<hbm>> -> memref<1x4096xi32, #tpu.memory_space<hbm>>
      %dma_wait3A_93 = tpu.memref_squeeze %dma_wait3A_92 : memref<1x4096xi32, #tpu.memory_space<hbm>> -> memref<4096xi32, #tpu.memory_space<hbm>>
      tpu.wait_dma2 semaphore(%run_scoped3A : memref<!tpu.dma_semaphore, #tpu.memory_space<semaphore_mem>>) src(%dma_wait3A_93 : memref<4096xi32, #tpu.memory_space<hbm>>) dst(%dma_wait3A_90 : memref<4096xi32, #tpu.memory_space<vmem>>)
      tpu.yield
    }) : () -> ()
    "tpu.region"() ({
      %run_scoped3A = tpu.sem_alloc : memref<!tpu.dma_semaphore, #tpu.memory_space<semaphore_mem>>
      %dma_start3A_74 = arith.constant 0 : i32
      %dma_start3A_75 = tpu.memref_slice %arg8[%dma_start3A_74] : memref<4112xi32, #tpu.memory_space<vmem>> -> memref<4096xi32, #tpu.memory_space<vmem>>
      %dma_start3A_76 = arith.constant 0 : i32
      %dma_start3A_77 = tpu.memref_slice %arg4[%add3A, %dma_start3A_76] : memref<32x4096xi32, #tpu.memory_space<hbm>> -> memref<1x4096xi32, #tpu.memory_space<hbm>>
      %dma_start3A_78 = tpu.memref_squeeze %dma_start3A_77 : memref<1x4096xi32, #tpu.memory_space<hbm>> -> memref<4096xi32, #tpu.memory_space<hbm>>
      %dma_start3A_79 = arith.constant 0 : i32
      %dma_start3A_80 = tpu.memref_slice %arg8[%dma_start3A_79] : memref<4112xi32, #tpu.memory_space<vmem>> -> memref<4096xi32, #tpu.memory_space<vmem>>
      %dma_start3A_81 = arith.constant 0 : i32
      %dma_start3A_82 = tpu.memref_slice %arg4[%add3A, %dma_start3A_81] : memref<32x4096xi32, #tpu.memory_space<hbm>> -> memref<1x4096xi32, #tpu.memory_space<hbm>>
      %dma_start3A_83 = tpu.memref_squeeze %dma_start3A_82 : memref<1x4096xi32, #tpu.memory_space<hbm>> -> memref<4096xi32, #tpu.memory_space<hbm>>
      tpu.enqueue_dma source(%dma_start3A_83 : memref<4096xi32, #tpu.memory_space<hbm>>) target(%dma_start3A_80 : memref<4096xi32, #tpu.memory_space<vmem>>) target_semaphore(%run_scoped3A : memref<!tpu.dma_semaphore, #tpu.memory_space<semaphore_mem>>)
      %dma_wait3A_84 = arith.constant 0 : i32
      %dma_wait3A_85 = tpu.memref_slice %arg8[%dma_wait3A_84] : memref<4112xi32, #tpu.memory_space<vmem>> -> memref<4096xi32, #tpu.memory_space<vmem>>
      %dma_wait3A_86 = arith.constant 0 : i32
      %dma_wait3A_87 = tpu.memref_slice %arg4[%add3A, %dma_wait3A_86] : memref<32x4096xi32, #tpu.memory_space<hbm>> -> memref<1x4096xi32, #tpu.memory_space<hbm>>
      %dma_wait3A_88 = tpu.memref_squeeze %dma_wait3A_87 : memref<1x4096xi32, #tpu.memory_space<hbm>> -> memref<4096xi32, #tpu.memory_space<hbm>>
      %dma_wait3A_89 = arith.constant 0 : i32
      %dma_wait3A_90 = tpu.memref_slice %arg8[%dma_wait3A_89] : memref<4112xi32, #tpu.memory_space<vmem>> -> memref<4096xi32, #tpu.memory_space<vmem>>
      %dma_wait3A_91 = arith.constant 0 : i32
      %dma_wait3A_92 = tpu.memref_slice %arg4[%add3A, %dma_wait3A_91] : memref<32x4096xi32, #tpu.memory_space<hbm>> -> memref<1x4096xi32, #tpu.memory_space<hbm>>
      %dma_wait3A_93 = tpu.memref_squeeze %dma_wait3A_92 : memref<1x4096xi32, #tpu.memory_space<hbm>> -> memref<4096xi32, #tpu.memory_space<hbm>>
      tpu.wait_dma2 semaphore(%run_scoped3A : memref<!tpu.dma_semaphore, #tpu.memory_space<semaphore_mem>>) src(%dma_wait3A_93 : memref<4096xi32, #tpu.memory_space<hbm>>) dst(%dma_wait3A_90 : memref<4096xi32, #tpu.memory_space<vmem>>)
      tpu.yield
    }) : () -> ()
    %dma_wait3A = arith.constant 0 : i32
    %dma_wait3A_22 = arith.constant 0 : i32
    %dma_wait3A_23 = tpu.memref_slice %arg17[%dma_wait3A, %dma_wait3A_22] : memref<4096x128xf32, #tpu.memory_space<vmem_shared>> -> memref<256x128xf32, #tpu.memory_space<vmem_shared>>
    %dma_wait3A_24 = arith.constant 0 : i32
    %dma_wait3A_25 = arith.constant 0 : i32
    %dma_wait3A_26 = tpu.memref_slice %arg2[%dma_wait3A_24, %dma_wait3A_25] : memref<4096x128xf32, #tpu.memory_space<hbm>> -> memref<256x128xf32, #tpu.memory_space<hbm>>
    tpu.wait_dma2 semaphore(%arg20 : memref<!tpu.dma_semaphore, #tpu.memory_space<semaphore_mem>>) src(%dma_wait3A_26 : memref<256x128xf32, #tpu.memory_space<hbm>>) dst(%dma_wait3A_23 : memref<256x128xf32, #tpu.memory_space<vmem_shared>>)
    %barrier3A = arith.constant 0 : index
    tpu.barrier barrier_id(%barrier3A)
    %add3A_27 = arith.constant 128 : i32
    %add3A_28 = arith.addi %reduce_max3A_21, %add3A_27 : i32
    %sub3A = arith.constant 1 : i32
    %sub3A_29 = arith.subi %add3A_28, %sub3A : i32
    %jit3A = arith.constant 128 : i32
    %div3A = arith.divsi %sub3A_29, %jit3A : i32
    %sign3A = arith.constant 0 : i32
    %sign3A_30 = arith.cmpi sgt, %sub3A_29, %sign3A : i32
    %sign3A_31 = arith.extui %sign3A_30 : i1 to i32
    %sign3A_32 = arith.constant 0 : i32
    %sign3A_33 = arith.cmpi slt, %sub3A_29, %sign3A_32 : i32
    %sign3A_34 = arith.extui %sign3A_33 : i1 to i32
    %sign3A_35 = arith.subi %sign3A_31, %sign3A_34 : i32
    %sign3A_36 = arith.constant 0 : i32
    %sign3A_37 = arith.cmpi sgt, %jit3A, %sign3A_36 : i32
    %sign3A_38 = arith.extui %sign3A_37 : i1 to i32
    %sign3A_39 = arith.constant 0 : i32
    %sign3A_40 = arith.cmpi slt, %jit3A, %sign3A_39 : i32
    %sign3A_41 = arith.extui %sign3A_40 : i1 to i32
    %sign3A_42 = arith.subi %sign3A_38, %sign3A_41 : i32
    %ne3A = arith.cmpi ne, %sign3A_35, %sign3A_42 : i32
    %rem3A = arith.remsi %sub3A_29, %jit3A : i32
    %ne3A_43 = arith.constant 0 : i32
    %ne3A_44 = arith.cmpi ne, %rem3A, %ne3A_43 : i32
    %and3A = arith.andi %ne3A, %ne3A_44 : i1
    %sub3A_45 = arith.constant 1 : i32
    %sub3A_46 = arith.subi %div3A, %sub3A_45 : i32
    %select_n3A = arith.select %and3A, %sub3A_46, %div3A : i32
    %gt3A = arith.constant 0 : i32
    %gt3A_47 = arith.cmpi sgt, %select_n3A, %gt3A : i32
    %convert_element_type3A = arith.extui %gt3A_47 : i1 to i32
    %cond3A = arith.constant 0 : i32
    %cond3A_48 = arith.cmpi ne, %convert_element_type3A, %cond3A : i32
    scf.if %cond3A_48 {
      %get3A_74 = arith.constant 0 : index
      %get3A_75 = tpu.vector_load %arg7[%get3A_74] {strides = array<i32>} : memref<4112xi32, #tpu.memory_space<vmem>>, vector<16xi32>,
      %swap3A = arith.constant 0 : index
      %swap3A_76 = tpu.vector_load %arg10[%swap3A] {strides = array<i32>} : memref<128xi32, #tpu.memory_space<vmem>>, vector<16xi32>,
      tpu.vector_store %arg10[%swap3A], %get3A_75 {strides = array<i32>} : memref<128xi32, #tpu.memory_space<vmem>>, vector<16xi32>,
      %get3A_77 = arith.constant 0 : index
      %get3A_78 = tpu.vector_load %arg8[%get3A_77] {strides = array<i32>} : memref<4112xi32, #tpu.memory_space<vmem>>, vector<16xi32>,
      %swap3A_79 = arith.constant 0 : index
      %swap3A_80 = tpu.vector_load %arg11[%swap3A_79] {strides = array<i32>} : memref<128xi32, #tpu.memory_space<vmem>>, vector<16xi32>,
      tpu.vector_store %arg11[%swap3A_79], %get3A_78 {strides = array<i32>} : memref<128xi32, #tpu.memory_space<vmem>>, vector<16xi32>,
      %get3A_81 = arith.constant 16 : index
      %get3A_82 = tpu.vector_load %arg7[%get3A_81] {strides = array<i32>} : memref<4112xi32, #tpu.memory_space<vmem>>, vector<16xi32>,
      %swap3A_83 = arith.constant 16 : index
      %swap3A_84 = tpu.vector_load %arg10[%swap3A_83] {strides = array<i32>} : memref<128xi32, #tpu.memory_space<vmem>>, vector<16xi32>,
      tpu.vector_store %arg10[%swap3A_83], %get3A_82 {strides = array<i32>} : memref<128xi32, #tpu.memory_space<vmem>>, vector<16xi32>,
      %get3A_85 = arith.constant 16 : index
      %get3A_86 = tpu.vector_load %arg8[%get3A_85] {strides = array<i32>} : memref<4112xi32, #tpu.memory_space<vmem>>, vector<16xi32>,
      %swap3A_87 = arith.constant 16 : index
      %swap3A_88 = tpu.vector_load %arg11[%swap3A_87] {strides = array<i32>} : memref<128xi32, #tpu.memory_space<vmem>>, vector<16xi32>,
      tpu.vector_store %arg11[%swap3A_87], %get3A_86 {strides = array<i32>} : memref<128xi32, #tpu.memory_space<vmem>>, vector<16xi32>,
      %get3A_89 = arith.constant 32 : index
      %get3A_90 = tpu.vector_load %arg7[%get3A_89] {strides = array<i32>} : memref<4112xi32, #tpu.memory_space<vmem>>, vector<16xi32>,
      %swap3A_91 = arith.constant 32 : index
      %swap3A_92 = tpu.vector_load %arg10[%swap3A_91] {strides = array<i32>} : memref<128xi32, #tpu.memory_space<vmem>>, vector<16xi32>,
      tpu.vector_store %arg10[%swap3A_91], %get3A_90 {strides = array<i32>} : memref<128xi32, #tpu.memory_space<vmem>>, vector<16xi32>,
      %get3A_93 = arith.constant 32 : index
      %get3A_94 = tpu.vector_load %arg8[%get3A_93] {strides = array<i32>} : memref<4112xi32, #tpu.memory_space<vmem>>, vector<16xi32>,
      %swap3A_95 = arith.constant 32 : index
      %swap3A_96 = tpu.vector_load %arg11[%swap3A_95] {strides = array<i32>} : memref<128xi32, #tpu.memory_space<vmem>>, vector<16xi32>,
      tpu.vector_store %arg11[%swap3A_95], %get3A_94 {strides = array<i32>} : memref<128xi32, #tpu.memory_space<vmem>>, vector<16xi32>,
      %get3A_97 = arith.constant 48 : index
      %get3A_98 = tpu.vector_load %arg7[%get3A_97] {strides = array<i32>} : memref<4112xi32, #tpu.memory_space<vmem>>, vector<16xi32>,
      %swap3A_99 = arith.constant 48 : index
      %swap3A_100 = tpu.vector_load %arg10[%swap3A_99] {strides = array<i32>} : memref<128xi32, #tpu.memory_space<vmem>>, vector<16xi32>,
      tpu.vector_store %arg10[%swap3A_99], %get3A_98 {strides = array<i32>} : memref<128xi32, #tpu.memory_space<vmem>>, vector<16xi32>,
      %get3A_101 = arith.constant 48 : index
      %get3A_102 = tpu.vector_load %arg8[%get3A_101] {strides = array<i32>} : memref<4112xi32, #tpu.memory_space<vmem>>, vector<16xi32>,
      %swap3A_103 = arith.constant 48 : index
      %swap3A_104 = tpu.vector_load %arg11[%swap3A_103] {strides = array<i32>} : memref<128xi32, #tpu.memory_space<vmem>>, vector<16xi32>,
      tpu.vector_store %arg11[%swap3A_103], %get3A_102 {strides = array<i32>} : memref<128xi32, #tpu.memory_space<vmem>>, vector<16xi32>,
      %get3A_105 = arith.constant 64 : index
      %get3A_106 = tpu.vector_load %arg7[%get3A_105] {strides = array<i32>} : memref<4112xi32, #tpu.memory_space<vmem>>, vector<16xi32>,
      %swap3A_107 = arith.constant 64 : index
      %swap3A_108 = tpu.vector_load %arg10[%swap3A_107] {strides = array<i32>} : memref<128xi32, #tpu.memory_space<vmem>>, vector<16xi32>,
      tpu.vector_store %arg10[%swap3A_107], %get3A_106 {strides = array<i32>} : memref<128xi32, #tpu.memory_space<vmem>>, vector<16xi32>,
      %get3A_109 = arith.constant 64 : index
      %get3A_110 = tpu.vector_load %arg8[%get3A_109] {strides = array<i32>} : memref<4112xi32, #tpu.memory_space<vmem>>, vector<16xi32>,
      %swap3A_111 = arith.constant 64 : index
      %swap3A_112 = tpu.vector_load %arg11[%swap3A_111] {strides = array<i32>} : memref<128xi32, #tpu.memory_space<vmem>>, vector<16xi32>,
      tpu.vector_store %arg11[%swap3A_111], %get3A_110 {strides = array<i32>} : memref<128xi32, #tpu.memory_space<vmem>>, vector<16xi32>,
      %get3A_113 = arith.constant 80 : index
      %get3A_114 = tpu.vector_load %arg7[%get3A_113] {strides = array<i32>} : memref<4112xi32, #tpu.memory_space<vmem>>, vector<16xi32>,
      %swap3A_115 = arith.constant 80 : index
      %swap3A_116 = tpu.vector_load %arg10[%swap3A_115] {strides = array<i32>} : memref<128xi32, #tpu.memory_space<vmem>>, vector<16xi32>,
      tpu.vector_store %arg10[%swap3A_115], %get3A_114 {strides = array<i32>} : memref<128xi32, #tpu.memory_space<vmem>>, vector<16xi32>,
      %get3A_117 = arith.constant 80 : index
      %get3A_118 = tpu.vector_load %arg8[%get3A_117] {strides = array<i32>} : memref<4112xi32, #tpu.memory_space<vmem>>, vector<16xi32>,
      %swap3A_119 = arith.constant 80 : index
      %swap3A_120 = tpu.vector_load %arg11[%swap3A_119] {strides = array<i32>} : memref<128xi32, #tpu.memory_space<vmem>>, vector<16xi32>,
      tpu.vector_store %arg11[%swap3A_119], %get3A_118 {strides = array<i32>} : memref<128xi32, #tpu.memory_space<vmem>>, vector<16xi32>,
      %get3A_121 = arith.constant 96 : index
      %get3A_122 = tpu.vector_load %arg7[%get3A_121] {strides = array<i32>} : memref<4112xi32, #tpu.memory_space<vmem>>, vector<16xi32>,
      %swap3A_123 = arith.constant 96 : index
      %swap3A_124 = tpu.vector_load %arg10[%swap3A_123] {strides = array<i32>} : memref<128xi32, #tpu.memory_space<vmem>>, vector<16xi32>,
      tpu.vector_store %arg10[%swap3A_123], %get3A_122 {strides = array<i32>} : memref<128xi32, #tpu.memory_space<vmem>>, vector<16xi32>,
      %get3A_125 = arith.constant 96 : index
      %get3A_126 = tpu.vector_load %arg8[%get3A_125] {strides = array<i32>} : memref<4112xi32, #tpu.memory_space<vmem>>, vector<16xi32>,
      %swap3A_127 = arith.constant 96 : index
      %swap3A_128 = tpu.vector_load %arg11[%swap3A_127] {strides = array<i32>} : memref<128xi32, #tpu.memory_space<vmem>>, vector<16xi32>,
      tpu.vector_store %arg11[%swap3A_127], %get3A_126 {strides = array<i32>} : memref<128xi32, #tpu.memory_space<vmem>>, vector<16xi32>,
      %get3A_129 = arith.constant 112 : index
      %get3A_130 = tpu.vector_load %arg7[%get3A_129] {strides = array<i32>} : memref<4112xi32, #tpu.memory_space<vmem>>, vector<16xi32>,
      %swap3A_131 = arith.constant 112 : index
      %swap3A_132 = tpu.vector_load %arg10[%swap3A_131] {strides = array<i32>} : memref<128xi32, #tpu.memory_space<vmem>>, vector<16xi32>,
      tpu.vector_store %arg10[%swap3A_131], %get3A_130 {strides = array<i32>} : memref<128xi32, #tpu.memory_space<vmem>>, vector<16xi32>,
      %get3A_133 = arith.constant 112 : index
      %get3A_134 = tpu.vector_load %arg8[%get3A_133] {strides = array<i32>} : memref<4112xi32, #tpu.memory_space<vmem>>, vector<16xi32>,
      %swap3A_135 = arith.constant 112 : index
      %swap3A_136 = tpu.vector_load %arg11[%swap3A_135] {strides = array<i32>} : memref<128xi32, #tpu.memory_space<vmem>>, vector<16xi32>,
      tpu.vector_store %arg11[%swap3A_135], %get3A_134 {strides = array<i32>} : memref<128xi32, #tpu.memory_space<vmem>>, vector<16xi32>,
      %dma_start3A_137 = arith.constant 0 : i32
      %dma_start3A_138 = arith.constant 0 : i32
      %dma_start3A_139 = tpu.memref_slice %arg17[%dma_start3A_137, %dma_start3A_138] : memref<4096x128xf32, #tpu.memory_space<vmem_shared>> -> memref<4096x128xf32, #tpu.memory_space<vmem_shared>>
      tpu.enqueue_indirect_dma source(%dma_start3A_139 : memref<4096x128xf32, #tpu.memory_space<vmem_shared>>) target(%arg12 : memref<128x128xf32, #tpu.memory_space<vmem>>) offsets(%arg10 : memref<128xi32, #tpu.memory_space<vmem>>) semaphore(%arg18 : memref<!tpu.dma_semaphore, #tpu.memory_space<semaphore_mem>>)
    } else {
    }
    %while3A = arith.constant 0 : i32
    %while3A_49 = arith.constant 0 : i32
    %while3A_50 = arith.subi %select_n3A, %while3A : i32
    %while3A_51 = arith.addi %while3A, %while3A_50 : i32
    %while3A_52 = arith.constant 1 : i32
    %while3A_53 = arith.divsi %while3A_50, %while3A_52 : i32
    %while3A_54 = arith.muli %while3A_53, %while3A_52 : i32
    %while3A_55 = arith.addi %while3A, %while3A_54 : i32
    %while3A_56 = arith.constant 1 : i32
    %while3A_57 = scf.for %while3A_74 = %while3A to %while3A_55 step %while3A_56 iter_args(%while3A_75 = %while3A_49) -> (i32)  : i32 {
      %rem3A_76 = arith.constant 2 : i32
      %rem3A_77 = arith.remsi %while3A_74, %rem3A_76 : i32
      %eq3A = arith.constant 0 : i32
      %eq3A_78 = arith.cmpi eq, %rem3A_77, %eq3A : i32
      %add3A_79 = arith.constant 1 : i32
      %add3A_80 = arith.addi %while3A_74, %add3A_79 : i32
      %lt3A = arith.cmpi slt, %add3A_80, %select_n3A : i32
      %and3A_81 = arith.andi %eq3A_78, %lt3A : i1
      %convert_element_type3A_82 = arith.extui %and3A_81 : i1 to i32
      %cond3A_83 = arith.constant 0 : i32
      %cond3A_84 = arith.cmpi ne, %convert_element_type3A_82, %cond3A_83 : i32
      scf.if %cond3A_84 {
        %ge3A = arith.constant 1 : i32
        %ge3A_105 = arith.cmpi sge, %while3A_74, %ge3A : i32
        %convert_element_type3A_106 = arith.extui %ge3A_105 : i1 to i32
        %cond3A_107 = arith.constant 0 : i32
        %cond3A_108 = arith.cmpi ne, %convert_element_type3A_106, %cond3A_107 : i32
        scf.if %cond3A_108 {
          %dma_wait3A_241 = arith.constant 0 : i32
          %dma_wait3A_242 = arith.constant 0 : i32
          %dma_wait3A_243 = tpu.memref_slice %arg2[%dma_wait3A_241, %dma_wait3A_242] : memref<4096x128xf32, #tpu.memory_space<hbm>> -> memref<128x128xf32, #tpu.memory_space<hbm>>
          %dma_wait3A_244 = arith.constant 0 : i32
          %dma_wait3A_245 = arith.constant 0 : i32
          %dma_wait3A_246 = tpu.memref_slice %arg2[%dma_wait3A_244, %dma_wait3A_245] : memref<4096x128xf32, #tpu.memory_space<hbm>> -> memref<128x128xf32, #tpu.memory_space<hbm>>
          tpu.wait_dma2 semaphore(%arg19 : memref<!tpu.dma_semaphore, #tpu.memory_space<semaphore_mem>>) src(%dma_wait3A_246 : memref<128x128xf32, #tpu.memory_space<hbm>>) dst(%arg15 : memref<128x128xf32, #tpu.memory_space<vmem>>)
        } else {
        }
        %add3A_109 = arith.constant 1 : i32
        %add3A_110 = arith.addi %while3A_74, %add3A_109 : i32
        %mul3A_111 = arith.constant 128 : i32
        %mul3A_112 = arith.muli %add3A_110, %mul3A_111 : i32
        %add3A_113 = arith.constant 0 : i32
        %add3A_114 = arith.addi %mul3A_112, %add3A_113 : i32
        %get3A_115 = arith.index_cast %add3A_114 : i32 to index
        %get3A_116 = tpu.vector_load %arg7[%get3A_115] {strides = array<i32>} : memref<4112xi32, #tpu.memory_space<vmem>>, vector<16xi32>,
        %swap3A = arith.constant 0 : index
        %swap3A_117 = tpu.vector_load %arg13[%swap3A] {strides = array<i32>} : memref<128xi32, #tpu.memory_space<vmem>>, vector<16xi32>,
        tpu.vector_store %arg13[%swap3A], %get3A_116 {strides = array<i32>} : memref<128xi32, #tpu.memory_space<vmem>>, vector<16xi32>,
        %mul3A_118 = arith.constant 128 : i32
        %mul3A_119 = arith.muli %add3A_110, %mul3A_118 : i32
        %add3A_120 = arith.constant 0 : i32
        %add3A_121 = arith.addi %mul3A_119, %add3A_120 : i32
        %get3A_122 = arith.index_cast %add3A_121 : i32 to index
        %get3A_123 = tpu.vector_load %arg8[%get3A_122] {strides = array<i32>} : memref<4112xi32, #tpu.memory_space<vmem>>, vector<16xi32>,
        %swap3A_124 = arith.constant 0 : index
        %swap3A_125 = tpu.vector_load %arg14[%swap3A_124] {strides = array<i32>} : memref<128xi32, #tpu.memory_space<vmem>>, vector<16xi32>,
        tpu.vector_store %arg14[%swap3A_124], %get3A_123 {strides = array<i32>} : memref<128xi32, #tpu.memory_space<vmem>>, vector<16xi32>,
        %mul3A_126 = arith.constant 128 : i32
        %mul3A_127 = arith.muli %add3A_110, %mul3A_126 : i32
        %add3A_128 = arith.constant 16 : i32
        %add3A_129 = arith.addi %mul3A_127, %add3A_128 : i32
        %get3A_130 = arith.index_cast %add3A_129 : i32 to index
        %get3A_131 = tpu.vector_load %arg7[%get3A_130] {strides = array<i32>} : memref<4112xi32, #tpu.memory_space<vmem>>, vector<16xi32>,
        %swap3A_132 = arith.constant 16 : index
        %swap3A_133 = tpu.vector_load %arg13[%swap3A_132] {strides = array<i32>} : memref<128xi32, #tpu.memory_space<vmem>>, vector<16xi32>,
        tpu.vector_store %arg13[%swap3A_132], %get3A_131 {strides = array<i32>} : memref<128xi32, #tpu.memory_space<vmem>>, vector<16xi32>,
        %mul3A_134 = arith.constant 128 : i32
        %mul3A_135 = arith.muli %add3A_110, %mul3A_134 : i32
        %add3A_136 = arith.constant 16 : i32
        %add3A_137 = arith.addi %mul3A_135, %add3A_136 : i32
        %get3A_138 = arith.index_cast %add3A_137 : i32 to index
        %get3A_139 = tpu.vector_load %arg8[%get3A_138] {strides = array<i32>} : memref<4112xi32, #tpu.memory_space<vmem>>, vector<16xi32>,
        %swap3A_140 = arith.constant 16 : index
        %swap3A_141 = tpu.vector_load %arg14[%swap3A_140] {strides = array<i32>} : memref<128xi32, #tpu.memory_space<vmem>>, vector<16xi32>,
        tpu.vector_store %arg14[%swap3A_140], %get3A_139 {strides = array<i32>} : memref<128xi32, #tpu.memory_space<vmem>>, vector<16xi32>,
        %mul3A_142 = arith.constant 128 : i32
        %mul3A_143 = arith.muli %add3A_110, %mul3A_142 : i32
        %add3A_144 = arith.constant 32 : i32
        %add3A_145 = arith.addi %mul3A_143, %add3A_144 : i32
        %get3A_146 = arith.index_cast %add3A_145 : i32 to index
        %get3A_147 = tpu.vector_load %arg7[%get3A_146] {strides = array<i32>} : memref<4112xi32, #tpu.memory_space<vmem>>, vector<16xi32>,
        %swap3A_148 = arith.constant 32 : index
        %swap3A_149 = tpu.vector_load %arg13[%swap3A_148] {strides = array<i32>} : memref<128xi32, #tpu.memory_space<vmem>>, vector<16xi32>,
        tpu.vector_store %arg13[%swap3A_148], %get3A_147 {strides = array<i32>} : memref<128xi32, #tpu.memory_space<vmem>>, vector<16xi32>,
        %mul3A_150 = arith.constant 128 : i32
        %mul3A_151 = arith.muli %add3A_110, %mul3A_150 : i32
        %add3A_152 = arith.constant 32 : i32
        %add3A_153 = arith.addi %mul3A_151, %add3A_152 : i32
        %get3A_154 = arith.index_cast %add3A_153 : i32 to index
        %get3A_155 = tpu.vector_load %arg8[%get3A_154] {strides = array<i32>} : memref<4112xi32, #tpu.memory_space<vmem>>, vector<16xi32>,
        %swap3A_156 = arith.constant 32 : index
        %swap3A_157 = tpu.vector_load %arg14[%swap3A_156] {strides = array<i32>} : memref<128xi32, #tpu.memory_space<vmem>>, vector<16xi32>,
        tpu.vector_store %arg14[%swap3A_156], %get3A_155 {strides = array<i32>} : memref<128xi32, #tpu.memory_space<vmem>>, vector<16xi32>,
        %mul3A_158 = arith.constant 128 : i32
        %mul3A_159 = arith.muli %add3A_110, %mul3A_158 : i32
        %add3A_160 = arith.constant 48 : i32
        %add3A_161 = arith.addi %mul3A_159, %add3A_160 : i32
        %get3A_162 = arith.index_cast %add3A_161 : i32 to index
        %get3A_163 = tpu.vector_load %arg7[%get3A_162] {strides = array<i32>} : memref<4112xi32, #tpu.memory_space<vmem>>, vector<16xi32>,
        %swap3A_164 = arith.constant 48 : index
        %swap3A_165 = tpu.vector_load %arg13[%swap3A_164] {strides = array<i32>} : memref<128xi32, #tpu.memory_space<vmem>>, vector<16xi32>,
        tpu.vector_store %arg13[%swap3A_164], %get3A_163 {strides = array<i32>} : memref<128xi32, #tpu.memory_space<vmem>>, vector<16xi32>,
        %mul3A_166 = arith.constant 128 : i32
        %mul3A_167 = arith.muli %add3A_110, %mul3A_166 : i32
        %add3A_168 = arith.constant 48 : i32
        %add3A_169 = arith.addi %mul3A_167, %add3A_168 : i32
        %get3A_170 = arith.index_cast %add3A_169 : i32 to index
        %get3A_171 = tpu.vector_load %arg8[%get3A_170] {strides = array<i32>} : memref<4112xi32, #tpu.memory_space<vmem>>, vector<16xi32>,
        %swap3A_172 = arith.constant 48 : index
        %swap3A_173 = tpu.vector_load %arg14[%swap3A_172] {strides = array<i32>} : memref<128xi32, #tpu.memory_space<vmem>>, vector<16xi32>,
        tpu.vector_store %arg14[%swap3A_172], %get3A_171 {strides = array<i32>} : memref<128xi32, #tpu.memory_space<vmem>>, vector<16xi32>,
        %mul3A_174 = arith.constant 128 : i32
        %mul3A_175 = arith.muli %add3A_110, %mul3A_174 : i32
        %add3A_176 = arith.constant 64 : i32
        %add3A_177 = arith.addi %mul3A_175, %add3A_176 : i32
        %get3A_178 = arith.index_cast %add3A_177 : i32 to index
        %get3A_179 = tpu.vector_load %arg7[%get3A_178] {strides = array<i32>} : memref<4112xi32, #tpu.memory_space<vmem>>, vector<16xi32>,
        %swap3A_180 = arith.constant 64 : index
        %swap3A_181 = tpu.vector_load %arg13[%swap3A_180] {strides = array<i32>} : memref<128xi32, #tpu.memory_space<vmem>>, vector<16xi32>,
        tpu.vector_store %arg13[%swap3A_180], %get3A_179 {strides = array<i32>} : memref<128xi32, #tpu.memory_space<vmem>>, vector<16xi32>,
        %mul3A_182 = arith.constant 128 : i32
        %mul3A_183 = arith.muli %add3A_110, %mul3A_182 : i32
        %add3A_184 = arith.constant 64 : i32
        %add3A_185 = arith.addi %mul3A_183, %add3A_184 : i32
        %get3A_186 = arith.index_cast %add3A_185 : i32 to index
        %get3A_187 = tpu.vector_load %arg8[%get3A_186] {strides = array<i32>} : memref<4112xi32, #tpu.memory_space<vmem>>, vector<16xi32>,
        %swap3A_188 = arith.constant 64 : index
        %swap3A_189 = tpu.vector_load %arg14[%swap3A_188] {strides = array<i32>} : memref<128xi32, #tpu.memory_space<vmem>>, vector<16xi32>,
        tpu.vector_store %arg14[%swap3A_188], %get3A_187 {strides = array<i32>} : memref<128xi32, #tpu.memory_space<vmem>>, vector<16xi32>,
        %mul3A_190 = arith.constant 128 : i32
        %mul3A_191 = arith.muli %add3A_110, %mul3A_190 : i32
        %add3A_192 = arith.constant 80 : i32
        %add3A_193 = arith.addi %mul3A_191, %add3A_192 : i32
        %get3A_194 = arith.index_cast %add3A_193 : i32 to index
        %get3A_195 = tpu.vector_load %arg7[%get3A_194] {strides = array<i32>} : memref<4112xi32, #tpu.memory_space<vmem>>, vector<16xi32>,
        %swap3A_196 = arith.constant 80 : index
        %swap3A_197 = tpu.vector_load %arg13[%swap3A_196] {strides = array<i32>} : memref<128xi32, #tpu.memory_space<vmem>>, vector<16xi32>,
        tpu.vector_store %arg13[%swap3A_196], %get3A_195 {strides = array<i32>} : memref<128xi32, #tpu.memory_space<vmem>>, vector<16xi32>,
        %mul3A_198 = arith.constant 128 : i32
        %mul3A_199 = arith.muli %add3A_110, %mul3A_198 : i32
        %add3A_200 = arith.constant 80 : i32
        %add3A_201 = arith.addi %mul3A_199, %add3A_200 : i32
        %get3A_202 = arith.index_cast %add3A_201 : i32 to index
        %get3A_203 = tpu.vector_load %arg8[%get3A_202] {strides = array<i32>} : memref<4112xi32, #tpu.memory_space<vmem>>, vector<16xi32>,
        %swap3A_204 = arith.constant 80 : index
        %swap3A_205 = tpu.vector_load %arg14[%swap3A_204] {strides = array<i32>} : memref<128xi32, #tpu.memory_space<vmem>>, vector<16xi32>,
        tpu.vector_store %arg14[%swap3A_204], %get3A_203 {strides = array<i32>} : memref<128xi32, #tpu.memory_space<vmem>>, vector<16xi32>,
        %mul3A_206 = arith.constant 128 : i32
        %mul3A_207 = arith.muli %add3A_110, %mul3A_206 : i32
        %add3A_208 = arith.constant 96 : i32
        %add3A_209 = arith.addi %mul3A_207, %add3A_208 : i32
        %get3A_210 = arith.index_cast %add3A_209 : i32 to index
        %get3A_211 = tpu.vector_load %arg7[%get3A_210] {strides = array<i32>} : memref<4112xi32, #tpu.memory_space<vmem>>, vector<16xi32>,
        %swap3A_212 = arith.constant 96 : index
        %swap3A_213 = tpu.vector_load %arg13[%swap3A_212] {strides = array<i32>} : memref<128xi32, #tpu.memory_space<vmem>>, vector<16xi32>,
        tpu.vector_store %arg13[%swap3A_212], %get3A_211 {strides = array<i32>} : memref<128xi32, #tpu.memory_space<vmem>>, vector<16xi32>,
        %mul3A_214 = arith.constant 128 : i32
        %mul3A_215 = arith.muli %add3A_110, %mul3A_214 : i32
        %add3A_216 = arith.constant 96 : i32
        %add3A_217 = arith.addi %mul3A_215, %add3A_216 : i32
        %get3A_218 = arith.index_cast %add3A_217 : i32 to index
        %get3A_219 = tpu.vector_load %arg8[%get3A_218] {strides = array<i32>} : memref<4112xi32, #tpu.memory_space<vmem>>, vector<16xi32>,
        %swap3A_220 = arith.constant 96 : index
        %swap3A_221 = tpu.vector_load %arg14[%swap3A_220] {strides = array<i32>} : memref<128xi32, #tpu.memory_space<vmem>>, vector<16xi32>,
        tpu.vector_store %arg14[%swap3A_220], %get3A_219 {strides = array<i32>} : memref<128xi32, #tpu.memory_space<vmem>>, vector<16xi32>,
        %mul3A_222 = arith.constant 128 : i32
        %mul3A_223 = arith.muli %add3A_110, %mul3A_222 : i32
        %add3A_224 = arith.constant 112 : i32
        %add3A_225 = arith.addi %mul3A_223, %add3A_224 : i32
        %get3A_226 = arith.index_cast %add3A_225 : i32 to index
        %get3A_227 = tpu.vector_load %arg7[%get3A_226] {strides = array<i32>} : memref<4112xi32, #tpu.memory_space<vmem>>, vector<16xi32>,
        %swap3A_228 = arith.constant 112 : index
        %swap3A_229 = tpu.vector_load %arg13[%swap3A_228] {strides = array<i32>} : memref<128xi32, #tpu.memory_space<vmem>>, vector<16xi32>,
        tpu.vector_store %arg13[%swap3A_228], %get3A_227 {strides = array<i32>} : memref<128xi32, #tpu.memory_space<vmem>>, vector<16xi32>,
        %mul3A_230 = arith.constant 128 : i32
        %mul3A_231 = arith.muli %add3A_110, %mul3A_230 : i32
        %add3A_232 = arith.constant 112 : i32
        %add3A_233 = arith.addi %mul3A_231, %add3A_232 : i32
        %get3A_234 = arith.index_cast %add3A_233 : i32 to index
        %get3A_235 = tpu.vector_load %arg8[%get3A_234] {strides = array<i32>} : memref<4112xi32, #tpu.memory_space<vmem>>, vector<16xi32>,
        %swap3A_236 = arith.constant 112 : index
        %swap3A_237 = tpu.vector_load %arg14[%swap3A_236] {strides = array<i32>} : memref<128xi32, #tpu.memory_space<vmem>>, vector<16xi32>,
        tpu.vector_store %arg14[%swap3A_236], %get3A_235 {strides = array<i32>} : memref<128xi32, #tpu.memory_space<vmem>>, vector<16xi32>,
        %dma_start3A_238 = arith.constant 0 : i32
        %dma_start3A_239 = arith.constant 0 : i32
        %dma_start3A_240 = tpu.memref_slice %arg17[%dma_start3A_238, %dma_start3A_239] : memref<4096x128xf32, #tpu.memory_space<vmem_shared>> -> memref<4096x128xf32, #tpu.memory_space<vmem_shared>>
        tpu.enqueue_indirect_dma source(%dma_start3A_240 : memref<4096x128xf32, #tpu.memory_space<vmem_shared>>) target(%arg15 : memref<128x128xf32, #tpu.memory_space<vmem>>) offsets(%arg13 : memref<128xi32, #tpu.memory_space<vmem>>) semaphore(%arg19 : memref<!tpu.dma_semaphore, #tpu.memory_space<semaphore_mem>>)
      } else {
      }
      %eq3A_85 = arith.constant 1 : i32
      %eq3A_86 = arith.cmpi eq, %rem3A_77, %eq3A_85 : i32
      %add3A_87 = arith.constant 1 : i32
      %add3A_88 = arith.addi %while3A_74, %add3A_87 : i32
      %lt3A_89 = arith.cmpi slt, %add3A_88, %select_n3A : i32
      %and3A_90 = arith.andi %eq3A_86, %lt3A_89 : i1
      %convert_element_type3A_91 = arith.extui %and3A_90 : i1 to i32
      %cond3A_92 = arith.constant 0 : i32
      %cond3A_93 = arith.cmpi ne, %convert_element_type3A_91, %cond3A_92 : i32
      scf.if %cond3A_93 {
        %dma_wait3A_105 = arith.constant 0 : i32
        %dma_wait3A_106 = arith.constant 0 : i32
        %dma_wait3A_107 = tpu.memref_slice %arg2[%dma_wait3A_105, %dma_wait3A_106] : memref<4096x128xf32, #tpu.memory_space<hbm>> -> memref<128x128xf32, #tpu.memory_space<hbm>>
        %dma_wait3A_108 = arith.constant 0 : i32
        %dma_wait3A_109 = arith.constant 0 : i32
        %dma_wait3A_110 = tpu.memref_slice %arg2[%dma_wait3A_108, %dma_wait3A_109] : memref<4096x128xf32, #tpu.memory_space<hbm>> -> memref<128x128xf32, #tpu.memory_space<hbm>>
        tpu.wait_dma2 semaphore(%arg18 : memref<!tpu.dma_semaphore, #tpu.memory_space<semaphore_mem>>) src(%dma_wait3A_110 : memref<128x128xf32, #tpu.memory_space<hbm>>) dst(%arg12 : memref<128x128xf32, #tpu.memory_space<vmem>>)
        %add3A_111 = arith.constant 1 : i32
        %add3A_112 = arith.addi %while3A_74, %add3A_111 : i32
        %mul3A_113 = arith.constant 128 : i32
        %mul3A_114 = arith.muli %add3A_112, %mul3A_113 : i32
        %add3A_115 = arith.constant 0 : i32
        %add3A_116 = arith.addi %mul3A_114, %add3A_115 : i32
        %get3A_117 = arith.index_cast %add3A_116 : i32 to index
        %get3A_118 = tpu.vector_load %arg7[%get3A_117] {strides = array<i32>} : memref<4112xi32, #tpu.memory_space<vmem>>, vector<16xi32>,
        %swap3A = arith.constant 0 : index
        %swap3A_119 = tpu.vector_load %arg10[%swap3A] {strides = array<i32>} : memref<128xi32, #tpu.memory_space<vmem>>, vector<16xi32>,
        tpu.vector_store %arg10[%swap3A], %get3A_118 {strides = array<i32>} : memref<128xi32, #tpu.memory_space<vmem>>, vector<16xi32>,
        %mul3A_120 = arith.constant 128 : i32
        %mul3A_121 = arith.muli %add3A_112, %mul3A_120 : i32
        %add3A_122 = arith.constant 0 : i32
        %add3A_123 = arith.addi %mul3A_121, %add3A_122 : i32
        %get3A_124 = arith.index_cast %add3A_123 : i32 to index
        %get3A_125 = tpu.vector_load %arg8[%get3A_124] {strides = array<i32>} : memref<4112xi32, #tpu.memory_space<vmem>>, vector<16xi32>,
        %swap3A_126 = arith.constant 0 : index
        %swap3A_127 = tpu.vector_load %arg11[%swap3A_126] {strides = array<i32>} : memref<128xi32, #tpu.memory_space<vmem>>, vector<16xi32>,
        tpu.vector_store %arg11[%swap3A_126], %get3A_125 {strides = array<i32>} : memref<128xi32, #tpu.memory_space<vmem>>, vector<16xi32>,
        %mul3A_128 = arith.constant 128 : i32
        %mul3A_129 = arith.muli %add3A_112, %mul3A_128 : i32
        %add3A_130 = arith.constant 16 : i32
        %add3A_131 = arith.addi %mul3A_129, %add3A_130 : i32
        %get3A_132 = arith.index_cast %add3A_131 : i32 to index
        %get3A_133 = tpu.vector_load %arg7[%get3A_132] {strides = array<i32>} : memref<4112xi32, #tpu.memory_space<vmem>>, vector<16xi32>,
        %swap3A_134 = arith.constant 16 : index
        %swap3A_135 = tpu.vector_load %arg10[%swap3A_134] {strides = array<i32>} : memref<128xi32, #tpu.memory_space<vmem>>, vector<16xi32>,
        tpu.vector_store %arg10[%swap3A_134], %get3A_133 {strides = array<i32>} : memref<128xi32, #tpu.memory_space<vmem>>, vector<16xi32>,
        %mul3A_136 = arith.constant 128 : i32
        %mul3A_137 = arith.muli %add3A_112, %mul3A_136 : i32
        %add3A_138 = arith.constant 16 : i32
        %add3A_139 = arith.addi %mul3A_137, %add3A_138 : i32
        %get3A_140 = arith.index_cast %add3A_139 : i32 to index
        %get3A_141 = tpu.vector_load %arg8[%get3A_140] {strides = array<i32>} : memref<4112xi32, #tpu.memory_space<vmem>>, vector<16xi32>,
        %swap3A_142 = arith.constant 16 : index
        %swap3A_143 = tpu.vector_load %arg11[%swap3A_142] {strides = array<i32>} : memref<128xi32, #tpu.memory_space<vmem>>, vector<16xi32>,
        tpu.vector_store %arg11[%swap3A_142], %get3A_141 {strides = array<i32>} : memref<128xi32, #tpu.memory_space<vmem>>, vector<16xi32>,
        %mul3A_144 = arith.constant 128 : i32
        %mul3A_145 = arith.muli %add3A_112, %mul3A_144 : i32
        %add3A_146 = arith.constant 32 : i32
        %add3A_147 = arith.addi %mul3A_145, %add3A_146 : i32
        %get3A_148 = arith.index_cast %add3A_147 : i32 to index
        %get3A_149 = tpu.vector_load %arg7[%get3A_148] {strides = array<i32>} : memref<4112xi32, #tpu.memory_space<vmem>>, vector<16xi32>,
        %swap3A_150 = arith.constant 32 : index
        %swap3A_151 = tpu.vector_load %arg10[%swap3A_150] {strides = array<i32>} : memref<128xi32, #tpu.memory_space<vmem>>, vector<16xi32>,
        tpu.vector_store %arg10[%swap3A_150], %get3A_149 {strides = array<i32>} : memref<128xi32, #tpu.memory_space<vmem>>, vector<16xi32>,
        %mul3A_152 = arith.constant 128 : i32
        %mul3A_153 = arith.muli %add3A_112, %mul3A_152 : i32
        %add3A_154 = arith.constant 32 : i32
        %add3A_155 = arith.addi %mul3A_153, %add3A_154 : i32
        %get3A_156 = arith.index_cast %add3A_155 : i32 to index
        %get3A_157 = tpu.vector_load %arg8[%get3A_156] {strides = array<i32>} : memref<4112xi32, #tpu.memory_space<vmem>>, vector<16xi32>,
        %swap3A_158 = arith.constant 32 : index
        %swap3A_159 = tpu.vector_load %arg11[%swap3A_158] {strides = array<i32>} : memref<128xi32, #tpu.memory_space<vmem>>, vector<16xi32>,
        tpu.vector_store %arg11[%swap3A_158], %get3A_157 {strides = array<i32>} : memref<128xi32, #tpu.memory_space<vmem>>, vector<16xi32>,
        %mul3A_160 = arith.constant 128 : i32
        %mul3A_161 = arith.muli %add3A_112, %mul3A_160 : i32
        %add3A_162 = arith.constant 48 : i32
        %add3A_163 = arith.addi %mul3A_161, %add3A_162 : i32
        %get3A_164 = arith.index_cast %add3A_163 : i32 to index
        %get3A_165 = tpu.vector_load %arg7[%get3A_164] {strides = array<i32>} : memref<4112xi32, #tpu.memory_space<vmem>>, vector<16xi32>,
        %swap3A_166 = arith.constant 48 : index
        %swap3A_167 = tpu.vector_load %arg10[%swap3A_166] {strides = array<i32>} : memref<128xi32, #tpu.memory_space<vmem>>, vector<16xi32>,
        tpu.vector_store %arg10[%swap3A_166], %get3A_165 {strides = array<i32>} : memref<128xi32, #tpu.memory_space<vmem>>, vector<16xi32>,
        %mul3A_168 = arith.constant 128 : i32
        %mul3A_169 = arith.muli %add3A_112, %mul3A_168 : i32
        %add3A_170 = arith.constant 48 : i32
        %add3A_171 = arith.addi %mul3A_169, %add3A_170 : i32
        %get3A_172 = arith.index_cast %add3A_171 : i32 to index
        %get3A_173 = tpu.vector_load %arg8[%get3A_172] {strides = array<i32>} : memref<4112xi32, #tpu.memory_space<vmem>>, vector<16xi32>,
        %swap3A_174 = arith.constant 48 : index
        %swap3A_175 = tpu.vector_load %arg11[%swap3A_174] {strides = array<i32>} : memref<128xi32, #tpu.memory_space<vmem>>, vector<16xi32>,
        tpu.vector_store %arg11[%swap3A_174], %get3A_173 {strides = array<i32>} : memref<128xi32, #tpu.memory_space<vmem>>, vector<16xi32>,
        %mul3A_176 = arith.constant 128 : i32
        %mul3A_177 = arith.muli %add3A_112, %mul3A_176 : i32
        %add3A_178 = arith.constant 64 : i32
        %add3A_179 = arith.addi %mul3A_177, %add3A_178 : i32
        %get3A_180 = arith.index_cast %add3A_179 : i32 to index
        %get3A_181 = tpu.vector_load %arg7[%get3A_180] {strides = array<i32>} : memref<4112xi32, #tpu.memory_space<vmem>>, vector<16xi32>,
        %swap3A_182 = arith.constant 64 : index
        %swap3A_183 = tpu.vector_load %arg10[%swap3A_182] {strides = array<i32>} : memref<128xi32, #tpu.memory_space<vmem>>, vector<16xi32>,
        tpu.vector_store %arg10[%swap3A_182], %get3A_181 {strides = array<i32>} : memref<128xi32, #tpu.memory_space<vmem>>, vector<16xi32>,
        %mul3A_184 = arith.constant 128 : i32
        %mul3A_185 = arith.muli %add3A_112, %mul3A_184 : i32
        %add3A_186 = arith.constant 64 : i32
        %add3A_187 = arith.addi %mul3A_185, %add3A_186 : i32
        %get3A_188 = arith.index_cast %add3A_187 : i32 to index
        %get3A_189 = tpu.vector_load %arg8[%get3A_188] {strides = array<i32>} : memref<4112xi32, #tpu.memory_space<vmem>>, vector<16xi32>,
        %swap3A_190 = arith.constant 64 : index
        %swap3A_191 = tpu.vector_load %arg11[%swap3A_190] {strides = array<i32>} : memref<128xi32, #tpu.memory_space<vmem>>, vector<16xi32>,
        tpu.vector_store %arg11[%swap3A_190], %get3A_189 {strides = array<i32>} : memref<128xi32, #tpu.memory_space<vmem>>, vector<16xi32>,
        %mul3A_192 = arith.constant 128 : i32
        %mul3A_193 = arith.muli %add3A_112, %mul3A_192 : i32
        %add3A_194 = arith.constant 80 : i32
        %add3A_195 = arith.addi %mul3A_193, %add3A_194 : i32
        %get3A_196 = arith.index_cast %add3A_195 : i32 to index
        %get3A_197 = tpu.vector_load %arg7[%get3A_196] {strides = array<i32>} : memref<4112xi32, #tpu.memory_space<vmem>>, vector<16xi32>,
        %swap3A_198 = arith.constant 80 : index
        %swap3A_199 = tpu.vector_load %arg10[%swap3A_198] {strides = array<i32>} : memref<128xi32, #tpu.memory_space<vmem>>, vector<16xi32>,
        tpu.vector_store %arg10[%swap3A_198], %get3A_197 {strides = array<i32>} : memref<128xi32, #tpu.memory_space<vmem>>, vector<16xi32>,
        %mul3A_200 = arith.constant 128 : i32
        %mul3A_201 = arith.muli %add3A_112, %mul3A_200 : i32
        %add3A_202 = arith.constant 80 : i32
        %add3A_203 = arith.addi %mul3A_201, %add3A_202 : i32
        %get3A_204 = arith.index_cast %add3A_203 : i32 to index
        %get3A_205 = tpu.vector_load %arg8[%get3A_204] {strides = array<i32>} : memref<4112xi32, #tpu.memory_space<vmem>>, vector<16xi32>,
        %swap3A_206 = arith.constant 80 : index
        %swap3A_207 = tpu.vector_load %arg11[%swap3A_206] {strides = array<i32>} : memref<128xi32, #tpu.memory_space<vmem>>, vector<16xi32>,
        tpu.vector_store %arg11[%swap3A_206], %get3A_205 {strides = array<i32>} : memref<128xi32, #tpu.memory_space<vmem>>, vector<16xi32>,
        %mul3A_208 = arith.constant 128 : i32
        %mul3A_209 = arith.muli %add3A_112, %mul3A_208 : i32
        %add3A_210 = arith.constant 96 : i32
        %add3A_211 = arith.addi %mul3A_209, %add3A_210 : i32
        %get3A_212 = arith.index_cast %add3A_211 : i32 to index
        %get3A_213 = tpu.vector_load %arg7[%get3A_212] {strides = array<i32>} : memref<4112xi32, #tpu.memory_space<vmem>>, vector<16xi32>,
        %swap3A_214 = arith.constant 96 : index
        %swap3A_215 = tpu.vector_load %arg10[%swap3A_214] {strides = array<i32>} : memref<128xi32, #tpu.memory_space<vmem>>, vector<16xi32>,
        tpu.vector_store %arg10[%swap3A_214], %get3A_213 {strides = array<i32>} : memref<128xi32, #tpu.memory_space<vmem>>, vector<16xi32>,
        %mul3A_216 = arith.constant 128 : i32
        %mul3A_217 = arith.muli %add3A_112, %mul3A_216 : i32
        %add3A_218 = arith.constant 96 : i32
        %add3A_219 = arith.addi %mul3A_217, %add3A_218 : i32
        %get3A_220 = arith.index_cast %add3A_219 : i32 to index
        %get3A_221 = tpu.vector_load %arg8[%get3A_220] {strides = array<i32>} : memref<4112xi32, #tpu.memory_space<vmem>>, vector<16xi32>,
        %swap3A_222 = arith.constant 96 : index
        %swap3A_223 = tpu.vector_load %arg11[%swap3A_222] {strides = array<i32>} : memref<128xi32, #tpu.memory_space<vmem>>, vector<16xi32>,
        tpu.vector_store %arg11[%swap3A_222], %get3A_221 {strides = array<i32>} : memref<128xi32, #tpu.memory_space<vmem>>, vector<16xi32>,
        %mul3A_224 = arith.constant 128 : i32
        %mul3A_225 = arith.muli %add3A_112, %mul3A_224 : i32
        %add3A_226 = arith.constant 112 : i32
        %add3A_227 = arith.addi %mul3A_225, %add3A_226 : i32
        %get3A_228 = arith.index_cast %add3A_227 : i32 to index
        %get3A_229 = tpu.vector_load %arg7[%get3A_228] {strides = array<i32>} : memref<4112xi32, #tpu.memory_space<vmem>>, vector<16xi32>,
        %swap3A_230 = arith.constant 112 : index
        %swap3A_231 = tpu.vector_load %arg10[%swap3A_230] {strides = array<i32>} : memref<128xi32, #tpu.memory_space<vmem>>, vector<16xi32>,
        tpu.vector_store %arg10[%swap3A_230], %get3A_229 {strides = array<i32>} : memref<128xi32, #tpu.memory_space<vmem>>, vector<16xi32>,
        %mul3A_232 = arith.constant 128 : i32
        %mul3A_233 = arith.muli %add3A_112, %mul3A_232 : i32
        %add3A_234 = arith.constant 112 : i32
        %add3A_235 = arith.addi %mul3A_233, %add3A_234 : i32
        %get3A_236 = arith.index_cast %add3A_235 : i32 to index
        %get3A_237 = tpu.vector_load %arg8[%get3A_236] {strides = array<i32>} : memref<4112xi32, #tpu.memory_space<vmem>>, vector<16xi32>,
        %swap3A_238 = arith.constant 112 : index
        %swap3A_239 = tpu.vector_load %arg11[%swap3A_238] {strides = array<i32>} : memref<128xi32, #tpu.memory_space<vmem>>, vector<16xi32>,
        tpu.vector_store %arg11[%swap3A_238], %get3A_237 {strides = array<i32>} : memref<128xi32, #tpu.memory_space<vmem>>, vector<16xi32>,
        %dma_start3A_240 = arith.constant 0 : i32
        %dma_start3A_241 = arith.constant 0 : i32
        %dma_start3A_242 = tpu.memref_slice %arg17[%dma_start3A_240, %dma_start3A_241] : memref<4096x128xf32, #tpu.memory_space<vmem_shared>> -> memref<4096x128xf32, #tpu.memory_space<vmem_shared>>
        tpu.enqueue_indirect_dma source(%dma_start3A_242 : memref<4096x128xf32, #tpu.memory_space<vmem_shared>>) target(%arg12 : memref<128x128xf32, #tpu.memory_space<vmem>>) offsets(%arg10 : memref<128xi32, #tpu.memory_space<vmem>>) semaphore(%arg18 : memref<!tpu.dma_semaphore, #tpu.memory_space<semaphore_mem>>)
      } else {
      }
      %eq3A_94 = arith.constant 0 : i32
      %eq3A_95 = arith.cmpi eq, %rem3A_77, %eq3A_94 : i32
      %convert_element_type3A_96 = arith.extui %eq3A_95 : i1 to i32
      %cond3A_97 = arith.constant 0 : i32
      %cond3A_98 = arith.cmpi ne, %convert_element_type3A_96, %cond3A_97 : i32
      scf.if %cond3A_98 {
        %dma_wait3A_105 = arith.constant 0 : i32
        %dma_wait3A_106 = arith.constant 0 : i32
        %dma_wait3A_107 = tpu.memref_slice %arg2[%dma_wait3A_105, %dma_wait3A_106] : memref<4096x128xf32, #tpu.memory_space<hbm>> -> memref<128x128xf32, #tpu.memory_space<hbm>>
        %dma_wait3A_108 = arith.constant 0 : i32
        %dma_wait3A_109 = arith.constant 0 : i32
        %dma_wait3A_110 = tpu.memref_slice %arg2[%dma_wait3A_108, %dma_wait3A_109] : memref<4096x128xf32, #tpu.memory_space<hbm>> -> memref<128x128xf32, #tpu.memory_space<hbm>>
        tpu.wait_dma2 semaphore(%arg18 : memref<!tpu.dma_semaphore, #tpu.memory_space<semaphore_mem>>) src(%dma_wait3A_110 : memref<128x128xf32, #tpu.memory_space<hbm>>) dst(%arg12 : memref<128x128xf32, #tpu.memory_space<vmem>>)
        %dma_start3A_111 = arith.constant 0 : i32
        %dma_start3A_112 = arith.constant 0 : i32
        %dma_start3A_113 = tpu.memref_slice %arg16[%dma_start3A_111, %dma_start3A_112] : memref<2064x128xf32, #tpu.memory_space<vmem_shared>> -> memref<2064x128xf32, #tpu.memory_space<vmem_shared>>
        tpu.enqueue_indirect_dma source(%arg12 : memref<128x128xf32, #tpu.memory_space<vmem>>) target(%dma_start3A_113 : memref<2064x128xf32, #tpu.memory_space<vmem_shared>>) offsets(%arg11 : memref<128xi32, #tpu.memory_space<vmem>>) semaphore(%arg18 : memref<!tpu.dma_semaphore, #tpu.memory_space<semaphore_mem>>) {add = true}
      } else {
      }
      %eq3A_99 = arith.constant 1 : i32
      %eq3A_100 = arith.cmpi eq, %rem3A_77, %eq3A_99 : i32
      %convert_element_type3A_101 = arith.extui %eq3A_100 : i1 to i32
      %cond3A_102 = arith.constant 0 : i32
      %cond3A_103 = arith.cmpi ne, %convert_element_type3A_101, %cond3A_102 : i32
      scf.if %cond3A_103 {
        %dma_wait3A_105 = arith.constant 0 : i32
        %dma_wait3A_106 = arith.constant 0 : i32
        %dma_wait3A_107 = tpu.memref_slice %arg2[%dma_wait3A_105, %dma_wait3A_106] : memref<4096x128xf32, #tpu.memory_space<hbm>> -> memref<128x128xf32, #tpu.memory_space<hbm>>
        %dma_wait3A_108 = arith.constant 0 : i32
        %dma_wait3A_109 = arith.constant 0 : i32
        %dma_wait3A_110 = tpu.memref_slice %arg2[%dma_wait3A_108, %dma_wait3A_109] : memref<4096x128xf32, #tpu.memory_space<hbm>> -> memref<128x128xf32, #tpu.memory_space<hbm>>
        tpu.wait_dma2 semaphore(%arg19 : memref<!tpu.dma_semaphore, #tpu.memory_space<semaphore_mem>>) src(%dma_wait3A_110 : memref<128x128xf32, #tpu.memory_space<hbm>>) dst(%arg15 : memref<128x128xf32, #tpu.memory_space<vmem>>)
        %dma_start3A_111 = arith.constant 0 : i32
        %dma_start3A_112 = arith.constant 0 : i32
        %dma_start3A_113 = tpu.memref_slice %arg16[%dma_start3A_111, %dma_start3A_112] : memref<2064x128xf32, #tpu.memory_space<vmem_shared>> -> memref<2064x128xf32, #tpu.memory_space<vmem_shared>>
        tpu.enqueue_indirect_dma source(%arg15 : memref<128x128xf32, #tpu.memory_space<vmem>>) target(%dma_start3A_113 : memref<2064x128xf32, #tpu.memory_space<vmem_shared>>) offsets(%arg14 : memref<128xi32, #tpu.memory_space<vmem>>) semaphore(%arg19 : memref<!tpu.dma_semaphore, #tpu.memory_space<semaphore_mem>>) {add = true}
      } else {
      }
      %while3A_104 = arith.constant 0 : i32
      scf.yield %while3A_104 : i32
    }
    %while3A_58 = arith.constant 1 : i32
    %while3A_59 = scf.for %while3A_74 = %while3A_55 to %while3A_51 step %while3A_58 iter_args(%while3A_75 = %while3A_57) -> (i32)  : i32 {
      %rem3A_76 = arith.constant 2 : i32
      %rem3A_77 = arith.remsi %while3A_74, %rem3A_76 : i32
      %eq3A = arith.constant 0 : i32
      %eq3A_78 = arith.cmpi eq, %rem3A_77, %eq3A : i32
      %add3A_79 = arith.constant 1 : i32
      %add3A_80 = arith.addi %while3A_74, %add3A_79 : i32
      %lt3A = arith.cmpi slt, %add3A_80, %select_n3A : i32
      %and3A_81 = arith.andi %eq3A_78, %lt3A : i1
      %convert_element_type3A_82 = arith.extui %and3A_81 : i1 to i32
      %cond3A_83 = arith.constant 0 : i32
      %cond3A_84 = arith.cmpi ne, %convert_element_type3A_82, %cond3A_83 : i32
      scf.if %cond3A_84 {
        %ge3A = arith.constant 1 : i32
        %ge3A_105 = arith.cmpi sge, %while3A_74, %ge3A : i32
        %convert_element_type3A_106 = arith.extui %ge3A_105 : i1 to i32
        %cond3A_107 = arith.constant 0 : i32
        %cond3A_108 = arith.cmpi ne, %convert_element_type3A_106, %cond3A_107 : i32
        scf.if %cond3A_108 {
          %dma_wait3A_241 = arith.constant 0 : i32
          %dma_wait3A_242 = arith.constant 0 : i32
          %dma_wait3A_243 = tpu.memref_slice %arg2[%dma_wait3A_241, %dma_wait3A_242] : memref<4096x128xf32, #tpu.memory_space<hbm>> -> memref<128x128xf32, #tpu.memory_space<hbm>>
          %dma_wait3A_244 = arith.constant 0 : i32
          %dma_wait3A_245 = arith.constant 0 : i32
          %dma_wait3A_246 = tpu.memref_slice %arg2[%dma_wait3A_244, %dma_wait3A_245] : memref<4096x128xf32, #tpu.memory_space<hbm>> -> memref<128x128xf32, #tpu.memory_space<hbm>>
          tpu.wait_dma2 semaphore(%arg19 : memref<!tpu.dma_semaphore, #tpu.memory_space<semaphore_mem>>) src(%dma_wait3A_246 : memref<128x128xf32, #tpu.memory_space<hbm>>) dst(%arg15 : memref<128x128xf32, #tpu.memory_space<vmem>>)
        } else {
        }
        %add3A_109 = arith.constant 1 : i32
        %add3A_110 = arith.addi %while3A_74, %add3A_109 : i32
        %mul3A_111 = arith.constant 128 : i32
        %mul3A_112 = arith.muli %add3A_110, %mul3A_111 : i32
        %add3A_113 = arith.constant 0 : i32
        %add3A_114 = arith.addi %mul3A_112, %add3A_113 : i32
        %get3A_115 = arith.index_cast %add3A_114 : i32 to index
        %get3A_116 = tpu.vector_load %arg7[%get3A_115] {strides = array<i32>} : memref<4112xi32, #tpu.memory_space<vmem>>, vector<16xi32>,
        %swap3A = arith.constant 0 : index
        %swap3A_117 = tpu.vector_load %arg13[%swap3A] {strides = array<i32>} : memref<128xi32, #tpu.memory_space<vmem>>, vector<16xi32>,
        tpu.vector_store %arg13[%swap3A], %get3A_116 {strides = array<i32>} : memref<128xi32, #tpu.memory_space<vmem>>, vector<16xi32>,
        %mul3A_118 = arith.constant 128 : i32
        %mul3A_119 = arith.muli %add3A_110, %mul3A_118 : i32
        %add3A_120 = arith.constant 0 : i32
        %add3A_121 = arith.addi %mul3A_119, %add3A_120 : i32
        %get3A_122 = arith.index_cast %add3A_121 : i32 to index
        %get3A_123 = tpu.vector_load %arg8[%get3A_122] {strides = array<i32>} : memref<4112xi32, #tpu.memory_space<vmem>>, vector<16xi32>,
        %swap3A_124 = arith.constant 0 : index
        %swap3A_125 = tpu.vector_load %arg14[%swap3A_124] {strides = array<i32>} : memref<128xi32, #tpu.memory_space<vmem>>, vector<16xi32>,
        tpu.vector_store %arg14[%swap3A_124], %get3A_123 {strides = array<i32>} : memref<128xi32, #tpu.memory_space<vmem>>, vector<16xi32>,
        %mul3A_126 = arith.constant 128 : i32
        %mul3A_127 = arith.muli %add3A_110, %mul3A_126 : i32
        %add3A_128 = arith.constant 16 : i32
        %add3A_129 = arith.addi %mul3A_127, %add3A_128 : i32
        %get3A_130 = arith.index_cast %add3A_129 : i32 to index
        %get3A_131 = tpu.vector_load %arg7[%get3A_130] {strides = array<i32>} : memref<4112xi32, #tpu.memory_space<vmem>>, vector<16xi32>,
        %swap3A_132 = arith.constant 16 : index
        %swap3A_133 = tpu.vector_load %arg13[%swap3A_132] {strides = array<i32>} : memref<128xi32, #tpu.memory_space<vmem>>, vector<16xi32>,
        tpu.vector_store %arg13[%swap3A_132], %get3A_131 {strides = array<i32>} : memref<128xi32, #tpu.memory_space<vmem>>, vector<16xi32>,
        %mul3A_134 = arith.constant 128 : i32
        %mul3A_135 = arith.muli %add3A_110, %mul3A_134 : i32
        %add3A_136 = arith.constant 16 : i32
        %add3A_137 = arith.addi %mul3A_135, %add3A_136 : i32
        %get3A_138 = arith.index_cast %add3A_137 : i32 to index
        %get3A_139 = tpu.vector_load %arg8[%get3A_138] {strides = array<i32>} : memref<4112xi32, #tpu.memory_space<vmem>>, vector<16xi32>,
        %swap3A_140 = arith.constant 16 : index
        %swap3A_141 = tpu.vector_load %arg14[%swap3A_140] {strides = array<i32>} : memref<128xi32, #tpu.memory_space<vmem>>, vector<16xi32>,
        tpu.vector_store %arg14[%swap3A_140], %get3A_139 {strides = array<i32>} : memref<128xi32, #tpu.memory_space<vmem>>, vector<16xi32>,
        %mul3A_142 = arith.constant 128 : i32
        %mul3A_143 = arith.muli %add3A_110, %mul3A_142 : i32
        %add3A_144 = arith.constant 32 : i32
        %add3A_145 = arith.addi %mul3A_143, %add3A_144 : i32
        %get3A_146 = arith.index_cast %add3A_145 : i32 to index
        %get3A_147 = tpu.vector_load %arg7[%get3A_146] {strides = array<i32>} : memref<4112xi32, #tpu.memory_space<vmem>>, vector<16xi32>,
        %swap3A_148 = arith.constant 32 : index
        %swap3A_149 = tpu.vector_load %arg13[%swap3A_148] {strides = array<i32>} : memref<128xi32, #tpu.memory_space<vmem>>, vector<16xi32>,
        tpu.vector_store %arg13[%swap3A_148], %get3A_147 {strides = array<i32>} : memref<128xi32, #tpu.memory_space<vmem>>, vector<16xi32>,
        %mul3A_150 = arith.constant 128 : i32
        %mul3A_151 = arith.muli %add3A_110, %mul3A_150 : i32
        %add3A_152 = arith.constant 32 : i32
        %add3A_153 = arith.addi %mul3A_151, %add3A_152 : i32
        %get3A_154 = arith.index_cast %add3A_153 : i32 to index
        %get3A_155 = tpu.vector_load %arg8[%get3A_154] {strides = array<i32>} : memref<4112xi32, #tpu.memory_space<vmem>>, vector<16xi32>,
        %swap3A_156 = arith.constant 32 : index
        %swap3A_157 = tpu.vector_load %arg14[%swap3A_156] {strides = array<i32>} : memref<128xi32, #tpu.memory_space<vmem>>, vector<16xi32>,
        tpu.vector_store %arg14[%swap3A_156], %get3A_155 {strides = array<i32>} : memref<128xi32, #tpu.memory_space<vmem>>, vector<16xi32>,
        %mul3A_158 = arith.constant 128 : i32
        %mul3A_159 = arith.muli %add3A_110, %mul3A_158 : i32
        %add3A_160 = arith.constant 48 : i32
        %add3A_161 = arith.addi %mul3A_159, %add3A_160 : i32
        %get3A_162 = arith.index_cast %add3A_161 : i32 to index
        %get3A_163 = tpu.vector_load %arg7[%get3A_162] {strides = array<i32>} : memref<4112xi32, #tpu.memory_space<vmem>>, vector<16xi32>,
        %swap3A_164 = arith.constant 48 : index
        %swap3A_165 = tpu.vector_load %arg13[%swap3A_164] {strides = array<i32>} : memref<128xi32, #tpu.memory_space<vmem>>, vector<16xi32>,
        tpu.vector_store %arg13[%swap3A_164], %get3A_163 {strides = array<i32>} : memref<128xi32, #tpu.memory_space<vmem>>, vector<16xi32>,
        %mul3A_166 = arith.constant 128 : i32
        %mul3A_167 = arith.muli %add3A_110, %mul3A_166 : i32
        %add3A_168 = arith.constant 48 : i32
        %add3A_169 = arith.addi %mul3A_167, %add3A_168 : i32
        %get3A_170 = arith.index_cast %add3A_169 : i32 to index
        %get3A_171 = tpu.vector_load %arg8[%get3A_170] {strides = array<i32>} : memref<4112xi32, #tpu.memory_space<vmem>>, vector<16xi32>,
        %swap3A_172 = arith.constant 48 : index
        %swap3A_173 = tpu.vector_load %arg14[%swap3A_172] {strides = array<i32>} : memref<128xi32, #tpu.memory_space<vmem>>, vector<16xi32>,
        tpu.vector_store %arg14[%swap3A_172], %get3A_171 {strides = array<i32>} : memref<128xi32, #tpu.memory_space<vmem>>, vector<16xi32>,
        %mul3A_174 = arith.constant 128 : i32
        %mul3A_175 = arith.muli %add3A_110, %mul3A_174 : i32
        %add3A_176 = arith.constant 64 : i32
        %add3A_177 = arith.addi %mul3A_175, %add3A_176 : i32
        %get3A_178 = arith.index_cast %add3A_177 : i32 to index
        %get3A_179 = tpu.vector_load %arg7[%get3A_178] {strides = array<i32>} : memref<4112xi32, #tpu.memory_space<vmem>>, vector<16xi32>,
        %swap3A_180 = arith.constant 64 : index
        %swap3A_181 = tpu.vector_load %arg13[%swap3A_180] {strides = array<i32>} : memref<128xi32, #tpu.memory_space<vmem>>, vector<16xi32>,
        tpu.vector_store %arg13[%swap3A_180], %get3A_179 {strides = array<i32>} : memref<128xi32, #tpu.memory_space<vmem>>, vector<16xi32>,
        %mul3A_182 = arith.constant 128 : i32
        %mul3A_183 = arith.muli %add3A_110, %mul3A_182 : i32
        %add3A_184 = arith.constant 64 : i32
        %add3A_185 = arith.addi %mul3A_183, %add3A_184 : i32
        %get3A_186 = arith.index_cast %add3A_185 : i32 to index
        %get3A_187 = tpu.vector_load %arg8[%get3A_186] {strides = array<i32>} : memref<4112xi32, #tpu.memory_space<vmem>>, vector<16xi32>,
        %swap3A_188 = arith.constant 64 : index
        %swap3A_189 = tpu.vector_load %arg14[%swap3A_188] {strides = array<i32>} : memref<128xi32, #tpu.memory_space<vmem>>, vector<16xi32>,
        tpu.vector_store %arg14[%swap3A_188], %get3A_187 {strides = array<i32>} : memref<128xi32, #tpu.memory_space<vmem>>, vector<16xi32>,
        %mul3A_190 = arith.constant 128 : i32
        %mul3A_191 = arith.muli %add3A_110, %mul3A_190 : i32
        %add3A_192 = arith.constant 80 : i32
        %add3A_193 = arith.addi %mul3A_191, %add3A_192 : i32
        %get3A_194 = arith.index_cast %add3A_193 : i32 to index
        %get3A_195 = tpu.vector_load %arg7[%get3A_194] {strides = array<i32>} : memref<4112xi32, #tpu.memory_space<vmem>>, vector<16xi32>,
        %swap3A_196 = arith.constant 80 : index
        %swap3A_197 = tpu.vector_load %arg13[%swap3A_196] {strides = array<i32>} : memref<128xi32, #tpu.memory_space<vmem>>, vector<16xi32>,
        tpu.vector_store %arg13[%swap3A_196], %get3A_195 {strides = array<i32>} : memref<128xi32, #tpu.memory_space<vmem>>, vector<16xi32>,
        %mul3A_198 = arith.constant 128 : i32
        %mul3A_199 = arith.muli %add3A_110, %mul3A_198 : i32
        %add3A_200 = arith.constant 80 : i32
        %add3A_201 = arith.addi %mul3A_199, %add3A_200 : i32
        %get3A_202 = arith.index_cast %add3A_201 : i32 to index
        %get3A_203 = tpu.vector_load %arg8[%get3A_202] {strides = array<i32>} : memref<4112xi32, #tpu.memory_space<vmem>>, vector<16xi32>,
        %swap3A_204 = arith.constant 80 : index
        %swap3A_205 = tpu.vector_load %arg14[%swap3A_204] {strides = array<i32>} : memref<128xi32, #tpu.memory_space<vmem>>, vector<16xi32>,
        tpu.vector_store %arg14[%swap3A_204], %get3A_203 {strides = array<i32>} : memref<128xi32, #tpu.memory_space<vmem>>, vector<16xi32>,
        %mul3A_206 = arith.constant 128 : i32
        %mul3A_207 = arith.muli %add3A_110, %mul3A_206 : i32
        %add3A_208 = arith.constant 96 : i32
        %add3A_209 = arith.addi %mul3A_207, %add3A_208 : i32
        %get3A_210 = arith.index_cast %add3A_209 : i32 to index
        %get3A_211 = tpu.vector_load %arg7[%get3A_210] {strides = array<i32>} : memref<4112xi32, #tpu.memory_space<vmem>>, vector<16xi32>,
        %swap3A_212 = arith.constant 96 : index
        %swap3A_213 = tpu.vector_load %arg13[%swap3A_212] {strides = array<i32>} : memref<128xi32, #tpu.memory_space<vmem>>, vector<16xi32>,
        tpu.vector_store %arg13[%swap3A_212], %get3A_211 {strides = array<i32>} : memref<128xi32, #tpu.memory_space<vmem>>, vector<16xi32>,
        %mul3A_214 = arith.constant 128 : i32
        %mul3A_215 = arith.muli %add3A_110, %mul3A_214 : i32
        %add3A_216 = arith.constant 96 : i32
        %add3A_217 = arith.addi %mul3A_215, %add3A_216 : i32
        %get3A_218 = arith.index_cast %add3A_217 : i32 to index
        %get3A_219 = tpu.vector_load %arg8[%get3A_218] {strides = array<i32>} : memref<4112xi32, #tpu.memory_space<vmem>>, vector<16xi32>,
        %swap3A_220 = arith.constant 96 : index
        %swap3A_221 = tpu.vector_load %arg14[%swap3A_220] {strides = array<i32>} : memref<128xi32, #tpu.memory_space<vmem>>, vector<16xi32>,
        tpu.vector_store %arg14[%swap3A_220], %get3A_219 {strides = array<i32>} : memref<128xi32, #tpu.memory_space<vmem>>, vector<16xi32>,
        %mul3A_222 = arith.constant 128 : i32
        %mul3A_223 = arith.muli %add3A_110, %mul3A_222 : i32
        %add3A_224 = arith.constant 112 : i32
        %add3A_225 = arith.addi %mul3A_223, %add3A_224 : i32
        %get3A_226 = arith.index_cast %add3A_225 : i32 to index
        %get3A_227 = tpu.vector_load %arg7[%get3A_226] {strides = array<i32>} : memref<4112xi32, #tpu.memory_space<vmem>>, vector<16xi32>,
        %swap3A_228 = arith.constant 112 : index
        %swap3A_229 = tpu.vector_load %arg13[%swap3A_228] {strides = array<i32>} : memref<128xi32, #tpu.memory_space<vmem>>, vector<16xi32>,
        tpu.vector_store %arg13[%swap3A_228], %get3A_227 {strides = array<i32>} : memref<128xi32, #tpu.memory_space<vmem>>, vector<16xi32>,
        %mul3A_230 = arith.constant 128 : i32
        %mul3A_231 = arith.muli %add3A_110, %mul3A_230 : i32
        %add3A_232 = arith.constant 112 : i32
        %add3A_233 = arith.addi %mul3A_231, %add3A_232 : i32
        %get3A_234 = arith.index_cast %add3A_233 : i32 to index
        %get3A_235 = tpu.vector_load %arg8[%get3A_234] {strides = array<i32>} : memref<4112xi32, #tpu.memory_space<vmem>>, vector<16xi32>,
        %swap3A_236 = arith.constant 112 : index
        %swap3A_237 = tpu.vector_load %arg14[%swap3A_236] {strides = array<i32>} : memref<128xi32, #tpu.memory_space<vmem>>, vector<16xi32>,
        tpu.vector_store %arg14[%swap3A_236], %get3A_235 {strides = array<i32>} : memref<128xi32, #tpu.memory_space<vmem>>, vector<16xi32>,
        %dma_start3A_238 = arith.constant 0 : i32
        %dma_start3A_239 = arith.constant 0 : i32
        %dma_start3A_240 = tpu.memref_slice %arg17[%dma_start3A_238, %dma_start3A_239] : memref<4096x128xf32, #tpu.memory_space<vmem_shared>> -> memref<4096x128xf32, #tpu.memory_space<vmem_shared>>
        tpu.enqueue_indirect_dma source(%dma_start3A_240 : memref<4096x128xf32, #tpu.memory_space<vmem_shared>>) target(%arg15 : memref<128x128xf32, #tpu.memory_space<vmem>>) offsets(%arg13 : memref<128xi32, #tpu.memory_space<vmem>>) semaphore(%arg19 : memref<!tpu.dma_semaphore, #tpu.memory_space<semaphore_mem>>)
      } else {
      }
      %eq3A_85 = arith.constant 1 : i32
      %eq3A_86 = arith.cmpi eq, %rem3A_77, %eq3A_85 : i32
      %add3A_87 = arith.constant 1 : i32
      %add3A_88 = arith.addi %while3A_74, %add3A_87 : i32
      %lt3A_89 = arith.cmpi slt, %add3A_88, %select_n3A : i32
      %and3A_90 = arith.andi %eq3A_86, %lt3A_89 : i1
      %convert_element_type3A_91 = arith.extui %and3A_90 : i1 to i32
      %cond3A_92 = arith.constant 0 : i32
      %cond3A_93 = arith.cmpi ne, %convert_element_type3A_91, %cond3A_92 : i32
      scf.if %cond3A_93 {
        %dma_wait3A_105 = arith.constant 0 : i32
        %dma_wait3A_106 = arith.constant 0 : i32
        %dma_wait3A_107 = tpu.memref_slice %arg2[%dma_wait3A_105, %dma_wait3A_106] : memref<4096x128xf32, #tpu.memory_space<hbm>> -> memref<128x128xf32, #tpu.memory_space<hbm>>
        %dma_wait3A_108 = arith.constant 0 : i32
        %dma_wait3A_109 = arith.constant 0 : i32
        %dma_wait3A_110 = tpu.memref_slice %arg2[%dma_wait3A_108, %dma_wait3A_109] : memref<4096x128xf32, #tpu.memory_space<hbm>> -> memref<128x128xf32, #tpu.memory_space<hbm>>
        tpu.wait_dma2 semaphore(%arg18 : memref<!tpu.dma_semaphore, #tpu.memory_space<semaphore_mem>>) src(%dma_wait3A_110 : memref<128x128xf32, #tpu.memory_space<hbm>>) dst(%arg12 : memref<128x128xf32, #tpu.memory_space<vmem>>)
        %add3A_111 = arith.constant 1 : i32
        %add3A_112 = arith.addi %while3A_74, %add3A_111 : i32
        %mul3A_113 = arith.constant 128 : i32
        %mul3A_114 = arith.muli %add3A_112, %mul3A_113 : i32
        %add3A_115 = arith.constant 0 : i32
        %add3A_116 = arith.addi %mul3A_114, %add3A_115 : i32
        %get3A_117 = arith.index_cast %add3A_116 : i32 to index
        %get3A_118 = tpu.vector_load %arg7[%get3A_117] {strides = array<i32>} : memref<4112xi32, #tpu.memory_space<vmem>>, vector<16xi32>,
        %swap3A = arith.constant 0 : index
        %swap3A_119 = tpu.vector_load %arg10[%swap3A] {strides = array<i32>} : memref<128xi32, #tpu.memory_space<vmem>>, vector<16xi32>,
        tpu.vector_store %arg10[%swap3A], %get3A_118 {strides = array<i32>} : memref<128xi32, #tpu.memory_space<vmem>>, vector<16xi32>,
        %mul3A_120 = arith.constant 128 : i32
        %mul3A_121 = arith.muli %add3A_112, %mul3A_120 : i32
        %add3A_122 = arith.constant 0 : i32
        %add3A_123 = arith.addi %mul3A_121, %add3A_122 : i32
        %get3A_124 = arith.index_cast %add3A_123 : i32 to index
        %get3A_125 = tpu.vector_load %arg8[%get3A_124] {strides = array<i32>} : memref<4112xi32, #tpu.memory_space<vmem>>, vector<16xi32>,
        %swap3A_126 = arith.constant 0 : index
        %swap3A_127 = tpu.vector_load %arg11[%swap3A_126] {strides = array<i32>} : memref<128xi32, #tpu.memory_space<vmem>>, vector<16xi32>,
        tpu.vector_store %arg11[%swap3A_126], %get3A_125 {strides = array<i32>} : memref<128xi32, #tpu.memory_space<vmem>>, vector<16xi32>,
        %mul3A_128 = arith.constant 128 : i32
        %mul3A_129 = arith.muli %add3A_112, %mul3A_128 : i32
        %add3A_130 = arith.constant 16 : i32
        %add3A_131 = arith.addi %mul3A_129, %add3A_130 : i32
        %get3A_132 = arith.index_cast %add3A_131 : i32 to index
        %get3A_133 = tpu.vector_load %arg7[%get3A_132] {strides = array<i32>} : memref<4112xi32, #tpu.memory_space<vmem>>, vector<16xi32>,
        %swap3A_134 = arith.constant 16 : index
        %swap3A_135 = tpu.vector_load %arg10[%swap3A_134] {strides = array<i32>} : memref<128xi32, #tpu.memory_space<vmem>>, vector<16xi32>,
        tpu.vector_store %arg10[%swap3A_134], %get3A_133 {strides = array<i32>} : memref<128xi32, #tpu.memory_space<vmem>>, vector<16xi32>,
        %mul3A_136 = arith.constant 128 : i32
        %mul3A_137 = arith.muli %add3A_112, %mul3A_136 : i32
        %add3A_138 = arith.constant 16 : i32
        %add3A_139 = arith.addi %mul3A_137, %add3A_138 : i32
        %get3A_140 = arith.index_cast %add3A_139 : i32 to index
        %get3A_141 = tpu.vector_load %arg8[%get3A_140] {strides = array<i32>} : memref<4112xi32, #tpu.memory_space<vmem>>, vector<16xi32>,
        %swap3A_142 = arith.constant 16 : index
        %swap3A_143 = tpu.vector_load %arg11[%swap3A_142] {strides = array<i32>} : memref<128xi32, #tpu.memory_space<vmem>>, vector<16xi32>,
        tpu.vector_store %arg11[%swap3A_142], %get3A_141 {strides = array<i32>} : memref<128xi32, #tpu.memory_space<vmem>>, vector<16xi32>,
        %mul3A_144 = arith.constant 128 : i32
        %mul3A_145 = arith.muli %add3A_112, %mul3A_144 : i32
        %add3A_146 = arith.constant 32 : i32
        %add3A_147 = arith.addi %mul3A_145, %add3A_146 : i32
        %get3A_148 = arith.index_cast %add3A_147 : i32 to index
        %get3A_149 = tpu.vector_load %arg7[%get3A_148] {strides = array<i32>} : memref<4112xi32, #tpu.memory_space<vmem>>, vector<16xi32>,
        %swap3A_150 = arith.constant 32 : index
        %swap3A_151 = tpu.vector_load %arg10[%swap3A_150] {strides = array<i32>} : memref<128xi32, #tpu.memory_space<vmem>>, vector<16xi32>,
        tpu.vector_store %arg10[%swap3A_150], %get3A_149 {strides = array<i32>} : memref<128xi32, #tpu.memory_space<vmem>>, vector<16xi32>,
        %mul3A_152 = arith.constant 128 : i32
        %mul3A_153 = arith.muli %add3A_112, %mul3A_152 : i32
        %add3A_154 = arith.constant 32 : i32
        %add3A_155 = arith.addi %mul3A_153, %add3A_154 : i32
        %get3A_156 = arith.index_cast %add3A_155 : i32 to index
        %get3A_157 = tpu.vector_load %arg8[%get3A_156] {strides = array<i32>} : memref<4112xi32, #tpu.memory_space<vmem>>, vector<16xi32>,
        %swap3A_158 = arith.constant 32 : index
        %swap3A_159 = tpu.vector_load %arg11[%swap3A_158] {strides = array<i32>} : memref<128xi32, #tpu.memory_space<vmem>>, vector<16xi32>,
        tpu.vector_store %arg11[%swap3A_158], %get3A_157 {strides = array<i32>} : memref<128xi32, #tpu.memory_space<vmem>>, vector<16xi32>,
        %mul3A_160 = arith.constant 128 : i32
        %mul3A_161 = arith.muli %add3A_112, %mul3A_160 : i32
        %add3A_162 = arith.constant 48 : i32
        %add3A_163 = arith.addi %mul3A_161, %add3A_162 : i32
        %get3A_164 = arith.index_cast %add3A_163 : i32 to index
        %get3A_165 = tpu.vector_load %arg7[%get3A_164] {strides = array<i32>} : memref<4112xi32, #tpu.memory_space<vmem>>, vector<16xi32>,
        %swap3A_166 = arith.constant 48 : index
        %swap3A_167 = tpu.vector_load %arg10[%swap3A_166] {strides = array<i32>} : memref<128xi32, #tpu.memory_space<vmem>>, vector<16xi32>,
        tpu.vector_store %arg10[%swap3A_166], %get3A_165 {strides = array<i32>} : memref<128xi32, #tpu.memory_space<vmem>>, vector<16xi32>,
        %mul3A_168 = arith.constant 128 : i32
        %mul3A_169 = arith.muli %add3A_112, %mul3A_168 : i32
        %add3A_170 = arith.constant 48 : i32
        %add3A_171 = arith.addi %mul3A_169, %add3A_170 : i32
        %get3A_172 = arith.index_cast %add3A_171 : i32 to index
        %get3A_173 = tpu.vector_load %arg8[%get3A_172] {strides = array<i32>} : memref<4112xi32, #tpu.memory_space<vmem>>, vector<16xi32>,
        %swap3A_174 = arith.constant 48 : index
        %swap3A_175 = tpu.vector_load %arg11[%swap3A_174] {strides = array<i32>} : memref<128xi32, #tpu.memory_space<vmem>>, vector<16xi32>,
        tpu.vector_store %arg11[%swap3A_174], %get3A_173 {strides = array<i32>} : memref<128xi32, #tpu.memory_space<vmem>>, vector<16xi32>,
        %mul3A_176 = arith.constant 128 : i32
        %mul3A_177 = arith.muli %add3A_112, %mul3A_176 : i32
        %add3A_178 = arith.constant 64 : i32
        %add3A_179 = arith.addi %mul3A_177, %add3A_178 : i32
        %get3A_180 = arith.index_cast %add3A_179 : i32 to index
        %get3A_181 = tpu.vector_load %arg7[%get3A_180] {strides = array<i32>} : memref<4112xi32, #tpu.memory_space<vmem>>, vector<16xi32>,
        %swap3A_182 = arith.constant 64 : index
        %swap3A_183 = tpu.vector_load %arg10[%swap3A_182] {strides = array<i32>} : memref<128xi32, #tpu.memory_space<vmem>>, vector<16xi32>,
        tpu.vector_store %arg10[%swap3A_182], %get3A_181 {strides = array<i32>} : memref<128xi32, #tpu.memory_space<vmem>>, vector<16xi32>,
        %mul3A_184 = arith.constant 128 : i32
        %mul3A_185 = arith.muli %add3A_112, %mul3A_184 : i32
        %add3A_186 = arith.constant 64 : i32
        %add3A_187 = arith.addi %mul3A_185, %add3A_186 : i32
        %get3A_188 = arith.index_cast %add3A_187 : i32 to index
        %get3A_189 = tpu.vector_load %arg8[%get3A_188] {strides = array<i32>} : memref<4112xi32, #tpu.memory_space<vmem>>, vector<16xi32>,
        %swap3A_190 = arith.constant 64 : index
        %swap3A_191 = tpu.vector_load %arg11[%swap3A_190] {strides = array<i32>} : memref<128xi32, #tpu.memory_space<vmem>>, vector<16xi32>,
        tpu.vector_store %arg11[%swap3A_190], %get3A_189 {strides = array<i32>} : memref<128xi32, #tpu.memory_space<vmem>>, vector<16xi32>,
        %mul3A_192 = arith.constant 128 : i32
        %mul3A_193 = arith.muli %add3A_112, %mul3A_192 : i32
        %add3A_194 = arith.constant 80 : i32
        %add3A_195 = arith.addi %mul3A_193, %add3A_194 : i32
        %get3A_196 = arith.index_cast %add3A_195 : i32 to index
        %get3A_197 = tpu.vector_load %arg7[%get3A_196] {strides = array<i32>} : memref<4112xi32, #tpu.memory_space<vmem>>, vector<16xi32>,
        %swap3A_198 = arith.constant 80 : index
        %swap3A_199 = tpu.vector_load %arg10[%swap3A_198] {strides = array<i32>} : memref<128xi32, #tpu.memory_space<vmem>>, vector<16xi32>,
        tpu.vector_store %arg10[%swap3A_198], %get3A_197 {strides = array<i32>} : memref<128xi32, #tpu.memory_space<vmem>>, vector<16xi32>,
        %mul3A_200 = arith.constant 128 : i32
        %mul3A_201 = arith.muli %add3A_112, %mul3A_200 : i32
        %add3A_202 = arith.constant 80 : i32
        %add3A_203 = arith.addi %mul3A_201, %add3A_202 : i32
        %get3A_204 = arith.index_cast %add3A_203 : i32 to index
        %get3A_205 = tpu.vector_load %arg8[%get3A_204] {strides = array<i32>} : memref<4112xi32, #tpu.memory_space<vmem>>, vector<16xi32>,
        %swap3A_206 = arith.constant 80 : index
        %swap3A_207 = tpu.vector_load %arg11[%swap3A_206] {strides = array<i32>} : memref<128xi32, #tpu.memory_space<vmem>>, vector<16xi32>,
        tpu.vector_store %arg11[%swap3A_206], %get3A_205 {strides = array<i32>} : memref<128xi32, #tpu.memory_space<vmem>>, vector<16xi32>,
        %mul3A_208 = arith.constant 128 : i32
        %mul3A_209 = arith.muli %add3A_112, %mul3A_208 : i32
        %add3A_210 = arith.constant 96 : i32
        %add3A_211 = arith.addi %mul3A_209, %add3A_210 : i32
        %get3A_212 = arith.index_cast %add3A_211 : i32 to index
        %get3A_213 = tpu.vector_load %arg7[%get3A_212] {strides = array<i32>} : memref<4112xi32, #tpu.memory_space<vmem>>, vector<16xi32>,
        %swap3A_214 = arith.constant 96 : index
        %swap3A_215 = tpu.vector_load %arg10[%swap3A_214] {strides = array<i32>} : memref<128xi32, #tpu.memory_space<vmem>>, vector<16xi32>,
        tpu.vector_store %arg10[%swap3A_214], %get3A_213 {strides = array<i32>} : memref<128xi32, #tpu.memory_space<vmem>>, vector<16xi32>,
        %mul3A_216 = arith.constant 128 : i32
        %mul3A_217 = arith.muli %add3A_112, %mul3A_216 : i32
        %add3A_218 = arith.constant 96 : i32
        %add3A_219 = arith.addi %mul3A_217, %add3A_218 : i32
        %get3A_220 = arith.index_cast %add3A_219 : i32 to index
        %get3A_221 = tpu.vector_load %arg8[%get3A_220] {strides = array<i32>} : memref<4112xi32, #tpu.memory_space<vmem>>, vector<16xi32>,
        %swap3A_222 = arith.constant 96 : index
        %swap3A_223 = tpu.vector_load %arg11[%swap3A_222] {strides = array<i32>} : memref<128xi32, #tpu.memory_space<vmem>>, vector<16xi32>,
        tpu.vector_store %arg11[%swap3A_222], %get3A_221 {strides = array<i32>} : memref<128xi32, #tpu.memory_space<vmem>>, vector<16xi32>,
        %mul3A_224 = arith.constant 128 : i32
        %mul3A_225 = arith.muli %add3A_112, %mul3A_224 : i32
        %add3A_226 = arith.constant 112 : i32
        %add3A_227 = arith.addi %mul3A_225, %add3A_226 : i32
        %get3A_228 = arith.index_cast %add3A_227 : i32 to index
        %get3A_229 = tpu.vector_load %arg7[%get3A_228] {strides = array<i32>} : memref<4112xi32, #tpu.memory_space<vmem>>, vector<16xi32>,
        %swap3A_230 = arith.constant 112 : index
        %swap3A_231 = tpu.vector_load %arg10[%swap3A_230] {strides = array<i32>} : memref<128xi32, #tpu.memory_space<vmem>>, vector<16xi32>,
        tpu.vector_store %arg10[%swap3A_230], %get3A_229 {strides = array<i32>} : memref<128xi32, #tpu.memory_space<vmem>>, vector<16xi32>,
        %mul3A_232 = arith.constant 128 : i32
        %mul3A_233 = arith.muli %add3A_112, %mul3A_232 : i32
        %add3A_234 = arith.constant 112 : i32
        %add3A_235 = arith.addi %mul3A_233, %add3A_234 : i32
        %get3A_236 = arith.index_cast %add3A_235 : i32 to index
        %get3A_237 = tpu.vector_load %arg8[%get3A_236] {strides = array<i32>} : memref<4112xi32, #tpu.memory_space<vmem>>, vector<16xi32>,
        %swap3A_238 = arith.constant 112 : index
        %swap3A_239 = tpu.vector_load %arg11[%swap3A_238] {strides = array<i32>} : memref<128xi32, #tpu.memory_space<vmem>>, vector<16xi32>,
        tpu.vector_store %arg11[%swap3A_238], %get3A_237 {strides = array<i32>} : memref<128xi32, #tpu.memory_space<vmem>>, vector<16xi32>,
        %dma_start3A_240 = arith.constant 0 : i32
        %dma_start3A_241 = arith.constant 0 : i32
        %dma_start3A_242 = tpu.memref_slice %arg17[%dma_start3A_240, %dma_start3A_241] : memref<4096x128xf32, #tpu.memory_space<vmem_shared>> -> memref<4096x128xf32, #tpu.memory_space<vmem_shared>>
        tpu.enqueue_indirect_dma source(%dma_start3A_242 : memref<4096x128xf32, #tpu.memory_space<vmem_shared>>) target(%arg12 : memref<128x128xf32, #tpu.memory_space<vmem>>) offsets(%arg10 : memref<128xi32, #tpu.memory_space<vmem>>) semaphore(%arg18 : memref<!tpu.dma_semaphore, #tpu.memory_space<semaphore_mem>>)
      } else {
      }
      %eq3A_94 = arith.constant 0 : i32
      %eq3A_95 = arith.cmpi eq, %rem3A_77, %eq3A_94 : i32
      %convert_element_type3A_96 = arith.extui %eq3A_95 : i1 to i32
      %cond3A_97 = arith.constant 0 : i32
      %cond3A_98 = arith.cmpi ne, %convert_element_type3A_96, %cond3A_97 : i32
      scf.if %cond3A_98 {
        %dma_wait3A_105 = arith.constant 0 : i32
        %dma_wait3A_106 = arith.constant 0 : i32
        %dma_wait3A_107 = tpu.memref_slice %arg2[%dma_wait3A_105, %dma_wait3A_106] : memref<4096x128xf32, #tpu.memory_space<hbm>> -> memref<128x128xf32, #tpu.memory_space<hbm>>
        %dma_wait3A_108 = arith.constant 0 : i32
        %dma_wait3A_109 = arith.constant 0 : i32
        %dma_wait3A_110 = tpu.memref_slice %arg2[%dma_wait3A_108, %dma_wait3A_109] : memref<4096x128xf32, #tpu.memory_space<hbm>> -> memref<128x128xf32, #tpu.memory_space<hbm>>
        tpu.wait_dma2 semaphore(%arg18 : memref<!tpu.dma_semaphore, #tpu.memory_space<semaphore_mem>>) src(%dma_wait3A_110 : memref<128x128xf32, #tpu.memory_space<hbm>>) dst(%arg12 : memref<128x128xf32, #tpu.memory_space<vmem>>)
        %dma_start3A_111 = arith.constant 0 : i32
        %dma_start3A_112 = arith.constant 0 : i32
        %dma_start3A_113 = tpu.memref_slice %arg16[%dma_start3A_111, %dma_start3A_112] : memref<2064x128xf32, #tpu.memory_space<vmem_shared>> -> memref<2064x128xf32, #tpu.memory_space<vmem_shared>>
        tpu.enqueue_indirect_dma source(%arg12 : memref<128x128xf32, #tpu.memory_space<vmem>>) target(%dma_start3A_113 : memref<2064x128xf32, #tpu.memory_space<vmem_shared>>) offsets(%arg11 : memref<128xi32, #tpu.memory_space<vmem>>) semaphore(%arg18 : memref<!tpu.dma_semaphore, #tpu.memory_space<semaphore_mem>>) {add = true}
      } else {
      }
      %eq3A_99 = arith.constant 1 : i32
      %eq3A_100 = arith.cmpi eq, %rem3A_77, %eq3A_99 : i32
      %convert_element_type3A_101 = arith.extui %eq3A_100 : i1 to i32
      %cond3A_102 = arith.constant 0 : i32
      %cond3A_103 = arith.cmpi ne, %convert_element_type3A_101, %cond3A_102 : i32
      scf.if %cond3A_103 {
        %dma_wait3A_105 = arith.constant 0 : i32
        %dma_wait3A_106 = arith.constant 0 : i32
        %dma_wait3A_107 = tpu.memref_slice %arg2[%dma_wait3A_105, %dma_wait3A_106] : memref<4096x128xf32, #tpu.memory_space<hbm>> -> memref<128x128xf32, #tpu.memory_space<hbm>>
        %dma_wait3A_108 = arith.constant 0 : i32
        %dma_wait3A_109 = arith.constant 0 : i32
        %dma_wait3A_110 = tpu.memref_slice %arg2[%dma_wait3A_108, %dma_wait3A_109] : memref<4096x128xf32, #tpu.memory_space<hbm>> -> memref<128x128xf32, #tpu.memory_space<hbm>>
        tpu.wait_dma2 semaphore(%arg19 : memref<!tpu.dma_semaphore, #tpu.memory_space<semaphore_mem>>) src(%dma_wait3A_110 : memref<128x128xf32, #tpu.memory_space<hbm>>) dst(%arg15 : memref<128x128xf32, #tpu.memory_space<vmem>>)
        %dma_start3A_111 = arith.constant 0 : i32
        %dma_start3A_112 = arith.constant 0 : i32
        %dma_start3A_113 = tpu.memref_slice %arg16[%dma_start3A_111, %dma_start3A_112] : memref<2064x128xf32, #tpu.memory_space<vmem_shared>> -> memref<2064x128xf32, #tpu.memory_space<vmem_shared>>
        tpu.enqueue_indirect_dma source(%arg15 : memref<128x128xf32, #tpu.memory_space<vmem>>) target(%dma_start3A_113 : memref<2064x128xf32, #tpu.memory_space<vmem_shared>>) offsets(%arg14 : memref<128xi32, #tpu.memory_space<vmem>>) semaphore(%arg19 : memref<!tpu.dma_semaphore, #tpu.memory_space<semaphore_mem>>) {add = true}
      } else {
      }
      %while3A_104 = arith.constant 0 : i32
      scf.yield %while3A_104 : i32
    }
    %gt3A_60 = arith.constant 0 : i32
    %gt3A_61 = arith.cmpi sgt, %select_n3A, %gt3A_60 : i32
    %convert_element_type3A_62 = arith.extui %gt3A_61 : i1 to i32
    %cond3A_63 = arith.constant 0 : i32
    %cond3A_64 = arith.cmpi ne, %convert_element_type3A_62, %cond3A_63 : i32
    scf.if %cond3A_64 {
      %sub3A_74 = arith.constant 1 : i32
      %sub3A_75 = arith.subi %select_n3A, %sub3A_74 : i32
      %rem3A_76 = arith.constant 2 : i32
      %rem3A_77 = arith.remsi %sub3A_75, %rem3A_76 : i32
      %eq3A = arith.constant 0 : i32
      %eq3A_78 = arith.cmpi eq, %rem3A_77, %eq3A : i32
      %convert_element_type3A_79 = arith.extui %eq3A_78 : i1 to i32
      %cond3A_80 = arith.constant 0 : i32
      %cond3A_81 = arith.cmpi ne, %convert_element_type3A_79, %cond3A_80 : i32
      scf.if %cond3A_81 {
        %dma_wait3A_87 = arith.constant 0 : i32
        %dma_wait3A_88 = arith.constant 0 : i32
        %dma_wait3A_89 = tpu.memref_slice %arg2[%dma_wait3A_87, %dma_wait3A_88] : memref<4096x128xf32, #tpu.memory_space<hbm>> -> memref<128x128xf32, #tpu.memory_space<hbm>>
        %dma_wait3A_90 = arith.constant 0 : i32
        %dma_wait3A_91 = arith.constant 0 : i32
        %dma_wait3A_92 = tpu.memref_slice %arg2[%dma_wait3A_90, %dma_wait3A_91] : memref<4096x128xf32, #tpu.memory_space<hbm>> -> memref<128x128xf32, #tpu.memory_space<hbm>>
        tpu.wait_dma2 semaphore(%arg18 : memref<!tpu.dma_semaphore, #tpu.memory_space<semaphore_mem>>) src(%dma_wait3A_92 : memref<128x128xf32, #tpu.memory_space<hbm>>) dst(%arg12 : memref<128x128xf32, #tpu.memory_space<vmem>>)
      } else {
      }
      %eq3A_82 = arith.constant 1 : i32
      %eq3A_83 = arith.cmpi eq, %rem3A_77, %eq3A_82 : i32
      %convert_element_type3A_84 = arith.extui %eq3A_83 : i1 to i32
      %cond3A_85 = arith.constant 0 : i32
      %cond3A_86 = arith.cmpi ne, %convert_element_type3A_84, %cond3A_85 : i32
      scf.if %cond3A_86 {
        %dma_wait3A_87 = arith.constant 0 : i32
        %dma_wait3A_88 = arith.constant 0 : i32
        %dma_wait3A_89 = tpu.memref_slice %arg2[%dma_wait3A_87, %dma_wait3A_88] : memref<4096x128xf32, #tpu.memory_space<hbm>> -> memref<128x128xf32, #tpu.memory_space<hbm>>
        %dma_wait3A_90 = arith.constant 0 : i32
        %dma_wait3A_91 = arith.constant 0 : i32
        %dma_wait3A_92 = tpu.memref_slice %arg2[%dma_wait3A_90, %dma_wait3A_91] : memref<4096x128xf32, #tpu.memory_space<hbm>> -> memref<128x128xf32, #tpu.memory_space<hbm>>
        tpu.wait_dma2 semaphore(%arg19 : memref<!tpu.dma_semaphore, #tpu.memory_space<semaphore_mem>>) src(%dma_wait3A_92 : memref<128x128xf32, #tpu.memory_space<hbm>>) dst(%arg15 : memref<128x128xf32, #tpu.memory_space<vmem>>)
      } else {
      }
    } else {
    }
    %gt3A_65 = arith.constant 1 : i32
    %gt3A_66 = arith.cmpi sgt, %select_n3A, %gt3A_65 : i32
    %convert_element_type3A_67 = arith.extui %gt3A_66 : i1 to i32
    %cond3A_68 = arith.constant 0 : i32
    %cond3A_69 = arith.cmpi ne, %convert_element_type3A_67, %cond3A_68 : i32
    scf.if %cond3A_69 {
      %sub3A_74 = arith.constant 2 : i32
      %sub3A_75 = arith.subi %select_n3A, %sub3A_74 : i32
      %rem3A_76 = arith.constant 2 : i32
      %rem3A_77 = arith.remsi %sub3A_75, %rem3A_76 : i32
      %eq3A = arith.constant 0 : i32
      %eq3A_78 = arith.cmpi eq, %rem3A_77, %eq3A : i32
      %convert_element_type3A_79 = arith.extui %eq3A_78 : i1 to i32
      %cond3A_80 = arith.constant 0 : i32
      %cond3A_81 = arith.cmpi ne, %convert_element_type3A_79, %cond3A_80 : i32
      scf.if %cond3A_81 {
        %dma_wait3A_87 = arith.constant 0 : i32
        %dma_wait3A_88 = arith.constant 0 : i32
        %dma_wait3A_89 = tpu.memref_slice %arg2[%dma_wait3A_87, %dma_wait3A_88] : memref<4096x128xf32, #tpu.memory_space<hbm>> -> memref<128x128xf32, #tpu.memory_space<hbm>>
        %dma_wait3A_90 = arith.constant 0 : i32
        %dma_wait3A_91 = arith.constant 0 : i32
        %dma_wait3A_92 = tpu.memref_slice %arg2[%dma_wait3A_90, %dma_wait3A_91] : memref<4096x128xf32, #tpu.memory_space<hbm>> -> memref<128x128xf32, #tpu.memory_space<hbm>>
        tpu.wait_dma2 semaphore(%arg18 : memref<!tpu.dma_semaphore, #tpu.memory_space<semaphore_mem>>) src(%dma_wait3A_92 : memref<128x128xf32, #tpu.memory_space<hbm>>) dst(%arg12 : memref<128x128xf32, #tpu.memory_space<vmem>>)
      } else {
      }
      %eq3A_82 = arith.constant 1 : i32
      %eq3A_83 = arith.cmpi eq, %rem3A_77, %eq3A_82 : i32
      %convert_element_type3A_84 = arith.extui %eq3A_83 : i1 to i32
      %cond3A_85 = arith.constant 0 : i32
      %cond3A_86 = arith.cmpi ne, %convert_element_type3A_84, %cond3A_85 : i32
      scf.if %cond3A_86 {
        %dma_wait3A_87 = arith.constant 0 : i32
        %dma_wait3A_88 = arith.constant 0 : i32
        %dma_wait3A_89 = tpu.memref_slice %arg2[%dma_wait3A_87, %dma_wait3A_88] : memref<4096x128xf32, #tpu.memory_space<hbm>> -> memref<128x128xf32, #tpu.memory_space<hbm>>
        %dma_wait3A_90 = arith.constant 0 : i32
        %dma_wait3A_91 = arith.constant 0 : i32
        %dma_wait3A_92 = tpu.memref_slice %arg2[%dma_wait3A_90, %dma_wait3A_91] : memref<4096x128xf32, #tpu.memory_space<hbm>> -> memref<128x128xf32, #tpu.memory_space<hbm>>
        tpu.wait_dma2 semaphore(%arg19 : memref<!tpu.dma_semaphore, #tpu.memory_space<semaphore_mem>>) src(%dma_wait3A_92 : memref<128x128xf32, #tpu.memory_space<hbm>>) dst(%arg15 : memref<128x128xf32, #tpu.memory_space<vmem>>)
      } else {
      }
    } else {
    }
    %mul3A_70 = arith.constant 128 : i32
    %mul3A_71 = arith.muli %arg1, %mul3A_70 : i32
    %mul3A_72 = arith.constant 128 : i32
    %mul3A_73 = arith.muli %add3A, %mul3A_72 : i32
    "tpu.region"() ({
      %run_scoped3A = tpu.sem_alloc : memref<!tpu.dma_semaphore, #tpu.memory_space<semaphore_mem>>
      %dma_start3A_74 = arith.constant 0 : i32
      %dma_start3A_75 = tpu.memref_slice %arg6[%mul3A_73, %dma_start3A_74] : memref<4096x128xf32, #tpu.memory_space<hbm>> -> memref<128x128xf32, #tpu.memory_space<hbm>>
      %dma_start3A_76 = arith.constant 0 : i32
      %dma_start3A_77 = tpu.memref_slice %arg16[%mul3A_71, %dma_start3A_76] : memref<2064x128xf32, #tpu.memory_space<vmem_shared>> -> memref<128x128xf32, #tpu.memory_space<vmem_shared>>
      tpu.enqueue_dma source(%dma_start3A_77 : memref<128x128xf32, #tpu.memory_space<vmem_shared>>) target(%dma_start3A_75 : memref<128x128xf32, #tpu.memory_space<hbm>>) target_semaphore(%run_scoped3A : memref<!tpu.dma_semaphore, #tpu.memory_space<semaphore_mem>>)
      %dma_wait3A_78 = arith.constant 0 : i32
      %dma_wait3A_79 = tpu.memref_slice %arg6[%mul3A_73, %dma_wait3A_78] : memref<4096x128xf32, #tpu.memory_space<hbm>> -> memref<128x128xf32, #tpu.memory_space<hbm>>
      %dma_wait3A_80 = arith.constant 0 : i32
      %dma_wait3A_81 = tpu.memref_slice %arg16[%mul3A_71, %dma_wait3A_80] : memref<2064x128xf32, #tpu.memory_space<vmem_shared>> -> memref<128x128xf32, #tpu.memory_space<vmem_shared>>
      tpu.wait_dma2 semaphore(%run_scoped3A : memref<!tpu.dma_semaphore, #tpu.memory_space<semaphore_mem>>) src(%dma_wait3A_81 : memref<128x128xf32, #tpu.memory_space<vmem_shared>>) dst(%dma_wait3A_79 : memref<128x128xf32, #tpu.memory_space<hbm>>)
      tpu.yield
    }) : () -> ()
    return
  }
}

#map = affine_map<(d0, d1) -> (0, 0)>
#map1 = affine_map<(d0, d1) -> (0)>
module attributes {stable_mosaic.version = 14 : i64} {
  func.func @_extract_agg_body(%arg0: i32, %arg1: i32, %arg2: memref<128x4096xi32, #tpu.memory_space<hbm>>, %arg3: memref<4096x128xf32, #tpu.memory_space<hbm>>, %arg4: memref<32x4096xi32, #tpu.memory_space<hbm>>, %arg5: memref<32x4096xi32, #tpu.memory_space<hbm>>, %arg6: memref<512xi32, #tpu.memory_space<hbm>>, %arg7: memref<4096x128xf32, #tpu.memory_space<hbm>>, %arg8: memref<4x4096xi32, #tpu.memory_space<vmem>>, %arg9: memref<4112xi32, #tpu.memory_space<vmem>>, %arg10: memref<4112xi32, #tpu.memory_space<vmem>>, %arg11: memref<4112xi32, #tpu.memory_space<vmem>>, %arg12: memref<4112xi32, #tpu.memory_space<vmem>>, %arg13: memref<16xi32, #tpu.memory_space<vmem>>, %arg14: memref<128xi32, #tpu.memory_space<vmem>>, %arg15: memref<128xi32, #tpu.memory_space<vmem>>, %arg16: memref<128x128xf32, #tpu.memory_space<vmem>>, %arg17: memref<128xi32, #tpu.memory_space<vmem>>, %arg18: memref<128xi32, #tpu.memory_space<vmem>>, %arg19: memref<128x128xf32, #tpu.memory_space<vmem>>, %arg20: memref<2064x128xf32, #tpu.memory_space<vmem_shared>>, %arg21: memref<4096x128xf32, #tpu.memory_space<vmem_shared>>, %arg22: memref<!tpu.dma_semaphore, #tpu.memory_space<semaphore_mem>>, %arg23: memref<!tpu.dma_semaphore, #tpu.memory_space<semaphore_mem>>, %arg24: memref<!tpu.dma_semaphore, #tpu.memory_space<semaphore_mem>>) attributes {dimension_semantics = [#tpu.dimension_semantics<core_parallel>, #tpu.dimension_semantics<subcore_parallel>], iteration_bounds = array<i64: 2, 16>, scalar_prefetch = 0 : i64, scratch_operands = 17 : i64, tpu.core_type = #tpu.core_type<sc_vector_subcore>, window_params = [{transform_indices = #map}, {transform_indices = #map}, {transform_indices = #map}, {transform_indices = #map}, {transform_indices = #map1}, {transform_indices = #map}]} {
    %mul3A = arith.constant 16 : i32
    %mul3A_0 = arith.muli %arg0, %mul3A : i32
    %add3A = arith.addi %mul3A_0, %arg1 : i32
    %mul3A_1 = arith.constant 4 : i32
    %mul3A_2 = arith.muli %add3A, %mul3A_1 : i32
    %iota3A = tpu.iota {dimensions = array<i32: 0>} : vector<16xi32>
    "tpu.region"() ({
      %run_scoped3A = tpu.sem_alloc : memref<!tpu.dma_semaphore, #tpu.memory_space<semaphore_mem>>
      %dma_start3A_184 = arith.constant 0 : i32
      %dma_start3A_185 = tpu.memref_slice %arg2[%mul3A_2, %dma_start3A_184] : memref<128x4096xi32, #tpu.memory_space<hbm>> -> memref<4x4096xi32, #tpu.memory_space<hbm>>
      %dma_start3A_186 = arith.constant 0 : i32
      %dma_start3A_187 = tpu.memref_slice %arg2[%mul3A_2, %dma_start3A_186] : memref<128x4096xi32, #tpu.memory_space<hbm>> -> memref<4x4096xi32, #tpu.memory_space<hbm>>
      tpu.enqueue_dma source(%dma_start3A_187 : memref<4x4096xi32, #tpu.memory_space<hbm>>) target(%arg8 : memref<4x4096xi32, #tpu.memory_space<vmem>>) target_semaphore(%run_scoped3A : memref<!tpu.dma_semaphore, #tpu.memory_space<semaphore_mem>>)
      %dma_wait3A_188 = arith.constant 0 : i32
      %dma_wait3A_189 = tpu.memref_slice %arg2[%mul3A_2, %dma_wait3A_188] : memref<128x4096xi32, #tpu.memory_space<hbm>> -> memref<4x4096xi32, #tpu.memory_space<hbm>>
      %dma_wait3A_190 = arith.constant 0 : i32
      %dma_wait3A_191 = tpu.memref_slice %arg2[%mul3A_2, %dma_wait3A_190] : memref<128x4096xi32, #tpu.memory_space<hbm>> -> memref<4x4096xi32, #tpu.memory_space<hbm>>
      tpu.wait_dma2 semaphore(%run_scoped3A : memref<!tpu.dma_semaphore, #tpu.memory_space<semaphore_mem>>) src(%dma_wait3A_191 : memref<4x4096xi32, #tpu.memory_space<hbm>>) dst(%arg8 : memref<4x4096xi32, #tpu.memory_space<vmem>>)
      tpu.yield
    }) : () -> ()
    %mul3A_3 = arith.constant 256 : i32
    %mul3A_4 = arith.muli %arg1, %mul3A_3 : i32
    %mul3A_5 = arith.constant 256 : i32
    %mul3A_6 = arith.muli %arg1, %mul3A_5 : i32
    %dma_start3A = arith.constant 0 : i32
    %dma_start3A_7 = tpu.memref_slice %arg21[%mul3A_6, %dma_start3A] : memref<4096x128xf32, #tpu.memory_space<vmem_shared>> -> memref<256x128xf32, #tpu.memory_space<vmem_shared>>
    %dma_start3A_8 = arith.constant 0 : i32
    %dma_start3A_9 = tpu.memref_slice %arg3[%mul3A_4, %dma_start3A_8] : memref<4096x128xf32, #tpu.memory_space<hbm>> -> memref<256x128xf32, #tpu.memory_space<hbm>>
    tpu.enqueue_dma source(%dma_start3A_9 : memref<256x128xf32, #tpu.memory_space<hbm>>) target(%dma_start3A_7 : memref<256x128xf32, #tpu.memory_space<vmem_shared>>) target_semaphore(%arg24 : memref<!tpu.dma_semaphore, #tpu.memory_space<semaphore_mem>>)
    %mul3A_10 = arith.constant 128 : i32
    %mul3A_11 = arith.muli %add3A, %mul3A_10 : i32
    %mul3A_12 = arith.constant 128 : i32
    %mul3A_13 = arith.muli %arg1, %mul3A_12 : i32
    "tpu.region"() ({
      %run_scoped3A = tpu.sem_alloc : memref<!tpu.dma_semaphore, #tpu.memory_space<semaphore_mem>>
      %dma_start3A_184 = arith.constant 0 : i32
      %dma_start3A_185 = tpu.memref_slice %arg20[%mul3A_13, %dma_start3A_184] : memref<2064x128xf32, #tpu.memory_space<vmem_shared>> -> memref<128x128xf32, #tpu.memory_space<vmem_shared>>
      %dma_start3A_186 = arith.constant 0 : i32
      %dma_start3A_187 = tpu.memref_slice %arg3[%mul3A_11, %dma_start3A_186] : memref<4096x128xf32, #tpu.memory_space<hbm>> -> memref<128x128xf32, #tpu.memory_space<hbm>>
      tpu.enqueue_dma source(%dma_start3A_187 : memref<128x128xf32, #tpu.memory_space<hbm>>) target(%dma_start3A_185 : memref<128x128xf32, #tpu.memory_space<vmem_shared>>) target_semaphore(%run_scoped3A : memref<!tpu.dma_semaphore, #tpu.memory_space<semaphore_mem>>)
      %dma_wait3A_188 = arith.constant 0 : i32
      %dma_wait3A_189 = tpu.memref_slice %arg20[%mul3A_13, %dma_wait3A_188] : memref<2064x128xf32, #tpu.memory_space<vmem_shared>> -> memref<128x128xf32, #tpu.memory_space<vmem_shared>>
      %dma_wait3A_190 = arith.constant 0 : i32
      %dma_wait3A_191 = tpu.memref_slice %arg3[%mul3A_11, %dma_wait3A_190] : memref<4096x128xf32, #tpu.memory_space<hbm>> -> memref<128x128xf32, #tpu.memory_space<hbm>>
      tpu.wait_dma2 semaphore(%run_scoped3A : memref<!tpu.dma_semaphore, #tpu.memory_space<semaphore_mem>>) src(%dma_wait3A_191 : memref<128x128xf32, #tpu.memory_space<hbm>>) dst(%dma_wait3A_189 : memref<128x128xf32, #tpu.memory_space<vmem_shared>>)
      tpu.yield
    }) : () -> ()
    %broadcast_in_dim3A = arith.constant 0 : i32
    %broadcast_in_dim3A_14 = vector.broadcast %broadcast_in_dim3A : i32 to vector<16xi32>
    %scan3A = arith.constant 0 : i32
    %scan3A_15 = arith.constant 128 : i32
    %scan3A_16 = arith.addi %scan3A, %scan3A_15 : i32
    %scan3A_17 = arith.constant 1 : i32
    %scan3A_18 = scf.for %scan3A_184 = %scan3A to %scan3A_16 step %scan3A_17 iter_args(%scan3A_185 = %broadcast_in_dim3A_14) -> (vector<16xi32>)  : i32 {
      %mul3A_186 = arith.constant 32 : i32
      %mul3A_187 = arith.muli %scan3A_184, %mul3A_186 : i32
      %get3A = arith.constant 0 : i32
      %get3A_188 = arith.index_cast %get3A : i32 to index
      %get3A_189 = arith.index_cast %mul3A_187 : i32 to index
      %get3A_190 = tpu.vector_load %arg8[%get3A_188, %get3A_189] {strides = array<i32>} : memref<4x4096xi32, #tpu.memory_space<vmem>>, vector<16xi32>,
      %mul3A_191 = arith.constant 32 : i32
      %mul3A_192 = arith.muli %scan3A_184, %mul3A_191 : i32
      %add3A_193 = arith.constant 16 : i32
      %add3A_194 = arith.addi %mul3A_192, %add3A_193 : i32
      %get3A_195 = arith.constant 0 : i32
      %get3A_196 = arith.index_cast %get3A_195 : i32 to index
      %get3A_197 = arith.index_cast %add3A_194 : i32 to index
      %get3A_198 = tpu.vector_load %arg8[%get3A_196, %get3A_197] {strides = array<i32>} : memref<4x4096xi32, #tpu.memory_space<vmem>>, vector<16xi32>,
      %ne3A_199 = arith.constant 0 : i32
      %ne3A_200 = vector.broadcast %ne3A_199 : i32 to vector<16xi32>
      %ne3A_201 = arith.cmpi ne, %get3A_190, %ne3A_200 : vector<16xi32>
      %ne3A_202 = arith.constant 0 : i32
      %ne3A_203 = vector.broadcast %ne3A_202 : i32 to vector<16xi32>
      %ne3A_204 = arith.cmpi ne, %get3A_198, %ne3A_203 : vector<16xi32>
      %convert_element_type3A_205 = arith.extui %ne3A_201 : vector<16xi1> to vector<16xi32>
      %convert_element_type3A_206 = arith.extui %ne3A_204 : vector<16xi1> to vector<16xi32>
      %all_reduce_population_count3A = tpu.all_reduce %ne3A_201 {dim = 0 : i64, kind = #tpu.reduction_kind<sum>} : vector<16xi1> -> vector<16xi32>
      %all_reduce_population_count3A_207 = tpu.all_reduce %ne3A_204 {dim = 0 : i64, kind = #tpu.reduction_kind<sum>} : vector<16xi1> -> vector<16xi32>
      %broadcast_in_dim3A_208 = arith.constant true
      %broadcast_in_dim3A_209 = vector.broadcast %broadcast_in_dim3A_208 : i1 to vector<16xi1>
      %masked_cumsum3A = tpu.scan <sum>, %convert_element_type3A_205 masked %broadcast_in_dim3A_209 : vector<16xi32>, vector<16xi1> -> vector<16xi32>
      %sub3A_210 = arith.subi %masked_cumsum3A, %convert_element_type3A_205 : vector<16xi32>
      %broadcast_in_dim3A_211 = arith.constant true
      %broadcast_in_dim3A_212 = vector.broadcast %broadcast_in_dim3A_211 : i1 to vector<16xi1>
      %masked_cumsum3A_213 = tpu.scan <sum>, %convert_element_type3A_206 masked %broadcast_in_dim3A_212 : vector<16xi32>, vector<16xi1> -> vector<16xi32>
      %sub3A_214 = arith.subi %masked_cumsum3A_213, %convert_element_type3A_206 : vector<16xi32>
      %add3A_215 = arith.addi %scan3A_185, %sub3A_210 : vector<16xi32>
      %jit3A_216 = arith.constant 4096 : i32
      %broadcast_in_dim3A_217 = vector.broadcast %jit3A_216 : i32 to vector<16xi32>
      %select_n3A_218 = arith.select %ne3A_201, %add3A_215, %broadcast_in_dim3A_217 : vector<16xi1>, vector<16xi32>
      %add3A_219 = arith.addi %scan3A_185, %all_reduce_population_count3A : vector<16xi32>
      %add3A_220 = arith.addi %add3A_219, %sub3A_214 : vector<16xi32>
      %jit3A_221 = arith.constant 4096 : i32
      %broadcast_in_dim3A_222 = vector.broadcast %jit3A_221 : i32 to vector<16xi32>
      %select_n3A_223 = arith.select %ne3A_204, %add3A_220, %broadcast_in_dim3A_222 : vector<16xi1>, vector<16xi32>
      tpu.vector_store_idx %arg11[%select_n3A_218], %get3A_190 : memref<4112xi32, #tpu.memory_space<vmem>>[vector<16xi32>], vector<16xi32>,
      %mul3A_224 = arith.constant 32 : i32
      %mul3A_225 = arith.muli %scan3A_184, %mul3A_224 : i32
      %add3A_226 = arith.constant 0 : i32
      %add3A_227 = arith.addi %add3A_226, %mul3A_225 : i32
      %add3A_228 = vector.broadcast %add3A_227 : i32 to vector<16xi32>
      %add3A_229 = arith.addi %add3A_228, %iota3A : vector<16xi32>
      tpu.vector_store_idx %arg12[%select_n3A_218], %add3A_229 : memref<4112xi32, #tpu.memory_space<vmem>>[vector<16xi32>], vector<16xi32>,
      tpu.vector_store_idx %arg11[%select_n3A_223], %get3A_198 : memref<4112xi32, #tpu.memory_space<vmem>>[vector<16xi32>], vector<16xi32>,
      %mul3A_230 = arith.constant 32 : i32
      %mul3A_231 = arith.muli %scan3A_184, %mul3A_230 : i32
      %add3A_232 = arith.constant 0 : i32
      %add3A_233 = arith.addi %add3A_232, %mul3A_231 : i32
      %add3A_234 = arith.constant 16 : i32
      %add3A_235 = arith.addi %add3A_233, %add3A_234 : i32
      %add3A_236 = vector.broadcast %add3A_235 : i32 to vector<16xi32>
      %add3A_237 = arith.addi %add3A_236, %iota3A : vector<16xi32>
      tpu.vector_store_idx %arg12[%select_n3A_223], %add3A_237 : memref<4112xi32, #tpu.memory_space<vmem>>[vector<16xi32>], vector<16xi32>,
      %add3A_238 = arith.addi %scan3A_185, %all_reduce_population_count3A : vector<16xi32>
      %add3A_239 = arith.addi %add3A_238, %all_reduce_population_count3A_207 : vector<16xi32>
      %min3A = arith.constant 4080 : i32
      %min3A_240 = vector.broadcast %min3A : i32 to vector<16xi32>
      %min3A_241 = arith.minsi %add3A_239, %min3A_240 : vector<16xi32>
      scf.yield %min3A_241 : vector<16xi32>
    }
    %scan3A_19 = arith.constant 128 : i32
    %scan3A_20 = arith.constant 0 : i32
    %scan3A_21 = arith.constant 128 : i32
    %scan3A_22 = arith.addi %scan3A_20, %scan3A_21 : i32
    %scan3A_23 = arith.constant 1 : i32
    %scan3A_24 = scf.for %scan3A_184 = %scan3A_20 to %scan3A_22 step %scan3A_23 iter_args(%scan3A_185 = %scan3A_18) -> (vector<16xi32>)  : i32 {
      %mul3A_186 = arith.constant 32 : i32
      %mul3A_187 = arith.muli %scan3A_184, %mul3A_186 : i32
      %get3A = arith.constant 1 : i32
      %get3A_188 = arith.index_cast %get3A : i32 to index
      %get3A_189 = arith.index_cast %mul3A_187 : i32 to index
      %get3A_190 = tpu.vector_load %arg8[%get3A_188, %get3A_189] {strides = array<i32>} : memref<4x4096xi32, #tpu.memory_space<vmem>>, vector<16xi32>,
      %mul3A_191 = arith.constant 32 : i32
      %mul3A_192 = arith.muli %scan3A_184, %mul3A_191 : i32
      %add3A_193 = arith.constant 16 : i32
      %add3A_194 = arith.addi %mul3A_192, %add3A_193 : i32
      %get3A_195 = arith.constant 1 : i32
      %get3A_196 = arith.index_cast %get3A_195 : i32 to index
      %get3A_197 = arith.index_cast %add3A_194 : i32 to index
      %get3A_198 = tpu.vector_load %arg8[%get3A_196, %get3A_197] {strides = array<i32>} : memref<4x4096xi32, #tpu.memory_space<vmem>>, vector<16xi32>,
      %ne3A_199 = arith.constant 0 : i32
      %ne3A_200 = vector.broadcast %ne3A_199 : i32 to vector<16xi32>
      %ne3A_201 = arith.cmpi ne, %get3A_190, %ne3A_200 : vector<16xi32>
      %ne3A_202 = arith.constant 0 : i32
      %ne3A_203 = vector.broadcast %ne3A_202 : i32 to vector<16xi32>
      %ne3A_204 = arith.cmpi ne, %get3A_198, %ne3A_203 : vector<16xi32>
      %convert_element_type3A_205 = arith.extui %ne3A_201 : vector<16xi1> to vector<16xi32>
      %convert_element_type3A_206 = arith.extui %ne3A_204 : vector<16xi1> to vector<16xi32>
      %all_reduce_population_count3A = tpu.all_reduce %ne3A_201 {dim = 0 : i64, kind = #tpu.reduction_kind<sum>} : vector<16xi1> -> vector<16xi32>
      %all_reduce_population_count3A_207 = tpu.all_reduce %ne3A_204 {dim = 0 : i64, kind = #tpu.reduction_kind<sum>} : vector<16xi1> -> vector<16xi32>
      %broadcast_in_dim3A_208 = arith.constant true
      %broadcast_in_dim3A_209 = vector.broadcast %broadcast_in_dim3A_208 : i1 to vector<16xi1>
      %masked_cumsum3A = tpu.scan <sum>, %convert_element_type3A_205 masked %broadcast_in_dim3A_209 : vector<16xi32>, vector<16xi1> -> vector<16xi32>
      %sub3A_210 = arith.subi %masked_cumsum3A, %convert_element_type3A_205 : vector<16xi32>
      %broadcast_in_dim3A_211 = arith.constant true
      %broadcast_in_dim3A_212 = vector.broadcast %broadcast_in_dim3A_211 : i1 to vector<16xi1>
      %masked_cumsum3A_213 = tpu.scan <sum>, %convert_element_type3A_206 masked %broadcast_in_dim3A_212 : vector<16xi32>, vector<16xi1> -> vector<16xi32>
      %sub3A_214 = arith.subi %masked_cumsum3A_213, %convert_element_type3A_206 : vector<16xi32>
      %add3A_215 = arith.addi %scan3A_185, %sub3A_210 : vector<16xi32>
      %jit3A_216 = arith.constant 4096 : i32
      %broadcast_in_dim3A_217 = vector.broadcast %jit3A_216 : i32 to vector<16xi32>
      %select_n3A_218 = arith.select %ne3A_201, %add3A_215, %broadcast_in_dim3A_217 : vector<16xi1>, vector<16xi32>
      %add3A_219 = arith.addi %scan3A_185, %all_reduce_population_count3A : vector<16xi32>
      %add3A_220 = arith.addi %add3A_219, %sub3A_214 : vector<16xi32>
      %jit3A_221 = arith.constant 4096 : i32
      %broadcast_in_dim3A_222 = vector.broadcast %jit3A_221 : i32 to vector<16xi32>
      %select_n3A_223 = arith.select %ne3A_204, %add3A_220, %broadcast_in_dim3A_222 : vector<16xi1>, vector<16xi32>
      tpu.vector_store_idx %arg11[%select_n3A_218], %get3A_190 : memref<4112xi32, #tpu.memory_space<vmem>>[vector<16xi32>], vector<16xi32>,
      %mul3A_224 = arith.constant 32 : i32
      %mul3A_225 = arith.muli %scan3A_184, %mul3A_224 : i32
      %add3A_226 = arith.constant 4096 : i32
      %add3A_227 = arith.addi %add3A_226, %mul3A_225 : i32
      %add3A_228 = vector.broadcast %add3A_227 : i32 to vector<16xi32>
      %add3A_229 = arith.addi %add3A_228, %iota3A : vector<16xi32>
      tpu.vector_store_idx %arg12[%select_n3A_218], %add3A_229 : memref<4112xi32, #tpu.memory_space<vmem>>[vector<16xi32>], vector<16xi32>,
      tpu.vector_store_idx %arg11[%select_n3A_223], %get3A_198 : memref<4112xi32, #tpu.memory_space<vmem>>[vector<16xi32>], vector<16xi32>,
      %mul3A_230 = arith.constant 32 : i32
      %mul3A_231 = arith.muli %scan3A_184, %mul3A_230 : i32
      %add3A_232 = arith.constant 4096 : i32
      %add3A_233 = arith.addi %add3A_232, %mul3A_231 : i32
      %add3A_234 = arith.constant 16 : i32
      %add3A_235 = arith.addi %add3A_233, %add3A_234 : i32
      %add3A_236 = vector.broadcast %add3A_235 : i32 to vector<16xi32>
      %add3A_237 = arith.addi %add3A_236, %iota3A : vector<16xi32>
      tpu.vector_store_idx %arg12[%select_n3A_223], %add3A_237 : memref<4112xi32, #tpu.memory_space<vmem>>[vector<16xi32>], vector<16xi32>,
      %add3A_238 = arith.addi %scan3A_185, %all_reduce_population_count3A : vector<16xi32>
      %add3A_239 = arith.addi %add3A_238, %all_reduce_population_count3A_207 : vector<16xi32>
      %min3A = arith.constant 4080 : i32
      %min3A_240 = vector.broadcast %min3A : i32 to vector<16xi32>
      %min3A_241 = arith.minsi %add3A_239, %min3A_240 : vector<16xi32>
      scf.yield %min3A_241 : vector<16xi32>
    }
    %scan3A_25 = arith.constant 128 : i32
    %scan3A_26 = arith.constant 0 : i32
    %scan3A_27 = arith.constant 128 : i32
    %scan3A_28 = arith.addi %scan3A_26, %scan3A_27 : i32
    %scan3A_29 = arith.constant 1 : i32
    %scan3A_30 = scf.for %scan3A_184 = %scan3A_26 to %scan3A_28 step %scan3A_29 iter_args(%scan3A_185 = %scan3A_24) -> (vector<16xi32>)  : i32 {
      %mul3A_186 = arith.constant 32 : i32
      %mul3A_187 = arith.muli %scan3A_184, %mul3A_186 : i32
      %get3A = arith.constant 2 : i32
      %get3A_188 = arith.index_cast %get3A : i32 to index
      %get3A_189 = arith.index_cast %mul3A_187 : i32 to index
      %get3A_190 = tpu.vector_load %arg8[%get3A_188, %get3A_189] {strides = array<i32>} : memref<4x4096xi32, #tpu.memory_space<vmem>>, vector<16xi32>,
      %mul3A_191 = arith.constant 32 : i32
      %mul3A_192 = arith.muli %scan3A_184, %mul3A_191 : i32
      %add3A_193 = arith.constant 16 : i32
      %add3A_194 = arith.addi %mul3A_192, %add3A_193 : i32
      %get3A_195 = arith.constant 2 : i32
      %get3A_196 = arith.index_cast %get3A_195 : i32 to index
      %get3A_197 = arith.index_cast %add3A_194 : i32 to index
      %get3A_198 = tpu.vector_load %arg8[%get3A_196, %get3A_197] {strides = array<i32>} : memref<4x4096xi32, #tpu.memory_space<vmem>>, vector<16xi32>,
      %ne3A_199 = arith.constant 0 : i32
      %ne3A_200 = vector.broadcast %ne3A_199 : i32 to vector<16xi32>
      %ne3A_201 = arith.cmpi ne, %get3A_190, %ne3A_200 : vector<16xi32>
      %ne3A_202 = arith.constant 0 : i32
      %ne3A_203 = vector.broadcast %ne3A_202 : i32 to vector<16xi32>
      %ne3A_204 = arith.cmpi ne, %get3A_198, %ne3A_203 : vector<16xi32>
      %convert_element_type3A_205 = arith.extui %ne3A_201 : vector<16xi1> to vector<16xi32>
      %convert_element_type3A_206 = arith.extui %ne3A_204 : vector<16xi1> to vector<16xi32>
      %all_reduce_population_count3A = tpu.all_reduce %ne3A_201 {dim = 0 : i64, kind = #tpu.reduction_kind<sum>} : vector<16xi1> -> vector<16xi32>
      %all_reduce_population_count3A_207 = tpu.all_reduce %ne3A_204 {dim = 0 : i64, kind = #tpu.reduction_kind<sum>} : vector<16xi1> -> vector<16xi32>
      %broadcast_in_dim3A_208 = arith.constant true
      %broadcast_in_dim3A_209 = vector.broadcast %broadcast_in_dim3A_208 : i1 to vector<16xi1>
      %masked_cumsum3A = tpu.scan <sum>, %convert_element_type3A_205 masked %broadcast_in_dim3A_209 : vector<16xi32>, vector<16xi1> -> vector<16xi32>
      %sub3A_210 = arith.subi %masked_cumsum3A, %convert_element_type3A_205 : vector<16xi32>
      %broadcast_in_dim3A_211 = arith.constant true
      %broadcast_in_dim3A_212 = vector.broadcast %broadcast_in_dim3A_211 : i1 to vector<16xi1>
      %masked_cumsum3A_213 = tpu.scan <sum>, %convert_element_type3A_206 masked %broadcast_in_dim3A_212 : vector<16xi32>, vector<16xi1> -> vector<16xi32>
      %sub3A_214 = arith.subi %masked_cumsum3A_213, %convert_element_type3A_206 : vector<16xi32>
      %add3A_215 = arith.addi %scan3A_185, %sub3A_210 : vector<16xi32>
      %jit3A_216 = arith.constant 4096 : i32
      %broadcast_in_dim3A_217 = vector.broadcast %jit3A_216 : i32 to vector<16xi32>
      %select_n3A_218 = arith.select %ne3A_201, %add3A_215, %broadcast_in_dim3A_217 : vector<16xi1>, vector<16xi32>
      %add3A_219 = arith.addi %scan3A_185, %all_reduce_population_count3A : vector<16xi32>
      %add3A_220 = arith.addi %add3A_219, %sub3A_214 : vector<16xi32>
      %jit3A_221 = arith.constant 4096 : i32
      %broadcast_in_dim3A_222 = vector.broadcast %jit3A_221 : i32 to vector<16xi32>
      %select_n3A_223 = arith.select %ne3A_204, %add3A_220, %broadcast_in_dim3A_222 : vector<16xi1>, vector<16xi32>
      tpu.vector_store_idx %arg11[%select_n3A_218], %get3A_190 : memref<4112xi32, #tpu.memory_space<vmem>>[vector<16xi32>], vector<16xi32>,
      %mul3A_224 = arith.constant 32 : i32
      %mul3A_225 = arith.muli %scan3A_184, %mul3A_224 : i32
      %add3A_226 = arith.constant 8192 : i32
      %add3A_227 = arith.addi %add3A_226, %mul3A_225 : i32
      %add3A_228 = vector.broadcast %add3A_227 : i32 to vector<16xi32>
      %add3A_229 = arith.addi %add3A_228, %iota3A : vector<16xi32>
      tpu.vector_store_idx %arg12[%select_n3A_218], %add3A_229 : memref<4112xi32, #tpu.memory_space<vmem>>[vector<16xi32>], vector<16xi32>,
      tpu.vector_store_idx %arg11[%select_n3A_223], %get3A_198 : memref<4112xi32, #tpu.memory_space<vmem>>[vector<16xi32>], vector<16xi32>,
      %mul3A_230 = arith.constant 32 : i32
      %mul3A_231 = arith.muli %scan3A_184, %mul3A_230 : i32
      %add3A_232 = arith.constant 8192 : i32
      %add3A_233 = arith.addi %add3A_232, %mul3A_231 : i32
      %add3A_234 = arith.constant 16 : i32
      %add3A_235 = arith.addi %add3A_233, %add3A_234 : i32
      %add3A_236 = vector.broadcast %add3A_235 : i32 to vector<16xi32>
      %add3A_237 = arith.addi %add3A_236, %iota3A : vector<16xi32>
      tpu.vector_store_idx %arg12[%select_n3A_223], %add3A_237 : memref<4112xi32, #tpu.memory_space<vmem>>[vector<16xi32>], vector<16xi32>,
      %add3A_238 = arith.addi %scan3A_185, %all_reduce_population_count3A : vector<16xi32>
      %add3A_239 = arith.addi %add3A_238, %all_reduce_population_count3A_207 : vector<16xi32>
      %min3A = arith.constant 4080 : i32
      %min3A_240 = vector.broadcast %min3A : i32 to vector<16xi32>
      %min3A_241 = arith.minsi %add3A_239, %min3A_240 : vector<16xi32>
      scf.yield %min3A_241 : vector<16xi32>
    }
    %scan3A_31 = arith.constant 128 : i32
    %scan3A_32 = arith.constant 0 : i32
    %scan3A_33 = arith.constant 128 : i32
    %scan3A_34 = arith.addi %scan3A_32, %scan3A_33 : i32
    %scan3A_35 = arith.constant 1 : i32
    %scan3A_36 = scf.for %scan3A_184 = %scan3A_32 to %scan3A_34 step %scan3A_35 iter_args(%scan3A_185 = %scan3A_30) -> (vector<16xi32>)  : i32 {
      %mul3A_186 = arith.constant 32 : i32
      %mul3A_187 = arith.muli %scan3A_184, %mul3A_186 : i32
      %get3A = arith.constant 3 : i32
      %get3A_188 = arith.index_cast %get3A : i32 to index
      %get3A_189 = arith.index_cast %mul3A_187 : i32 to index
      %get3A_190 = tpu.vector_load %arg8[%get3A_188, %get3A_189] {strides = array<i32>} : memref<4x4096xi32, #tpu.memory_space<vmem>>, vector<16xi32>,
      %mul3A_191 = arith.constant 32 : i32
      %mul3A_192 = arith.muli %scan3A_184, %mul3A_191 : i32
      %add3A_193 = arith.constant 16 : i32
      %add3A_194 = arith.addi %mul3A_192, %add3A_193 : i32
      %get3A_195 = arith.constant 3 : i32
      %get3A_196 = arith.index_cast %get3A_195 : i32 to index
      %get3A_197 = arith.index_cast %add3A_194 : i32 to index
      %get3A_198 = tpu.vector_load %arg8[%get3A_196, %get3A_197] {strides = array<i32>} : memref<4x4096xi32, #tpu.memory_space<vmem>>, vector<16xi32>,
      %ne3A_199 = arith.constant 0 : i32
      %ne3A_200 = vector.broadcast %ne3A_199 : i32 to vector<16xi32>
      %ne3A_201 = arith.cmpi ne, %get3A_190, %ne3A_200 : vector<16xi32>
      %ne3A_202 = arith.constant 0 : i32
      %ne3A_203 = vector.broadcast %ne3A_202 : i32 to vector<16xi32>
      %ne3A_204 = arith.cmpi ne, %get3A_198, %ne3A_203 : vector<16xi32>
      %convert_element_type3A_205 = arith.extui %ne3A_201 : vector<16xi1> to vector<16xi32>
      %convert_element_type3A_206 = arith.extui %ne3A_204 : vector<16xi1> to vector<16xi32>
      %all_reduce_population_count3A = tpu.all_reduce %ne3A_201 {dim = 0 : i64, kind = #tpu.reduction_kind<sum>} : vector<16xi1> -> vector<16xi32>
      %all_reduce_population_count3A_207 = tpu.all_reduce %ne3A_204 {dim = 0 : i64, kind = #tpu.reduction_kind<sum>} : vector<16xi1> -> vector<16xi32>
      %broadcast_in_dim3A_208 = arith.constant true
      %broadcast_in_dim3A_209 = vector.broadcast %broadcast_in_dim3A_208 : i1 to vector<16xi1>
      %masked_cumsum3A = tpu.scan <sum>, %convert_element_type3A_205 masked %broadcast_in_dim3A_209 : vector<16xi32>, vector<16xi1> -> vector<16xi32>
      %sub3A_210 = arith.subi %masked_cumsum3A, %convert_element_type3A_205 : vector<16xi32>
      %broadcast_in_dim3A_211 = arith.constant true
      %broadcast_in_dim3A_212 = vector.broadcast %broadcast_in_dim3A_211 : i1 to vector<16xi1>
      %masked_cumsum3A_213 = tpu.scan <sum>, %convert_element_type3A_206 masked %broadcast_in_dim3A_212 : vector<16xi32>, vector<16xi1> -> vector<16xi32>
      %sub3A_214 = arith.subi %masked_cumsum3A_213, %convert_element_type3A_206 : vector<16xi32>
      %add3A_215 = arith.addi %scan3A_185, %sub3A_210 : vector<16xi32>
      %jit3A_216 = arith.constant 4096 : i32
      %broadcast_in_dim3A_217 = vector.broadcast %jit3A_216 : i32 to vector<16xi32>
      %select_n3A_218 = arith.select %ne3A_201, %add3A_215, %broadcast_in_dim3A_217 : vector<16xi1>, vector<16xi32>
      %add3A_219 = arith.addi %scan3A_185, %all_reduce_population_count3A : vector<16xi32>
      %add3A_220 = arith.addi %add3A_219, %sub3A_214 : vector<16xi32>
      %jit3A_221 = arith.constant 4096 : i32
      %broadcast_in_dim3A_222 = vector.broadcast %jit3A_221 : i32 to vector<16xi32>
      %select_n3A_223 = arith.select %ne3A_204, %add3A_220, %broadcast_in_dim3A_222 : vector<16xi1>, vector<16xi32>
      tpu.vector_store_idx %arg11[%select_n3A_218], %get3A_190 : memref<4112xi32, #tpu.memory_space<vmem>>[vector<16xi32>], vector<16xi32>,
      %mul3A_224 = arith.constant 32 : i32
      %mul3A_225 = arith.muli %scan3A_184, %mul3A_224 : i32
      %add3A_226 = arith.constant 12288 : i32
      %add3A_227 = arith.addi %add3A_226, %mul3A_225 : i32
      %add3A_228 = vector.broadcast %add3A_227 : i32 to vector<16xi32>
      %add3A_229 = arith.addi %add3A_228, %iota3A : vector<16xi32>
      tpu.vector_store_idx %arg12[%select_n3A_218], %add3A_229 : memref<4112xi32, #tpu.memory_space<vmem>>[vector<16xi32>], vector<16xi32>,
      tpu.vector_store_idx %arg11[%select_n3A_223], %get3A_198 : memref<4112xi32, #tpu.memory_space<vmem>>[vector<16xi32>], vector<16xi32>,
      %mul3A_230 = arith.constant 32 : i32
      %mul3A_231 = arith.muli %scan3A_184, %mul3A_230 : i32
      %add3A_232 = arith.constant 12288 : i32
      %add3A_233 = arith.addi %add3A_232, %mul3A_231 : i32
      %add3A_234 = arith.constant 16 : i32
      %add3A_235 = arith.addi %add3A_233, %add3A_234 : i32
      %add3A_236 = vector.broadcast %add3A_235 : i32 to vector<16xi32>
      %add3A_237 = arith.addi %add3A_236, %iota3A : vector<16xi32>
      tpu.vector_store_idx %arg12[%select_n3A_223], %add3A_237 : memref<4112xi32, #tpu.memory_space<vmem>>[vector<16xi32>], vector<16xi32>,
      %add3A_238 = arith.addi %scan3A_185, %all_reduce_population_count3A : vector<16xi32>
      %add3A_239 = arith.addi %add3A_238, %all_reduce_population_count3A_207 : vector<16xi32>
      %min3A = arith.constant 4080 : i32
      %min3A_240 = vector.broadcast %min3A : i32 to vector<16xi32>
      %min3A_241 = arith.minsi %add3A_239, %min3A_240 : vector<16xi32>
      scf.yield %min3A_241 : vector<16xi32>
    }
    %scan3A_37 = arith.constant 128 : i32
    %reduce_max3A = arith.constant true
    %reduce_max3A_38 = vector.broadcast %reduce_max3A : i1 to vector<16xi1>
    %reduce_max3A_39 = arith.constant -2147483648 : i32
    %reduce_max3A_40 = vector.broadcast %reduce_max3A_39 : i32 to vector<16xi32>
    %reduce_max3A_41 = arith.xori %scan3A_36, %reduce_max3A_40 : vector<16xi32>
    %reduce_max3A_42 = tpu.scan <max>, %reduce_max3A_41 masked %reduce_max3A_38 : vector<16xi32>, vector<16xi1> -> vector<16xi32>
    %reduce_max3A_43 = arith.xori %reduce_max3A_42, %reduce_max3A_40 : vector<16xi32>
    %reduce_max3A_44 = vector.extract %reduce_max3A_43[15] : i32 from vector<16xi32>
    %mul3A_45 = arith.constant 32 : i32
    %mul3A_46 = arith.muli %mul3A_2, %mul3A_45 : i32
    %mul3A_47 = arith.constant 2048 : i32
    %mul3A_48 = arith.muli %arg0, %mul3A_47 : i32
    %sub3A = arith.subi %mul3A_46, %mul3A_48 : i32
    %add3A_49 = arith.constant 15 : i32
    %add3A_50 = arith.addi %reduce_max3A_44, %add3A_49 : i32
    %jit3A = arith.constant 16 : i32
    %div3A = arith.divsi %add3A_50, %jit3A : i32
    %sign3A = arith.constant 0 : i32
    %sign3A_51 = arith.cmpi sgt, %add3A_50, %sign3A : i32
    %sign3A_52 = arith.extui %sign3A_51 : i1 to i32
    %sign3A_53 = arith.constant 0 : i32
    %sign3A_54 = arith.cmpi slt, %add3A_50, %sign3A_53 : i32
    %sign3A_55 = arith.extui %sign3A_54 : i1 to i32
    %sign3A_56 = arith.subi %sign3A_52, %sign3A_55 : i32
    %sign3A_57 = arith.constant 0 : i32
    %sign3A_58 = arith.cmpi sgt, %jit3A, %sign3A_57 : i32
    %sign3A_59 = arith.extui %sign3A_58 : i1 to i32
    %sign3A_60 = arith.constant 0 : i32
    %sign3A_61 = arith.cmpi slt, %jit3A, %sign3A_60 : i32
    %sign3A_62 = arith.extui %sign3A_61 : i1 to i32
    %sign3A_63 = arith.subi %sign3A_59, %sign3A_62 : i32
    %ne3A = arith.cmpi ne, %sign3A_56, %sign3A_63 : i32
    %rem3A = arith.remsi %add3A_50, %jit3A : i32
    %ne3A_64 = arith.constant 0 : i32
    %ne3A_65 = arith.cmpi ne, %rem3A, %ne3A_64 : i32
    %and3A = arith.andi %ne3A, %ne3A_65 : i1
    %sub3A_66 = arith.constant 1 : i32
    %sub3A_67 = arith.subi %div3A, %sub3A_66 : i32
    %select_n3A = arith.select %and3A, %sub3A_67, %div3A : i32
    %broadcast_in_dim3A_68 = arith.constant 0 : i32
    %broadcast_in_dim3A_69 = vector.broadcast %broadcast_in_dim3A_68 : i32 to vector<16xi32>
    %while3A = arith.constant 0 : i32
    %while3A_70 = arith.subi %select_n3A, %while3A : i32
    %while3A_71 = arith.addi %while3A, %while3A_70 : i32
    %while3A_72 = arith.constant 1 : i32
    %while3A_73 = arith.divsi %while3A_70, %while3A_72 : i32
    %while3A_74 = arith.muli %while3A_73, %while3A_72 : i32
    %while3A_75 = arith.addi %while3A, %while3A_74 : i32
    %while3A_76 = arith.constant 1 : i32
    %while3A_77 = scf.for %while3A_184 = %while3A to %while3A_75 step %while3A_76 iter_args(%while3A_185 = %broadcast_in_dim3A_69) -> (vector<16xi32>)  : i32 {
      %mul3A_186 = arith.constant 16 : i32
      %mul3A_187 = arith.muli %while3A_184, %mul3A_186 : i32
      %sub3A_188 = arith.subi %reduce_max3A_44, %mul3A_187 : i32
      %lt3A = vector.broadcast %sub3A_188 : i32 to vector<16xi32>
      %lt3A_189 = arith.cmpi slt, %iota3A, %lt3A : vector<16xi32>
      %mul3A_190 = arith.constant 16 : i32
      %mul3A_191 = arith.muli %while3A_184, %mul3A_190 : i32
      %get3A = arith.index_cast %mul3A_191 : i32 to index
      %get3A_192 = tpu.vector_load %arg11[%get3A] {strides = array<i32>} : memref<4112xi32, #tpu.memory_space<vmem>>, vector<16xi32>,
      %jit3A_193 = arith.constant 0 : i32
      %broadcast_in_dim3A_194 = vector.broadcast %jit3A_193 : i32 to vector<16xi32>
      %select_n3A_195 = arith.select %lt3A_189, %get3A_192, %broadcast_in_dim3A_194 : vector<16xi1>, vector<16xi32>
      %mul3A_196 = arith.constant 16 : i32
      %mul3A_197 = arith.muli %while3A_184, %mul3A_196 : i32
      %get3A_198 = arith.index_cast %mul3A_197 : i32 to index
      %get3A_199 = tpu.vector_load %arg12[%get3A_198] {strides = array<i32>} : memref<4112xi32, #tpu.memory_space<vmem>>, vector<16xi32>,
      %and3A_200 = arith.constant 4095 : i32
      %and3A_201 = vector.broadcast %and3A_200 : i32 to vector<16xi32>
      %and3A_202 = arith.andi %get3A_199, %and3A_201 : vector<16xi32>
      %shift_right_logical3A = arith.constant 12 : i32
      %shift_right_logical3A_203 = vector.broadcast %shift_right_logical3A : i32 to vector<16xi32>
      %shift_right_logical3A_204 = arith.shrui %get3A_199, %shift_right_logical3A_203 : vector<16xi32>
      %mul3A_205 = arith.constant 32 : i32
      %mul3A_206 = vector.broadcast %mul3A_205 : i32 to vector<16xi32>
      %mul3A_207 = arith.muli %shift_right_logical3A_204, %mul3A_206 : vector<16xi32>
      %add3A_208 = vector.broadcast %sub3A : i32 to vector<16xi32>
      %add3A_209 = arith.addi %add3A_208, %mul3A_207 : vector<16xi32>
      %while3A_210:2 = scf.while (%while3A_211 = %select_n3A_195, %while3A_212 = %while3A_185) : (vector<16xi32>, vector<16xi32>) -> (vector<16xi32>, vector<16xi32>) {
        %ne3A_213 = arith.constant 0 : i32
        %ne3A_214 = vector.broadcast %ne3A_213 : i32 to vector<16xi32>
        %ne3A_215 = arith.cmpi ne, %while3A_211, %ne3A_214 : vector<16xi32>
        %reduce_or3A = arith.constant 1.000000e+00 : f32
        %reduce_or3A_216 = arith.constant 0.000000e+00 : f32
        %reduce_or3A_217 = vector.broadcast %reduce_or3A : f32 to vector<16xf32>
        %reduce_or3A_218 = vector.broadcast %reduce_or3A_216 : f32 to vector<16xf32>
        %reduce_or3A_219 = arith.select %ne3A_215, %reduce_or3A_217, %reduce_or3A_218 : vector<16xi1>, vector<16xf32>
        %reduce_or3A_220 = arith.constant true
        %reduce_or3A_221 = vector.broadcast %reduce_or3A_220 : i1 to vector<16xi1>
        %reduce_or3A_222 = tpu.scan <max>, %reduce_or3A_219 masked %reduce_or3A_221 : vector<16xf32>, vector<16xi1> -> vector<16xf32>
        %reduce_or3A_223 = vector.extract %reduce_or3A_222[15] : f32 from vector<16xf32>
        %reduce_or3A_224 = arith.constant 0.000000e+00 : f32
        %reduce_or3A_225 = arith.cmpf ogt, %reduce_or3A_223, %reduce_or3A_224 : f32
        scf.condition(%reduce_or3A_225) %while3A_211, %while3A_212 : vector<16xi32>, vector<16xi32>
      } do {
      ^bb0(%while3A_211: vector<16xi32>, %while3A_212: vector<16xi32>):
        %neg3A = arith.constant 0 : i32
        %neg3A_213 = vector.broadcast %neg3A : i32 to vector<16xi32>
        %neg3A_214 = arith.subi %neg3A_213, %while3A_211 : vector<16xi32>
        %and3A_215 = arith.andi %while3A_211, %neg3A_214 : vector<16xi32>
        %ne3A_216 = arith.constant 0 : i32
        %ne3A_217 = vector.broadcast %ne3A_216 : i32 to vector<16xi32>
        %ne3A_218 = arith.cmpi ne, %and3A_215, %ne3A_217 : vector<16xi32>
        %convert_element_type3A_219 = arith.sitofp %and3A_215 : vector<16xi32> to vector<16xf32>
        %bitcast_convert_type3A = tpu.bitcast %convert_element_type3A_219 : vector<16xf32> -> vector<16xi32>
        %shift_right_logical3A_220 = arith.constant 23 : i32
        %shift_right_logical3A_221 = vector.broadcast %shift_right_logical3A_220 : i32 to vector<16xi32>
        %shift_right_logical3A_222 = arith.shrui %bitcast_convert_type3A, %shift_right_logical3A_221 : vector<16xi32>
        %and3A_223 = arith.constant 255 : i32
        %and3A_224 = vector.broadcast %and3A_223 : i32 to vector<16xi32>
        %and3A_225 = arith.andi %shift_right_logical3A_222, %and3A_224 : vector<16xi32>
        %sub3A_226 = arith.constant 127 : i32
        %sub3A_227 = vector.broadcast %sub3A_226 : i32 to vector<16xi32>
        %sub3A_228 = arith.subi %and3A_225, %sub3A_227 : vector<16xi32>
        %convert_element_type3A_229 = arith.extui %ne3A_218 : vector<16xi1> to vector<16xi32>
        %broadcast_in_dim3A_230 = arith.constant true
        %broadcast_in_dim3A_231 = vector.broadcast %broadcast_in_dim3A_230 : i1 to vector<16xi1>
        %masked_cumsum3A = tpu.scan <sum>, %convert_element_type3A_229 masked %broadcast_in_dim3A_231 : vector<16xi32>, vector<16xi1> -> vector<16xi32>
        %sub3A_232 = arith.subi %masked_cumsum3A, %convert_element_type3A_229 : vector<16xi32>
        %add3A_233 = arith.addi %while3A_212, %sub3A_232 : vector<16xi32>
        %jit3A_234 = arith.constant 4096 : i32
        %broadcast_in_dim3A_235 = vector.broadcast %jit3A_234 : i32 to vector<16xi32>
        %select_n3A_236 = arith.select %ne3A_218, %add3A_233, %broadcast_in_dim3A_235 : vector<16xi1>, vector<16xi32>
        tpu.vector_store_idx %arg9[%select_n3A_236], %and3A_202 : memref<4112xi32, #tpu.memory_space<vmem>>[vector<16xi32>], vector<16xi32>,
        %add3A_237 = arith.addi %add3A_209, %sub3A_228 : vector<16xi32>
        tpu.vector_store_idx %arg10[%select_n3A_236], %add3A_237 : memref<4112xi32, #tpu.memory_space<vmem>>[vector<16xi32>], vector<16xi32>,
        %all_reduce_population_count3A = tpu.all_reduce %ne3A_218 {dim = 0 : i64, kind = #tpu.reduction_kind<sum>} : vector<16xi1> -> vector<16xi32>
        %add3A_238 = arith.addi %while3A_212, %all_reduce_population_count3A : vector<16xi32>
        %min3A = arith.constant 4080 : i32
        %min3A_239 = vector.broadcast %min3A : i32 to vector<16xi32>
        %min3A_240 = arith.minsi %add3A_238, %min3A_239 : vector<16xi32>
        %sub3A_241 = arith.constant 1 : i32
        %sub3A_242 = vector.broadcast %sub3A_241 : i32 to vector<16xi32>
        %sub3A_243 = arith.subi %while3A_211, %sub3A_242 : vector<16xi32>
        %and3A_244 = arith.andi %while3A_211, %sub3A_243 : vector<16xi32>
        scf.yield %and3A_244, %min3A_240 : vector<16xi32>, vector<16xi32>
      }
      scf.yield %while3A_210#1 : vector<16xi32>
    }
    %while3A_78 = arith.constant 1 : i32
    %while3A_79 = scf.for %while3A_184 = %while3A_75 to %while3A_71 step %while3A_78 iter_args(%while3A_185 = %while3A_77) -> (vector<16xi32>)  : i32 {
      %mul3A_186 = arith.constant 16 : i32
      %mul3A_187 = arith.muli %while3A_184, %mul3A_186 : i32
      %sub3A_188 = arith.subi %reduce_max3A_44, %mul3A_187 : i32
      %lt3A = vector.broadcast %sub3A_188 : i32 to vector<16xi32>
      %lt3A_189 = arith.cmpi slt, %iota3A, %lt3A : vector<16xi32>
      %mul3A_190 = arith.constant 16 : i32
      %mul3A_191 = arith.muli %while3A_184, %mul3A_190 : i32
      %get3A = arith.index_cast %mul3A_191 : i32 to index
      %get3A_192 = tpu.vector_load %arg11[%get3A] {strides = array<i32>} : memref<4112xi32, #tpu.memory_space<vmem>>, vector<16xi32>,
      %jit3A_193 = arith.constant 0 : i32
      %broadcast_in_dim3A_194 = vector.broadcast %jit3A_193 : i32 to vector<16xi32>
      %select_n3A_195 = arith.select %lt3A_189, %get3A_192, %broadcast_in_dim3A_194 : vector<16xi1>, vector<16xi32>
      %mul3A_196 = arith.constant 16 : i32
      %mul3A_197 = arith.muli %while3A_184, %mul3A_196 : i32
      %get3A_198 = arith.index_cast %mul3A_197 : i32 to index
      %get3A_199 = tpu.vector_load %arg12[%get3A_198] {strides = array<i32>} : memref<4112xi32, #tpu.memory_space<vmem>>, vector<16xi32>,
      %and3A_200 = arith.constant 4095 : i32
      %and3A_201 = vector.broadcast %and3A_200 : i32 to vector<16xi32>
      %and3A_202 = arith.andi %get3A_199, %and3A_201 : vector<16xi32>
      %shift_right_logical3A = arith.constant 12 : i32
      %shift_right_logical3A_203 = vector.broadcast %shift_right_logical3A : i32 to vector<16xi32>
      %shift_right_logical3A_204 = arith.shrui %get3A_199, %shift_right_logical3A_203 : vector<16xi32>
      %mul3A_205 = arith.constant 32 : i32
      %mul3A_206 = vector.broadcast %mul3A_205 : i32 to vector<16xi32>
      %mul3A_207 = arith.muli %shift_right_logical3A_204, %mul3A_206 : vector<16xi32>
      %add3A_208 = vector.broadcast %sub3A : i32 to vector<16xi32>
      %add3A_209 = arith.addi %add3A_208, %mul3A_207 : vector<16xi32>
      %while3A_210:2 = scf.while (%while3A_211 = %select_n3A_195, %while3A_212 = %while3A_185) : (vector<16xi32>, vector<16xi32>) -> (vector<16xi32>, vector<16xi32>) {
        %ne3A_213 = arith.constant 0 : i32
        %ne3A_214 = vector.broadcast %ne3A_213 : i32 to vector<16xi32>
        %ne3A_215 = arith.cmpi ne, %while3A_211, %ne3A_214 : vector<16xi32>
        %reduce_or3A = arith.constant 1.000000e+00 : f32
        %reduce_or3A_216 = arith.constant 0.000000e+00 : f32
        %reduce_or3A_217 = vector.broadcast %reduce_or3A : f32 to vector<16xf32>
        %reduce_or3A_218 = vector.broadcast %reduce_or3A_216 : f32 to vector<16xf32>
        %reduce_or3A_219 = arith.select %ne3A_215, %reduce_or3A_217, %reduce_or3A_218 : vector<16xi1>, vector<16xf32>
        %reduce_or3A_220 = arith.constant true
        %reduce_or3A_221 = vector.broadcast %reduce_or3A_220 : i1 to vector<16xi1>
        %reduce_or3A_222 = tpu.scan <max>, %reduce_or3A_219 masked %reduce_or3A_221 : vector<16xf32>, vector<16xi1> -> vector<16xf32>
        %reduce_or3A_223 = vector.extract %reduce_or3A_222[15] : f32 from vector<16xf32>
        %reduce_or3A_224 = arith.constant 0.000000e+00 : f32
        %reduce_or3A_225 = arith.cmpf ogt, %reduce_or3A_223, %reduce_or3A_224 : f32
        scf.condition(%reduce_or3A_225) %while3A_211, %while3A_212 : vector<16xi32>, vector<16xi32>
      } do {
      ^bb0(%while3A_211: vector<16xi32>, %while3A_212: vector<16xi32>):
        %neg3A = arith.constant 0 : i32
        %neg3A_213 = vector.broadcast %neg3A : i32 to vector<16xi32>
        %neg3A_214 = arith.subi %neg3A_213, %while3A_211 : vector<16xi32>
        %and3A_215 = arith.andi %while3A_211, %neg3A_214 : vector<16xi32>
        %ne3A_216 = arith.constant 0 : i32
        %ne3A_217 = vector.broadcast %ne3A_216 : i32 to vector<16xi32>
        %ne3A_218 = arith.cmpi ne, %and3A_215, %ne3A_217 : vector<16xi32>
        %convert_element_type3A_219 = arith.sitofp %and3A_215 : vector<16xi32> to vector<16xf32>
        %bitcast_convert_type3A = tpu.bitcast %convert_element_type3A_219 : vector<16xf32> -> vector<16xi32>
        %shift_right_logical3A_220 = arith.constant 23 : i32
        %shift_right_logical3A_221 = vector.broadcast %shift_right_logical3A_220 : i32 to vector<16xi32>
        %shift_right_logical3A_222 = arith.shrui %bitcast_convert_type3A, %shift_right_logical3A_221 : vector<16xi32>
        %and3A_223 = arith.constant 255 : i32
        %and3A_224 = vector.broadcast %and3A_223 : i32 to vector<16xi32>
        %and3A_225 = arith.andi %shift_right_logical3A_222, %and3A_224 : vector<16xi32>
        %sub3A_226 = arith.constant 127 : i32
        %sub3A_227 = vector.broadcast %sub3A_226 : i32 to vector<16xi32>
        %sub3A_228 = arith.subi %and3A_225, %sub3A_227 : vector<16xi32>
        %convert_element_type3A_229 = arith.extui %ne3A_218 : vector<16xi1> to vector<16xi32>
        %broadcast_in_dim3A_230 = arith.constant true
        %broadcast_in_dim3A_231 = vector.broadcast %broadcast_in_dim3A_230 : i1 to vector<16xi1>
        %masked_cumsum3A = tpu.scan <sum>, %convert_element_type3A_229 masked %broadcast_in_dim3A_231 : vector<16xi32>, vector<16xi1> -> vector<16xi32>
        %sub3A_232 = arith.subi %masked_cumsum3A, %convert_element_type3A_229 : vector<16xi32>
        %add3A_233 = arith.addi %while3A_212, %sub3A_232 : vector<16xi32>
        %jit3A_234 = arith.constant 4096 : i32
        %broadcast_in_dim3A_235 = vector.broadcast %jit3A_234 : i32 to vector<16xi32>
        %select_n3A_236 = arith.select %ne3A_218, %add3A_233, %broadcast_in_dim3A_235 : vector<16xi1>, vector<16xi32>
        tpu.vector_store_idx %arg9[%select_n3A_236], %and3A_202 : memref<4112xi32, #tpu.memory_space<vmem>>[vector<16xi32>], vector<16xi32>,
        %add3A_237 = arith.addi %add3A_209, %sub3A_228 : vector<16xi32>
        tpu.vector_store_idx %arg10[%select_n3A_236], %add3A_237 : memref<4112xi32, #tpu.memory_space<vmem>>[vector<16xi32>], vector<16xi32>,
        %all_reduce_population_count3A = tpu.all_reduce %ne3A_218 {dim = 0 : i64, kind = #tpu.reduction_kind<sum>} : vector<16xi1> -> vector<16xi32>
        %add3A_238 = arith.addi %while3A_212, %all_reduce_population_count3A : vector<16xi32>
        %min3A = arith.constant 4080 : i32
        %min3A_239 = vector.broadcast %min3A : i32 to vector<16xi32>
        %min3A_240 = arith.minsi %add3A_238, %min3A_239 : vector<16xi32>
        %sub3A_241 = arith.constant 1 : i32
        %sub3A_242 = vector.broadcast %sub3A_241 : i32 to vector<16xi32>
        %sub3A_243 = arith.subi %while3A_211, %sub3A_242 : vector<16xi32>
        %and3A_244 = arith.andi %while3A_211, %sub3A_243 : vector<16xi32>
        scf.yield %and3A_244, %min3A_240 : vector<16xi32>, vector<16xi32>
      }
      scf.yield %while3A_210#1 : vector<16xi32>
    }
    %reduce_max3A_80 = arith.constant true
    %reduce_max3A_81 = vector.broadcast %reduce_max3A_80 : i1 to vector<16xi1>
    %reduce_max3A_82 = arith.constant -2147483648 : i32
    %reduce_max3A_83 = vector.broadcast %reduce_max3A_82 : i32 to vector<16xi32>
    %reduce_max3A_84 = arith.xori %while3A_79, %reduce_max3A_83 : vector<16xi32>
    %reduce_max3A_85 = tpu.scan <max>, %reduce_max3A_84 masked %reduce_max3A_81 : vector<16xi32>, vector<16xi1> -> vector<16xi32>
    %reduce_max3A_86 = arith.xori %reduce_max3A_85, %reduce_max3A_83 : vector<16xi32>
    %reduce_max3A_87 = vector.extract %reduce_max3A_86[15] : i32 from vector<16xi32>
    %add3A_88 = arith.constant 128 : i32
    %add3A_89 = arith.addi %reduce_max3A_87, %add3A_88 : i32
    %sub3A_90 = arith.constant 1 : i32
    %sub3A_91 = arith.subi %add3A_89, %sub3A_90 : i32
    %jit3A_92 = arith.constant 128 : i32
    %div3A_93 = arith.divsi %sub3A_91, %jit3A_92 : i32
    %sign3A_94 = arith.constant 0 : i32
    %sign3A_95 = arith.cmpi sgt, %sub3A_91, %sign3A_94 : i32
    %sign3A_96 = arith.extui %sign3A_95 : i1 to i32
    %sign3A_97 = arith.constant 0 : i32
    %sign3A_98 = arith.cmpi slt, %sub3A_91, %sign3A_97 : i32
    %sign3A_99 = arith.extui %sign3A_98 : i1 to i32
    %sign3A_100 = arith.subi %sign3A_96, %sign3A_99 : i32
    %sign3A_101 = arith.constant 0 : i32
    %sign3A_102 = arith.cmpi sgt, %jit3A_92, %sign3A_101 : i32
    %sign3A_103 = arith.extui %sign3A_102 : i1 to i32
    %sign3A_104 = arith.constant 0 : i32
    %sign3A_105 = arith.cmpi slt, %jit3A_92, %sign3A_104 : i32
    %sign3A_106 = arith.extui %sign3A_105 : i1 to i32
    %sign3A_107 = arith.subi %sign3A_103, %sign3A_106 : i32
    %ne3A_108 = arith.cmpi ne, %sign3A_100, %sign3A_107 : i32
    %rem3A_109 = arith.remsi %sub3A_91, %jit3A_92 : i32
    %ne3A_110 = arith.constant 0 : i32
    %ne3A_111 = arith.cmpi ne, %rem3A_109, %ne3A_110 : i32
    %and3A_112 = arith.andi %ne3A_108, %ne3A_111 : i1
    %sub3A_113 = arith.constant 1 : i32
    %sub3A_114 = arith.subi %div3A_93, %sub3A_113 : i32
    %select_n3A_115 = arith.select %and3A_112, %sub3A_114, %div3A_93 : i32
    %mul3A_116 = arith.constant 128 : i32
    %mul3A_117 = arith.muli %select_n3A_115, %mul3A_116 : i32
    %while3A_118 = scf.while (%while3A_184 = %reduce_max3A_87) : (i32) -> i32 {
      %lt3A = arith.cmpi slt, %while3A_184, %mul3A_117 : i32
      scf.condition(%lt3A) %while3A_184 : i32
    } do {
    ^bb0(%while3A_184: i32):
      %broadcast_in_dim3A_185 = arith.constant 0 : i32
      %broadcast_in_dim3A_186 = vector.broadcast %broadcast_in_dim3A_185 : i32 to vector<16xi32>
      %swap3A_187 = arith.index_cast %while3A_184 : i32 to index
      %swap3A_188 = tpu.vector_load %arg9[%swap3A_187] {strides = array<i32>} : memref<4112xi32, #tpu.memory_space<vmem>>, vector<16xi32>,
      tpu.vector_store %arg9[%swap3A_187], %broadcast_in_dim3A_186 {strides = array<i32>} : memref<4112xi32, #tpu.memory_space<vmem>>, vector<16xi32>,
      %broadcast_in_dim3A_189 = arith.constant 2048 : i32
      %broadcast_in_dim3A_190 = vector.broadcast %broadcast_in_dim3A_189 : i32 to vector<16xi32>
      %swap3A_191 = arith.index_cast %while3A_184 : i32 to index
      %swap3A_192 = tpu.vector_load %arg10[%swap3A_191] {strides = array<i32>} : memref<4112xi32, #tpu.memory_space<vmem>>, vector<16xi32>,
      tpu.vector_store %arg10[%swap3A_191], %broadcast_in_dim3A_190 {strides = array<i32>} : memref<4112xi32, #tpu.memory_space<vmem>>, vector<16xi32>,
      %add3A_193 = arith.constant 16 : i32
      %add3A_194 = arith.addi %while3A_184, %add3A_193 : i32
      scf.yield %add3A_194 : i32
    }
    %broadcast_in_dim3A_119 = vector.broadcast %reduce_max3A_87 : i32 to vector<16xi32>
    %swap3A = arith.constant 0 : index
    %swap3A_120 = tpu.vector_load %arg13[%swap3A] {strides = array<i32>} : memref<16xi32, #tpu.memory_space<vmem>>, vector<16xi32>,
    tpu.vector_store %arg13[%swap3A], %broadcast_in_dim3A_119 {strides = array<i32>} : memref<16xi32, #tpu.memory_space<vmem>>, vector<16xi32>,
    %mul3A_121 = arith.constant 16 : i32
    %mul3A_122 = arith.muli %add3A, %mul3A_121 : i32
    "tpu.region"() ({
      %run_scoped3A = tpu.sem_alloc : memref<!tpu.dma_semaphore, #tpu.memory_space<semaphore_mem>>
      %dma_start3A_184 = tpu.memref_slice %arg6[%mul3A_122] : memref<512xi32, #tpu.memory_space<hbm>> -> memref<16xi32, #tpu.memory_space<hbm>>
      %dma_start3A_185 = tpu.memref_slice %arg6[%mul3A_122] : memref<512xi32, #tpu.memory_space<hbm>> -> memref<16xi32, #tpu.memory_space<hbm>>
      tpu.enqueue_dma source(%arg13 : memref<16xi32, #tpu.memory_space<vmem>>) target(%dma_start3A_185 : memref<16xi32, #tpu.memory_space<hbm>>) target_semaphore(%run_scoped3A : memref<!tpu.dma_semaphore, #tpu.memory_space<semaphore_mem>>)
      %dma_wait3A_186 = tpu.memref_slice %arg6[%mul3A_122] : memref<512xi32, #tpu.memory_space<hbm>> -> memref<16xi32, #tpu.memory_space<hbm>>
      %dma_wait3A_187 = tpu.memref_slice %arg6[%mul3A_122] : memref<512xi32, #tpu.memory_space<hbm>> -> memref<16xi32, #tpu.memory_space<hbm>>
      tpu.wait_dma2 semaphore(%run_scoped3A : memref<!tpu.dma_semaphore, #tpu.memory_space<semaphore_mem>>) src(%arg13 : memref<16xi32, #tpu.memory_space<vmem>>) dst(%dma_wait3A_187 : memref<16xi32, #tpu.memory_space<hbm>>)
      tpu.yield
    }) : () -> ()
    "tpu.region"() ({
      %run_scoped3A = tpu.sem_alloc : memref<!tpu.dma_semaphore, #tpu.memory_space<semaphore_mem>>
      %dma_start3A_184 = arith.constant 0 : i32
      %dma_start3A_185 = tpu.memref_slice %arg9[%dma_start3A_184] : memref<4112xi32, #tpu.memory_space<vmem>> -> memref<4096xi32, #tpu.memory_space<vmem>>
      %dma_start3A_186 = arith.constant 0 : i32
      %dma_start3A_187 = tpu.memref_slice %arg4[%add3A, %dma_start3A_186] : memref<32x4096xi32, #tpu.memory_space<hbm>> -> memref<1x4096xi32, #tpu.memory_space<hbm>>
      %dma_start3A_188 = tpu.memref_squeeze %dma_start3A_187 : memref<1x4096xi32, #tpu.memory_space<hbm>> -> memref<4096xi32, #tpu.memory_space<hbm>>
      %dma_start3A_189 = arith.constant 0 : i32
      %dma_start3A_190 = tpu.memref_slice %arg4[%add3A, %dma_start3A_189] : memref<32x4096xi32, #tpu.memory_space<hbm>> -> memref<1x4096xi32, #tpu.memory_space<hbm>>
      %dma_start3A_191 = tpu.memref_squeeze %dma_start3A_190 : memref<1x4096xi32, #tpu.memory_space<hbm>> -> memref<4096xi32, #tpu.memory_space<hbm>>
      %dma_start3A_192 = arith.constant 0 : i32
      %dma_start3A_193 = tpu.memref_slice %arg9[%dma_start3A_192] : memref<4112xi32, #tpu.memory_space<vmem>> -> memref<4096xi32, #tpu.memory_space<vmem>>
      tpu.enqueue_dma source(%dma_start3A_193 : memref<4096xi32, #tpu.memory_space<vmem>>) target(%dma_start3A_191 : memref<4096xi32, #tpu.memory_space<hbm>>) target_semaphore(%run_scoped3A : memref<!tpu.dma_semaphore, #tpu.memory_space<semaphore_mem>>)
      %dma_wait3A_194 = arith.constant 0 : i32
      %dma_wait3A_195 = tpu.memref_slice %arg9[%dma_wait3A_194] : memref<4112xi32, #tpu.memory_space<vmem>> -> memref<4096xi32, #tpu.memory_space<vmem>>
      %dma_wait3A_196 = arith.constant 0 : i32
      %dma_wait3A_197 = tpu.memref_slice %arg4[%add3A, %dma_wait3A_196] : memref<32x4096xi32, #tpu.memory_space<hbm>> -> memref<1x4096xi32, #tpu.memory_space<hbm>>
      %dma_wait3A_198 = tpu.memref_squeeze %dma_wait3A_197 : memref<1x4096xi32, #tpu.memory_space<hbm>> -> memref<4096xi32, #tpu.memory_space<hbm>>
      %dma_wait3A_199 = arith.constant 0 : i32
      %dma_wait3A_200 = tpu.memref_slice %arg4[%add3A, %dma_wait3A_199] : memref<32x4096xi32, #tpu.memory_space<hbm>> -> memref<1x4096xi32, #tpu.memory_space<hbm>>
      %dma_wait3A_201 = tpu.memref_squeeze %dma_wait3A_200 : memref<1x4096xi32, #tpu.memory_space<hbm>> -> memref<4096xi32, #tpu.memory_space<hbm>>
      %dma_wait3A_202 = arith.constant 0 : i32
      %dma_wait3A_203 = tpu.memref_slice %arg9[%dma_wait3A_202] : memref<4112xi32, #tpu.memory_space<vmem>> -> memref<4096xi32, #tpu.memory_space<vmem>>
      tpu.wait_dma2 semaphore(%run_scoped3A : memref<!tpu.dma_semaphore, #tpu.memory_space<semaphore_mem>>) src(%dma_wait3A_203 : memref<4096xi32, #tpu.memory_space<vmem>>) dst(%dma_wait3A_201 : memref<4096xi32, #tpu.memory_space<hbm>>)
      tpu.yield
    }) : () -> ()
    "tpu.region"() ({
      %run_scoped3A = tpu.sem_alloc : memref<!tpu.dma_semaphore, #tpu.memory_space<semaphore_mem>>
      %dma_start3A_184 = arith.constant 0 : i32
      %dma_start3A_185 = tpu.memref_slice %arg10[%dma_start3A_184] : memref<4112xi32, #tpu.memory_space<vmem>> -> memref<4096xi32, #tpu.memory_space<vmem>>
      %dma_start3A_186 = arith.constant 0 : i32
      %dma_start3A_187 = tpu.memref_slice %arg5[%add3A, %dma_start3A_186] : memref<32x4096xi32, #tpu.memory_space<hbm>> -> memref<1x4096xi32, #tpu.memory_space<hbm>>
      %dma_start3A_188 = tpu.memref_squeeze %dma_start3A_187 : memref<1x4096xi32, #tpu.memory_space<hbm>> -> memref<4096xi32, #tpu.memory_space<hbm>>
      %dma_start3A_189 = arith.constant 0 : i32
      %dma_start3A_190 = tpu.memref_slice %arg5[%add3A, %dma_start3A_189] : memref<32x4096xi32, #tpu.memory_space<hbm>> -> memref<1x4096xi32, #tpu.memory_space<hbm>>
      %dma_start3A_191 = tpu.memref_squeeze %dma_start3A_190 : memref<1x4096xi32, #tpu.memory_space<hbm>> -> memref<4096xi32, #tpu.memory_space<hbm>>
      %dma_start3A_192 = arith.constant 0 : i32
      %dma_start3A_193 = tpu.memref_slice %arg10[%dma_start3A_192] : memref<4112xi32, #tpu.memory_space<vmem>> -> memref<4096xi32, #tpu.memory_space<vmem>>
      tpu.enqueue_dma source(%dma_start3A_193 : memref<4096xi32, #tpu.memory_space<vmem>>) target(%dma_start3A_191 : memref<4096xi32, #tpu.memory_space<hbm>>) target_semaphore(%run_scoped3A : memref<!tpu.dma_semaphore, #tpu.memory_space<semaphore_mem>>)
      %dma_wait3A_194 = arith.constant 0 : i32
      %dma_wait3A_195 = tpu.memref_slice %arg10[%dma_wait3A_194] : memref<4112xi32, #tpu.memory_space<vmem>> -> memref<4096xi32, #tpu.memory_space<vmem>>
      %dma_wait3A_196 = arith.constant 0 : i32
      %dma_wait3A_197 = tpu.memref_slice %arg5[%add3A, %dma_wait3A_196] : memref<32x4096xi32, #tpu.memory_space<hbm>> -> memref<1x4096xi32, #tpu.memory_space<hbm>>
      %dma_wait3A_198 = tpu.memref_squeeze %dma_wait3A_197 : memref<1x4096xi32, #tpu.memory_space<hbm>> -> memref<4096xi32, #tpu.memory_space<hbm>>
      %dma_wait3A_199 = arith.constant 0 : i32
      %dma_wait3A_200 = tpu.memref_slice %arg5[%add3A, %dma_wait3A_199] : memref<32x4096xi32, #tpu.memory_space<hbm>> -> memref<1x4096xi32, #tpu.memory_space<hbm>>
      %dma_wait3A_201 = tpu.memref_squeeze %dma_wait3A_200 : memref<1x4096xi32, #tpu.memory_space<hbm>> -> memref<4096xi32, #tpu.memory_space<hbm>>
      %dma_wait3A_202 = arith.constant 0 : i32
      %dma_wait3A_203 = tpu.memref_slice %arg10[%dma_wait3A_202] : memref<4112xi32, #tpu.memory_space<vmem>> -> memref<4096xi32, #tpu.memory_space<vmem>>
      tpu.wait_dma2 semaphore(%run_scoped3A : memref<!tpu.dma_semaphore, #tpu.memory_space<semaphore_mem>>) src(%dma_wait3A_203 : memref<4096xi32, #tpu.memory_space<vmem>>) dst(%dma_wait3A_201 : memref<4096xi32, #tpu.memory_space<hbm>>)
      tpu.yield
    }) : () -> ()
    %dma_wait3A = arith.constant 0 : i32
    %dma_wait3A_123 = arith.constant 0 : i32
    %dma_wait3A_124 = tpu.memref_slice %arg21[%dma_wait3A, %dma_wait3A_123] : memref<4096x128xf32, #tpu.memory_space<vmem_shared>> -> memref<256x128xf32, #tpu.memory_space<vmem_shared>>
    %dma_wait3A_125 = arith.constant 0 : i32
    %dma_wait3A_126 = arith.constant 0 : i32
    %dma_wait3A_127 = tpu.memref_slice %arg3[%dma_wait3A_125, %dma_wait3A_126] : memref<4096x128xf32, #tpu.memory_space<hbm>> -> memref<256x128xf32, #tpu.memory_space<hbm>>
    tpu.wait_dma2 semaphore(%arg24 : memref<!tpu.dma_semaphore, #tpu.memory_space<semaphore_mem>>) src(%dma_wait3A_127 : memref<256x128xf32, #tpu.memory_space<hbm>>) dst(%dma_wait3A_124 : memref<256x128xf32, #tpu.memory_space<vmem_shared>>)
    %barrier3A = arith.constant 0 : index
    tpu.barrier barrier_id(%barrier3A)
    %add3A_128 = arith.constant 128 : i32
    %add3A_129 = arith.addi %reduce_max3A_87, %add3A_128 : i32
    %sub3A_130 = arith.constant 1 : i32
    %sub3A_131 = arith.subi %add3A_129, %sub3A_130 : i32
    %jit3A_132 = arith.constant 128 : i32
    %div3A_133 = arith.divsi %sub3A_131, %jit3A_132 : i32
    %sign3A_134 = arith.constant 0 : i32
    %sign3A_135 = arith.cmpi sgt, %sub3A_131, %sign3A_134 : i32
    %sign3A_136 = arith.extui %sign3A_135 : i1 to i32
    %sign3A_137 = arith.constant 0 : i32
    %sign3A_138 = arith.cmpi slt, %sub3A_131, %sign3A_137 : i32
    %sign3A_139 = arith.extui %sign3A_138 : i1 to i32
    %sign3A_140 = arith.subi %sign3A_136, %sign3A_139 : i32
    %sign3A_141 = arith.constant 0 : i32
    %sign3A_142 = arith.cmpi sgt, %jit3A_132, %sign3A_141 : i32
    %sign3A_143 = arith.extui %sign3A_142 : i1 to i32
    %sign3A_144 = arith.constant 0 : i32
    %sign3A_145 = arith.cmpi slt, %jit3A_132, %sign3A_144 : i32
    %sign3A_146 = arith.extui %sign3A_145 : i1 to i32
    %sign3A_147 = arith.subi %sign3A_143, %sign3A_146 : i32
    %ne3A_148 = arith.cmpi ne, %sign3A_140, %sign3A_147 : i32
    %rem3A_149 = arith.remsi %sub3A_131, %jit3A_132 : i32
    %ne3A_150 = arith.constant 0 : i32
    %ne3A_151 = arith.cmpi ne, %rem3A_149, %ne3A_150 : i32
    %and3A_152 = arith.andi %ne3A_148, %ne3A_151 : i1
    %sub3A_153 = arith.constant 1 : i32
    %sub3A_154 = arith.subi %div3A_133, %sub3A_153 : i32
    %select_n3A_155 = arith.select %and3A_152, %sub3A_154, %div3A_133 : i32
    %gt3A = arith.constant 0 : i32
    %gt3A_156 = arith.cmpi sgt, %select_n3A_155, %gt3A : i32
    %convert_element_type3A = arith.extui %gt3A_156 : i1 to i32
    %cond3A = arith.constant 0 : i32
    %cond3A_157 = arith.cmpi ne, %convert_element_type3A, %cond3A : i32
    scf.if %cond3A_157 {
      %get3A = arith.constant 0 : index
      %get3A_184 = tpu.vector_load %arg9[%get3A] {strides = array<i32>} : memref<4112xi32, #tpu.memory_space<vmem>>, vector<16xi32>,
      %swap3A_185 = arith.constant 0 : index
      %swap3A_186 = tpu.vector_load %arg14[%swap3A_185] {strides = array<i32>} : memref<128xi32, #tpu.memory_space<vmem>>, vector<16xi32>,
      tpu.vector_store %arg14[%swap3A_185], %get3A_184 {strides = array<i32>} : memref<128xi32, #tpu.memory_space<vmem>>, vector<16xi32>,
      %get3A_187 = arith.constant 0 : index
      %get3A_188 = tpu.vector_load %arg10[%get3A_187] {strides = array<i32>} : memref<4112xi32, #tpu.memory_space<vmem>>, vector<16xi32>,
      %swap3A_189 = arith.constant 0 : index
      %swap3A_190 = tpu.vector_load %arg15[%swap3A_189] {strides = array<i32>} : memref<128xi32, #tpu.memory_space<vmem>>, vector<16xi32>,
      tpu.vector_store %arg15[%swap3A_189], %get3A_188 {strides = array<i32>} : memref<128xi32, #tpu.memory_space<vmem>>, vector<16xi32>,
      %get3A_191 = arith.constant 16 : index
      %get3A_192 = tpu.vector_load %arg9[%get3A_191] {strides = array<i32>} : memref<4112xi32, #tpu.memory_space<vmem>>, vector<16xi32>,
      %swap3A_193 = arith.constant 16 : index
      %swap3A_194 = tpu.vector_load %arg14[%swap3A_193] {strides = array<i32>} : memref<128xi32, #tpu.memory_space<vmem>>, vector<16xi32>,
      tpu.vector_store %arg14[%swap3A_193], %get3A_192 {strides = array<i32>} : memref<128xi32, #tpu.memory_space<vmem>>, vector<16xi32>,
      %get3A_195 = arith.constant 16 : index
      %get3A_196 = tpu.vector_load %arg10[%get3A_195] {strides = array<i32>} : memref<4112xi32, #tpu.memory_space<vmem>>, vector<16xi32>,
      %swap3A_197 = arith.constant 16 : index
      %swap3A_198 = tpu.vector_load %arg15[%swap3A_197] {strides = array<i32>} : memref<128xi32, #tpu.memory_space<vmem>>, vector<16xi32>,
      tpu.vector_store %arg15[%swap3A_197], %get3A_196 {strides = array<i32>} : memref<128xi32, #tpu.memory_space<vmem>>, vector<16xi32>,
      %get3A_199 = arith.constant 32 : index
      %get3A_200 = tpu.vector_load %arg9[%get3A_199] {strides = array<i32>} : memref<4112xi32, #tpu.memory_space<vmem>>, vector<16xi32>,
      %swap3A_201 = arith.constant 32 : index
      %swap3A_202 = tpu.vector_load %arg14[%swap3A_201] {strides = array<i32>} : memref<128xi32, #tpu.memory_space<vmem>>, vector<16xi32>,
      tpu.vector_store %arg14[%swap3A_201], %get3A_200 {strides = array<i32>} : memref<128xi32, #tpu.memory_space<vmem>>, vector<16xi32>,
      %get3A_203 = arith.constant 32 : index
      %get3A_204 = tpu.vector_load %arg10[%get3A_203] {strides = array<i32>} : memref<4112xi32, #tpu.memory_space<vmem>>, vector<16xi32>,
      %swap3A_205 = arith.constant 32 : index
      %swap3A_206 = tpu.vector_load %arg15[%swap3A_205] {strides = array<i32>} : memref<128xi32, #tpu.memory_space<vmem>>, vector<16xi32>,
      tpu.vector_store %arg15[%swap3A_205], %get3A_204 {strides = array<i32>} : memref<128xi32, #tpu.memory_space<vmem>>, vector<16xi32>,
      %get3A_207 = arith.constant 48 : index
      %get3A_208 = tpu.vector_load %arg9[%get3A_207] {strides = array<i32>} : memref<4112xi32, #tpu.memory_space<vmem>>, vector<16xi32>,
      %swap3A_209 = arith.constant 48 : index
      %swap3A_210 = tpu.vector_load %arg14[%swap3A_209] {strides = array<i32>} : memref<128xi32, #tpu.memory_space<vmem>>, vector<16xi32>,
      tpu.vector_store %arg14[%swap3A_209], %get3A_208 {strides = array<i32>} : memref<128xi32, #tpu.memory_space<vmem>>, vector<16xi32>,
      %get3A_211 = arith.constant 48 : index
      %get3A_212 = tpu.vector_load %arg10[%get3A_211] {strides = array<i32>} : memref<4112xi32, #tpu.memory_space<vmem>>, vector<16xi32>,
      %swap3A_213 = arith.constant 48 : index
      %swap3A_214 = tpu.vector_load %arg15[%swap3A_213] {strides = array<i32>} : memref<128xi32, #tpu.memory_space<vmem>>, vector<16xi32>,
      tpu.vector_store %arg15[%swap3A_213], %get3A_212 {strides = array<i32>} : memref<128xi32, #tpu.memory_space<vmem>>, vector<16xi32>,
      %get3A_215 = arith.constant 64 : index
      %get3A_216 = tpu.vector_load %arg9[%get3A_215] {strides = array<i32>} : memref<4112xi32, #tpu.memory_space<vmem>>, vector<16xi32>,
      %swap3A_217 = arith.constant 64 : index
      %swap3A_218 = tpu.vector_load %arg14[%swap3A_217] {strides = array<i32>} : memref<128xi32, #tpu.memory_space<vmem>>, vector<16xi32>,
      tpu.vector_store %arg14[%swap3A_217], %get3A_216 {strides = array<i32>} : memref<128xi32, #tpu.memory_space<vmem>>, vector<16xi32>,
      %get3A_219 = arith.constant 64 : index
      %get3A_220 = tpu.vector_load %arg10[%get3A_219] {strides = array<i32>} : memref<4112xi32, #tpu.memory_space<vmem>>, vector<16xi32>,
      %swap3A_221 = arith.constant 64 : index
      %swap3A_222 = tpu.vector_load %arg15[%swap3A_221] {strides = array<i32>} : memref<128xi32, #tpu.memory_space<vmem>>, vector<16xi32>,
      tpu.vector_store %arg15[%swap3A_221], %get3A_220 {strides = array<i32>} : memref<128xi32, #tpu.memory_space<vmem>>, vector<16xi32>,
      %get3A_223 = arith.constant 80 : index
      %get3A_224 = tpu.vector_load %arg9[%get3A_223] {strides = array<i32>} : memref<4112xi32, #tpu.memory_space<vmem>>, vector<16xi32>,
      %swap3A_225 = arith.constant 80 : index
      %swap3A_226 = tpu.vector_load %arg14[%swap3A_225] {strides = array<i32>} : memref<128xi32, #tpu.memory_space<vmem>>, vector<16xi32>,
      tpu.vector_store %arg14[%swap3A_225], %get3A_224 {strides = array<i32>} : memref<128xi32, #tpu.memory_space<vmem>>, vector<16xi32>,
      %get3A_227 = arith.constant 80 : index
      %get3A_228 = tpu.vector_load %arg10[%get3A_227] {strides = array<i32>} : memref<4112xi32, #tpu.memory_space<vmem>>, vector<16xi32>,
      %swap3A_229 = arith.constant 80 : index
      %swap3A_230 = tpu.vector_load %arg15[%swap3A_229] {strides = array<i32>} : memref<128xi32, #tpu.memory_space<vmem>>, vector<16xi32>,
      tpu.vector_store %arg15[%swap3A_229], %get3A_228 {strides = array<i32>} : memref<128xi32, #tpu.memory_space<vmem>>, vector<16xi32>,
      %get3A_231 = arith.constant 96 : index
      %get3A_232 = tpu.vector_load %arg9[%get3A_231] {strides = array<i32>} : memref<4112xi32, #tpu.memory_space<vmem>>, vector<16xi32>,
      %swap3A_233 = arith.constant 96 : index
      %swap3A_234 = tpu.vector_load %arg14[%swap3A_233] {strides = array<i32>} : memref<128xi32, #tpu.memory_space<vmem>>, vector<16xi32>,
      tpu.vector_store %arg14[%swap3A_233], %get3A_232 {strides = array<i32>} : memref<128xi32, #tpu.memory_space<vmem>>, vector<16xi32>,
      %get3A_235 = arith.constant 96 : index
      %get3A_236 = tpu.vector_load %arg10[%get3A_235] {strides = array<i32>} : memref<4112xi32, #tpu.memory_space<vmem>>, vector<16xi32>,
      %swap3A_237 = arith.constant 96 : index
      %swap3A_238 = tpu.vector_load %arg15[%swap3A_237] {strides = array<i32>} : memref<128xi32, #tpu.memory_space<vmem>>, vector<16xi32>,
      tpu.vector_store %arg15[%swap3A_237], %get3A_236 {strides = array<i32>} : memref<128xi32, #tpu.memory_space<vmem>>, vector<16xi32>,
      %get3A_239 = arith.constant 112 : index
      %get3A_240 = tpu.vector_load %arg9[%get3A_239] {strides = array<i32>} : memref<4112xi32, #tpu.memory_space<vmem>>, vector<16xi32>,
      %swap3A_241 = arith.constant 112 : index
      %swap3A_242 = tpu.vector_load %arg14[%swap3A_241] {strides = array<i32>} : memref<128xi32, #tpu.memory_space<vmem>>, vector<16xi32>,
      tpu.vector_store %arg14[%swap3A_241], %get3A_240 {strides = array<i32>} : memref<128xi32, #tpu.memory_space<vmem>>, vector<16xi32>,
      %get3A_243 = arith.constant 112 : index
      %get3A_244 = tpu.vector_load %arg10[%get3A_243] {strides = array<i32>} : memref<4112xi32, #tpu.memory_space<vmem>>, vector<16xi32>,
      %swap3A_245 = arith.constant 112 : index
      %swap3A_246 = tpu.vector_load %arg15[%swap3A_245] {strides = array<i32>} : memref<128xi32, #tpu.memory_space<vmem>>, vector<16xi32>,
      tpu.vector_store %arg15[%swap3A_245], %get3A_244 {strides = array<i32>} : memref<128xi32, #tpu.memory_space<vmem>>, vector<16xi32>,
      %dma_start3A_247 = arith.constant 0 : i32
      %dma_start3A_248 = arith.constant 0 : i32
      %dma_start3A_249 = tpu.memref_slice %arg21[%dma_start3A_247, %dma_start3A_248] : memref<4096x128xf32, #tpu.memory_space<vmem_shared>> -> memref<4096x128xf32, #tpu.memory_space<vmem_shared>>
      tpu.enqueue_indirect_dma source(%dma_start3A_249 : memref<4096x128xf32, #tpu.memory_space<vmem_shared>>) target(%arg16 : memref<128x128xf32, #tpu.memory_space<vmem>>) offsets(%arg14 : memref<128xi32, #tpu.memory_space<vmem>>) semaphore(%arg22 : memref<!tpu.dma_semaphore, #tpu.memory_space<semaphore_mem>>)
    } else {
    }
    %while3A_158 = arith.constant 0 : i32
    %while3A_159 = arith.constant 0 : i32
    %while3A_160 = arith.subi %select_n3A_155, %while3A_158 : i32
    %while3A_161 = arith.addi %while3A_158, %while3A_160 : i32
    %while3A_162 = arith.constant 1 : i32
    %while3A_163 = arith.divsi %while3A_160, %while3A_162 : i32
    %while3A_164 = arith.muli %while3A_163, %while3A_162 : i32
    %while3A_165 = arith.addi %while3A_158, %while3A_164 : i32
    %while3A_166 = arith.constant 1 : i32
    %while3A_167 = scf.for %while3A_184 = %while3A_158 to %while3A_165 step %while3A_166 iter_args(%while3A_185 = %while3A_159) -> (i32)  : i32 {
      %rem3A_186 = arith.constant 2 : i32
      %rem3A_187 = arith.remsi %while3A_184, %rem3A_186 : i32
      %eq3A = arith.constant 0 : i32
      %eq3A_188 = arith.cmpi eq, %rem3A_187, %eq3A : i32
      %add3A_189 = arith.constant 1 : i32
      %add3A_190 = arith.addi %while3A_184, %add3A_189 : i32
      %lt3A = arith.cmpi slt, %add3A_190, %select_n3A_155 : i32
      %and3A_191 = arith.andi %eq3A_188, %lt3A : i1
      %convert_element_type3A_192 = arith.extui %and3A_191 : i1 to i32
      %cond3A_193 = arith.constant 0 : i32
      %cond3A_194 = arith.cmpi ne, %convert_element_type3A_192, %cond3A_193 : i32
      scf.if %cond3A_194 {
        %ge3A = arith.constant 1 : i32
        %ge3A_215 = arith.cmpi sge, %while3A_184, %ge3A : i32
        %convert_element_type3A_216 = arith.extui %ge3A_215 : i1 to i32
        %cond3A_217 = arith.constant 0 : i32
        %cond3A_218 = arith.cmpi ne, %convert_element_type3A_216, %cond3A_217 : i32
        scf.if %cond3A_218 {
          %dma_wait3A_351 = arith.constant 0 : i32
          %dma_wait3A_352 = arith.constant 0 : i32
          %dma_wait3A_353 = tpu.memref_slice %arg3[%dma_wait3A_351, %dma_wait3A_352] : memref<4096x128xf32, #tpu.memory_space<hbm>> -> memref<128x128xf32, #tpu.memory_space<hbm>>
          %dma_wait3A_354 = arith.constant 0 : i32
          %dma_wait3A_355 = arith.constant 0 : i32
          %dma_wait3A_356 = tpu.memref_slice %arg3[%dma_wait3A_354, %dma_wait3A_355] : memref<4096x128xf32, #tpu.memory_space<hbm>> -> memref<128x128xf32, #tpu.memory_space<hbm>>
          tpu.wait_dma2 semaphore(%arg23 : memref<!tpu.dma_semaphore, #tpu.memory_space<semaphore_mem>>) src(%dma_wait3A_356 : memref<128x128xf32, #tpu.memory_space<hbm>>) dst(%arg19 : memref<128x128xf32, #tpu.memory_space<vmem>>)
        } else {
        }
        %add3A_219 = arith.constant 1 : i32
        %add3A_220 = arith.addi %while3A_184, %add3A_219 : i32
        %mul3A_221 = arith.constant 128 : i32
        %mul3A_222 = arith.muli %add3A_220, %mul3A_221 : i32
        %add3A_223 = arith.constant 0 : i32
        %add3A_224 = arith.addi %mul3A_222, %add3A_223 : i32
        %get3A = arith.index_cast %add3A_224 : i32 to index
        %get3A_225 = tpu.vector_load %arg9[%get3A] {strides = array<i32>} : memref<4112xi32, #tpu.memory_space<vmem>>, vector<16xi32>,
        %swap3A_226 = arith.constant 0 : index
        %swap3A_227 = tpu.vector_load %arg17[%swap3A_226] {strides = array<i32>} : memref<128xi32, #tpu.memory_space<vmem>>, vector<16xi32>,
        tpu.vector_store %arg17[%swap3A_226], %get3A_225 {strides = array<i32>} : memref<128xi32, #tpu.memory_space<vmem>>, vector<16xi32>,
        %mul3A_228 = arith.constant 128 : i32
        %mul3A_229 = arith.muli %add3A_220, %mul3A_228 : i32
        %add3A_230 = arith.constant 0 : i32
        %add3A_231 = arith.addi %mul3A_229, %add3A_230 : i32
        %get3A_232 = arith.index_cast %add3A_231 : i32 to index
        %get3A_233 = tpu.vector_load %arg10[%get3A_232] {strides = array<i32>} : memref<4112xi32, #tpu.memory_space<vmem>>, vector<16xi32>,
        %swap3A_234 = arith.constant 0 : index
        %swap3A_235 = tpu.vector_load %arg18[%swap3A_234] {strides = array<i32>} : memref<128xi32, #tpu.memory_space<vmem>>, vector<16xi32>,
        tpu.vector_store %arg18[%swap3A_234], %get3A_233 {strides = array<i32>} : memref<128xi32, #tpu.memory_space<vmem>>, vector<16xi32>,
        %mul3A_236 = arith.constant 128 : i32
        %mul3A_237 = arith.muli %add3A_220, %mul3A_236 : i32
        %add3A_238 = arith.constant 16 : i32
        %add3A_239 = arith.addi %mul3A_237, %add3A_238 : i32
        %get3A_240 = arith.index_cast %add3A_239 : i32 to index
        %get3A_241 = tpu.vector_load %arg9[%get3A_240] {strides = array<i32>} : memref<4112xi32, #tpu.memory_space<vmem>>, vector<16xi32>,
        %swap3A_242 = arith.constant 16 : index
        %swap3A_243 = tpu.vector_load %arg17[%swap3A_242] {strides = array<i32>} : memref<128xi32, #tpu.memory_space<vmem>>, vector<16xi32>,
        tpu.vector_store %arg17[%swap3A_242], %get3A_241 {strides = array<i32>} : memref<128xi32, #tpu.memory_space<vmem>>, vector<16xi32>,
        %mul3A_244 = arith.constant 128 : i32
        %mul3A_245 = arith.muli %add3A_220, %mul3A_244 : i32
        %add3A_246 = arith.constant 16 : i32
        %add3A_247 = arith.addi %mul3A_245, %add3A_246 : i32
        %get3A_248 = arith.index_cast %add3A_247 : i32 to index
        %get3A_249 = tpu.vector_load %arg10[%get3A_248] {strides = array<i32>} : memref<4112xi32, #tpu.memory_space<vmem>>, vector<16xi32>,
        %swap3A_250 = arith.constant 16 : index
        %swap3A_251 = tpu.vector_load %arg18[%swap3A_250] {strides = array<i32>} : memref<128xi32, #tpu.memory_space<vmem>>, vector<16xi32>,
        tpu.vector_store %arg18[%swap3A_250], %get3A_249 {strides = array<i32>} : memref<128xi32, #tpu.memory_space<vmem>>, vector<16xi32>,
        %mul3A_252 = arith.constant 128 : i32
        %mul3A_253 = arith.muli %add3A_220, %mul3A_252 : i32
        %add3A_254 = arith.constant 32 : i32
        %add3A_255 = arith.addi %mul3A_253, %add3A_254 : i32
        %get3A_256 = arith.index_cast %add3A_255 : i32 to index
        %get3A_257 = tpu.vector_load %arg9[%get3A_256] {strides = array<i32>} : memref<4112xi32, #tpu.memory_space<vmem>>, vector<16xi32>,
        %swap3A_258 = arith.constant 32 : index
        %swap3A_259 = tpu.vector_load %arg17[%swap3A_258] {strides = array<i32>} : memref<128xi32, #tpu.memory_space<vmem>>, vector<16xi32>,
        tpu.vector_store %arg17[%swap3A_258], %get3A_257 {strides = array<i32>} : memref<128xi32, #tpu.memory_space<vmem>>, vector<16xi32>,
        %mul3A_260 = arith.constant 128 : i32
        %mul3A_261 = arith.muli %add3A_220, %mul3A_260 : i32
        %add3A_262 = arith.constant 32 : i32
        %add3A_263 = arith.addi %mul3A_261, %add3A_262 : i32
        %get3A_264 = arith.index_cast %add3A_263 : i32 to index
        %get3A_265 = tpu.vector_load %arg10[%get3A_264] {strides = array<i32>} : memref<4112xi32, #tpu.memory_space<vmem>>, vector<16xi32>,
        %swap3A_266 = arith.constant 32 : index
        %swap3A_267 = tpu.vector_load %arg18[%swap3A_266] {strides = array<i32>} : memref<128xi32, #tpu.memory_space<vmem>>, vector<16xi32>,
        tpu.vector_store %arg18[%swap3A_266], %get3A_265 {strides = array<i32>} : memref<128xi32, #tpu.memory_space<vmem>>, vector<16xi32>,
        %mul3A_268 = arith.constant 128 : i32
        %mul3A_269 = arith.muli %add3A_220, %mul3A_268 : i32
        %add3A_270 = arith.constant 48 : i32
        %add3A_271 = arith.addi %mul3A_269, %add3A_270 : i32
        %get3A_272 = arith.index_cast %add3A_271 : i32 to index
        %get3A_273 = tpu.vector_load %arg9[%get3A_272] {strides = array<i32>} : memref<4112xi32, #tpu.memory_space<vmem>>, vector<16xi32>,
        %swap3A_274 = arith.constant 48 : index
        %swap3A_275 = tpu.vector_load %arg17[%swap3A_274] {strides = array<i32>} : memref<128xi32, #tpu.memory_space<vmem>>, vector<16xi32>,
        tpu.vector_store %arg17[%swap3A_274], %get3A_273 {strides = array<i32>} : memref<128xi32, #tpu.memory_space<vmem>>, vector<16xi32>,
        %mul3A_276 = arith.constant 128 : i32
        %mul3A_277 = arith.muli %add3A_220, %mul3A_276 : i32
        %add3A_278 = arith.constant 48 : i32
        %add3A_279 = arith.addi %mul3A_277, %add3A_278 : i32
        %get3A_280 = arith.index_cast %add3A_279 : i32 to index
        %get3A_281 = tpu.vector_load %arg10[%get3A_280] {strides = array<i32>} : memref<4112xi32, #tpu.memory_space<vmem>>, vector<16xi32>,
        %swap3A_282 = arith.constant 48 : index
        %swap3A_283 = tpu.vector_load %arg18[%swap3A_282] {strides = array<i32>} : memref<128xi32, #tpu.memory_space<vmem>>, vector<16xi32>,
        tpu.vector_store %arg18[%swap3A_282], %get3A_281 {strides = array<i32>} : memref<128xi32, #tpu.memory_space<vmem>>, vector<16xi32>,
        %mul3A_284 = arith.constant 128 : i32
        %mul3A_285 = arith.muli %add3A_220, %mul3A_284 : i32
        %add3A_286 = arith.constant 64 : i32
        %add3A_287 = arith.addi %mul3A_285, %add3A_286 : i32
        %get3A_288 = arith.index_cast %add3A_287 : i32 to index
        %get3A_289 = tpu.vector_load %arg9[%get3A_288] {strides = array<i32>} : memref<4112xi32, #tpu.memory_space<vmem>>, vector<16xi32>,
        %swap3A_290 = arith.constant 64 : index
        %swap3A_291 = tpu.vector_load %arg17[%swap3A_290] {strides = array<i32>} : memref<128xi32, #tpu.memory_space<vmem>>, vector<16xi32>,
        tpu.vector_store %arg17[%swap3A_290], %get3A_289 {strides = array<i32>} : memref<128xi32, #tpu.memory_space<vmem>>, vector<16xi32>,
        %mul3A_292 = arith.constant 128 : i32
        %mul3A_293 = arith.muli %add3A_220, %mul3A_292 : i32
        %add3A_294 = arith.constant 64 : i32
        %add3A_295 = arith.addi %mul3A_293, %add3A_294 : i32
        %get3A_296 = arith.index_cast %add3A_295 : i32 to index
        %get3A_297 = tpu.vector_load %arg10[%get3A_296] {strides = array<i32>} : memref<4112xi32, #tpu.memory_space<vmem>>, vector<16xi32>,
        %swap3A_298 = arith.constant 64 : index
        %swap3A_299 = tpu.vector_load %arg18[%swap3A_298] {strides = array<i32>} : memref<128xi32, #tpu.memory_space<vmem>>, vector<16xi32>,
        tpu.vector_store %arg18[%swap3A_298], %get3A_297 {strides = array<i32>} : memref<128xi32, #tpu.memory_space<vmem>>, vector<16xi32>,
        %mul3A_300 = arith.constant 128 : i32
        %mul3A_301 = arith.muli %add3A_220, %mul3A_300 : i32
        %add3A_302 = arith.constant 80 : i32
        %add3A_303 = arith.addi %mul3A_301, %add3A_302 : i32
        %get3A_304 = arith.index_cast %add3A_303 : i32 to index
        %get3A_305 = tpu.vector_load %arg9[%get3A_304] {strides = array<i32>} : memref<4112xi32, #tpu.memory_space<vmem>>, vector<16xi32>,
        %swap3A_306 = arith.constant 80 : index
        %swap3A_307 = tpu.vector_load %arg17[%swap3A_306] {strides = array<i32>} : memref<128xi32, #tpu.memory_space<vmem>>, vector<16xi32>,
        tpu.vector_store %arg17[%swap3A_306], %get3A_305 {strides = array<i32>} : memref<128xi32, #tpu.memory_space<vmem>>, vector<16xi32>,
        %mul3A_308 = arith.constant 128 : i32
        %mul3A_309 = arith.muli %add3A_220, %mul3A_308 : i32
        %add3A_310 = arith.constant 80 : i32
        %add3A_311 = arith.addi %mul3A_309, %add3A_310 : i32
        %get3A_312 = arith.index_cast %add3A_311 : i32 to index
        %get3A_313 = tpu.vector_load %arg10[%get3A_312] {strides = array<i32>} : memref<4112xi32, #tpu.memory_space<vmem>>, vector<16xi32>,
        %swap3A_314 = arith.constant 80 : index
        %swap3A_315 = tpu.vector_load %arg18[%swap3A_314] {strides = array<i32>} : memref<128xi32, #tpu.memory_space<vmem>>, vector<16xi32>,
        tpu.vector_store %arg18[%swap3A_314], %get3A_313 {strides = array<i32>} : memref<128xi32, #tpu.memory_space<vmem>>, vector<16xi32>,
        %mul3A_316 = arith.constant 128 : i32
        %mul3A_317 = arith.muli %add3A_220, %mul3A_316 : i32
        %add3A_318 = arith.constant 96 : i32
        %add3A_319 = arith.addi %mul3A_317, %add3A_318 : i32
        %get3A_320 = arith.index_cast %add3A_319 : i32 to index
        %get3A_321 = tpu.vector_load %arg9[%get3A_320] {strides = array<i32>} : memref<4112xi32, #tpu.memory_space<vmem>>, vector<16xi32>,
        %swap3A_322 = arith.constant 96 : index
        %swap3A_323 = tpu.vector_load %arg17[%swap3A_322] {strides = array<i32>} : memref<128xi32, #tpu.memory_space<vmem>>, vector<16xi32>,
        tpu.vector_store %arg17[%swap3A_322], %get3A_321 {strides = array<i32>} : memref<128xi32, #tpu.memory_space<vmem>>, vector<16xi32>,
        %mul3A_324 = arith.constant 128 : i32
        %mul3A_325 = arith.muli %add3A_220, %mul3A_324 : i32
        %add3A_326 = arith.constant 96 : i32
        %add3A_327 = arith.addi %mul3A_325, %add3A_326 : i32
        %get3A_328 = arith.index_cast %add3A_327 : i32 to index
        %get3A_329 = tpu.vector_load %arg10[%get3A_328] {strides = array<i32>} : memref<4112xi32, #tpu.memory_space<vmem>>, vector<16xi32>,
        %swap3A_330 = arith.constant 96 : index
        %swap3A_331 = tpu.vector_load %arg18[%swap3A_330] {strides = array<i32>} : memref<128xi32, #tpu.memory_space<vmem>>, vector<16xi32>,
        tpu.vector_store %arg18[%swap3A_330], %get3A_329 {strides = array<i32>} : memref<128xi32, #tpu.memory_space<vmem>>, vector<16xi32>,
        %mul3A_332 = arith.constant 128 : i32
        %mul3A_333 = arith.muli %add3A_220, %mul3A_332 : i32
        %add3A_334 = arith.constant 112 : i32
        %add3A_335 = arith.addi %mul3A_333, %add3A_334 : i32
        %get3A_336 = arith.index_cast %add3A_335 : i32 to index
        %get3A_337 = tpu.vector_load %arg9[%get3A_336] {strides = array<i32>} : memref<4112xi32, #tpu.memory_space<vmem>>, vector<16xi32>,
        %swap3A_338 = arith.constant 112 : index
        %swap3A_339 = tpu.vector_load %arg17[%swap3A_338] {strides = array<i32>} : memref<128xi32, #tpu.memory_space<vmem>>, vector<16xi32>,
        tpu.vector_store %arg17[%swap3A_338], %get3A_337 {strides = array<i32>} : memref<128xi32, #tpu.memory_space<vmem>>, vector<16xi32>,
        %mul3A_340 = arith.constant 128 : i32
        %mul3A_341 = arith.muli %add3A_220, %mul3A_340 : i32
        %add3A_342 = arith.constant 112 : i32
        %add3A_343 = arith.addi %mul3A_341, %add3A_342 : i32
        %get3A_344 = arith.index_cast %add3A_343 : i32 to index
        %get3A_345 = tpu.vector_load %arg10[%get3A_344] {strides = array<i32>} : memref<4112xi32, #tpu.memory_space<vmem>>, vector<16xi32>,
        %swap3A_346 = arith.constant 112 : index
        %swap3A_347 = tpu.vector_load %arg18[%swap3A_346] {strides = array<i32>} : memref<128xi32, #tpu.memory_space<vmem>>, vector<16xi32>,
        tpu.vector_store %arg18[%swap3A_346], %get3A_345 {strides = array<i32>} : memref<128xi32, #tpu.memory_space<vmem>>, vector<16xi32>,
        %dma_start3A_348 = arith.constant 0 : i32
        %dma_start3A_349 = arith.constant 0 : i32
        %dma_start3A_350 = tpu.memref_slice %arg21[%dma_start3A_348, %dma_start3A_349] : memref<4096x128xf32, #tpu.memory_space<vmem_shared>> -> memref<4096x128xf32, #tpu.memory_space<vmem_shared>>
        tpu.enqueue_indirect_dma source(%dma_start3A_350 : memref<4096x128xf32, #tpu.memory_space<vmem_shared>>) target(%arg19 : memref<128x128xf32, #tpu.memory_space<vmem>>) offsets(%arg17 : memref<128xi32, #tpu.memory_space<vmem>>) semaphore(%arg23 : memref<!tpu.dma_semaphore, #tpu.memory_space<semaphore_mem>>)
      } else {
      }
      %eq3A_195 = arith.constant 1 : i32
      %eq3A_196 = arith.cmpi eq, %rem3A_187, %eq3A_195 : i32
      %add3A_197 = arith.constant 1 : i32
      %add3A_198 = arith.addi %while3A_184, %add3A_197 : i32
      %lt3A_199 = arith.cmpi slt, %add3A_198, %select_n3A_155 : i32
      %and3A_200 = arith.andi %eq3A_196, %lt3A_199 : i1
      %convert_element_type3A_201 = arith.extui %and3A_200 : i1 to i32
      %cond3A_202 = arith.constant 0 : i32
      %cond3A_203 = arith.cmpi ne, %convert_element_type3A_201, %cond3A_202 : i32
      scf.if %cond3A_203 {
        %dma_wait3A_215 = arith.constant 0 : i32
        %dma_wait3A_216 = arith.constant 0 : i32
        %dma_wait3A_217 = tpu.memref_slice %arg3[%dma_wait3A_215, %dma_wait3A_216] : memref<4096x128xf32, #tpu.memory_space<hbm>> -> memref<128x128xf32, #tpu.memory_space<hbm>>
        %dma_wait3A_218 = arith.constant 0 : i32
        %dma_wait3A_219 = arith.constant 0 : i32
        %dma_wait3A_220 = tpu.memref_slice %arg3[%dma_wait3A_218, %dma_wait3A_219] : memref<4096x128xf32, #tpu.memory_space<hbm>> -> memref<128x128xf32, #tpu.memory_space<hbm>>
        tpu.wait_dma2 semaphore(%arg22 : memref<!tpu.dma_semaphore, #tpu.memory_space<semaphore_mem>>) src(%dma_wait3A_220 : memref<128x128xf32, #tpu.memory_space<hbm>>) dst(%arg16 : memref<128x128xf32, #tpu.memory_space<vmem>>)
        %add3A_221 = arith.constant 1 : i32
        %add3A_222 = arith.addi %while3A_184, %add3A_221 : i32
        %mul3A_223 = arith.constant 128 : i32
        %mul3A_224 = arith.muli %add3A_222, %mul3A_223 : i32
        %add3A_225 = arith.constant 0 : i32
        %add3A_226 = arith.addi %mul3A_224, %add3A_225 : i32
        %get3A = arith.index_cast %add3A_226 : i32 to index
        %get3A_227 = tpu.vector_load %arg9[%get3A] {strides = array<i32>} : memref<4112xi32, #tpu.memory_space<vmem>>, vector<16xi32>,
        %swap3A_228 = arith.constant 0 : index
        %swap3A_229 = tpu.vector_load %arg14[%swap3A_228] {strides = array<i32>} : memref<128xi32, #tpu.memory_space<vmem>>, vector<16xi32>,
        tpu.vector_store %arg14[%swap3A_228], %get3A_227 {strides = array<i32>} : memref<128xi32, #tpu.memory_space<vmem>>, vector<16xi32>,
        %mul3A_230 = arith.constant 128 : i32
        %mul3A_231 = arith.muli %add3A_222, %mul3A_230 : i32
        %add3A_232 = arith.constant 0 : i32
        %add3A_233 = arith.addi %mul3A_231, %add3A_232 : i32
        %get3A_234 = arith.index_cast %add3A_233 : i32 to index
        %get3A_235 = tpu.vector_load %arg10[%get3A_234] {strides = array<i32>} : memref<4112xi32, #tpu.memory_space<vmem>>, vector<16xi32>,
        %swap3A_236 = arith.constant 0 : index
        %swap3A_237 = tpu.vector_load %arg15[%swap3A_236] {strides = array<i32>} : memref<128xi32, #tpu.memory_space<vmem>>, vector<16xi32>,
        tpu.vector_store %arg15[%swap3A_236], %get3A_235 {strides = array<i32>} : memref<128xi32, #tpu.memory_space<vmem>>, vector<16xi32>,
        %mul3A_238 = arith.constant 128 : i32
        %mul3A_239 = arith.muli %add3A_222, %mul3A_238 : i32
        %add3A_240 = arith.constant 16 : i32
        %add3A_241 = arith.addi %mul3A_239, %add3A_240 : i32
        %get3A_242 = arith.index_cast %add3A_241 : i32 to index
        %get3A_243 = tpu.vector_load %arg9[%get3A_242] {strides = array<i32>} : memref<4112xi32, #tpu.memory_space<vmem>>, vector<16xi32>,
        %swap3A_244 = arith.constant 16 : index
        %swap3A_245 = tpu.vector_load %arg14[%swap3A_244] {strides = array<i32>} : memref<128xi32, #tpu.memory_space<vmem>>, vector<16xi32>,
        tpu.vector_store %arg14[%swap3A_244], %get3A_243 {strides = array<i32>} : memref<128xi32, #tpu.memory_space<vmem>>, vector<16xi32>,
        %mul3A_246 = arith.constant 128 : i32
        %mul3A_247 = arith.muli %add3A_222, %mul3A_246 : i32
        %add3A_248 = arith.constant 16 : i32
        %add3A_249 = arith.addi %mul3A_247, %add3A_248 : i32
        %get3A_250 = arith.index_cast %add3A_249 : i32 to index
        %get3A_251 = tpu.vector_load %arg10[%get3A_250] {strides = array<i32>} : memref<4112xi32, #tpu.memory_space<vmem>>, vector<16xi32>,
        %swap3A_252 = arith.constant 16 : index
        %swap3A_253 = tpu.vector_load %arg15[%swap3A_252] {strides = array<i32>} : memref<128xi32, #tpu.memory_space<vmem>>, vector<16xi32>,
        tpu.vector_store %arg15[%swap3A_252], %get3A_251 {strides = array<i32>} : memref<128xi32, #tpu.memory_space<vmem>>, vector<16xi32>,
        %mul3A_254 = arith.constant 128 : i32
        %mul3A_255 = arith.muli %add3A_222, %mul3A_254 : i32
        %add3A_256 = arith.constant 32 : i32
        %add3A_257 = arith.addi %mul3A_255, %add3A_256 : i32
        %get3A_258 = arith.index_cast %add3A_257 : i32 to index
        %get3A_259 = tpu.vector_load %arg9[%get3A_258] {strides = array<i32>} : memref<4112xi32, #tpu.memory_space<vmem>>, vector<16xi32>,
        %swap3A_260 = arith.constant 32 : index
        %swap3A_261 = tpu.vector_load %arg14[%swap3A_260] {strides = array<i32>} : memref<128xi32, #tpu.memory_space<vmem>>, vector<16xi32>,
        tpu.vector_store %arg14[%swap3A_260], %get3A_259 {strides = array<i32>} : memref<128xi32, #tpu.memory_space<vmem>>, vector<16xi32>,
        %mul3A_262 = arith.constant 128 : i32
        %mul3A_263 = arith.muli %add3A_222, %mul3A_262 : i32
        %add3A_264 = arith.constant 32 : i32
        %add3A_265 = arith.addi %mul3A_263, %add3A_264 : i32
        %get3A_266 = arith.index_cast %add3A_265 : i32 to index
        %get3A_267 = tpu.vector_load %arg10[%get3A_266] {strides = array<i32>} : memref<4112xi32, #tpu.memory_space<vmem>>, vector<16xi32>,
        %swap3A_268 = arith.constant 32 : index
        %swap3A_269 = tpu.vector_load %arg15[%swap3A_268] {strides = array<i32>} : memref<128xi32, #tpu.memory_space<vmem>>, vector<16xi32>,
        tpu.vector_store %arg15[%swap3A_268], %get3A_267 {strides = array<i32>} : memref<128xi32, #tpu.memory_space<vmem>>, vector<16xi32>,
        %mul3A_270 = arith.constant 128 : i32
        %mul3A_271 = arith.muli %add3A_222, %mul3A_270 : i32
        %add3A_272 = arith.constant 48 : i32
        %add3A_273 = arith.addi %mul3A_271, %add3A_272 : i32
        %get3A_274 = arith.index_cast %add3A_273 : i32 to index
        %get3A_275 = tpu.vector_load %arg9[%get3A_274] {strides = array<i32>} : memref<4112xi32, #tpu.memory_space<vmem>>, vector<16xi32>,
        %swap3A_276 = arith.constant 48 : index
        %swap3A_277 = tpu.vector_load %arg14[%swap3A_276] {strides = array<i32>} : memref<128xi32, #tpu.memory_space<vmem>>, vector<16xi32>,
        tpu.vector_store %arg14[%swap3A_276], %get3A_275 {strides = array<i32>} : memref<128xi32, #tpu.memory_space<vmem>>, vector<16xi32>,
        %mul3A_278 = arith.constant 128 : i32
        %mul3A_279 = arith.muli %add3A_222, %mul3A_278 : i32
        %add3A_280 = arith.constant 48 : i32
        %add3A_281 = arith.addi %mul3A_279, %add3A_280 : i32
        %get3A_282 = arith.index_cast %add3A_281 : i32 to index
        %get3A_283 = tpu.vector_load %arg10[%get3A_282] {strides = array<i32>} : memref<4112xi32, #tpu.memory_space<vmem>>, vector<16xi32>,
        %swap3A_284 = arith.constant 48 : index
        %swap3A_285 = tpu.vector_load %arg15[%swap3A_284] {strides = array<i32>} : memref<128xi32, #tpu.memory_space<vmem>>, vector<16xi32>,
        tpu.vector_store %arg15[%swap3A_284], %get3A_283 {strides = array<i32>} : memref<128xi32, #tpu.memory_space<vmem>>, vector<16xi32>,
        %mul3A_286 = arith.constant 128 : i32
        %mul3A_287 = arith.muli %add3A_222, %mul3A_286 : i32
        %add3A_288 = arith.constant 64 : i32
        %add3A_289 = arith.addi %mul3A_287, %add3A_288 : i32
        %get3A_290 = arith.index_cast %add3A_289 : i32 to index
        %get3A_291 = tpu.vector_load %arg9[%get3A_290] {strides = array<i32>} : memref<4112xi32, #tpu.memory_space<vmem>>, vector<16xi32>,
        %swap3A_292 = arith.constant 64 : index
        %swap3A_293 = tpu.vector_load %arg14[%swap3A_292] {strides = array<i32>} : memref<128xi32, #tpu.memory_space<vmem>>, vector<16xi32>,
        tpu.vector_store %arg14[%swap3A_292], %get3A_291 {strides = array<i32>} : memref<128xi32, #tpu.memory_space<vmem>>, vector<16xi32>,
        %mul3A_294 = arith.constant 128 : i32
        %mul3A_295 = arith.muli %add3A_222, %mul3A_294 : i32
        %add3A_296 = arith.constant 64 : i32
        %add3A_297 = arith.addi %mul3A_295, %add3A_296 : i32
        %get3A_298 = arith.index_cast %add3A_297 : i32 to index
        %get3A_299 = tpu.vector_load %arg10[%get3A_298] {strides = array<i32>} : memref<4112xi32, #tpu.memory_space<vmem>>, vector<16xi32>,
        %swap3A_300 = arith.constant 64 : index
        %swap3A_301 = tpu.vector_load %arg15[%swap3A_300] {strides = array<i32>} : memref<128xi32, #tpu.memory_space<vmem>>, vector<16xi32>,
        tpu.vector_store %arg15[%swap3A_300], %get3A_299 {strides = array<i32>} : memref<128xi32, #tpu.memory_space<vmem>>, vector<16xi32>,
        %mul3A_302 = arith.constant 128 : i32
        %mul3A_303 = arith.muli %add3A_222, %mul3A_302 : i32
        %add3A_304 = arith.constant 80 : i32
        %add3A_305 = arith.addi %mul3A_303, %add3A_304 : i32
        %get3A_306 = arith.index_cast %add3A_305 : i32 to index
        %get3A_307 = tpu.vector_load %arg9[%get3A_306] {strides = array<i32>} : memref<4112xi32, #tpu.memory_space<vmem>>, vector<16xi32>,
        %swap3A_308 = arith.constant 80 : index
        %swap3A_309 = tpu.vector_load %arg14[%swap3A_308] {strides = array<i32>} : memref<128xi32, #tpu.memory_space<vmem>>, vector<16xi32>,
        tpu.vector_store %arg14[%swap3A_308], %get3A_307 {strides = array<i32>} : memref<128xi32, #tpu.memory_space<vmem>>, vector<16xi32>,
        %mul3A_310 = arith.constant 128 : i32
        %mul3A_311 = arith.muli %add3A_222, %mul3A_310 : i32
        %add3A_312 = arith.constant 80 : i32
        %add3A_313 = arith.addi %mul3A_311, %add3A_312 : i32
        %get3A_314 = arith.index_cast %add3A_313 : i32 to index
        %get3A_315 = tpu.vector_load %arg10[%get3A_314] {strides = array<i32>} : memref<4112xi32, #tpu.memory_space<vmem>>, vector<16xi32>,
        %swap3A_316 = arith.constant 80 : index
        %swap3A_317 = tpu.vector_load %arg15[%swap3A_316] {strides = array<i32>} : memref<128xi32, #tpu.memory_space<vmem>>, vector<16xi32>,
        tpu.vector_store %arg15[%swap3A_316], %get3A_315 {strides = array<i32>} : memref<128xi32, #tpu.memory_space<vmem>>, vector<16xi32>,
        %mul3A_318 = arith.constant 128 : i32
        %mul3A_319 = arith.muli %add3A_222, %mul3A_318 : i32
        %add3A_320 = arith.constant 96 : i32
        %add3A_321 = arith.addi %mul3A_319, %add3A_320 : i32
        %get3A_322 = arith.index_cast %add3A_321 : i32 to index
        %get3A_323 = tpu.vector_load %arg9[%get3A_322] {strides = array<i32>} : memref<4112xi32, #tpu.memory_space<vmem>>, vector<16xi32>,
        %swap3A_324 = arith.constant 96 : index
        %swap3A_325 = tpu.vector_load %arg14[%swap3A_324] {strides = array<i32>} : memref<128xi32, #tpu.memory_space<vmem>>, vector<16xi32>,
        tpu.vector_store %arg14[%swap3A_324], %get3A_323 {strides = array<i32>} : memref<128xi32, #tpu.memory_space<vmem>>, vector<16xi32>,
        %mul3A_326 = arith.constant 128 : i32
        %mul3A_327 = arith.muli %add3A_222, %mul3A_326 : i32
        %add3A_328 = arith.constant 96 : i32
        %add3A_329 = arith.addi %mul3A_327, %add3A_328 : i32
        %get3A_330 = arith.index_cast %add3A_329 : i32 to index
        %get3A_331 = tpu.vector_load %arg10[%get3A_330] {strides = array<i32>} : memref<4112xi32, #tpu.memory_space<vmem>>, vector<16xi32>,
        %swap3A_332 = arith.constant 96 : index
        %swap3A_333 = tpu.vector_load %arg15[%swap3A_332] {strides = array<i32>} : memref<128xi32, #tpu.memory_space<vmem>>, vector<16xi32>,
        tpu.vector_store %arg15[%swap3A_332], %get3A_331 {strides = array<i32>} : memref<128xi32, #tpu.memory_space<vmem>>, vector<16xi32>,
        %mul3A_334 = arith.constant 128 : i32
        %mul3A_335 = arith.muli %add3A_222, %mul3A_334 : i32
        %add3A_336 = arith.constant 112 : i32
        %add3A_337 = arith.addi %mul3A_335, %add3A_336 : i32
        %get3A_338 = arith.index_cast %add3A_337 : i32 to index
        %get3A_339 = tpu.vector_load %arg9[%get3A_338] {strides = array<i32>} : memref<4112xi32, #tpu.memory_space<vmem>>, vector<16xi32>,
        %swap3A_340 = arith.constant 112 : index
        %swap3A_341 = tpu.vector_load %arg14[%swap3A_340] {strides = array<i32>} : memref<128xi32, #tpu.memory_space<vmem>>, vector<16xi32>,
        tpu.vector_store %arg14[%swap3A_340], %get3A_339 {strides = array<i32>} : memref<128xi32, #tpu.memory_space<vmem>>, vector<16xi32>,
        %mul3A_342 = arith.constant 128 : i32
        %mul3A_343 = arith.muli %add3A_222, %mul3A_342 : i32
        %add3A_344 = arith.constant 112 : i32
        %add3A_345 = arith.addi %mul3A_343, %add3A_344 : i32
        %get3A_346 = arith.index_cast %add3A_345 : i32 to index
        %get3A_347 = tpu.vector_load %arg10[%get3A_346] {strides = array<i32>} : memref<4112xi32, #tpu.memory_space<vmem>>, vector<16xi32>,
        %swap3A_348 = arith.constant 112 : index
        %swap3A_349 = tpu.vector_load %arg15[%swap3A_348] {strides = array<i32>} : memref<128xi32, #tpu.memory_space<vmem>>, vector<16xi32>,
        tpu.vector_store %arg15[%swap3A_348], %get3A_347 {strides = array<i32>} : memref<128xi32, #tpu.memory_space<vmem>>, vector<16xi32>,
        %dma_start3A_350 = arith.constant 0 : i32
        %dma_start3A_351 = arith.constant 0 : i32
        %dma_start3A_352 = tpu.memref_slice %arg21[%dma_start3A_350, %dma_start3A_351] : memref<4096x128xf32, #tpu.memory_space<vmem_shared>> -> memref<4096x128xf32, #tpu.memory_space<vmem_shared>>
        tpu.enqueue_indirect_dma source(%dma_start3A_352 : memref<4096x128xf32, #tpu.memory_space<vmem_shared>>) target(%arg16 : memref<128x128xf32, #tpu.memory_space<vmem>>) offsets(%arg14 : memref<128xi32, #tpu.memory_space<vmem>>) semaphore(%arg22 : memref<!tpu.dma_semaphore, #tpu.memory_space<semaphore_mem>>)
      } else {
      }
      %eq3A_204 = arith.constant 0 : i32
      %eq3A_205 = arith.cmpi eq, %rem3A_187, %eq3A_204 : i32
      %convert_element_type3A_206 = arith.extui %eq3A_205 : i1 to i32
      %cond3A_207 = arith.constant 0 : i32
      %cond3A_208 = arith.cmpi ne, %convert_element_type3A_206, %cond3A_207 : i32
      scf.if %cond3A_208 {
        %dma_wait3A_215 = arith.constant 0 : i32
        %dma_wait3A_216 = arith.constant 0 : i32
        %dma_wait3A_217 = tpu.memref_slice %arg3[%dma_wait3A_215, %dma_wait3A_216] : memref<4096x128xf32, #tpu.memory_space<hbm>> -> memref<128x128xf32, #tpu.memory_space<hbm>>
        %dma_wait3A_218 = arith.constant 0 : i32
        %dma_wait3A_219 = arith.constant 0 : i32
        %dma_wait3A_220 = tpu.memref_slice %arg3[%dma_wait3A_218, %dma_wait3A_219] : memref<4096x128xf32, #tpu.memory_space<hbm>> -> memref<128x128xf32, #tpu.memory_space<hbm>>
        tpu.wait_dma2 semaphore(%arg22 : memref<!tpu.dma_semaphore, #tpu.memory_space<semaphore_mem>>) src(%dma_wait3A_220 : memref<128x128xf32, #tpu.memory_space<hbm>>) dst(%arg16 : memref<128x128xf32, #tpu.memory_space<vmem>>)
        %dma_start3A_221 = arith.constant 0 : i32
        %dma_start3A_222 = arith.constant 0 : i32
        %dma_start3A_223 = tpu.memref_slice %arg20[%dma_start3A_221, %dma_start3A_222] : memref<2064x128xf32, #tpu.memory_space<vmem_shared>> -> memref<2064x128xf32, #tpu.memory_space<vmem_shared>>
        tpu.enqueue_indirect_dma source(%arg16 : memref<128x128xf32, #tpu.memory_space<vmem>>) target(%dma_start3A_223 : memref<2064x128xf32, #tpu.memory_space<vmem_shared>>) offsets(%arg15 : memref<128xi32, #tpu.memory_space<vmem>>) semaphore(%arg22 : memref<!tpu.dma_semaphore, #tpu.memory_space<semaphore_mem>>) {add = true}
      } else {
      }
      %eq3A_209 = arith.constant 1 : i32
      %eq3A_210 = arith.cmpi eq, %rem3A_187, %eq3A_209 : i32
      %convert_element_type3A_211 = arith.extui %eq3A_210 : i1 to i32
      %cond3A_212 = arith.constant 0 : i32
      %cond3A_213 = arith.cmpi ne, %convert_element_type3A_211, %cond3A_212 : i32
      scf.if %cond3A_213 {
        %dma_wait3A_215 = arith.constant 0 : i32
        %dma_wait3A_216 = arith.constant 0 : i32
        %dma_wait3A_217 = tpu.memref_slice %arg3[%dma_wait3A_215, %dma_wait3A_216] : memref<4096x128xf32, #tpu.memory_space<hbm>> -> memref<128x128xf32, #tpu.memory_space<hbm>>
        %dma_wait3A_218 = arith.constant 0 : i32
        %dma_wait3A_219 = arith.constant 0 : i32
        %dma_wait3A_220 = tpu.memref_slice %arg3[%dma_wait3A_218, %dma_wait3A_219] : memref<4096x128xf32, #tpu.memory_space<hbm>> -> memref<128x128xf32, #tpu.memory_space<hbm>>
        tpu.wait_dma2 semaphore(%arg23 : memref<!tpu.dma_semaphore, #tpu.memory_space<semaphore_mem>>) src(%dma_wait3A_220 : memref<128x128xf32, #tpu.memory_space<hbm>>) dst(%arg19 : memref<128x128xf32, #tpu.memory_space<vmem>>)
        %dma_start3A_221 = arith.constant 0 : i32
        %dma_start3A_222 = arith.constant 0 : i32
        %dma_start3A_223 = tpu.memref_slice %arg20[%dma_start3A_221, %dma_start3A_222] : memref<2064x128xf32, #tpu.memory_space<vmem_shared>> -> memref<2064x128xf32, #tpu.memory_space<vmem_shared>>
        tpu.enqueue_indirect_dma source(%arg19 : memref<128x128xf32, #tpu.memory_space<vmem>>) target(%dma_start3A_223 : memref<2064x128xf32, #tpu.memory_space<vmem_shared>>) offsets(%arg18 : memref<128xi32, #tpu.memory_space<vmem>>) semaphore(%arg23 : memref<!tpu.dma_semaphore, #tpu.memory_space<semaphore_mem>>) {add = true}
      } else {
      }
      %while3A_214 = arith.constant 0 : i32
      scf.yield %while3A_214 : i32
    }
    %while3A_168 = arith.constant 1 : i32
    %while3A_169 = scf.for %while3A_184 = %while3A_165 to %while3A_161 step %while3A_168 iter_args(%while3A_185 = %while3A_167) -> (i32)  : i32 {
      %rem3A_186 = arith.constant 2 : i32
      %rem3A_187 = arith.remsi %while3A_184, %rem3A_186 : i32
      %eq3A = arith.constant 0 : i32
      %eq3A_188 = arith.cmpi eq, %rem3A_187, %eq3A : i32
      %add3A_189 = arith.constant 1 : i32
      %add3A_190 = arith.addi %while3A_184, %add3A_189 : i32
      %lt3A = arith.cmpi slt, %add3A_190, %select_n3A_155 : i32
      %and3A_191 = arith.andi %eq3A_188, %lt3A : i1
      %convert_element_type3A_192 = arith.extui %and3A_191 : i1 to i32
      %cond3A_193 = arith.constant 0 : i32
      %cond3A_194 = arith.cmpi ne, %convert_element_type3A_192, %cond3A_193 : i32
      scf.if %cond3A_194 {
        %ge3A = arith.constant 1 : i32
        %ge3A_215 = arith.cmpi sge, %while3A_184, %ge3A : i32
        %convert_element_type3A_216 = arith.extui %ge3A_215 : i1 to i32
        %cond3A_217 = arith.constant 0 : i32
        %cond3A_218 = arith.cmpi ne, %convert_element_type3A_216, %cond3A_217 : i32
        scf.if %cond3A_218 {
          %dma_wait3A_351 = arith.constant 0 : i32
          %dma_wait3A_352 = arith.constant 0 : i32
          %dma_wait3A_353 = tpu.memref_slice %arg3[%dma_wait3A_351, %dma_wait3A_352] : memref<4096x128xf32, #tpu.memory_space<hbm>> -> memref<128x128xf32, #tpu.memory_space<hbm>>
          %dma_wait3A_354 = arith.constant 0 : i32
          %dma_wait3A_355 = arith.constant 0 : i32
          %dma_wait3A_356 = tpu.memref_slice %arg3[%dma_wait3A_354, %dma_wait3A_355] : memref<4096x128xf32, #tpu.memory_space<hbm>> -> memref<128x128xf32, #tpu.memory_space<hbm>>
          tpu.wait_dma2 semaphore(%arg23 : memref<!tpu.dma_semaphore, #tpu.memory_space<semaphore_mem>>) src(%dma_wait3A_356 : memref<128x128xf32, #tpu.memory_space<hbm>>) dst(%arg19 : memref<128x128xf32, #tpu.memory_space<vmem>>)
        } else {
        }
        %add3A_219 = arith.constant 1 : i32
        %add3A_220 = arith.addi %while3A_184, %add3A_219 : i32
        %mul3A_221 = arith.constant 128 : i32
        %mul3A_222 = arith.muli %add3A_220, %mul3A_221 : i32
        %add3A_223 = arith.constant 0 : i32
        %add3A_224 = arith.addi %mul3A_222, %add3A_223 : i32
        %get3A = arith.index_cast %add3A_224 : i32 to index
        %get3A_225 = tpu.vector_load %arg9[%get3A] {strides = array<i32>} : memref<4112xi32, #tpu.memory_space<vmem>>, vector<16xi32>,
        %swap3A_226 = arith.constant 0 : index
        %swap3A_227 = tpu.vector_load %arg17[%swap3A_226] {strides = array<i32>} : memref<128xi32, #tpu.memory_space<vmem>>, vector<16xi32>,
        tpu.vector_store %arg17[%swap3A_226], %get3A_225 {strides = array<i32>} : memref<128xi32, #tpu.memory_space<vmem>>, vector<16xi32>,
        %mul3A_228 = arith.constant 128 : i32
        %mul3A_229 = arith.muli %add3A_220, %mul3A_228 : i32
        %add3A_230 = arith.constant 0 : i32
        %add3A_231 = arith.addi %mul3A_229, %add3A_230 : i32
        %get3A_232 = arith.index_cast %add3A_231 : i32 to index
        %get3A_233 = tpu.vector_load %arg10[%get3A_232] {strides = array<i32>} : memref<4112xi32, #tpu.memory_space<vmem>>, vector<16xi32>,
        %swap3A_234 = arith.constant 0 : index
        %swap3A_235 = tpu.vector_load %arg18[%swap3A_234] {strides = array<i32>} : memref<128xi32, #tpu.memory_space<vmem>>, vector<16xi32>,
        tpu.vector_store %arg18[%swap3A_234], %get3A_233 {strides = array<i32>} : memref<128xi32, #tpu.memory_space<vmem>>, vector<16xi32>,
        %mul3A_236 = arith.constant 128 : i32
        %mul3A_237 = arith.muli %add3A_220, %mul3A_236 : i32
        %add3A_238 = arith.constant 16 : i32
        %add3A_239 = arith.addi %mul3A_237, %add3A_238 : i32
        %get3A_240 = arith.index_cast %add3A_239 : i32 to index
        %get3A_241 = tpu.vector_load %arg9[%get3A_240] {strides = array<i32>} : memref<4112xi32, #tpu.memory_space<vmem>>, vector<16xi32>,
        %swap3A_242 = arith.constant 16 : index
        %swap3A_243 = tpu.vector_load %arg17[%swap3A_242] {strides = array<i32>} : memref<128xi32, #tpu.memory_space<vmem>>, vector<16xi32>,
        tpu.vector_store %arg17[%swap3A_242], %get3A_241 {strides = array<i32>} : memref<128xi32, #tpu.memory_space<vmem>>, vector<16xi32>,
        %mul3A_244 = arith.constant 128 : i32
        %mul3A_245 = arith.muli %add3A_220, %mul3A_244 : i32
        %add3A_246 = arith.constant 16 : i32
        %add3A_247 = arith.addi %mul3A_245, %add3A_246 : i32
        %get3A_248 = arith.index_cast %add3A_247 : i32 to index
        %get3A_249 = tpu.vector_load %arg10[%get3A_248] {strides = array<i32>} : memref<4112xi32, #tpu.memory_space<vmem>>, vector<16xi32>,
        %swap3A_250 = arith.constant 16 : index
        %swap3A_251 = tpu.vector_load %arg18[%swap3A_250] {strides = array<i32>} : memref<128xi32, #tpu.memory_space<vmem>>, vector<16xi32>,
        tpu.vector_store %arg18[%swap3A_250], %get3A_249 {strides = array<i32>} : memref<128xi32, #tpu.memory_space<vmem>>, vector<16xi32>,
        %mul3A_252 = arith.constant 128 : i32
        %mul3A_253 = arith.muli %add3A_220, %mul3A_252 : i32
        %add3A_254 = arith.constant 32 : i32
        %add3A_255 = arith.addi %mul3A_253, %add3A_254 : i32
        %get3A_256 = arith.index_cast %add3A_255 : i32 to index
        %get3A_257 = tpu.vector_load %arg9[%get3A_256] {strides = array<i32>} : memref<4112xi32, #tpu.memory_space<vmem>>, vector<16xi32>,
        %swap3A_258 = arith.constant 32 : index
        %swap3A_259 = tpu.vector_load %arg17[%swap3A_258] {strides = array<i32>} : memref<128xi32, #tpu.memory_space<vmem>>, vector<16xi32>,
        tpu.vector_store %arg17[%swap3A_258], %get3A_257 {strides = array<i32>} : memref<128xi32, #tpu.memory_space<vmem>>, vector<16xi32>,
        %mul3A_260 = arith.constant 128 : i32
        %mul3A_261 = arith.muli %add3A_220, %mul3A_260 : i32
        %add3A_262 = arith.constant 32 : i32
        %add3A_263 = arith.addi %mul3A_261, %add3A_262 : i32
        %get3A_264 = arith.index_cast %add3A_263 : i32 to index
        %get3A_265 = tpu.vector_load %arg10[%get3A_264] {strides = array<i32>} : memref<4112xi32, #tpu.memory_space<vmem>>, vector<16xi32>,
        %swap3A_266 = arith.constant 32 : index
        %swap3A_267 = tpu.vector_load %arg18[%swap3A_266] {strides = array<i32>} : memref<128xi32, #tpu.memory_space<vmem>>, vector<16xi32>,
        tpu.vector_store %arg18[%swap3A_266], %get3A_265 {strides = array<i32>} : memref<128xi32, #tpu.memory_space<vmem>>, vector<16xi32>,
        %mul3A_268 = arith.constant 128 : i32
        %mul3A_269 = arith.muli %add3A_220, %mul3A_268 : i32
        %add3A_270 = arith.constant 48 : i32
        %add3A_271 = arith.addi %mul3A_269, %add3A_270 : i32
        %get3A_272 = arith.index_cast %add3A_271 : i32 to index
        %get3A_273 = tpu.vector_load %arg9[%get3A_272] {strides = array<i32>} : memref<4112xi32, #tpu.memory_space<vmem>>, vector<16xi32>,
        %swap3A_274 = arith.constant 48 : index
        %swap3A_275 = tpu.vector_load %arg17[%swap3A_274] {strides = array<i32>} : memref<128xi32, #tpu.memory_space<vmem>>, vector<16xi32>,
        tpu.vector_store %arg17[%swap3A_274], %get3A_273 {strides = array<i32>} : memref<128xi32, #tpu.memory_space<vmem>>, vector<16xi32>,
        %mul3A_276 = arith.constant 128 : i32
        %mul3A_277 = arith.muli %add3A_220, %mul3A_276 : i32
        %add3A_278 = arith.constant 48 : i32
        %add3A_279 = arith.addi %mul3A_277, %add3A_278 : i32
        %get3A_280 = arith.index_cast %add3A_279 : i32 to index
        %get3A_281 = tpu.vector_load %arg10[%get3A_280] {strides = array<i32>} : memref<4112xi32, #tpu.memory_space<vmem>>, vector<16xi32>,
        %swap3A_282 = arith.constant 48 : index
        %swap3A_283 = tpu.vector_load %arg18[%swap3A_282] {strides = array<i32>} : memref<128xi32, #tpu.memory_space<vmem>>, vector<16xi32>,
        tpu.vector_store %arg18[%swap3A_282], %get3A_281 {strides = array<i32>} : memref<128xi32, #tpu.memory_space<vmem>>, vector<16xi32>,
        %mul3A_284 = arith.constant 128 : i32
        %mul3A_285 = arith.muli %add3A_220, %mul3A_284 : i32
        %add3A_286 = arith.constant 64 : i32
        %add3A_287 = arith.addi %mul3A_285, %add3A_286 : i32
        %get3A_288 = arith.index_cast %add3A_287 : i32 to index
        %get3A_289 = tpu.vector_load %arg9[%get3A_288] {strides = array<i32>} : memref<4112xi32, #tpu.memory_space<vmem>>, vector<16xi32>,
        %swap3A_290 = arith.constant 64 : index
        %swap3A_291 = tpu.vector_load %arg17[%swap3A_290] {strides = array<i32>} : memref<128xi32, #tpu.memory_space<vmem>>, vector<16xi32>,
        tpu.vector_store %arg17[%swap3A_290], %get3A_289 {strides = array<i32>} : memref<128xi32, #tpu.memory_space<vmem>>, vector<16xi32>,
        %mul3A_292 = arith.constant 128 : i32
        %mul3A_293 = arith.muli %add3A_220, %mul3A_292 : i32
        %add3A_294 = arith.constant 64 : i32
        %add3A_295 = arith.addi %mul3A_293, %add3A_294 : i32
        %get3A_296 = arith.index_cast %add3A_295 : i32 to index
        %get3A_297 = tpu.vector_load %arg10[%get3A_296] {strides = array<i32>} : memref<4112xi32, #tpu.memory_space<vmem>>, vector<16xi32>,
        %swap3A_298 = arith.constant 64 : index
        %swap3A_299 = tpu.vector_load %arg18[%swap3A_298] {strides = array<i32>} : memref<128xi32, #tpu.memory_space<vmem>>, vector<16xi32>,
        tpu.vector_store %arg18[%swap3A_298], %get3A_297 {strides = array<i32>} : memref<128xi32, #tpu.memory_space<vmem>>, vector<16xi32>,
        %mul3A_300 = arith.constant 128 : i32
        %mul3A_301 = arith.muli %add3A_220, %mul3A_300 : i32
        %add3A_302 = arith.constant 80 : i32
        %add3A_303 = arith.addi %mul3A_301, %add3A_302 : i32
        %get3A_304 = arith.index_cast %add3A_303 : i32 to index
        %get3A_305 = tpu.vector_load %arg9[%get3A_304] {strides = array<i32>} : memref<4112xi32, #tpu.memory_space<vmem>>, vector<16xi32>,
        %swap3A_306 = arith.constant 80 : index
        %swap3A_307 = tpu.vector_load %arg17[%swap3A_306] {strides = array<i32>} : memref<128xi32, #tpu.memory_space<vmem>>, vector<16xi32>,
        tpu.vector_store %arg17[%swap3A_306], %get3A_305 {strides = array<i32>} : memref<128xi32, #tpu.memory_space<vmem>>, vector<16xi32>,
        %mul3A_308 = arith.constant 128 : i32
        %mul3A_309 = arith.muli %add3A_220, %mul3A_308 : i32
        %add3A_310 = arith.constant 80 : i32
        %add3A_311 = arith.addi %mul3A_309, %add3A_310 : i32
        %get3A_312 = arith.index_cast %add3A_311 : i32 to index
        %get3A_313 = tpu.vector_load %arg10[%get3A_312] {strides = array<i32>} : memref<4112xi32, #tpu.memory_space<vmem>>, vector<16xi32>,
        %swap3A_314 = arith.constant 80 : index
        %swap3A_315 = tpu.vector_load %arg18[%swap3A_314] {strides = array<i32>} : memref<128xi32, #tpu.memory_space<vmem>>, vector<16xi32>,
        tpu.vector_store %arg18[%swap3A_314], %get3A_313 {strides = array<i32>} : memref<128xi32, #tpu.memory_space<vmem>>, vector<16xi32>,
        %mul3A_316 = arith.constant 128 : i32
        %mul3A_317 = arith.muli %add3A_220, %mul3A_316 : i32
        %add3A_318 = arith.constant 96 : i32
        %add3A_319 = arith.addi %mul3A_317, %add3A_318 : i32
        %get3A_320 = arith.index_cast %add3A_319 : i32 to index
        %get3A_321 = tpu.vector_load %arg9[%get3A_320] {strides = array<i32>} : memref<4112xi32, #tpu.memory_space<vmem>>, vector<16xi32>,
        %swap3A_322 = arith.constant 96 : index
        %swap3A_323 = tpu.vector_load %arg17[%swap3A_322] {strides = array<i32>} : memref<128xi32, #tpu.memory_space<vmem>>, vector<16xi32>,
        tpu.vector_store %arg17[%swap3A_322], %get3A_321 {strides = array<i32>} : memref<128xi32, #tpu.memory_space<vmem>>, vector<16xi32>,
        %mul3A_324 = arith.constant 128 : i32
        %mul3A_325 = arith.muli %add3A_220, %mul3A_324 : i32
        %add3A_326 = arith.constant 96 : i32
        %add3A_327 = arith.addi %mul3A_325, %add3A_326 : i32
        %get3A_328 = arith.index_cast %add3A_327 : i32 to index
        %get3A_329 = tpu.vector_load %arg10[%get3A_328] {strides = array<i32>} : memref<4112xi32, #tpu.memory_space<vmem>>, vector<16xi32>,
        %swap3A_330 = arith.constant 96 : index
        %swap3A_331 = tpu.vector_load %arg18[%swap3A_330] {strides = array<i32>} : memref<128xi32, #tpu.memory_space<vmem>>, vector<16xi32>,
        tpu.vector_store %arg18[%swap3A_330], %get3A_329 {strides = array<i32>} : memref<128xi32, #tpu.memory_space<vmem>>, vector<16xi32>,
        %mul3A_332 = arith.constant 128 : i32
        %mul3A_333 = arith.muli %add3A_220, %mul3A_332 : i32
        %add3A_334 = arith.constant 112 : i32
        %add3A_335 = arith.addi %mul3A_333, %add3A_334 : i32
        %get3A_336 = arith.index_cast %add3A_335 : i32 to index
        %get3A_337 = tpu.vector_load %arg9[%get3A_336] {strides = array<i32>} : memref<4112xi32, #tpu.memory_space<vmem>>, vector<16xi32>,
        %swap3A_338 = arith.constant 112 : index
        %swap3A_339 = tpu.vector_load %arg17[%swap3A_338] {strides = array<i32>} : memref<128xi32, #tpu.memory_space<vmem>>, vector<16xi32>,
        tpu.vector_store %arg17[%swap3A_338], %get3A_337 {strides = array<i32>} : memref<128xi32, #tpu.memory_space<vmem>>, vector<16xi32>,
        %mul3A_340 = arith.constant 128 : i32
        %mul3A_341 = arith.muli %add3A_220, %mul3A_340 : i32
        %add3A_342 = arith.constant 112 : i32
        %add3A_343 = arith.addi %mul3A_341, %add3A_342 : i32
        %get3A_344 = arith.index_cast %add3A_343 : i32 to index
        %get3A_345 = tpu.vector_load %arg10[%get3A_344] {strides = array<i32>} : memref<4112xi32, #tpu.memory_space<vmem>>, vector<16xi32>,
        %swap3A_346 = arith.constant 112 : index
        %swap3A_347 = tpu.vector_load %arg18[%swap3A_346] {strides = array<i32>} : memref<128xi32, #tpu.memory_space<vmem>>, vector<16xi32>,
        tpu.vector_store %arg18[%swap3A_346], %get3A_345 {strides = array<i32>} : memref<128xi32, #tpu.memory_space<vmem>>, vector<16xi32>,
        %dma_start3A_348 = arith.constant 0 : i32
        %dma_start3A_349 = arith.constant 0 : i32
        %dma_start3A_350 = tpu.memref_slice %arg21[%dma_start3A_348, %dma_start3A_349] : memref<4096x128xf32, #tpu.memory_space<vmem_shared>> -> memref<4096x128xf32, #tpu.memory_space<vmem_shared>>
        tpu.enqueue_indirect_dma source(%dma_start3A_350 : memref<4096x128xf32, #tpu.memory_space<vmem_shared>>) target(%arg19 : memref<128x128xf32, #tpu.memory_space<vmem>>) offsets(%arg17 : memref<128xi32, #tpu.memory_space<vmem>>) semaphore(%arg23 : memref<!tpu.dma_semaphore, #tpu.memory_space<semaphore_mem>>)
      } else {
      }
      %eq3A_195 = arith.constant 1 : i32
      %eq3A_196 = arith.cmpi eq, %rem3A_187, %eq3A_195 : i32
      %add3A_197 = arith.constant 1 : i32
      %add3A_198 = arith.addi %while3A_184, %add3A_197 : i32
      %lt3A_199 = arith.cmpi slt, %add3A_198, %select_n3A_155 : i32
      %and3A_200 = arith.andi %eq3A_196, %lt3A_199 : i1
      %convert_element_type3A_201 = arith.extui %and3A_200 : i1 to i32
      %cond3A_202 = arith.constant 0 : i32
      %cond3A_203 = arith.cmpi ne, %convert_element_type3A_201, %cond3A_202 : i32
      scf.if %cond3A_203 {
        %dma_wait3A_215 = arith.constant 0 : i32
        %dma_wait3A_216 = arith.constant 0 : i32
        %dma_wait3A_217 = tpu.memref_slice %arg3[%dma_wait3A_215, %dma_wait3A_216] : memref<4096x128xf32, #tpu.memory_space<hbm>> -> memref<128x128xf32, #tpu.memory_space<hbm>>
        %dma_wait3A_218 = arith.constant 0 : i32
        %dma_wait3A_219 = arith.constant 0 : i32
        %dma_wait3A_220 = tpu.memref_slice %arg3[%dma_wait3A_218, %dma_wait3A_219] : memref<4096x128xf32, #tpu.memory_space<hbm>> -> memref<128x128xf32, #tpu.memory_space<hbm>>
        tpu.wait_dma2 semaphore(%arg22 : memref<!tpu.dma_semaphore, #tpu.memory_space<semaphore_mem>>) src(%dma_wait3A_220 : memref<128x128xf32, #tpu.memory_space<hbm>>) dst(%arg16 : memref<128x128xf32, #tpu.memory_space<vmem>>)
        %add3A_221 = arith.constant 1 : i32
        %add3A_222 = arith.addi %while3A_184, %add3A_221 : i32
        %mul3A_223 = arith.constant 128 : i32
        %mul3A_224 = arith.muli %add3A_222, %mul3A_223 : i32
        %add3A_225 = arith.constant 0 : i32
        %add3A_226 = arith.addi %mul3A_224, %add3A_225 : i32
        %get3A = arith.index_cast %add3A_226 : i32 to index
        %get3A_227 = tpu.vector_load %arg9[%get3A] {strides = array<i32>} : memref<4112xi32, #tpu.memory_space<vmem>>, vector<16xi32>,
        %swap3A_228 = arith.constant 0 : index
        %swap3A_229 = tpu.vector_load %arg14[%swap3A_228] {strides = array<i32>} : memref<128xi32, #tpu.memory_space<vmem>>, vector<16xi32>,
        tpu.vector_store %arg14[%swap3A_228], %get3A_227 {strides = array<i32>} : memref<128xi32, #tpu.memory_space<vmem>>, vector<16xi32>,
        %mul3A_230 = arith.constant 128 : i32
        %mul3A_231 = arith.muli %add3A_222, %mul3A_230 : i32
        %add3A_232 = arith.constant 0 : i32
        %add3A_233 = arith.addi %mul3A_231, %add3A_232 : i32
        %get3A_234 = arith.index_cast %add3A_233 : i32 to index
        %get3A_235 = tpu.vector_load %arg10[%get3A_234] {strides = array<i32>} : memref<4112xi32, #tpu.memory_space<vmem>>, vector<16xi32>,
        %swap3A_236 = arith.constant 0 : index
        %swap3A_237 = tpu.vector_load %arg15[%swap3A_236] {strides = array<i32>} : memref<128xi32, #tpu.memory_space<vmem>>, vector<16xi32>,
        tpu.vector_store %arg15[%swap3A_236], %get3A_235 {strides = array<i32>} : memref<128xi32, #tpu.memory_space<vmem>>, vector<16xi32>,
        %mul3A_238 = arith.constant 128 : i32
        %mul3A_239 = arith.muli %add3A_222, %mul3A_238 : i32
        %add3A_240 = arith.constant 16 : i32
        %add3A_241 = arith.addi %mul3A_239, %add3A_240 : i32
        %get3A_242 = arith.index_cast %add3A_241 : i32 to index
        %get3A_243 = tpu.vector_load %arg9[%get3A_242] {strides = array<i32>} : memref<4112xi32, #tpu.memory_space<vmem>>, vector<16xi32>,
        %swap3A_244 = arith.constant 16 : index
        %swap3A_245 = tpu.vector_load %arg14[%swap3A_244] {strides = array<i32>} : memref<128xi32, #tpu.memory_space<vmem>>, vector<16xi32>,
        tpu.vector_store %arg14[%swap3A_244], %get3A_243 {strides = array<i32>} : memref<128xi32, #tpu.memory_space<vmem>>, vector<16xi32>,
        %mul3A_246 = arith.constant 128 : i32
        %mul3A_247 = arith.muli %add3A_222, %mul3A_246 : i32
        %add3A_248 = arith.constant 16 : i32
        %add3A_249 = arith.addi %mul3A_247, %add3A_248 : i32
        %get3A_250 = arith.index_cast %add3A_249 : i32 to index
        %get3A_251 = tpu.vector_load %arg10[%get3A_250] {strides = array<i32>} : memref<4112xi32, #tpu.memory_space<vmem>>, vector<16xi32>,
        %swap3A_252 = arith.constant 16 : index
        %swap3A_253 = tpu.vector_load %arg15[%swap3A_252] {strides = array<i32>} : memref<128xi32, #tpu.memory_space<vmem>>, vector<16xi32>,
        tpu.vector_store %arg15[%swap3A_252], %get3A_251 {strides = array<i32>} : memref<128xi32, #tpu.memory_space<vmem>>, vector<16xi32>,
        %mul3A_254 = arith.constant 128 : i32
        %mul3A_255 = arith.muli %add3A_222, %mul3A_254 : i32
        %add3A_256 = arith.constant 32 : i32
        %add3A_257 = arith.addi %mul3A_255, %add3A_256 : i32
        %get3A_258 = arith.index_cast %add3A_257 : i32 to index
        %get3A_259 = tpu.vector_load %arg9[%get3A_258] {strides = array<i32>} : memref<4112xi32, #tpu.memory_space<vmem>>, vector<16xi32>,
        %swap3A_260 = arith.constant 32 : index
        %swap3A_261 = tpu.vector_load %arg14[%swap3A_260] {strides = array<i32>} : memref<128xi32, #tpu.memory_space<vmem>>, vector<16xi32>,
        tpu.vector_store %arg14[%swap3A_260], %get3A_259 {strides = array<i32>} : memref<128xi32, #tpu.memory_space<vmem>>, vector<16xi32>,
        %mul3A_262 = arith.constant 128 : i32
        %mul3A_263 = arith.muli %add3A_222, %mul3A_262 : i32
        %add3A_264 = arith.constant 32 : i32
        %add3A_265 = arith.addi %mul3A_263, %add3A_264 : i32
        %get3A_266 = arith.index_cast %add3A_265 : i32 to index
        %get3A_267 = tpu.vector_load %arg10[%get3A_266] {strides = array<i32>} : memref<4112xi32, #tpu.memory_space<vmem>>, vector<16xi32>,
        %swap3A_268 = arith.constant 32 : index
        %swap3A_269 = tpu.vector_load %arg15[%swap3A_268] {strides = array<i32>} : memref<128xi32, #tpu.memory_space<vmem>>, vector<16xi32>,
        tpu.vector_store %arg15[%swap3A_268], %get3A_267 {strides = array<i32>} : memref<128xi32, #tpu.memory_space<vmem>>, vector<16xi32>,
        %mul3A_270 = arith.constant 128 : i32
        %mul3A_271 = arith.muli %add3A_222, %mul3A_270 : i32
        %add3A_272 = arith.constant 48 : i32
        %add3A_273 = arith.addi %mul3A_271, %add3A_272 : i32
        %get3A_274 = arith.index_cast %add3A_273 : i32 to index
        %get3A_275 = tpu.vector_load %arg9[%get3A_274] {strides = array<i32>} : memref<4112xi32, #tpu.memory_space<vmem>>, vector<16xi32>,
        %swap3A_276 = arith.constant 48 : index
        %swap3A_277 = tpu.vector_load %arg14[%swap3A_276] {strides = array<i32>} : memref<128xi32, #tpu.memory_space<vmem>>, vector<16xi32>,
        tpu.vector_store %arg14[%swap3A_276], %get3A_275 {strides = array<i32>} : memref<128xi32, #tpu.memory_space<vmem>>, vector<16xi32>,
        %mul3A_278 = arith.constant 128 : i32
        %mul3A_279 = arith.muli %add3A_222, %mul3A_278 : i32
        %add3A_280 = arith.constant 48 : i32
        %add3A_281 = arith.addi %mul3A_279, %add3A_280 : i32
        %get3A_282 = arith.index_cast %add3A_281 : i32 to index
        %get3A_283 = tpu.vector_load %arg10[%get3A_282] {strides = array<i32>} : memref<4112xi32, #tpu.memory_space<vmem>>, vector<16xi32>,
        %swap3A_284 = arith.constant 48 : index
        %swap3A_285 = tpu.vector_load %arg15[%swap3A_284] {strides = array<i32>} : memref<128xi32, #tpu.memory_space<vmem>>, vector<16xi32>,
        tpu.vector_store %arg15[%swap3A_284], %get3A_283 {strides = array<i32>} : memref<128xi32, #tpu.memory_space<vmem>>, vector<16xi32>,
        %mul3A_286 = arith.constant 128 : i32
        %mul3A_287 = arith.muli %add3A_222, %mul3A_286 : i32
        %add3A_288 = arith.constant 64 : i32
        %add3A_289 = arith.addi %mul3A_287, %add3A_288 : i32
        %get3A_290 = arith.index_cast %add3A_289 : i32 to index
        %get3A_291 = tpu.vector_load %arg9[%get3A_290] {strides = array<i32>} : memref<4112xi32, #tpu.memory_space<vmem>>, vector<16xi32>,
        %swap3A_292 = arith.constant 64 : index
        %swap3A_293 = tpu.vector_load %arg14[%swap3A_292] {strides = array<i32>} : memref<128xi32, #tpu.memory_space<vmem>>, vector<16xi32>,
        tpu.vector_store %arg14[%swap3A_292], %get3A_291 {strides = array<i32>} : memref<128xi32, #tpu.memory_space<vmem>>, vector<16xi32>,
        %mul3A_294 = arith.constant 128 : i32
        %mul3A_295 = arith.muli %add3A_222, %mul3A_294 : i32
        %add3A_296 = arith.constant 64 : i32
        %add3A_297 = arith.addi %mul3A_295, %add3A_296 : i32
        %get3A_298 = arith.index_cast %add3A_297 : i32 to index
        %get3A_299 = tpu.vector_load %arg10[%get3A_298] {strides = array<i32>} : memref<4112xi32, #tpu.memory_space<vmem>>, vector<16xi32>,
        %swap3A_300 = arith.constant 64 : index
        %swap3A_301 = tpu.vector_load %arg15[%swap3A_300] {strides = array<i32>} : memref<128xi32, #tpu.memory_space<vmem>>, vector<16xi32>,
        tpu.vector_store %arg15[%swap3A_300], %get3A_299 {strides = array<i32>} : memref<128xi32, #tpu.memory_space<vmem>>, vector<16xi32>,
        %mul3A_302 = arith.constant 128 : i32
        %mul3A_303 = arith.muli %add3A_222, %mul3A_302 : i32
        %add3A_304 = arith.constant 80 : i32
        %add3A_305 = arith.addi %mul3A_303, %add3A_304 : i32
        %get3A_306 = arith.index_cast %add3A_305 : i32 to index
        %get3A_307 = tpu.vector_load %arg9[%get3A_306] {strides = array<i32>} : memref<4112xi32, #tpu.memory_space<vmem>>, vector<16xi32>,
        %swap3A_308 = arith.constant 80 : index
        %swap3A_309 = tpu.vector_load %arg14[%swap3A_308] {strides = array<i32>} : memref<128xi32, #tpu.memory_space<vmem>>, vector<16xi32>,
        tpu.vector_store %arg14[%swap3A_308], %get3A_307 {strides = array<i32>} : memref<128xi32, #tpu.memory_space<vmem>>, vector<16xi32>,
        %mul3A_310 = arith.constant 128 : i32
        %mul3A_311 = arith.muli %add3A_222, %mul3A_310 : i32
        %add3A_312 = arith.constant 80 : i32
        %add3A_313 = arith.addi %mul3A_311, %add3A_312 : i32
        %get3A_314 = arith.index_cast %add3A_313 : i32 to index
        %get3A_315 = tpu.vector_load %arg10[%get3A_314] {strides = array<i32>} : memref<4112xi32, #tpu.memory_space<vmem>>, vector<16xi32>,
        %swap3A_316 = arith.constant 80 : index
        %swap3A_317 = tpu.vector_load %arg15[%swap3A_316] {strides = array<i32>} : memref<128xi32, #tpu.memory_space<vmem>>, vector<16xi32>,
        tpu.vector_store %arg15[%swap3A_316], %get3A_315 {strides = array<i32>} : memref<128xi32, #tpu.memory_space<vmem>>, vector<16xi32>,
        %mul3A_318 = arith.constant 128 : i32
        %mul3A_319 = arith.muli %add3A_222, %mul3A_318 : i32
        %add3A_320 = arith.constant 96 : i32
        %add3A_321 = arith.addi %mul3A_319, %add3A_320 : i32
        %get3A_322 = arith.index_cast %add3A_321 : i32 to index
        %get3A_323 = tpu.vector_load %arg9[%get3A_322] {strides = array<i32>} : memref<4112xi32, #tpu.memory_space<vmem>>, vector<16xi32>,
        %swap3A_324 = arith.constant 96 : index
        %swap3A_325 = tpu.vector_load %arg14[%swap3A_324] {strides = array<i32>} : memref<128xi32, #tpu.memory_space<vmem>>, vector<16xi32>,
        tpu.vector_store %arg14[%swap3A_324], %get3A_323 {strides = array<i32>} : memref<128xi32, #tpu.memory_space<vmem>>, vector<16xi32>,
        %mul3A_326 = arith.constant 128 : i32
        %mul3A_327 = arith.muli %add3A_222, %mul3A_326 : i32
        %add3A_328 = arith.constant 96 : i32
        %add3A_329 = arith.addi %mul3A_327, %add3A_328 : i32
        %get3A_330 = arith.index_cast %add3A_329 : i32 to index
        %get3A_331 = tpu.vector_load %arg10[%get3A_330] {strides = array<i32>} : memref<4112xi32, #tpu.memory_space<vmem>>, vector<16xi32>,
        %swap3A_332 = arith.constant 96 : index
        %swap3A_333 = tpu.vector_load %arg15[%swap3A_332] {strides = array<i32>} : memref<128xi32, #tpu.memory_space<vmem>>, vector<16xi32>,
        tpu.vector_store %arg15[%swap3A_332], %get3A_331 {strides = array<i32>} : memref<128xi32, #tpu.memory_space<vmem>>, vector<16xi32>,
        %mul3A_334 = arith.constant 128 : i32
        %mul3A_335 = arith.muli %add3A_222, %mul3A_334 : i32
        %add3A_336 = arith.constant 112 : i32
        %add3A_337 = arith.addi %mul3A_335, %add3A_336 : i32
        %get3A_338 = arith.index_cast %add3A_337 : i32 to index
        %get3A_339 = tpu.vector_load %arg9[%get3A_338] {strides = array<i32>} : memref<4112xi32, #tpu.memory_space<vmem>>, vector<16xi32>,
        %swap3A_340 = arith.constant 112 : index
        %swap3A_341 = tpu.vector_load %arg14[%swap3A_340] {strides = array<i32>} : memref<128xi32, #tpu.memory_space<vmem>>, vector<16xi32>,
        tpu.vector_store %arg14[%swap3A_340], %get3A_339 {strides = array<i32>} : memref<128xi32, #tpu.memory_space<vmem>>, vector<16xi32>,
        %mul3A_342 = arith.constant 128 : i32
        %mul3A_343 = arith.muli %add3A_222, %mul3A_342 : i32
        %add3A_344 = arith.constant 112 : i32
        %add3A_345 = arith.addi %mul3A_343, %add3A_344 : i32
        %get3A_346 = arith.index_cast %add3A_345 : i32 to index
        %get3A_347 = tpu.vector_load %arg10[%get3A_346] {strides = array<i32>} : memref<4112xi32, #tpu.memory_space<vmem>>, vector<16xi32>,
        %swap3A_348 = arith.constant 112 : index
        %swap3A_349 = tpu.vector_load %arg15[%swap3A_348] {strides = array<i32>} : memref<128xi32, #tpu.memory_space<vmem>>, vector<16xi32>,
        tpu.vector_store %arg15[%swap3A_348], %get3A_347 {strides = array<i32>} : memref<128xi32, #tpu.memory_space<vmem>>, vector<16xi32>,
        %dma_start3A_350 = arith.constant 0 : i32
        %dma_start3A_351 = arith.constant 0 : i32
        %dma_start3A_352 = tpu.memref_slice %arg21[%dma_start3A_350, %dma_start3A_351] : memref<4096x128xf32, #tpu.memory_space<vmem_shared>> -> memref<4096x128xf32, #tpu.memory_space<vmem_shared>>
        tpu.enqueue_indirect_dma source(%dma_start3A_352 : memref<4096x128xf32, #tpu.memory_space<vmem_shared>>) target(%arg16 : memref<128x128xf32, #tpu.memory_space<vmem>>) offsets(%arg14 : memref<128xi32, #tpu.memory_space<vmem>>) semaphore(%arg22 : memref<!tpu.dma_semaphore, #tpu.memory_space<semaphore_mem>>)
      } else {
      }
      %eq3A_204 = arith.constant 0 : i32
      %eq3A_205 = arith.cmpi eq, %rem3A_187, %eq3A_204 : i32
      %convert_element_type3A_206 = arith.extui %eq3A_205 : i1 to i32
      %cond3A_207 = arith.constant 0 : i32
      %cond3A_208 = arith.cmpi ne, %convert_element_type3A_206, %cond3A_207 : i32
      scf.if %cond3A_208 {
        %dma_wait3A_215 = arith.constant 0 : i32
        %dma_wait3A_216 = arith.constant 0 : i32
        %dma_wait3A_217 = tpu.memref_slice %arg3[%dma_wait3A_215, %dma_wait3A_216] : memref<4096x128xf32, #tpu.memory_space<hbm>> -> memref<128x128xf32, #tpu.memory_space<hbm>>
        %dma_wait3A_218 = arith.constant 0 : i32
        %dma_wait3A_219 = arith.constant 0 : i32
        %dma_wait3A_220 = tpu.memref_slice %arg3[%dma_wait3A_218, %dma_wait3A_219] : memref<4096x128xf32, #tpu.memory_space<hbm>> -> memref<128x128xf32, #tpu.memory_space<hbm>>
        tpu.wait_dma2 semaphore(%arg22 : memref<!tpu.dma_semaphore, #tpu.memory_space<semaphore_mem>>) src(%dma_wait3A_220 : memref<128x128xf32, #tpu.memory_space<hbm>>) dst(%arg16 : memref<128x128xf32, #tpu.memory_space<vmem>>)
        %dma_start3A_221 = arith.constant 0 : i32
        %dma_start3A_222 = arith.constant 0 : i32
        %dma_start3A_223 = tpu.memref_slice %arg20[%dma_start3A_221, %dma_start3A_222] : memref<2064x128xf32, #tpu.memory_space<vmem_shared>> -> memref<2064x128xf32, #tpu.memory_space<vmem_shared>>
        tpu.enqueue_indirect_dma source(%arg16 : memref<128x128xf32, #tpu.memory_space<vmem>>) target(%dma_start3A_223 : memref<2064x128xf32, #tpu.memory_space<vmem_shared>>) offsets(%arg15 : memref<128xi32, #tpu.memory_space<vmem>>) semaphore(%arg22 : memref<!tpu.dma_semaphore, #tpu.memory_space<semaphore_mem>>) {add = true}
      } else {
      }
      %eq3A_209 = arith.constant 1 : i32
      %eq3A_210 = arith.cmpi eq, %rem3A_187, %eq3A_209 : i32
      %convert_element_type3A_211 = arith.extui %eq3A_210 : i1 to i32
      %cond3A_212 = arith.constant 0 : i32
      %cond3A_213 = arith.cmpi ne, %convert_element_type3A_211, %cond3A_212 : i32
      scf.if %cond3A_213 {
        %dma_wait3A_215 = arith.constant 0 : i32
        %dma_wait3A_216 = arith.constant 0 : i32
        %dma_wait3A_217 = tpu.memref_slice %arg3[%dma_wait3A_215, %dma_wait3A_216] : memref<4096x128xf32, #tpu.memory_space<hbm>> -> memref<128x128xf32, #tpu.memory_space<hbm>>
        %dma_wait3A_218 = arith.constant 0 : i32
        %dma_wait3A_219 = arith.constant 0 : i32
        %dma_wait3A_220 = tpu.memref_slice %arg3[%dma_wait3A_218, %dma_wait3A_219] : memref<4096x128xf32, #tpu.memory_space<hbm>> -> memref<128x128xf32, #tpu.memory_space<hbm>>
        tpu.wait_dma2 semaphore(%arg23 : memref<!tpu.dma_semaphore, #tpu.memory_space<semaphore_mem>>) src(%dma_wait3A_220 : memref<128x128xf32, #tpu.memory_space<hbm>>) dst(%arg19 : memref<128x128xf32, #tpu.memory_space<vmem>>)
        %dma_start3A_221 = arith.constant 0 : i32
        %dma_start3A_222 = arith.constant 0 : i32
        %dma_start3A_223 = tpu.memref_slice %arg20[%dma_start3A_221, %dma_start3A_222] : memref<2064x128xf32, #tpu.memory_space<vmem_shared>> -> memref<2064x128xf32, #tpu.memory_space<vmem_shared>>
        tpu.enqueue_indirect_dma source(%arg19 : memref<128x128xf32, #tpu.memory_space<vmem>>) target(%dma_start3A_223 : memref<2064x128xf32, #tpu.memory_space<vmem_shared>>) offsets(%arg18 : memref<128xi32, #tpu.memory_space<vmem>>) semaphore(%arg23 : memref<!tpu.dma_semaphore, #tpu.memory_space<semaphore_mem>>) {add = true}
      } else {
      }
      %while3A_214 = arith.constant 0 : i32
      scf.yield %while3A_214 : i32
    }
    %gt3A_170 = arith.constant 0 : i32
    %gt3A_171 = arith.cmpi sgt, %select_n3A_155, %gt3A_170 : i32
    %convert_element_type3A_172 = arith.extui %gt3A_171 : i1 to i32
    %cond3A_173 = arith.constant 0 : i32
    %cond3A_174 = arith.cmpi ne, %convert_element_type3A_172, %cond3A_173 : i32
    scf.if %cond3A_174 {
      %sub3A_184 = arith.constant 1 : i32
      %sub3A_185 = arith.subi %select_n3A_155, %sub3A_184 : i32
      %rem3A_186 = arith.constant 2 : i32
      %rem3A_187 = arith.remsi %sub3A_185, %rem3A_186 : i32
      %eq3A = arith.constant 0 : i32
      %eq3A_188 = arith.cmpi eq, %rem3A_187, %eq3A : i32
      %convert_element_type3A_189 = arith.extui %eq3A_188 : i1 to i32
      %cond3A_190 = arith.constant 0 : i32
      %cond3A_191 = arith.cmpi ne, %convert_element_type3A_189, %cond3A_190 : i32
      scf.if %cond3A_191 {
        %dma_wait3A_197 = arith.constant 0 : i32
        %dma_wait3A_198 = arith.constant 0 : i32
        %dma_wait3A_199 = tpu.memref_slice %arg3[%dma_wait3A_197, %dma_wait3A_198] : memref<4096x128xf32, #tpu.memory_space<hbm>> -> memref<128x128xf32, #tpu.memory_space<hbm>>
        %dma_wait3A_200 = arith.constant 0 : i32
        %dma_wait3A_201 = arith.constant 0 : i32
        %dma_wait3A_202 = tpu.memref_slice %arg3[%dma_wait3A_200, %dma_wait3A_201] : memref<4096x128xf32, #tpu.memory_space<hbm>> -> memref<128x128xf32, #tpu.memory_space<hbm>>
        tpu.wait_dma2 semaphore(%arg22 : memref<!tpu.dma_semaphore, #tpu.memory_space<semaphore_mem>>) src(%dma_wait3A_202 : memref<128x128xf32, #tpu.memory_space<hbm>>) dst(%arg16 : memref<128x128xf32, #tpu.memory_space<vmem>>)
      } else {
      }
      %eq3A_192 = arith.constant 1 : i32
      %eq3A_193 = arith.cmpi eq, %rem3A_187, %eq3A_192 : i32
      %convert_element_type3A_194 = arith.extui %eq3A_193 : i1 to i32
      %cond3A_195 = arith.constant 0 : i32
      %cond3A_196 = arith.cmpi ne, %convert_element_type3A_194, %cond3A_195 : i32
      scf.if %cond3A_196 {
        %dma_wait3A_197 = arith.constant 0 : i32
        %dma_wait3A_198 = arith.constant 0 : i32
        %dma_wait3A_199 = tpu.memref_slice %arg3[%dma_wait3A_197, %dma_wait3A_198] : memref<4096x128xf32, #tpu.memory_space<hbm>> -> memref<128x128xf32, #tpu.memory_space<hbm>>
        %dma_wait3A_200 = arith.constant 0 : i32
        %dma_wait3A_201 = arith.constant 0 : i32
        %dma_wait3A_202 = tpu.memref_slice %arg3[%dma_wait3A_200, %dma_wait3A_201] : memref<4096x128xf32, #tpu.memory_space<hbm>> -> memref<128x128xf32, #tpu.memory_space<hbm>>
        tpu.wait_dma2 semaphore(%arg23 : memref<!tpu.dma_semaphore, #tpu.memory_space<semaphore_mem>>) src(%dma_wait3A_202 : memref<128x128xf32, #tpu.memory_space<hbm>>) dst(%arg19 : memref<128x128xf32, #tpu.memory_space<vmem>>)
      } else {
      }
    } else {
    }
    %gt3A_175 = arith.constant 1 : i32
    %gt3A_176 = arith.cmpi sgt, %select_n3A_155, %gt3A_175 : i32
    %convert_element_type3A_177 = arith.extui %gt3A_176 : i1 to i32
    %cond3A_178 = arith.constant 0 : i32
    %cond3A_179 = arith.cmpi ne, %convert_element_type3A_177, %cond3A_178 : i32
    scf.if %cond3A_179 {
      %sub3A_184 = arith.constant 2 : i32
      %sub3A_185 = arith.subi %select_n3A_155, %sub3A_184 : i32
      %rem3A_186 = arith.constant 2 : i32
      %rem3A_187 = arith.remsi %sub3A_185, %rem3A_186 : i32
      %eq3A = arith.constant 0 : i32
      %eq3A_188 = arith.cmpi eq, %rem3A_187, %eq3A : i32
      %convert_element_type3A_189 = arith.extui %eq3A_188 : i1 to i32
      %cond3A_190 = arith.constant 0 : i32
      %cond3A_191 = arith.cmpi ne, %convert_element_type3A_189, %cond3A_190 : i32
      scf.if %cond3A_191 {
        %dma_wait3A_197 = arith.constant 0 : i32
        %dma_wait3A_198 = arith.constant 0 : i32
        %dma_wait3A_199 = tpu.memref_slice %arg3[%dma_wait3A_197, %dma_wait3A_198] : memref<4096x128xf32, #tpu.memory_space<hbm>> -> memref<128x128xf32, #tpu.memory_space<hbm>>
        %dma_wait3A_200 = arith.constant 0 : i32
        %dma_wait3A_201 = arith.constant 0 : i32
        %dma_wait3A_202 = tpu.memref_slice %arg3[%dma_wait3A_200, %dma_wait3A_201] : memref<4096x128xf32, #tpu.memory_space<hbm>> -> memref<128x128xf32, #tpu.memory_space<hbm>>
        tpu.wait_dma2 semaphore(%arg22 : memref<!tpu.dma_semaphore, #tpu.memory_space<semaphore_mem>>) src(%dma_wait3A_202 : memref<128x128xf32, #tpu.memory_space<hbm>>) dst(%arg16 : memref<128x128xf32, #tpu.memory_space<vmem>>)
      } else {
      }
      %eq3A_192 = arith.constant 1 : i32
      %eq3A_193 = arith.cmpi eq, %rem3A_187, %eq3A_192 : i32
      %convert_element_type3A_194 = arith.extui %eq3A_193 : i1 to i32
      %cond3A_195 = arith.constant 0 : i32
      %cond3A_196 = arith.cmpi ne, %convert_element_type3A_194, %cond3A_195 : i32
      scf.if %cond3A_196 {
        %dma_wait3A_197 = arith.constant 0 : i32
        %dma_wait3A_198 = arith.constant 0 : i32
        %dma_wait3A_199 = tpu.memref_slice %arg3[%dma_wait3A_197, %dma_wait3A_198] : memref<4096x128xf32, #tpu.memory_space<hbm>> -> memref<128x128xf32, #tpu.memory_space<hbm>>
        %dma_wait3A_200 = arith.constant 0 : i32
        %dma_wait3A_201 = arith.constant 0 : i32
        %dma_wait3A_202 = tpu.memref_slice %arg3[%dma_wait3A_200, %dma_wait3A_201] : memref<4096x128xf32, #tpu.memory_space<hbm>> -> memref<128x128xf32, #tpu.memory_space<hbm>>
        tpu.wait_dma2 semaphore(%arg23 : memref<!tpu.dma_semaphore, #tpu.memory_space<semaphore_mem>>) src(%dma_wait3A_202 : memref<128x128xf32, #tpu.memory_space<hbm>>) dst(%arg19 : memref<128x128xf32, #tpu.memory_space<vmem>>)
      } else {
      }
    } else {
    }
    %mul3A_180 = arith.constant 128 : i32
    %mul3A_181 = arith.muli %arg1, %mul3A_180 : i32
    %mul3A_182 = arith.constant 128 : i32
    %mul3A_183 = arith.muli %add3A, %mul3A_182 : i32
    "tpu.region"() ({
      %run_scoped3A = tpu.sem_alloc : memref<!tpu.dma_semaphore, #tpu.memory_space<semaphore_mem>>
      %dma_start3A_184 = arith.constant 0 : i32
      %dma_start3A_185 = tpu.memref_slice %arg7[%mul3A_183, %dma_start3A_184] : memref<4096x128xf32, #tpu.memory_space<hbm>> -> memref<128x128xf32, #tpu.memory_space<hbm>>
      %dma_start3A_186 = arith.constant 0 : i32
      %dma_start3A_187 = tpu.memref_slice %arg20[%mul3A_181, %dma_start3A_186] : memref<2064x128xf32, #tpu.memory_space<vmem_shared>> -> memref<128x128xf32, #tpu.memory_space<vmem_shared>>
      tpu.enqueue_dma source(%dma_start3A_187 : memref<128x128xf32, #tpu.memory_space<vmem_shared>>) target(%dma_start3A_185 : memref<128x128xf32, #tpu.memory_space<hbm>>) target_semaphore(%run_scoped3A : memref<!tpu.dma_semaphore, #tpu.memory_space<semaphore_mem>>)
      %dma_wait3A_188 = arith.constant 0 : i32
      %dma_wait3A_189 = tpu.memref_slice %arg7[%mul3A_183, %dma_wait3A_188] : memref<4096x128xf32, #tpu.memory_space<hbm>> -> memref<128x128xf32, #tpu.memory_space<hbm>>
      %dma_wait3A_190 = arith.constant 0 : i32
      %dma_wait3A_191 = tpu.memref_slice %arg20[%mul3A_181, %dma_wait3A_190] : memref<2064x128xf32, #tpu.memory_space<vmem_shared>> -> memref<128x128xf32, #tpu.memory_space<vmem_shared>>
      tpu.wait_dma2 semaphore(%run_scoped3A : memref<!tpu.dma_semaphore, #tpu.memory_space<semaphore_mem>>) src(%dma_wait3A_191 : memref<128x128xf32, #tpu.memory_space<vmem_shared>>) dst(%dma_wait3A_189 : memref<128x128xf32, #tpu.memory_space<hbm>>)
      tpu.yield
    }) : () -> ()
    return
  }
}

module attributes {stable_mosaic.version = 14 : i64} {
  func.func @_pack_body(%arg0: i32, %arg1: memref<1xf32, #tpu.memory_space<smem>>, %arg2: memref<512x4096xf32, #tpu.memory_space<vmem>>, %arg3: memref<4096x256xbf16, #tpu.memory_space<vmem>>, %arg4: memref<512x128xf32, #tpu.memory_space<vmem>>, %arg5: memref<128x512xi32, #tpu.memory_space<vmem>>, %arg6: memref<512x1xf32, #tpu.memory_space<vmem>>, %arg7: memref<8x4096xf32, #tpu.memory_space<vmem>>, %arg8: memref<512x128xf32, #tpu.memory_space<vmem>>) attributes {dimension_semantics = [#tpu.dimension_semantics<arbitrary>], iteration_bounds = array<i64: 8>, scalar_prefetch = 0 : i64, scratch_operands = 0 : i64, tpu.core_type = #tpu.core_type<tc>, window_params = [{transform_indices = @transform_0, window_bounds = array<i64: 1>}, {transform_indices = @transform_1, window_bounds = array<i64: 512, 4096>}, {pipeline_mode = #tpu.pipeline_mode<synchronous>, transform_indices = @transform_2, window_bounds = array<i64: 4096, 256>}, {transform_indices = @transform_3, window_bounds = array<i64: 512, 128>}, {transform_indices = @transform_4, window_bounds = array<i64: 128, 512>}, {transform_indices = @transform_5, window_bounds = array<i64: 512, 1>}, {pipeline_mode = #tpu.pipeline_mode<synchronous>, transform_indices = @transform_6, window_bounds = array<i64: 8, 4096>}, {transform_indices = @transform_7, window_bounds = array<i64: 512, 128>}]} {
    %get3A = arith.constant 0 : index
    %get3A_0 = arith.constant 0 : index
    %get3A_1 = vector.load %arg2[%get3A, %get3A_0] : memref<512x4096xf32, #tpu.memory_space<vmem>>, vector<512x4096xf32>
    %get3A_2 = arith.constant 0 : index
    %get3A_3 = memref.load %arg1[%get3A_2] : memref<1xf32, #tpu.memory_space<smem>>
    %ge3A = vector.broadcast %get3A_3 : f32 to vector<512x4096xf32>
    %ge3A_4 = arith.cmpf oge, %get3A_1, %ge3A : vector<512x4096xf32>
    %convert_element_type3A = arith.extui %ge3A_4 : vector<512x4096xi1> to vector<512x4096xi32>
    %convert_element_type3A_5 = arith.sitofp %convert_element_type3A : vector<512x4096xi32> to vector<512x4096xf32>
    %convert_element_type3A_6 = arith.truncf %convert_element_type3A_5 : vector<512x4096xf32> to vector<512x4096xbf16>
    %get3A_7 = arith.constant 0 : index
    %get3A_8 = arith.constant 0 : index
    %get3A_9 = vector.load %arg3[%get3A_7, %get3A_8] : memref<4096x256xbf16, #tpu.memory_space<vmem>>, vector<4096x256xbf16>
    %dot_general3A = arith.constant dense<0.000000e+00> : vector<512x256xf32>
    %dot_general3A_10 = tpu.matmul %convert_element_type3A_6, %get3A_9, %dot_general3A {dimension_numbers = #tpu.dot_dimension_numbers<[1], [0], [0], [1], [0, 0, 1, 1], [], []>, transpose_lhs_hint = false} : vector<512x4096xbf16>, vector<4096x256xbf16>, vector<512x256xf32> -> vector<512x256xf32>
    %reduce_sum3A = arith.constant dense<0.000000e+00> : vector<512xf32>
    %reduce_sum3A_11 = vector.multi_reduction <add>, %convert_element_type3A_5, %reduce_sum3A [1] : vector<512x4096xf32> to vector<512xf32>
    %broadcast_in_dim3A = vector.shape_cast %reduce_sum3A_11 : vector<512xf32> to vector<512x1xf32>
    %swap3A = arith.constant 0 : index
    %swap3A_12 = arith.constant 0 : index
    %swap3A_13 = vector.load %arg6[%swap3A, %swap3A_12] : memref<512x1xf32, #tpu.memory_space<vmem>>, vector<512x1xf32>
    tpu.vector_store %arg6[%swap3A, %swap3A_12], %broadcast_in_dim3A {strides = array<i32>} : memref<512x1xf32, #tpu.memory_space<vmem>>, vector<512x1xf32>,
    %get3A_14 = arith.constant 0 : index
    %get3A_15 = arith.constant 0 : index
    %get3A_16 = vector.load %arg4[%get3A_14, %get3A_15] : memref<512x128xf32, #tpu.memory_space<vmem>>, vector<512x128xf32>
    %add3A = arith.constant 1.000000e+00 : f32
    %add3A_17 = vector.broadcast %add3A : f32 to vector<512x1xf32>
    %add3A_18 = arith.addf %broadcast_in_dim3A, %add3A_17 : vector<512x1xf32>
    %rsqrt3A = math.rsqrt %add3A_18 : vector<512x1xf32>
    %mul3A = vector.broadcast %rsqrt3A : vector<512x1xf32> to vector<512x128xf32>
    %mul3A_19 = arith.mulf %get3A_16, %mul3A : vector<512x128xf32>
    %swap3A_20 = arith.constant 0 : index
    %swap3A_21 = arith.constant 0 : index
    %swap3A_22 = vector.load %arg8[%swap3A_20, %swap3A_21] : memref<512x128xf32, #tpu.memory_space<vmem>>, vector<512x128xf32>
    tpu.vector_store %arg8[%swap3A_20, %swap3A_21], %mul3A_19 {strides = array<i32>} : memref<512x128xf32, #tpu.memory_space<vmem>>, vector<512x128xf32>,
    %eq3A = arith.constant 0 : i32
    %eq3A_23 = arith.cmpi eq, %arg0, %eq3A : i32
    %convert_element_type3A_24 = arith.extui %eq3A_23 : i1 to i32
    %cond3A = arith.constant 0 : i32
    %cond3A_25 = arith.cmpi ne, %convert_element_type3A_24, %cond3A : i32
    scf.if %cond3A_25 {
      %broadcast_in_dim3A_44 = arith.constant 0.000000e+00 : f32
      %broadcast_in_dim3A_45 = vector.broadcast %broadcast_in_dim3A_44 : f32 to vector<8x4096xf32>
      %swap3A_46 = arith.constant 0 : index
      %swap3A_47 = arith.constant 0 : index
      %swap3A_48 = vector.load %arg7[%swap3A_46, %swap3A_47] : memref<8x4096xf32, #tpu.memory_space<vmem>>, vector<8x4096xf32>
      tpu.vector_store %arg7[%swap3A_46, %swap3A_47], %broadcast_in_dim3A_45 {strides = array<i32>} : memref<8x4096xf32, #tpu.memory_space<vmem>>, vector<8x4096xf32>,
    } else {
    }
    %broadcast_in_dim3A_26 = arith.constant 1.000000e+00 : bf16
    %broadcast_in_dim3A_27 = vector.broadcast %broadcast_in_dim3A_26 : bf16 to vector<8x512xbf16>
    %get3A_28 = arith.constant 0 : index
    %get3A_29 = arith.constant 0 : index
    %get3A_30 = vector.load %arg7[%get3A_28, %get3A_29] : memref<8x4096xf32, #tpu.memory_space<vmem>>, vector<8x4096xf32>
    %dot_general3A_31 = arith.constant dense<0.000000e+00> : vector<8x4096xf32>
    %dot_general3A_32 = tpu.matmul %broadcast_in_dim3A_27, %convert_element_type3A_6, %dot_general3A_31 {dimension_numbers = #tpu.dot_dimension_numbers<[1], [0], [0], [1], [0, 0, 1, 1], [], []>, transpose_lhs_hint = false} : vector<8x512xbf16>, vector<512x4096xbf16>, vector<8x4096xf32> -> vector<8x4096xf32>
    %add3A_33 = arith.addf %get3A_30, %dot_general3A_32 : vector<8x4096xf32>
    %swap3A_34 = arith.constant 0 : index
    %swap3A_35 = arith.constant 0 : index
    %swap3A_36 = vector.load %arg7[%swap3A_34, %swap3A_35] : memref<8x4096xf32, #tpu.memory_space<vmem>>, vector<8x4096xf32>
    tpu.vector_store %arg7[%swap3A_34, %swap3A_35], %add3A_33 {strides = array<i32>} : memref<8x4096xf32, #tpu.memory_space<vmem>>, vector<8x4096xf32>,
    %convert_element_type3A_37 = arith.fptosi %dot_general3A_10 : vector<512x256xf32> to vector<512x256xi32>
    %transpose3A = tpu.transpose %convert_element_type3A_37, [1, 0] : vector<512x256xi32> -> vector<256x512xi32>
    %slice3A = vector.extract_strided_slice %transpose3A {offsets = [0, 0], sizes = [128, 512], strides = [1, 1]} : vector<256x512xi32> to vector<128x512xi32>
    %slice3A_38 = vector.extract_strided_slice %transpose3A {offsets = [128, 0], sizes = [128, 512], strides = [1, 1]} : vector<256x512xi32> to vector<128x512xi32>
    %shift_left3A = arith.constant 16 : i32
    %shift_left3A_39 = vector.broadcast %shift_left3A : i32 to vector<128x512xi32>
    %shift_left3A_40 = arith.shli %slice3A_38, %shift_left3A_39 : vector<128x512xi32>
    %or3A = arith.ori %slice3A, %shift_left3A_40 : vector<128x512xi32>
    %swap3A_41 = arith.constant 0 : index
    %swap3A_42 = arith.constant 0 : index
    %swap3A_43 = vector.load %arg5[%swap3A_41, %swap3A_42] : memref<128x512xi32, #tpu.memory_space<vmem>>, vector<128x512xi32>
    tpu.vector_store %arg5[%swap3A_41, %swap3A_42], %or3A {strides = array<i32>} : memref<128x512xi32, #tpu.memory_space<vmem>>, vector<128x512xi32>,
    return
  }
  func.func @transform_0(%arg0: i32) -> i32 {
    %c0_i32 = arith.constant 0 : i32
    %c0_i32_0 = arith.constant 0 : i32
    return %c0_i32 : i32
  }
  func.func @transform_1(%arg0: i32) -> (i32, i32) {
    %c0_i32 = arith.constant 0 : i32
    %c0_i32_0 = arith.constant 0 : i32
    return %arg0, %c0_i32 : i32, i32
  }
  func.func @transform_2(%arg0: i32) -> (i32, i32) {
    %c0_i32 = arith.constant 0 : i32
    %c0_i32_0 = arith.constant 0 : i32
    %c0_i32_1 = arith.constant 0 : i32
    return %c0_i32, %c0_i32_0 : i32, i32
  }
  func.func @transform_3(%arg0: i32) -> (i32, i32) {
    %c0_i32 = arith.constant 0 : i32
    %c0_i32_0 = arith.constant 0 : i32
    return %arg0, %c0_i32 : i32, i32
  }
  func.func @transform_4(%arg0: i32) -> (i32, i32) {
    %c0_i32 = arith.constant 0 : i32
    %c0_i32_0 = arith.constant 0 : i32
    return %c0_i32, %arg0 : i32, i32
  }
  func.func @transform_5(%arg0: i32) -> (i32, i32) {
    %c0_i32 = arith.constant 0 : i32
    %c0_i32_0 = arith.constant 0 : i32
    return %arg0, %c0_i32 : i32, i32
  }
  func.func @transform_6(%arg0: i32) -> (i32, i32) {
    %c0_i32 = arith.constant 0 : i32
    %c0_i32_0 = arith.constant 0 : i32
    %c0_i32_1 = arith.constant 0 : i32
    return %c0_i32, %c0_i32_0 : i32, i32
  }
  func.func @transform_7(%arg0: i32) -> (i32, i32) {
    %c0_i32 = arith.constant 0 : i32
    %c0_i32_0 = arith.constant 0 : i32
    return %arg0, %c0_i32 : i32, i32
  }
}

module attributes {stable_mosaic.version = 14 : i64} {
  func.func @_post_body(%arg0: i32, %arg1: memref<1024x128xf32, #tpu.memory_space<vmem>>, %arg2: memref<1024x1xf32, #tpu.memory_space<vmem>>, %arg3: memref<1024x1xf32, #tpu.memory_space<vmem>>, %arg4: memref<128x128xf32, #tpu.memory_space<vmem>>, %arg5: memref<1x128xf32, #tpu.memory_space<vmem>>, %arg6: memref<1024x128xf32, #tpu.memory_space<vmem>>, %arg7: memref<1024x128xf32, #tpu.memory_space<vmem>>) attributes {dimension_semantics = [#tpu.dimension_semantics<arbitrary>], iteration_bounds = array<i64: 4>, scalar_prefetch = 0 : i64, scratch_operands = 0 : i64, tpu.core_type = #tpu.core_type<tc>, window_params = [{transform_indices = @transform_0, window_bounds = array<i64: 1024, 128>}, {transform_indices = @transform_1, window_bounds = array<i64: 1024, 1>}, {transform_indices = @transform_2, window_bounds = array<i64: 1024, 1>}, {pipeline_mode = #tpu.pipeline_mode<synchronous>, transform_indices = @transform_3, window_bounds = array<i64: 128, 128>}, {pipeline_mode = #tpu.pipeline_mode<synchronous>, transform_indices = @transform_4, window_bounds = array<i64: 1, 128>}, {transform_indices = @transform_5, window_bounds = array<i64: 1024, 128>}, {transform_indices = @transform_6, window_bounds = array<i64: 1024, 128>}]} {
    %get3A = arith.constant 0 : index
    %get3A_0 = arith.constant 0 : index
    %get3A_1 = vector.load %arg1[%get3A, %get3A_0] : memref<1024x128xf32, #tpu.memory_space<vmem>>, vector<1024x128xf32>
    %get3A_2 = arith.constant 0 : index
    %get3A_3 = arith.constant 0 : index
    %get3A_4 = vector.load %arg2[%get3A_2, %get3A_3] : memref<1024x1xf32, #tpu.memory_space<vmem>>, vector<1024x1xf32>
    %mul3A = vector.broadcast %get3A_4 : vector<1024x1xf32> to vector<1024x128xf32>
    %mul3A_5 = arith.mulf %get3A_1, %mul3A : vector<1024x128xf32>
    %get3A_6 = arith.constant 0 : index
    %get3A_7 = arith.constant 0 : index
    %get3A_8 = vector.load %arg4[%get3A_6, %get3A_7] : memref<128x128xf32, #tpu.memory_space<vmem>>, vector<128x128xf32>
    %dot_general3A = arith.constant dense<0.000000e+00> : vector<1024x128xf32>
    %dot_general3A_9 = tpu.matmul %mul3A_5, %get3A_8, %dot_general3A {dimension_numbers = #tpu.dot_dimension_numbers<[1], [0], [0], [1], [0, 0, 1, 1], [], []>, transpose_lhs_hint = false} : vector<1024x128xf32>, vector<128x128xf32>, vector<1024x128xf32> -> vector<1024x128xf32>
    %get3A_10 = arith.constant 0 : index
    %get3A_11 = arith.constant 0 : index
    %get3A_12 = vector.load %arg5[%get3A_10, %get3A_11] : memref<1x128xf32, #tpu.memory_space<vmem>>, vector<1x128xf32>
    %add3A = vector.broadcast %get3A_12 : vector<1x128xf32> to vector<1024x128xf32>
    %add3A_13 = arith.addf %dot_general3A_9, %add3A : vector<1024x128xf32>
    %max3A = arith.constant 0.000000e+00 : f32
    %max3A_14 = vector.broadcast %max3A : f32 to vector<1024x128xf32>
    %max3A_15 = arith.maximumf %add3A_13, %max3A_14 : vector<1024x128xf32>
    %swap3A = arith.constant 0 : index
    %swap3A_16 = arith.constant 0 : index
    %swap3A_17 = vector.load %arg6[%swap3A, %swap3A_16] : memref<1024x128xf32, #tpu.memory_space<vmem>>, vector<1024x128xf32>
    tpu.vector_store %arg6[%swap3A, %swap3A_16], %max3A_15 {strides = array<i32>} : memref<1024x128xf32, #tpu.memory_space<vmem>>, vector<1024x128xf32>,
    %get3A_18 = arith.constant 0 : index
    %get3A_19 = arith.constant 0 : index
    %get3A_20 = vector.load %arg3[%get3A_18, %get3A_19] : memref<1024x1xf32, #tpu.memory_space<vmem>>, vector<1024x1xf32>
    %mul3A_21 = vector.broadcast %get3A_20 : vector<1024x1xf32> to vector<1024x128xf32>
    %mul3A_22 = arith.mulf %max3A_15, %mul3A_21 : vector<1024x128xf32>
    %swap3A_23 = arith.constant 0 : index
    %swap3A_24 = arith.constant 0 : index
    %swap3A_25 = vector.load %arg7[%swap3A_23, %swap3A_24] : memref<1024x128xf32, #tpu.memory_space<vmem>>, vector<1024x128xf32>
    tpu.vector_store %arg7[%swap3A_23, %swap3A_24], %mul3A_22 {strides = array<i32>} : memref<1024x128xf32, #tpu.memory_space<vmem>>, vector<1024x128xf32>,
    return
  }
  func.func @transform_0(%arg0: i32) -> (i32, i32) {
    %c0_i32 = arith.constant 0 : i32
    %c0_i32_0 = arith.constant 0 : i32
    return %arg0, %c0_i32 : i32, i32
  }
  func.func @transform_1(%arg0: i32) -> (i32, i32) {
    %c0_i32 = arith.constant 0 : i32
    %c0_i32_0 = arith.constant 0 : i32
    return %arg0, %c0_i32 : i32, i32
  }
  func.func @transform_2(%arg0: i32) -> (i32, i32) {
    %c0_i32 = arith.constant 0 : i32
    %c0_i32_0 = arith.constant 0 : i32
    return %arg0, %c0_i32 : i32, i32
  }
  func.func @transform_3(%arg0: i32) -> (i32, i32) {
    %c0_i32 = arith.constant 0 : i32
    %c0_i32_0 = arith.constant 0 : i32
    %c0_i32_1 = arith.constant 0 : i32
    return %c0_i32, %c0_i32_0 : i32, i32
  }
  func.func @transform_4(%arg0: i32) -> (i32, i32) {
    %c0_i32 = arith.constant 0 : i32
    %c0_i32_0 = arith.constant 0 : i32
    %c0_i32_1 = arith.constant 0 : i32
    return %c0_i32, %c0_i32_0 : i32, i32
  }
  func.func @transform_5(%arg0: i32) -> (i32, i32) {
    %c0_i32 = arith.constant 0 : i32
    %c0_i32_0 = arith.constant 0 : i32
    return %arg0, %c0_i32 : i32, i32
  }
  func.func @transform_6(%arg0: i32) -> (i32, i32) {
    %c0_i32 = arith.constant 0 : i32
    %c0_i32_0 = arith.constant 0 : i32
    return %arg0, %c0_i32 : i32, i32
  }
}

module attributes {stable_mosaic.version = 14 : i64} {
  func.func @_post_body(%arg0: i32, %arg1: memref<1024x128xf32, #tpu.memory_space<vmem>>, %arg2: memref<1024x1xf32, #tpu.memory_space<vmem>>, %arg3: memref<1024x1xf32, #tpu.memory_space<vmem>>, %arg4: memref<128x128xf32, #tpu.memory_space<vmem>>, %arg5: memref<1x128xf32, #tpu.memory_space<vmem>>, %arg6: memref<1024x128xf32, #tpu.memory_space<vmem>>, %arg7: memref<1024x128xf32, #tpu.memory_space<vmem>>) attributes {dimension_semantics = [#tpu.dimension_semantics<arbitrary>], iteration_bounds = array<i64: 4>, scalar_prefetch = 0 : i64, scratch_operands = 0 : i64, tpu.core_type = #tpu.core_type<tc>, window_params = [{transform_indices = @transform_0, window_bounds = array<i64: 1024, 128>}, {transform_indices = @transform_1, window_bounds = array<i64: 1024, 1>}, {transform_indices = @transform_2, window_bounds = array<i64: 1024, 1>}, {pipeline_mode = #tpu.pipeline_mode<synchronous>, transform_indices = @transform_3, window_bounds = array<i64: 128, 128>}, {pipeline_mode = #tpu.pipeline_mode<synchronous>, transform_indices = @transform_4, window_bounds = array<i64: 1, 128>}, {transform_indices = @transform_5, window_bounds = array<i64: 1024, 128>}, {transform_indices = @transform_6, window_bounds = array<i64: 1024, 128>}]} {
    %get3A = arith.constant 0 : index
    %get3A_0 = arith.constant 0 : index
    %get3A_1 = vector.load %arg1[%get3A, %get3A_0] : memref<1024x128xf32, #tpu.memory_space<vmem>>, vector<1024x128xf32>
    %get3A_2 = arith.constant 0 : index
    %get3A_3 = arith.constant 0 : index
    %get3A_4 = vector.load %arg2[%get3A_2, %get3A_3] : memref<1024x1xf32, #tpu.memory_space<vmem>>, vector<1024x1xf32>
    %mul3A = vector.broadcast %get3A_4 : vector<1024x1xf32> to vector<1024x128xf32>
    %mul3A_5 = arith.mulf %get3A_1, %mul3A : vector<1024x128xf32>
    %get3A_6 = arith.constant 0 : index
    %get3A_7 = arith.constant 0 : index
    %get3A_8 = vector.load %arg4[%get3A_6, %get3A_7] : memref<128x128xf32, #tpu.memory_space<vmem>>, vector<128x128xf32>
    %dot_general3A = arith.constant dense<0.000000e+00> : vector<1024x128xf32>
    %dot_general3A_9 = tpu.matmul %mul3A_5, %get3A_8, %dot_general3A {dimension_numbers = #tpu.dot_dimension_numbers<[1], [0], [0], [1], [0, 0, 1, 1], [], []>, transpose_lhs_hint = false} : vector<1024x128xf32>, vector<128x128xf32>, vector<1024x128xf32> -> vector<1024x128xf32>
    %get3A_10 = arith.constant 0 : index
    %get3A_11 = arith.constant 0 : index
    %get3A_12 = vector.load %arg5[%get3A_10, %get3A_11] : memref<1x128xf32, #tpu.memory_space<vmem>>, vector<1x128xf32>
    %add3A = vector.broadcast %get3A_12 : vector<1x128xf32> to vector<1024x128xf32>
    %add3A_13 = arith.addf %dot_general3A_9, %add3A : vector<1024x128xf32>
    %max3A = arith.constant 0.000000e+00 : f32
    %max3A_14 = vector.broadcast %max3A : f32 to vector<1024x128xf32>
    %max3A_15 = arith.maximumf %add3A_13, %max3A_14 : vector<1024x128xf32>
    %swap3A = arith.constant 0 : index
    %swap3A_16 = arith.constant 0 : index
    %swap3A_17 = vector.load %arg6[%swap3A, %swap3A_16] : memref<1024x128xf32, #tpu.memory_space<vmem>>, vector<1024x128xf32>
    tpu.vector_store %arg6[%swap3A, %swap3A_16], %max3A_15 {strides = array<i32>} : memref<1024x128xf32, #tpu.memory_space<vmem>>, vector<1024x128xf32>,
    %get3A_18 = arith.constant 0 : index
    %get3A_19 = arith.constant 0 : index
    %get3A_20 = vector.load %arg3[%get3A_18, %get3A_19] : memref<1024x1xf32, #tpu.memory_space<vmem>>, vector<1024x1xf32>
    %mul3A_21 = vector.broadcast %get3A_20 : vector<1024x1xf32> to vector<1024x128xf32>
    %mul3A_22 = arith.mulf %max3A_15, %mul3A_21 : vector<1024x128xf32>
    %swap3A_23 = arith.constant 0 : index
    %swap3A_24 = arith.constant 0 : index
    %swap3A_25 = vector.load %arg7[%swap3A_23, %swap3A_24] : memref<1024x128xf32, #tpu.memory_space<vmem>>, vector<1024x128xf32>
    tpu.vector_store %arg7[%swap3A_23, %swap3A_24], %mul3A_22 {strides = array<i32>} : memref<1024x128xf32, #tpu.memory_space<vmem>>, vector<1024x128xf32>,
    return
  }
  func.func @transform_0(%arg0: i32) -> (i32, i32) {
    %c0_i32 = arith.constant 0 : i32
    %c0_i32_0 = arith.constant 0 : i32
    return %arg0, %c0_i32 : i32, i32
  }
  func.func @transform_1(%arg0: i32) -> (i32, i32) {
    %c0_i32 = arith.constant 0 : i32
    %c0_i32_0 = arith.constant 0 : i32
    return %arg0, %c0_i32 : i32, i32
  }
  func.func @transform_2(%arg0: i32) -> (i32, i32) {
    %c0_i32 = arith.constant 0 : i32
    %c0_i32_0 = arith.constant 0 : i32
    return %arg0, %c0_i32 : i32, i32
  }
  func.func @transform_3(%arg0: i32) -> (i32, i32) {
    %c0_i32 = arith.constant 0 : i32
    %c0_i32_0 = arith.constant 0 : i32
    %c0_i32_1 = arith.constant 0 : i32
    return %c0_i32, %c0_i32_0 : i32, i32
  }
  func.func @transform_4(%arg0: i32) -> (i32, i32) {
    %c0_i32 = arith.constant 0 : i32
    %c0_i32_0 = arith.constant 0 : i32
    %c0_i32_1 = arith.constant 0 : i32
    return %c0_i32, %c0_i32_0 : i32, i32
  }
  func.func @transform_5(%arg0: i32) -> (i32, i32) {
    %c0_i32 = arith.constant 0 : i32
    %c0_i32_0 = arith.constant 0 : i32
    return %arg0, %c0_i32 : i32, i32
  }
  func.func @transform_6(%arg0: i32) -> (i32, i32) {
    %c0_i32 = arith.constant 0 : i32
    %c0_i32_0 = arith.constant 0 : i32
    return %arg0, %c0_i32 : i32, i32
  }
}

</mosaic_0001>

<sc_bundles>
// kernel: kernel.10.cloned.1.call-start
scs
__scs_entry_jumppad:
0x0: {  	(pc) =	sbr.rel $0x88, $3  }
0x1: {  	(tag) =	ssettag $0x0;
	lr =	simm.s32 $0x1  }
0x2: {  	[smem:$0x3F9A] =	sst lr;
	_ =	strace $0xD0000000  }
0x3: {  	_ = 	snop  }
0x4: {  	_ = 	snop  }
0x5: {  	_ = 	snop  }
0x6: {  	_ = 	snop  }
0x7: {  	_ = 	snop  }
__scs_overlays_trampoline_lowered:
0x8: {  	[smem:$0x3FA9] =	sst s0  }
0x9: {  	[smem:$0x3FAA] =	sst s1  }
0xa: {  	[smem:$0x3FAB] =	sst s2  }
0xb: {  	[smem:$0x3FAC] =	sst s3  }
0xc: {  	[smem:$0x3FAD] =	sst s4  }
0xd: {  	[smem:$0x3FAE] =	sst s5  }
0xe: {  	[smem:$0x3FAF] =	sst s6  }
0xf: {  	[smem:$0x3FB0] =	sst s7  }
0x10: {  	[smem:$0x3FB1] =	sst s8  }
0x11: {  	[smem:$0x3FB2] =	sst s9;
	s0 =	simm.s32 @!p0 $0x0  }
0x12: {  	s1 =	sld [smem:$0x3F98];
	s0 =	simm.s32 @p0 $0x1  }
0x13: {  	[smem:$0x3FB3] =	sst s0;
	s0 =	simm.s32 @!p1 $0x0  }
0x14: {  	s2 =	sld [smem:$0x3F97];
	s0 =	simm.s32 @p1 $0x1  }
0x15: {  	[smem:$0x3FB4] =	sst s0;
	s0 =	simm.s32 @!p2 $0x0  }
0x16: {  	s3 =	sld [smem:$0x3FDB];
	s0 =	simm.s32 @p2 $0x1  }
0x17: {  	s4 =	simm.s32 $0x1BF5;
	[smem:$0x3FB6] =	sst s0  }
0x18: {  	s0 =	sld [smem:$0x3F99];
	_ =	swait.ge [sflag:s4], $0x0  }
0x19: {  	s7 =	sld [smem:$0x3F9A]  }
0x1a: {  	s8 =	sadd.s32 $0xFFFFE003, lr  }
0x1b: {  	s9 =	sadd.s32 $0xFFFFFEF7, lr;
	s5 =	simm.s32 $0xFFFFFFFF;
	p2 =	slt.u32 s8, $0xFFFFF086  }
0x1c: {  	p1 =	slt.u32 s9, $0xF7A;
	s5 =	simm.s32 @!p2 $0x0  }
0x1d: {  	s5 =	simm.s32 @p1 $0x1;
	p0 =	seq.s32 s7, s2  }
0x1e: {  	s7 =	smul.u32 @!p0 $0xF7A, s2;
	p2 =	seq.s32 @!p0 s5, $0x0  }
0x1f: {  	s9 =	smul.u32 $0xF7A, s1;
	s8 =	simm.s32 @!p0 $0x1BF5;
	p2 =	por !p2, p0  }
0x20: {  	[sflag:s8] =	ssyncset.s32 @!p0 $0xFFFFF086;
	s6 =	sadd.s32 @!p0 s3, s7;
	s7 =	simm.s32 @!p0 $0x108  }
0x21: {  	s3 =	sadd.s32 s3, s9;
	s6 =	sadd.s32 @!p0 $0x88, s6;
	s7 =	simm.s32 @p2 $0x1082  }
0x22: {  	[simem:s7], [sflag:s8] =	dma.local @!p0 [hbm:s6], $0xF7A  }
0x23: {  	s9 =	sor.u32 $0xD0000000, s2;
	s6 =	simm.s32 $0x108;
	_ =	swait.ge @!p0 [sflag:s8], $0x0  }
0x24: {  	s3 =	sadd.s32 $0x88, s3;
	s6 =	simm.s32 @!p1 $0x1082;
	[sflag:s4] =	ssyncset.s32 $0xFFFFF086  }
0x25: {  	[simem:s6], [sflag:s4] =	dma.local [hbm:s3], $0xF7A  }
0x26: {  	[smem:$0x3F9A] =	sst s1;
	(tag) =	ssettag s2;
	_ =	strace s9  }
0x27: {  	s1 =	sld [smem:$0x3FAA]  }
0x28: {  	s2 =	sld [smem:$0x3FAB]  }
0x29: {  	s4 =	sld [smem:$0x3FAD]  }
0x2a: {  	p0 =	seq.s32 s5, $0x0;
	s5 =	sld [smem:$0x3FAE]  }
0x2b: {  	s6 =	sld [smem:$0x3FAF]  }
0x2c: {  	s7 =	sld [smem:$0x3FB0]  }
0x2d: {  	s3 =	simm.s32 $0x108;
	s8 =	sld [smem:$0x3FB1]  }
0x2e: {  	s3 =	simm.s32 @!p0 $0x1082;
	s9 =	sld [smem:$0x3FB2]  }
0x2f: {  	lr =	sadd.s32 s0, s3;
	s0 =	sld [smem:$0x3FA9]  }
0x30: {  	s3 =	sld [smem:$0x3FAC]  }
0x31: {  	[smem:$0x3FB5] =	sst s10  }
0x32: {  	s10 =	sld [smem:$0x3FB3];
	_ =	sdelay $0x3  }
0x33: {  	p0 =	seq.s32 s10, $0x1;
	s10 =	sld [smem:$0x3FB5];
	_ =	sdelay $0x3  }
0x34: {  	[smem:$0x3FB5] =	sst s10  }
0x35: {  	s10 =	sld [smem:$0x3FB4];
	_ =	sdelay $0x3  }
0x36: {  	p1 =	seq.s32 s10, $0x1;
	s10 =	sld [smem:$0x3FB5];
	_ =	sdelay $0x3  }
0x37: {  	[smem:$0x3FB5] =	sst s10  }
0x38: {  	s10 =	sld [smem:$0x3FB6]  }
0x39: {  	_ = 	snop;
	(pc) =	sbr.ind lr, $3  }
0x3a: {  	_ = 	snop  }
0x3b: {  	_ = 	snop  }
0x3c: {  	p2 =	seq.s32 s10, $0x1;
	s10 =	sld [smem:$0x3FB5]  }
0x3d: {  	_ =	shalt  }
0x3e: {  	_ =	shalt  }
0x3f: {  	_ =	shalt  }
0x40: {  	_ =	shalt  }
0x41: {  	_ =	shalt  }
0x42: {  	_ =	shalt  }
0x43: {  	_ =	shalt  }
0x44: {  	_ =	shalt  }
0x45: {  	_ =	shalt  }
0x46: {  	_ =	shalt  }
0x47: {  	_ =	shalt  }
0x48: {  	_ =	shalt  }
0x49: {  	_ =	shalt  }
0x4a: {  	_ =	shalt  }
0x4b: {  	_ =	shalt  }
0x4c: {  	_ =	shalt  }
0x4d: {  	_ =	shalt  }
0x4e: {  	_ =	shalt  }
0x4f: {  	_ =	shalt  }
0x50: {  	_ =	shalt  }
0x51: {  	_ =	shalt  }
0x52: {  	_ =	shalt  }
0x53: {  	_ =	shalt  }
0x54: {  	_ =	shalt  }
0x55: {  	_ =	shalt  }
0x56: {  	_ =	shalt  }
0x57: {  	_ =	shalt  }
0x58: {  	_ =	shalt  }
0x59: {  	_ =	shalt  }
0x5a: {  	_ =	shalt  }
0x5b: {  	_ =	shalt  }
0x5c: {  	_ =	shalt  }
0x5d: {  	_ =	shalt  }
0x5e: {  	_ =	shalt  }
0x5f: {  	_ =	shalt  }
0x60: {  	_ =	shalt  }
0x61: {  	_ =	shalt  }
0x62: {  	_ =	shalt  }
0x63: {  	_ =	shalt  }
0x64: {  	_ =	shalt  }
0x65: {  	_ =	shalt  }
0x66: {  	_ =	shalt  }
0x67: {  	_ =	shalt  }
0x68: {  	_ =	shalt  }
0x69: {  	_ =	shalt  }
0x6a: {  	_ =	shalt  }
0x6b: {  	_ =	shalt  }
0x6c: {  	_ =	shalt  }
0x6d: {  	_ =	shalt  }
0x6e: {  	_ =	shalt  }
0x6f: {  	_ =	shalt  }
0x70: {  	_ =	shalt  }
0x71: {  	_ =	shalt  }
0x72: {  	_ =	shalt  }
0x73: {  	_ =	shalt  }
0x74: {  	_ =	shalt  }
0x75: {  	_ =	shalt  }
0x76: {  	_ =	shalt  }
0x77: {  	_ =	shalt  }
0x78: {  	_ =	shalt  }
0x79: {  	_ =	shalt  }
0x7a: {  	_ =	shalt  }
0x7b: {  	_ =	shalt  }
0x7c: {  	_ =	shalt  }
0x7d: {  	_ =	shalt  }
0x7e: {  	_ =	shalt  }
0x7f: {  	_ =	shalt  }
0x80: {  	_ =	shalt  }
0x81: {  	_ =	shalt  }
0x82: {  	_ =	shalt  }
0x83: {  	_ =	shalt  }
0x84: {  	_ =	shalt  }
0x85: {  	_ =	shalt  }
0x86: {  	_ =	shalt  }
0x87: {  	_ =	shalt  }
.Lfunc_end0:
.L_simem_size_0:
called_computation.1_lowered:
.L_overlay_start_0:
0x88: {  	s2 =	sld [smem:$0x3FD9]  }
0x89: {  	s3 =	sld [smem:$0x3FFE];
	_ =	sdelay $0x1  }
0x8a: {  	s1 =	srdreg.scid  }
0x8b: {  	s0 =	sand.u32 $0x1, s1  }
0x8c: {  	s14 =	sshll.u32 s0, $0xA;
	s2 =	sadd.s32 s3, s2  }
0x8d: {  	s2 =	sadd.s32 s2, s14  }
0x8e: {  	[smem:$0x3FC1] =	sst s2  }
0x8f: {  	_ = 	snop  }
0x90: {  	s2 =	sld [smem:$0x3FD0];
	_ =	sdelay $0x2  }
0x91: {  	s15 =	simm.s32 $0xA;
	s4 =	simm.s32 $0x10  }
0x92: {  	[smem:s4], [sflag:s15] =	dma.local [hbm:s2], $0x1  }
0x93: {  	_ =	swait.eq [sflag:s15], $0x1  }
0x94: {  	[sflag:s15] =	ssyncset.done $0x0  }
0x95: {  	[sflag:s15] =	ssyncadd.s32 $0xFFFFFFFF  }
0x96: {  	s16 =	sld [smem:$0x11];
	(tm) =	ssettm $0x1  }
0x97: {  	s17 =	sld [smem:$0x3FFB];
	_ =	sdelay $0x3  }
0x98: {  	_ =	strace s17  }
0x99: {  	s3 =	sld [smem:$0x3FFC];
	_ =	sdelay $0x3  }
0x9a: {  	_ =	strace s3  }
0x9b: {  	s3 =	sld [smem:$0x3FFD];
	_ =	sdelay $0x3  }
0x9c: {  	_ =	strace s3  }
0x9d: {  	_ =	strace $0x8FFFFFFF  }
0x9e: {  	s18 =	sld [smem:$0x3FDB];
	_ =	sdelay $0x1  }
0x9f: {  	s19 =	simm.s32 $_scs_section_size  }
0xa0: {  	s5 =	simm.s32 $_size__tile_overlayer_lowered;
	s6 =	simm.s32 $_tile_overlayer_lowered  }
0xa1: {  	s22 =	simm.s32 $0x1BFF;
	s21 =	sshll.u32 s6, $0x1;
	s3 =	sadd.s32 s19, s18  }
0xa2: {  	s7 =	simm.s32 $0x0;
	s20 =	sshll.u32 s5, $0x1;
	s5 =	sadd.s32 s21, s3  }
0xa3: {  	[timem:s7], [sflag:s22] =	dma.local [hbm:s5], s20  }
0xa4: {  	_ =	swait.ge [sflag:s22], s20  }
0xa5: {  	s4 =	ssub.s32 $0x0, s20;
	[sflag:s22] =	ssyncset.done $0x0  }
0xa6: {  	[sflag:s22] =	ssyncadd.s32 s4;
	_ =	sdelay $0x1  }
0xa7: {  	s23 =	simm.s32 $0x1B8B  }
0xa8: {  	_ =	swait.ge [sflag:s23], $0x1  }
0xa9: {  	[sflag:s23] =	ssyncset.done $0x0  }
0xaa: {  	s25 =	simm.s32 $0x1B8E;
	s24 =	sld [smem:$0x3FFE];
	[sflag:s23] =	ssyncadd.s32 $0xFFFFFFFF  }
0xab: {  	s26 =	simm.s32 $execute0_lowered;
	[smem:$0x3FD2] =	sst s25  }
0xac: {  	s5 =	sshll.u32 s26, $0x1;
	_ =	strace $0x80000049;
	[dreg:$0x1] =	wrdreg $0xFFFFFFFF  }
0xad: {  	s28 =	simm.s32 $_size_execute0_lowered;
	s3 =	sadd.s32 s3, s5;
	[dreg:$0x0] =	wrdreg $0x0  }
0xae: {  	s5 =	sshll.u32 s28, $0x1;
	[dreg:$0x2] =	wrdreg s3  }
0xaf: {  	[dreg:$0x3] =	wrdreg s5  }
0xb0: {  	[dreg:$0x4] =	wrdreg $0xC0  }
0xb1: {  	_ =	task [dreg:s7], $0x5FFFF  }
0xb2: {  	[dreg:$0x1] =	wrdreg $0xFFFFFFFF  }
0xb3: {  	[dreg:$0x0] =	wrdreg $0x60  }
0xb4: {  	[dreg:$0x2] =	wrdreg s16  }
0xb5: {  	[dreg:$0x3] =	wrdreg s24  }
0xb6: {  	[dreg:$0x4] =	wrdreg $0xA3800  }
0xb7: {  	[dreg:$0x5] =	wrdreg $0xE4000  }
0xb8: {  	[dreg:$0x6] =	wrdreg $0x9  }
0xb9: {  	_ =	task.clear_ibuf [dreg:s7], $0x7FFFF;
	_ =	strace $0x90000049  }
0xba: {  	s29 =	simm.s32 $0x9;
	_ =	strace $0x8000004B  }
0xbb: {  	_ =	swait.ge [sflag:s29], $0x1  }
0xbc: {  	[sflag:s29] =	ssyncadd.s32 $0xFFFFFFFF  }
0xbd: {  	_ =	strace $0x9000004B  }
0xbe: {  	_ =	sfence  }
0xbf: {  	s30 =	sld [smem:$0x0];
	_ =	sdelay $0x2  }
0xc0: {  	s31 =	sshll.u32 s1, $0xD;
	s1 =	sshrl.u32 s1, $0x2  }
0xc1: {  	s3 =	sand.u32 $0x4000, s31;
	s1 =	sadd.s32 s1, s30  }
0xc2: {  	s0 =	sor.u32 s3, s0;
	s1 =	sshll.u32 s1, $0x11  }
0xc3: {  	s0 =	sor.u32 s1, s0  }
0xc4: {  	s0 =	sadd.s32 $0x8F2B, s0  }
0xc5: {  	[sflag:s0] =	ssyncadd.remote.s32 $0x1  }
0xc6: {  	_ =	sfence.sel $0xFFFF  }
0xc7: {  	[dreg:$0x0] =	wrdreg $0xFFFFFFFF;
	(pc) =	sbr.abs _section_cstart, $3  }
0xc8: {  	[dreg:$0x1] =	wrdreg $0xFFFFFFFF  }
0xc9: {  	_ =	task.clear_ibuf [dreg:s7], $0x2FFFF;
	_ =	strace $0x9FFFFFFF  }
0xca: {  	(tm) =	ssettm $0x7FFFFFFF  }
0xcb: {  	_ =	shalt  }
tec
execute0_lowered:
.L_overlay_start_1:
0x0: {  	(tag) =	ssettag $0x1  }
0x1: {  	s0 =	rddreg [dreg:$0x0]  }
0x2: {  	s1 =	rddreg [dreg:$0x1];
	s3 =	srdreg.scid  }
0x3: {  	s2 =	rddreg [dreg:$0x2];
	s9 =	stileid.u32  }
0x4: {  	s24 =	simm.s32 $0x0;
	s16 =	simm.s32 $0x4;
	s18 =	simm.s32 $0x80  }
0x5: {  	s19 =	simm.s32 $0x400;
	s5 =	sand.u32 $0x1, s3;
	s3 =	rddreg [dreg:$0x3]  }
0x6: {  	s21 =	simm.s32 $0x3;
	s8 =	sshll.u32 s9, $0x4;
	[smem:$0x7FF] =	sst s24  }
0x7: {  	s30 =	sshll.u32 s9, $0xF;
	s31 =	sshll.u32 s9, $0xC;
	s14 =	sshll.u32 s9, $0x6  }
0x8: {  	s4 =	sshll.u32 s5, $0x4;
	_ =	strace $0x8000004A;
	s5 =	ssub.s32 $0x2, s5  }
0x9: {  	s13 =	sadd.s32 s30, s3;
	s6 =	sor.u32 s9, s4;
	s29 =	sshrl.u32 s5, $0x1  }
0xa: {  	s9 =	sshll.u32 s9, $0xE;
	s13 =	sshrl.u32 s13, $0x3;
	s7 =	sshll.u32 s6, $0x9  }
0xb: {  	s25 =	sshll.u32 s6, $0x1;
	s28 =	sshll.u32 s6, $0xB;
	s12 =	ssub.s32 s5, s29  }
0xc: {  	s5 =	sadd.s32 s0, s31;
	s6 =	sor.u32 $0x1C03, s14;
	s15 =	sadd.s32 s9, s2  }
.Ltmp0:
0xd: {  	s14 =	sor.u32 $0x1C04, s14;
	s7 =	sor.u32 s8, s7;
	(pc) =	sbr.rel .LBB2_1-.Ltmp0, $4  }
0xe: {  	s26 =	sadd.s32 s25, s1;
	s12 =	smax.u32 s12, $0x1;
	s15 =	sshrl.u32 s15, $0x3  }
0xf: {  	s7 =	sand.u32 $0x3070, s7;
	s8 =	sadd.s32 $0x1A600, s26;
	s26 =	simm.s32 $0x0  }
0x10: {  	s10 =	sadd.s32 s7, s1;
	s1 =	sadd.s32 s28, s1;
	s7 =	sadd.s32 s0, s28  }
0x11: {  	s9 =	sadd.s32 $0x12600, s10;
	s10 =	sadd.s32 $0x16600, s10;
	s11 =	sadd.s32 $0x2600, s1  }
.LBB2_10:
0x12: {  	s26 =	sadd.s32 $0x1, s26  }
0x13: {  	p0 =	sne.s32 s26, s12  }
.Ltmp1:
0x14: {  	_ = 	snop;
	(pc) =	sbr.rel @!p0 .LBB2_11-.Ltmp1, $4  }
0x15: {  	[hbm:s11], [sflag:s14] =	dma.local [spmem:s15], $0x800  }
0x16: {  	_ =	swait.ge [sflag:s16], $0x800  }
0x17: {  	[sflag:s16] =	ssyncset.done $0x0  }
0x18: {  	[sflag:s16] =	ssyncadd.s32 $0xFFFFF800  }
.LBB2_1:
0x19: {  	[spmem:s13], [sflag:s6] =	dma.local [hbm:s5], $0x1000  }
0x1a: {  	[spmem:s15], [sflag:s14] =	dma.local [hbm:s7], $0x800  }
0x1b: {  	_ =	swait.ge [sflag:s16], $0x800  }
0x1c: {  	[sflag:s16] =	ssyncset.done $0x0  }
0x1d: {  	s1 =	simm.s32 $0x0;
	s0 =	simm.s32 $0x2100;
	[sflag:s16] =	ssyncadd.s32 $0xFFFFF800  }
0x1e: {  	[tilespmem:s0], [sflag:$0x4] =	stream.linear.gather [hbm4b:s8+s1], $0x10, $0x38;
	[tilespmem:$0x16400] =	vst v63  }
0x1f: {  	_ =	swait.ge [sflag:s16], $0x10  }
0x20: {  	[sflag:s16] =	ssyncset.done $0x0  }
0x21: {  	[sflag:s16] =	ssyncadd.s32 $0xFFFFFFF0  }
0x22: {  	v0 =	vld [tilespmem:$0x2100];
	_ =	sdelay $0x4  }
0x23: {  	v0 =	vxor.u32 $0x80000000, v0  }
0x24: {  	(xrf0) =	vmax.scan.msk.u32 $0xffff, v0;
	_ =	sdelay $0x5  }
0x25: {  	v0, _, _ =	vpop (xrf0)  }
0x26: {  	(v2sf) =	vpush v0, $0xF;
	_ =	sdelay $0xd  }
0x27: {  	[tilespmem:s1], [sflag:$0x4] =	stream.strided.gather [hbm4b:s9+s18], $0x1000, s19, s18, $0x38;
	[tilespmem:$0x16400] =	vst v63  }
0x28: {  	s25 =	spop (v2sf)  }
0x29: {  	s29 =	simm.s32 $0x1080;
	_ =	swait.ge [sflag:s16], $0x1000;
	s0 =	sadd.s32 $0x8000007F, s25  }
0x2a: {  	[sflag:s16] =	ssyncset.done $0x0;
	s30 =	sand.u32 $0x7F, s0;
	s31 =	sshra.s32 s0, $0x1F  }
0x2b: {  	p1 =	slt.s32 s0, $0x1;
	[sflag:s16] =	ssyncadd.s32 $0xFFFFF000;
	p0 =	sne.s32 s30, $0x0  }
0x2c: {  	[tilespmem:s29], [sflag:$0x4] =	stream.strided.gather [hbm4b:s10+s18], $0x1000, s19, s18, $0x38;
	[tilespmem:$0x16400] =	vst v63  }
0x2d: {  	s1 =	sshrl.u32 s31, $0x19;
	p0 =	por !p1, !p0  }
0x2e: {  	s0 =	sadd.s32 s1, s0;
	s1 =	simm.s32 $0x1;
	p0 =	por !p0, !p0  }
0x2f: {  	_ =	swait.ge [sflag:s16], $0x1000;
	s0 =	sshra.s32 s0, $0x7;
	s1 =	simm.s32 @!p0 $0x0  }
0x30: {  	[sflag:s16] =	ssyncset.done $0x0;
	s28 =	ssub.s32 s0, s1  }
0x31: {  	[sflag:s16] =	ssyncadd.s32 $0xFFFFF000;
	p0 =	slt.s32 s28, $0x1  }
.Ltmp2:
0x32: {  	_ =	swait.ge [sflag:s21], $0x1000;
	(pc) =	sbr.rel @p0 .LBB2_10-.Ltmp2, $3  }
0x33: {  	[sflag:s21] =	ssyncset.done $0x0  }
0x34: {  	[sflag:s21] =	ssyncadd.s32 $0xFFFFF000  }
0x35: {  	[bflag:$0x0] =	sbarrier.arrive $0xFFFF;
	_ =	sdelay $0x1  }
0x36: {  	v0 =	vld [tilespmem:$0x0]  }
0x37: {  	v1 =	vld [tilespmem:$0x1080]  }
0x38: {  	v2 =	vld [tilespmem:$0x10]  }
0x39: {  	v3 =	vld [tilespmem:$0x1090]  }
0x3a: {  	v4 =	vld [tilespmem:$0x20]  }
0x3b: {  	v53 =	vld [tilespmem:$0x10A0];
	[tilespmem:$0x2180] =	vst v0  }
0x3c: {  	v54 =	vld [tilespmem:$0x30];
	[tilespmem:$0x2200] =	vst v1  }
0x3d: {  	v55 =	vld [tilespmem:$0x10B0];
	[tilespmem:$0x2190] =	vst v2  }
0x3e: {  	v56 =	vld [tilespmem:$0x40];
	[tilespmem:$0x2210] =	vst v3  }
0x3f: {  	v57 =	vld [tilespmem:$0x10C0];
	[tilespmem:$0x21A0] =	vst v4  }
0x40: {  	v58 =	vld [tilespmem:$0x50];
	[tilespmem:$0x2220] =	vst v53  }
0x41: {  	v59 =	vld [tilespmem:$0x10D0];
	[tilespmem:$0x21B0] =	vst v54  }
0x42: {  	v60 =	vld [tilespmem:$0x60];
	[tilespmem:$0x2230] =	vst v55  }
0x43: {  	v61 =	vld [tilespmem:$0x10E0];
	[tilespmem:$0x21C0] =	vst v56  }
0x44: {  	v62 =	vld [tilespmem:$0x70];
	[tilespmem:$0x2240] =	vst v57  }
0x45: {  	v63 =	vld [tilespmem:$0x10F0];
	s31 =	simm.s32 $0x0;
	[tilespmem:$0x21D0] =	vst v58  }
0x46: {  	p0 =	sne.s32 s28, $0x1;
	s24 =	sand.u32 $0x1, s31;
	[tilespmem:$0x2250] =	vst v59  }
.Ltmp3:
0x47: {  	p4 =	seq.s32 s24, $0x1;
	[tilespmem:$0x21E0] =	vst v60;
	(pc) =	sbr.rel @!p0 .LBB2_3-.Ltmp3, $4  }
0x48: {  	s0 =	simm.s32 $0x2180;
	s1 =	simm.s32 $0x2280;
	p6 =	sle.s32 @!p4 s28, $0x1;
	[tilespmem:$0x2260] =	vst v61  }
0x49: {  	s29 =	simm.s32 $0x1170;
	s30 =	simm.s32 $0xF0;
	p2 =	por p6, p4;
	[tilespmem:$0x21F0] =	vst v62  }
0x4a: {  	s23 =	simm.s32 $0x1;
	p3 =	por $0x0, $0x0;
	[tilespmem:$0x2270] =	vst v63;
	p5 =	por @!p2 $0x1, $0x1  }
0x4b: {  	[tilespmem:s1], [sflag:$0x1] =	stream.indirect.gather [spmem:s3], $0x80, s0, s18, $0xb8;
	[tilespmem:$0x16400] =	vst v63  }
0x4c: {  	p0 =	por @!p4 p5, p6  }
0x4d: {  	p0 =	por p0, p4  }
0x4e: {  	s0 =	simm.s32 @!p0 $0x2  }
0x4f: {  	_ =	swait.ge @!p0 [sflag:s0], $0x4000  }
0x50: {  	[sflag:s0] =	ssyncset.done @!p0 $0x0  }
0x51: {  	[sflag:s0] =	ssyncadd.s32 @!p0 $0xFFFFC000  }
0x52: {  	v0 =	vld @!p2 [tilespmem:s30+$0xFFFFFF90];
	_ =	sdelay $0x4  }
0x53: {  	[tilespmem:$0x6280] =	vst @!p2 v0  }
0x54: {  	v0 =	vld @!p2 [tilespmem:s29+$0xFFFFFF90];
	_ =	sdelay $0x4  }
0x55: {  	[tilespmem:$0x6300] =	vst @!p2 v0  }
0x56: {  	v0 =	vld @!p2 [tilespmem:s30+$0xFFFFFFA0];
	_ =	sdelay $0x4  }
0x57: {  	[tilespmem:$0x6290] =	vst @!p2 v0  }
0x58: {  	v0 =	vld @!p2 [tilespmem:s29+$0xFFFFFFA0];
	_ =	sdelay $0x4  }
0x59: {  	[tilespmem:$0x6310] =	vst @!p2 v0  }
0x5a: {  	v0 =	vld @!p2 [tilespmem:s30+$0xFFFFFFB0];
	_ =	sdelay $0x4  }
0x5b: {  	[tilespmem:$0x62A0] =	vst @!p2 v0  }
0x5c: {  	v0 =	vld @!p2 [tilespmem:s29+$0xFFFFFFB0];
	_ =	sdelay $0x4  }
0x5d: {  	[tilespmem:$0x6320] =	vst @!p2 v0  }
0x5e: {  	v0 =	vld @!p2 [tilespmem:s30+$0xFFFFFFC0];
	_ =	sdelay $0x4  }
0x5f: {  	[tilespmem:$0x62B0] =	vst @!p2 v0  }
0x60: {  	v0 =	vld @!p2 [tilespmem:s29+$0xFFFFFFC0];
	_ =	sdelay $0x4  }
0x61: {  	[tilespmem:$0x6330] =	vst @!p2 v0  }
0x62: {  	v0 =	vld @!p2 [tilespmem:s30+$0xFFFFFFD0];
	_ =	sdelay $0x4  }
0x63: {  	[tilespmem:$0x62C0] =	vst @!p2 v0  }
0x64: {  	v0 =	vld @!p2 [tilespmem:s29+$0xFFFFFFD0];
	_ =	sdelay $0x4  }
0x65: {  	[tilespmem:$0x6340] =	vst @!p2 v0  }
0x66: {  	v0 =	vld @!p2 [tilespmem:s30+$0xFFFFFFE0];
	_ =	sdelay $0x4  }
0x67: {  	[tilespmem:$0x62D0] =	vst @!p2 v0  }
0x68: {  	v0 =	vld @!p2 [tilespmem:s29+$0xFFFFFFE0];
	_ =	sdelay $0x4  }
0x69: {  	[tilespmem:$0x6350] =	vst @!p2 v0  }
0x6a: {  	v0 =	vld @!p2 [tilespmem:s30+$0xFFFFFFF0];
	_ =	sdelay $0x4  }
0x6b: {  	[tilespmem:$0x62E0] =	vst @!p2 v0  }
0x6c: {  	v0 =	vld @!p2 [tilespmem:s29+$0xFFFFFFF0];
	_ =	sdelay $0x4  }
0x6d: {  	[tilespmem:$0x6360] =	vst @!p2 v0  }
0x6e: {  	v0 =	vld @!p2 [tilespmem:s30+$0x0];
	_ =	sdelay $0x4  }
0x6f: {  	[tilespmem:$0x62F0] =	vst @!p2 v0  }
0x70: {  	v0 =	vld @!p2 [tilespmem:s29+$0x0];
	_ =	sdelay $0x2  }
0x71: {  	p1 =	sle.s32 s28, $0x1;
	p0 =	por p4, p4  }
0x72: {  	s1 =	simm.s32 @!p2 $0x80;
	p3 =	por !p0, p1  }
0x73: {  	s22 =	simm.s32 @!p2 $0x6280;
	s0 =	simm.s32 @!p2 $0x6380;
	s25 =	simm.s32 @!p3 $0x1;
	[tilespmem:$0x6370] =	vst @!p2 v0  }
0x74: {  	[tilespmem:s0], [sflag:$0x2] =	stream.indirect.gather @!p2 [spmem:s3], $0x80, s22, s1, $0xb8;
	[tilespmem:$0x16400] =	vst v63  }
0x75: {  	_ =	swait.ge @!p3 [sflag:s25], $0x4000  }
0x76: {  	[sflag:s25] =	ssyncset.done @!p3 $0x0  }
0x77: {  	[sflag:s25] =	ssyncadd.s32 @!p3 $0xFFFFC000  }
0x78: {  	v0 =	vld @!p3 [tilespmem:s30+$0xFFFFFF90];
	_ =	sdelay $0x4  }
0x79: {  	[tilespmem:$0x2180] =	vst @!p3 v0  }
0x7a: {  	v0 =	vld @!p3 [tilespmem:s29+$0xFFFFFF90];
	_ =	sdelay $0x4  }
0x7b: {  	[tilespmem:$0x2200] =	vst @!p3 v0  }
0x7c: {  	v0 =	vld @!p3 [tilespmem:s30+$0xFFFFFFA0];
	_ =	sdelay $0x4  }
0x7d: {  	[tilespmem:$0x2190] =	vst @!p3 v0  }
0x7e: {  	v0 =	vld @!p3 [tilespmem:s29+$0xFFFFFFA0];
	_ =	sdelay $0x4  }
0x7f: {  	[tilespmem:$0x2210] =	vst @!p3 v0  }
0x80: {  	v0 =	vld @!p3 [tilespmem:s30+$0xFFFFFFB0];
	_ =	sdelay $0x4  }
0x81: {  	[tilespmem:$0x21A0] =	vst @!p3 v0  }
0x82: {  	v0 =	vld @!p3 [tilespmem:s29+$0xFFFFFFB0];
	_ =	sdelay $0x4  }
0x83: {  	[tilespmem:$0x2220] =	vst @!p3 v0  }
0x84: {  	v0 =	vld @!p3 [tilespmem:s30+$0xFFFFFFC0];
	_ =	sdelay $0x4  }
0x85: {  	[tilespmem:$0x21B0] =	vst @!p3 v0  }
0x86: {  	v0 =	vld @!p3 [tilespmem:s29+$0xFFFFFFC0];
	_ =	sdelay $0x4  }
0x87: {  	[tilespmem:$0x2230] =	vst @!p3 v0  }
0x88: {  	v0 =	vld @!p3 [tilespmem:s30+$0xFFFFFFD0];
	_ =	sdelay $0x4  }
0x89: {  	[tilespmem:$0x21C0] =	vst @!p3 v0  }
0x8a: {  	v0 =	vld @!p3 [tilespmem:s29+$0xFFFFFFD0];
	_ =	sdelay $0x4  }
0x8b: {  	[tilespmem:$0x2240] =	vst @!p3 v0  }
0x8c: {  	v0 =	vld @!p3 [tilespmem:s30+$0xFFFFFFE0];
	_ =	sdelay $0x4  }
0x8d: {  	[tilespmem:$0x21D0] =	vst @!p3 v0  }
0x8e: {  	v0 =	vld @!p3 [tilespmem:s29+$0xFFFFFFE0];
	_ =	sdelay $0x4  }
0x8f: {  	[tilespmem:$0x2250] =	vst @!p3 v0  }
0x90: {  	v0 =	vld @!p3 [tilespmem:s30+$0xFFFFFFF0];
	_ =	sdelay $0x4  }
0x91: {  	[tilespmem:$0x21E0] =	vst @!p3 v0  }
0x92: {  	v0 =	vld @!p3 [tilespmem:s29+$0xFFFFFFF0];
	_ =	sdelay $0x4  }
0x93: {  	[tilespmem:$0x2260] =	vst @!p3 v0  }
0x94: {  	v0 =	vld @!p3 [tilespmem:s30+$0x0];
	_ =	sdelay $0x4  }
0x95: {  	[tilespmem:$0x21F0] =	vst @!p3 v0  }
0x96: {  	v0 =	vld @!p3 [tilespmem:s29+$0x0]  }
0x97: {  	p1 =	sne.s32 s28, $0x2  }
0x98: {  	s4 =	simm.s32 @!p1 $0x0  }
0x99: {  	s4 =	simm.s32 @p1 $0x1;
	p1 =	sne.s32 s24, $0x0  }
0x9a: {  	s24 =	simm.s32 @!p3 $0x80;
	s1 =	sand.u32 $0x1, s23;
	s22 =	simm.s32 @!p3 $0x2180  }
0x9b: {  	s23 =	simm.s32 @!p3 $0x2280;
	[smem:$0x7FD] =	sst s4;
	s25 =	simm.s32 @!p1 $0x1;
	[tilespmem:$0x2270] =	vst @!p3 v0  }
0x9c: {  	[tilespmem:s23], [sflag:$0x1] =	stream.indirect.gather @!p3 [spmem:s3], $0x80, s22, s24, $0xb8;
	[tilespmem:$0x16400] =	vst v63  }
0x9d: {  	_ =	swait.ge @!p1 [sflag:s25], $0x4000  }
0x9e: {  	s24 =	sld [smem:$0x7FD];
	_ =	sdelay $0x2  }
0x9f: {  	p3 =	seq.s32 s24, $0x1  }
.Ltmp4:
0xa0: {  	_ = 	snop;
	(pc) =	sbr.rel @!p3 .LBB2_5-.Ltmp4, $4  }
0xa1: {  	p4 =	seq.s32 s1, $0x1  }
0xa2: {  	p6 =	sle.s32 @!p4 s28, $0x2  }
0xa3: {  	s31 =	simm.s32 $0x1170;
	s0 =	simm.s32 $0x2;
	p2 =	por p6, p4  }
0xa4: {  	p5 =	por @!p2 $0x0, $0x0;
	s30 =	simm.s32 $0x170;
	s22 =	simm.s32 $0x2  }
.LBB2_6:
0xa5: {  	s17 =	simm.s32 @p0 $0x6380;
	s31 =	sadd.s32 $0x80, s31  }
0xa6: {  	s23 =	smov.u32 s22;
	s22 =	sadd.s32 $0x1, s22;
	s24 =	smov.u32 s1  }
0xa7: {  	s1 =	simm.s32 @!p1 $0x2280;
	s20 =	simm.s32 @p0 $0x2;
	[sflag:s25] =	ssyncset.done @!p1 $0x0  }
0xa8: {  	s4 =	simm.s32 @!p1 $0x2200;
	[sflag:s25] =	ssyncadd.s32 @!p1 $0xFFFFC000;
	s25 =	simm.s32 @!p1 $0x80  }
0xa9: {  	[spmem:s2] =	stream.indirect.scatter.add.f32 @!p1 [tilespmem:s1], [sflag:$0x1], $0x80, s4, s25, $0xb8;
	[tilespmem:$0x16400] =	vst v63  }
0xaa: {  	p1 =	por @!p4 p5, p6;
	s1 =	simm.s32 @p0 $0x6300;
	_ =	swait.ge @p0 [sflag:s20], $0x4000  }
0xab: {  	s4 =	simm.s32 @p0 $0x80;
	p1 =	por p1, p4;
	[sflag:s20] =	ssyncset.done @p0 $0x0  }
0xac: {  	p3 =	sne.s32 s28, s22;
	s25 =	simm.s32 @!p1 $0x2;
	[sflag:s20] =	ssyncadd.s32 @p0 $0xFFFFC000  }
0xad: {  	[spmem:s2] =	stream.indirect.scatter.add.f32 @p0 [tilespmem:s17], [sflag:$0x2], $0x80, s1, s4, $0xb8;
	[tilespmem:$0x16400] =	vst v63  }
0xae: {  	p0 =	por p4, p4;
	_ =	swait.ge @!p1 [sflag:s25], $0x4000  }
0xaf: {  	[sflag:s25] =	ssyncset.done @!p1 $0x0  }
0xb0: {  	[sflag:s25] =	ssyncadd.s32 @!p1 $0xFFFFC000  }
0xb1: {  	v0 =	vld @!p2 [tilespmem:s30+$0xFFFFFF90];
	_ =	sdelay $0x4  }
0xb2: {  	[tilespmem:$0x6280] =	vst @!p2 v0  }
0xb3: {  	v0 =	vld @!p2 [tilespmem:s31+$0xFFFFFF90];
	_ =	sdelay $0x4  }
0xb4: {  	[tilespmem:$0x6300] =	vst @!p2 v0  }
0xb5: {  	v0 =	vld @!p2 [tilespmem:s30+$0xFFFFFFA0];
	_ =	sdelay $0x4  }
0xb6: {  	[tilespmem:$0x6290] =	vst @!p2 v0  }
0xb7: {  	v0 =	vld @!p2 [tilespmem:s31+$0xFFFFFFA0];
	_ =	sdelay $0x4  }
0xb8: {  	[tilespmem:$0x6310] =	vst @!p2 v0  }
0xb9: {  	v0 =	vld @!p2 [tilespmem:s30+$0xFFFFFFB0];
	_ =	sdelay $0x4  }
0xba: {  	[tilespmem:$0x62A0] =	vst @!p2 v0  }
0xbb: {  	v0 =	vld @!p2 [tilespmem:s31+$0xFFFFFFB0];
	_ =	sdelay $0x4  }
0xbc: {  	[tilespmem:$0x6320] =	vst @!p2 v0  }
0xbd: {  	v0 =	vld @!p2 [tilespmem:s30+$0xFFFFFFC0];
	_ =	sdelay $0x4  }
0xbe: {  	[tilespmem:$0x62B0] =	vst @!p2 v0  }
0xbf: {  	v0 =	vld @!p2 [tilespmem:s31+$0xFFFFFFC0];
	_ =	sdelay $0x4  }
0xc0: {  	[tilespmem:$0x6330] =	vst @!p2 v0  }
0xc1: {  	v0 =	vld @!p2 [tilespmem:s30+$0xFFFFFFD0];
	_ =	sdelay $0x4  }
0xc2: {  	[tilespmem:$0x62C0] =	vst @!p2 v0  }
0xc3: {  	v0 =	vld @!p2 [tilespmem:s31+$0xFFFFFFD0];
	_ =	sdelay $0x4  }
0xc4: {  	[tilespmem:$0x6340] =	vst @!p2 v0  }
0xc5: {  	v0 =	vld @!p2 [tilespmem:s30+$0xFFFFFFE0];
	_ =	sdelay $0x4  }
0xc6: {  	[tilespmem:$0x62D0] =	vst @!p2 v0  }
0xc7: {  	v0 =	vld @!p2 [tilespmem:s31+$0xFFFFFFE0];
	_ =	sdelay $0x4  }
0xc8: {  	[tilespmem:$0x6350] =	vst @!p2 v0  }
0xc9: {  	v0 =	vld @!p2 [tilespmem:s30+$0xFFFFFFF0];
	_ =	sdelay $0x4  }
0xca: {  	[tilespmem:$0x62E0] =	vst @!p2 v0  }
0xcb: {  	v0 =	vld @!p2 [tilespmem:s31+$0xFFFFFFF0];
	_ =	sdelay $0x4  }
0xcc: {  	[tilespmem:$0x6360] =	vst @!p2 v0  }
0xcd: {  	v0 =	vld @!p2 [tilespmem:s30+$0x0];
	_ =	sdelay $0x4  }
0xce: {  	[tilespmem:$0x62F0] =	vst @!p2 v0  }
0xcf: {  	v0 =	vld @!p2 [tilespmem:s31+$0x0];
	_ =	sdelay $0x2  }
0xd0: {  	p1 =	sge.s32 s0, s28;
	s0 =	smov.u32 s22  }
0xd1: {  	s1 =	simm.s32 @!p2 $0x6380;
	p5 =	por !p0, p1  }
0xd2: {  	s4 =	simm.s32 @!p2 $0x80;
	s17 =	simm.s32 @!p2 $0x6280;
	s20 =	simm.s32 @!p5 $0x1;
	[tilespmem:$0x6370] =	vst @!p2 v0  }
0xd3: {  	[tilespmem:s1], [sflag:$0x2] =	stream.indirect.gather @!p2 [spmem:s3], $0x80, s17, s4, $0xb8;
	[tilespmem:$0x16400] =	vst v63  }
0xd4: {  	_ =	swait.ge @!p5 [sflag:s20], $0x4000  }
0xd5: {  	[sflag:s20] =	ssyncset.done @!p5 $0x0  }
0xd6: {  	[sflag:s20] =	ssyncadd.s32 @!p5 $0xFFFFC000  }
0xd7: {  	v0 =	vld @!p5 [tilespmem:s30+$0xFFFFFF90];
	_ =	sdelay $0x4  }
0xd8: {  	[tilespmem:$0x2180] =	vst @!p5 v0  }
0xd9: {  	v0 =	vld @!p5 [tilespmem:s31+$0xFFFFFF90];
	_ =	sdelay $0x4  }
0xda: {  	[tilespmem:$0x2200] =	vst @!p5 v0  }
0xdb: {  	v0 =	vld @!p5 [tilespmem:s30+$0xFFFFFFA0];
	_ =	sdelay $0x4  }
0xdc: {  	[tilespmem:$0x2190] =	vst @!p5 v0  }
0xdd: {  	v0 =	vld @!p5 [tilespmem:s31+$0xFFFFFFA0];
	_ =	sdelay $0x4  }
0xde: {  	[tilespmem:$0x2210] =	vst @!p5 v0  }
0xdf: {  	v0 =	vld @!p5 [tilespmem:s30+$0xFFFFFFB0];
	_ =	sdelay $0x4  }
0xe0: {  	[tilespmem:$0x21A0] =	vst @!p5 v0  }
0xe1: {  	v0 =	vld @!p5 [tilespmem:s31+$0xFFFFFFB0];
	_ =	sdelay $0x4  }
0xe2: {  	[tilespmem:$0x2220] =	vst @!p5 v0  }
0xe3: {  	v0 =	vld @!p5 [tilespmem:s30+$0xFFFFFFC0];
	_ =	sdelay $0x4  }
0xe4: {  	[tilespmem:$0x21B0] =	vst @!p5 v0  }
0xe5: {  	v0 =	vld @!p5 [tilespmem:s31+$0xFFFFFFC0];
	_ =	sdelay $0x4  }
0xe6: {  	[tilespmem:$0x2230] =	vst @!p5 v0  }
0xe7: {  	v0 =	vld @!p5 [tilespmem:s30+$0xFFFFFFD0];
	_ =	sdelay $0x4  }
0xe8: {  	[tilespmem:$0x21C0] =	vst @!p5 v0  }
0xe9: {  	v0 =	vld @!p5 [tilespmem:s31+$0xFFFFFFD0];
	_ =	sdelay $0x4  }
0xea: {  	[tilespmem:$0x2240] =	vst @!p5 v0  }
0xeb: {  	v0 =	vld @!p5 [tilespmem:s30+$0xFFFFFFE0];
	_ =	sdelay $0x4  }
0xec: {  	[tilespmem:$0x21D0] =	vst @!p5 v0  }
0xed: {  	v0 =	vld @!p5 [tilespmem:s31+$0xFFFFFFE0];
	_ =	sdelay $0x4  }
0xee: {  	[tilespmem:$0x2250] =	vst @!p5 v0  }
0xef: {  	v0 =	vld @!p5 [tilespmem:s30+$0xFFFFFFF0];
	_ =	sdelay $0x4  }
0xf0: {  	[tilespmem:$0x21E0] =	vst @!p5 v0  }
0xf1: {  	v0 =	vld @!p5 [tilespmem:s31+$0xFFFFFFF0];
	_ =	sdelay $0x4  }
0xf2: {  	[tilespmem:$0x2260] =	vst @!p5 v0  }
0xf3: {  	v0 =	vld @!p5 [tilespmem:s30+$0x0];
	_ =	sdelay $0x4  }
0xf4: {  	[tilespmem:$0x21F0] =	vst @!p5 v0  }
0xf5: {  	v0 =	vld @!p5 [tilespmem:s31+$0x0];
	_ =	sdelay $0x1  }
0xf6: {  	s1 =	sand.u32 $0x1, s23  }
.Ltmp5:
0xf7: {  	s4 =	simm.s32 @!p5 $0x2180;
	p4 =	seq.s32 s1, $0x1;
	(pc) =	sbr.rel @p3 .LBB2_6-.Ltmp5, $4  }
0xf8: {  	p1 =	sne.s32 s24, $0x0;
	s17 =	simm.s32 @!p5 $0x2280;
	p6 =	sge.s32 @!p4 s0, s28  }
0xf9: {  	s25 =	simm.s32 @!p1 $0x1;
	p2 =	por p6, p4;
	s20 =	simm.s32 @!p5 $0x80;
	[tilespmem:$0x2270] =	vst @!p5 v0  }
0xfa: {  	[tilespmem:s17], [sflag:$0x1] =	stream.indirect.gather @!p5 [spmem:s3], $0x80, s4, s20, $0xb8;
	[tilespmem:$0x16400] =	vst v63  }
0xfb: {  	s30 =	sadd.s32 $0x80, s30;
	p5 =	seq.s32 @!p2 s23, $0x0;
	_ =	swait.ge @!p1 [sflag:s25], $0x4000  }
0xfc: {  	s24 =	smov.u32 s1;
	s23 =	smov.u32 s0;
	p3 =	por $0x1, $0x1  }
.LBB2_8:
0xfd: {  	p0 =	por !p0, !p3;
	p1 =	por p1, !p3  }
0xfe: {  	[sflag:s25] =	ssyncset.done @!p1 $0x0;
	s0 =	simm.s32 @!p1 $0x2280;
	s1 =	simm.s32 @!p0 $0x2  }
0xff: {  	s4 =	simm.s32 @!p1 $0x80;
	s17 =	simm.s32 @!p1 $0x2200;
	[sflag:s25] =	ssyncadd.s32 @!p1 $0xFFFFC000  }
0x100: {  	[spmem:s2] =	stream.indirect.scatter.add.f32 @!p1 [tilespmem:s0], [sflag:$0x1], $0x80, s17, s4, $0xb8;
	[tilespmem:$0x16400] =	vst v63  }
0x101: {  	s0 =	simm.s32 @!p0 $0x6380;
	p1 =	por @!p4 p5, p6;
	_ =	swait.ge @!p0 [sflag:s1], $0x4000  }
0x102: {  	s4 =	simm.s32 @!p0 $0x6300;
	p1 =	por p1, p4;
	[sflag:s1] =	ssyncset.done @!p0 $0x0  }
0x103: {  	s17 =	simm.s32 @!p0 $0x80;
	s20 =	simm.s32 @!p1 $0x2;
	[sflag:s1] =	ssyncadd.s32 @!p0 $0xFFFFC000  }
0x104: {  	[spmem:s2] =	stream.indirect.scatter.add.f32 @!p0 [tilespmem:s0], [sflag:$0x2], $0x80, s4, s17, $0xb8;
	[tilespmem:$0x16400] =	vst v63  }
0x105: {  	_ =	swait.ge @!p1 [sflag:s20], $0x4000  }
0x106: {  	[sflag:s20] =	ssyncset.done @!p1 $0x0  }
0x107: {  	[sflag:s20] =	ssyncadd.s32 @!p1 $0xFFFFC000  }
0x108: {  	v0 =	vld @!p2 [tilespmem:s30+$0xFFFFFF90];
	_ =	sdelay $0x3  }
0x109: {  	s0 =	sadd.s32 @p3 $0x80, s31  }
0x10a: {  	s29 =	smov.u32 @p3 s0;
	[tilespmem:$0x6280] =	vst @!p2 v0  }
0x10b: {  	v0 =	vld @!p2 [tilespmem:s29+$0xFFFFFF90];
	_ =	sdelay $0x4  }
0x10c: {  	[tilespmem:$0x6300] =	vst @!p2 v0  }
0x10d: {  	v0 =	vld @!p2 [tilespmem:s30+$0xFFFFFFA0];
	_ =	sdelay $0x4  }
0x10e: {  	[tilespmem:$0x6290] =	vst @!p2 v0  }
0x10f: {  	v0 =	vld @!p2 [tilespmem:s29+$0xFFFFFFA0];
	_ =	sdelay $0x4  }
0x110: {  	[tilespmem:$0x6310] =	vst @!p2 v0  }
0x111: {  	v0 =	vld @!p2 [tilespmem:s30+$0xFFFFFFB0];
	_ =	sdelay $0x4  }
0x112: {  	[tilespmem:$0x62A0] =	vst @!p2 v0  }
0x113: {  	v0 =	vld @!p2 [tilespmem:s29+$0xFFFFFFB0];
	_ =	sdelay $0x4  }
0x114: {  	[tilespmem:$0x6320] =	vst @!p2 v0  }
0x115: {  	v0 =	vld @!p2 [tilespmem:s30+$0xFFFFFFC0];
	_ =	sdelay $0x4  }
0x116: {  	[tilespmem:$0x62B0] =	vst @!p2 v0  }
0x117: {  	v0 =	vld @!p2 [tilespmem:s29+$0xFFFFFFC0];
	_ =	sdelay $0x4  }
0x118: {  	[tilespmem:$0x6330] =	vst @!p2 v0  }
0x119: {  	v0 =	vld @!p2 [tilespmem:s30+$0xFFFFFFD0];
	_ =	sdelay $0x4  }
0x11a: {  	[tilespmem:$0x62C0] =	vst @!p2 v0  }
0x11b: {  	v0 =	vld @!p2 [tilespmem:s29+$0xFFFFFFD0];
	_ =	sdelay $0x4  }
0x11c: {  	[tilespmem:$0x6340] =	vst @!p2 v0  }
0x11d: {  	v0 =	vld @!p2 [tilespmem:s30+$0xFFFFFFE0];
	_ =	sdelay $0x4  }
0x11e: {  	[tilespmem:$0x62D0] =	vst @!p2 v0  }
0x11f: {  	v0 =	vld @!p2 [tilespmem:s29+$0xFFFFFFE0];
	_ =	sdelay $0x4  }
0x120: {  	[tilespmem:$0x6350] =	vst @!p2 v0  }
0x121: {  	v0 =	vld @!p2 [tilespmem:s30+$0xFFFFFFF0];
	_ =	sdelay $0x4  }
0x122: {  	[tilespmem:$0x62E0] =	vst @!p2 v0  }
0x123: {  	v0 =	vld @!p2 [tilespmem:s29+$0xFFFFFFF0];
	_ =	sdelay $0x4  }
0x124: {  	[tilespmem:$0x6360] =	vst @!p2 v0  }
0x125: {  	v0 =	vld @!p2 [tilespmem:s30+$0x0];
	_ =	sdelay $0x4  }
0x126: {  	[tilespmem:$0x62F0] =	vst @!p2 v0  }
0x127: {  	v0 =	vld @!p2 [tilespmem:s29+$0x0];
	_ =	sdelay $0x2  }
0x128: {  	p6 =	sge.s32 s23, s28;
	p0 =	por p4, p4  }
0x129: {  	s1 =	simm.s32 @!p2 $0x80;
	p1 =	por !p0, p6  }
0x12a: {  	s4 =	simm.s32 @!p2 $0x6280;
	s0 =	simm.s32 @!p2 $0x6380;
	s17 =	simm.s32 @!p1 $0x1;
	[tilespmem:$0x6370] =	vst @!p2 v0  }
0x12b: {  	[tilespmem:s0], [sflag:$0x2] =	stream.indirect.gather @!p2 [spmem:s3], $0x80, s4, s1, $0xb8;
	[tilespmem:$0x16400] =	vst v63  }
0x12c: {  	_ =	swait.ge @!p1 [sflag:s17], $0x4000  }
0x12d: {  	[sflag:s17] =	ssyncset.done @!p1 $0x0  }
0x12e: {  	[sflag:s17] =	ssyncadd.s32 @!p1 $0xFFFFC000  }
0x12f: {  	v0 =	vld @!p1 [tilespmem:s30+$0xFFFFFF90];
	_ =	sdelay $0x4  }
0x130: {  	[tilespmem:$0x2180] =	vst @!p1 v0  }
0x131: {  	v0 =	vld @!p1 [tilespmem:s29+$0xFFFFFF90];
	_ =	sdelay $0x4  }
0x132: {  	[tilespmem:$0x2200] =	vst @!p1 v0  }
0x133: {  	v0 =	vld @!p1 [tilespmem:s30+$0xFFFFFFA0];
	_ =	sdelay $0x4  }
0x134: {  	[tilespmem:$0x2190] =	vst @!p1 v0  }
0x135: {  	v0 =	vld @!p1 [tilespmem:s29+$0xFFFFFFA0];
	_ =	sdelay $0x4  }
0x136: {  	[tilespmem:$0x2210] =	vst @!p1 v0  }
0x137: {  	v0 =	vld @!p1 [tilespmem:s30+$0xFFFFFFB0];
	_ =	sdelay $0x4  }
0x138: {  	[tilespmem:$0x21A0] =	vst @!p1 v0  }
0x139: {  	v0 =	vld @!p1 [tilespmem:s29+$0xFFFFFFB0];
	_ =	sdelay $0x4  }
0x13a: {  	[tilespmem:$0x2220] =	vst @!p1 v0  }
0x13b: {  	v0 =	vld @!p1 [tilespmem:s30+$0xFFFFFFC0];
	_ =	sdelay $0x4  }
0x13c: {  	[tilespmem:$0x21B0] =	vst @!p1 v0  }
0x13d: {  	v0 =	vld @!p1 [tilespmem:s29+$0xFFFFFFC0];
	_ =	sdelay $0x4  }
0x13e: {  	[tilespmem:$0x2230] =	vst @!p1 v0  }
0x13f: {  	v0 =	vld @!p1 [tilespmem:s30+$0xFFFFFFD0];
	_ =	sdelay $0x4  }
0x140: {  	[tilespmem:$0x21C0] =	vst @!p1 v0  }
0x141: {  	v0 =	vld @!p1 [tilespmem:s29+$0xFFFFFFD0];
	_ =	sdelay $0x4  }
0x142: {  	[tilespmem:$0x2240] =	vst @!p1 v0  }
0x143: {  	v0 =	vld @!p1 [tilespmem:s30+$0xFFFFFFE0];
	_ =	sdelay $0x4  }
0x144: {  	[tilespmem:$0x21D0] =	vst @!p1 v0  }
0x145: {  	v0 =	vld @!p1 [tilespmem:s29+$0xFFFFFFE0];
	_ =	sdelay $0x4  }
0x146: {  	[tilespmem:$0x2250] =	vst @!p1 v0  }
0x147: {  	v0 =	vld @!p1 [tilespmem:s30+$0xFFFFFFF0];
	_ =	sdelay $0x4  }
0x148: {  	[tilespmem:$0x21E0] =	vst @!p1 v0  }
0x149: {  	v0 =	vld @!p1 [tilespmem:s29+$0xFFFFFFF0];
	_ =	sdelay $0x4  }
0x14a: {  	[tilespmem:$0x2260] =	vst @!p1 v0  }
0x14b: {  	v0 =	vld @!p1 [tilespmem:s30+$0x0];
	_ =	sdelay $0x4  }
0x14c: {  	[tilespmem:$0x21F0] =	vst @!p1 v0  }
0x14d: {  	v0 =	vld @!p1 [tilespmem:s29+$0x0];
	_ =	sdelay $0x3  }
0x14e: {  	s0 =	simm.s32 @!p1 $0x2180;
	p2 =	sne.s32 s24, $0x0  }
0x14f: {  	s1 =	simm.s32 @!p1 $0x2280;
	s4 =	simm.s32 @!p1 $0x80;
	s17 =	simm.s32 @!p2 $0x1;
	[tilespmem:$0x2270] =	vst @!p1 v0  }
0x150: {  	[tilespmem:s1], [sflag:$0x1] =	stream.indirect.gather @!p1 [spmem:s3], $0x80, s0, s4, $0xb8;
	[tilespmem:$0x16400] =	vst v63  }
0x151: {  	_ =	swait.ge @!p2 [sflag:s17], $0x4000  }
0x152: {  	s0 =	simm.s32 @!p2 $0x2280;
	s1 =	simm.s32 @p0 $0x2;
	[sflag:s17] =	ssyncset.done @!p2 $0x0  }
0x153: {  	s4 =	simm.s32 @!p2 $0x80;
	[sflag:s17] =	ssyncadd.s32 @!p2 $0xFFFFC000;
	s17 =	simm.s32 @!p2 $0x2200  }
0x154: {  	[spmem:s2] =	stream.indirect.scatter.add.f32 @!p2 [tilespmem:s0], [sflag:$0x1], $0x80, s17, s4, $0xb8;
	[tilespmem:$0x16400] =	vst v63  }
0x155: {  	s31 =	sand.u32 $0x1, s28;
	_ =	swait.ge @p0 [sflag:s1], $0x4000  }
0x156: {  	p1 =	seq.s32 s31, $0x0;
	s0 =	simm.s32 @p0 $0x6380;
	[sflag:s1] =	ssyncset.done @p0 $0x0  }
0x157: {  	s4 =	simm.s32 @p0 $0x6300;
	s17 =	simm.s32 @p0 $0x80;
	[sflag:s1] =	ssyncadd.s32 @p0 $0xFFFFC000  }
0x158: {  	[spmem:s2] =	stream.indirect.scatter.add.f32 @p0 [tilespmem:s0], [sflag:$0x2], $0x80, s4, s17, $0xb8;
	[tilespmem:$0x16400] =	vst v63  }
0x159: {  	s0 =	simm.s32 @p1 $0x2  }
0x15a: {  	_ =	swait.ge @p1 [sflag:s0], $0x4000  }
0x15b: {  	p0 =	seq.s32 s28, $0x1;
	[sflag:s0] =	ssyncset.done @p1 $0x0  }
.Ltmp6:
0x15c: {  	[sflag:s0] =	ssyncadd.s32 @p1 $0xFFFFC000;
	s0 =	simm.s32 @p1 $0x1;
	(pc) =	sbr.rel @p0 .LBB2_10-.Ltmp6, $4  }
0x15d: {  	s0 =	simm.s32 @!p1 $0x1  }
0x15e: {  	_ =	swait.ge @!p1 [sflag:s0], $0x4000  }
0x15f: {  	[sflag:s0] =	ssyncset.done @!p1 $0x0  }
0x160: {  	[sflag:s0] =	ssyncadd.s32 @!p1 $0xFFFFC000;
	s0 =	simm.s32 @!p1 $0x2  }
.Ltmp7:
0x161: {  	(pc) =	sbr.rel .LBB2_10-.Ltmp7, $4  }
0x162: {  	_ = 	snop  }
0x163: {  	_ =	swait.ge [sflag:s0], $0x4000  }
0x164: {  	[sflag:s0] =	ssyncset.done $0x0  }
0x165: {  	[sflag:s0] =	ssyncadd.s32 $0xFFFFC000  }
.LBB2_3:
.Ltmp8:
0x166: {  	(pc) =	sbr.rel .LBB2_8-.Ltmp8, $2  }
0x167: {  	_ =	sdelay $0x2  }
0x168: {  	s31 =	simm.s32 $0x1170  }
.LBB2_5:
.Ltmp9:
0x169: {  	(pc) =	sbr.rel .LBB2_8-.Ltmp9, $3  }
0x16a: {  	_ =	sdelay $0x1  }
0x16b: {  	s31 =	simm.s32 $0x1170  }
0x16c: {  	s24 =	smov.u32 s1;
	s23 =	simm.s32 $0x2;
	p3 =	por $0x1, $0x1  }
.LBB2_11:
0x16d: {  	_ =	sfence.sel $0x180000  }
0x16e: {  	[bflag:$0x0] =	sbarrier.arrive $0xFFFF  }
0x16f: {  	_ =	strace $0x9000004A  }
0x170: {  	s0 =	stileid.u32;
	[bflag:$0x2] =	sbarrier.arrive $0xFFFF  }
0x171: {  	p0 =	sne.s32 s0, $0x0;
	s0 =	rddreg [dreg:$0x4]  }
0x172: {  	s0 =	sadd.s32 @!p0 $0x100000, s0  }
0x173: {  	[sflag:s0] =	ssyncadd.tile.s32 @!p0 $0x1;
	_ =	shalt  }
.Lfunc_end2:
_tile_overlayer_lowered:
.L_overlay_start_2:
0x174: {  	(tag) =	ssettag $0x2  }
0x175: {  	s0 =	rddreg [dreg:$0x0];
	s2 =	stileid.u32  }
0x176: {  	s1 =	rddreg [dreg:$0x1];
	p0 =	sne.s32 s2, $0x0  }
0x177: {  	s3 =	rddreg [dreg:$0x2];
	[bflag:$0x3] =	sbarrier.arrive $0xFFFF;
	s2 =	simm.s32 @!p0 $0x1C04  }
0x178: {  	[timem:s3], [sflag:s2] =	dma.local @!p0 [hbm:s0], s1  }
0x179: {  	s0 =	simm.s32 @!p0 $0x4  }
0x17a: {  	_ =	swait.ge @!p0 [sflag:s0], s1  }
0x17b: {  	s1 =	ssub.s32 @!p0 $0x0, s1;
	[sflag:s0] =	ssyncset.done @!p0 $0x0  }
0x17c: {  	[sflag:s0] =	ssyncadd.s32 @!p0 s1  }
0x17d: {  	[bflag:$0x3] =	sbarrier.arrive $0xFFFF  }
0x17e: {  	_ =	shalt  }

// kernel: kernel.7.cloned.1.call-start
scs
__scs_entry_jumppad:
0x0: {  	(pc) =	sbr.rel $0x88, $3  }
0x1: {  	(tag) =	ssettag $0x0;
	lr =	simm.s32 $0x1  }
0x2: {  	[smem:$0x3F9A] =	sst lr;
	_ =	strace $0xD0000000  }
0x3: {  	_ = 	snop  }
0x4: {  	_ = 	snop  }
0x5: {  	_ = 	snop  }
0x6: {  	_ = 	snop  }
0x7: {  	_ = 	snop  }
__scs_overlays_trampoline_lowered:
0x8: {  	[smem:$0x3FA9] =	sst s0  }
0x9: {  	[smem:$0x3FAA] =	sst s1  }
0xa: {  	[smem:$0x3FAB] =	sst s2  }
0xb: {  	[smem:$0x3FAC] =	sst s3  }
0xc: {  	[smem:$0x3FAD] =	sst s4  }
0xd: {  	[smem:$0x3FAE] =	sst s5  }
0xe: {  	[smem:$0x3FAF] =	sst s6  }
0xf: {  	[smem:$0x3FB0] =	sst s7  }
0x10: {  	[smem:$0x3FB1] =	sst s8  }
0x11: {  	[smem:$0x3FB2] =	sst s9;
	s0 =	simm.s32 @!p0 $0x0  }
0x12: {  	s1 =	sld [smem:$0x3F98];
	s0 =	simm.s32 @p0 $0x1  }
0x13: {  	[smem:$0x3FB3] =	sst s0;
	s0 =	simm.s32 @!p1 $0x0  }
0x14: {  	s2 =	sld [smem:$0x3F97];
	s0 =	simm.s32 @p1 $0x1  }
0x15: {  	[smem:$0x3FB4] =	sst s0;
	s0 =	simm.s32 @!p2 $0x0  }
0x16: {  	s3 =	sld [smem:$0x3FDB];
	s0 =	simm.s32 @p2 $0x1  }
0x17: {  	s4 =	simm.s32 $0x1BF5;
	[smem:$0x3FB6] =	sst s0  }
0x18: {  	s0 =	sld [smem:$0x3F99];
	_ =	swait.ge [sflag:s4], $0x0  }
0x19: {  	s7 =	sld [smem:$0x3F9A]  }
0x1a: {  	s8 =	sadd.s32 $0xFFFFE003, lr  }
0x1b: {  	s9 =	sadd.s32 $0xFFFFFEF7, lr;
	s5 =	simm.s32 $0xFFFFFFFF;
	p2 =	slt.u32 s8, $0xFFFFF086  }
0x1c: {  	p1 =	slt.u32 s9, $0xF7A;
	s5 =	simm.s32 @!p2 $0x0  }
0x1d: {  	s5 =	simm.s32 @p1 $0x1;
	p0 =	seq.s32 s7, s2  }
0x1e: {  	s7 =	smul.u32 @!p0 $0xF7A, s2;
	p2 =	seq.s32 @!p0 s5, $0x0  }
0x1f: {  	s9 =	smul.u32 $0xF7A, s1;
	s8 =	simm.s32 @!p0 $0x1BF5;
	p2 =	por !p2, p0  }
0x20: {  	[sflag:s8] =	ssyncset.s32 @!p0 $0xFFFFF086;
	s6 =	sadd.s32 @!p0 s3, s7;
	s7 =	simm.s32 @!p0 $0x108  }
0x21: {  	s3 =	sadd.s32 s3, s9;
	s6 =	sadd.s32 @!p0 $0x88, s6;
	s7 =	simm.s32 @p2 $0x1082  }
0x22: {  	[simem:s7], [sflag:s8] =	dma.local @!p0 [hbm:s6], $0xF7A  }
0x23: {  	s9 =	sor.u32 $0xD0000000, s2;
	s6 =	simm.s32 $0x108;
	_ =	swait.ge @!p0 [sflag:s8], $0x0  }
0x24: {  	s3 =	sadd.s32 $0x88, s3;
	s6 =	simm.s32 @!p1 $0x1082;
	[sflag:s4] =	ssyncset.s32 $0xFFFFF086  }
0x25: {  	[simem:s6], [sflag:s4] =	dma.local [hbm:s3], $0xF7A  }
0x26: {  	[smem:$0x3F9A] =	sst s1;
	(tag) =	ssettag s2;
	_ =	strace s9  }
0x27: {  	s1 =	sld [smem:$0x3FAA]  }
0x28: {  	s2 =	sld [smem:$0x3FAB]  }
0x29: {  	s4 =	sld [smem:$0x3FAD]  }
0x2a: {  	p0 =	seq.s32 s5, $0x0;
	s5 =	sld [smem:$0x3FAE]  }
0x2b: {  	s6 =	sld [smem:$0x3FAF]  }
0x2c: {  	s7 =	sld [smem:$0x3FB0]  }
0x2d: {  	s3 =	simm.s32 $0x108;
	s8 =	sld [smem:$0x3FB1]  }
0x2e: {  	s3 =	simm.s32 @!p0 $0x1082;
	s9 =	sld [smem:$0x3FB2]  }
0x2f: {  	lr =	sadd.s32 s0, s3;
	s0 =	sld [smem:$0x3FA9]  }
0x30: {  	s3 =	sld [smem:$0x3FAC]  }
0x31: {  	[smem:$0x3FB5] =	sst s10  }
0x32: {  	s10 =	sld [smem:$0x3FB3];
	_ =	sdelay $0x3  }
0x33: {  	p0 =	seq.s32 s10, $0x1;
	s10 =	sld [smem:$0x3FB5];
	_ =	sdelay $0x3  }
0x34: {  	[smem:$0x3FB5] =	sst s10  }
0x35: {  	s10 =	sld [smem:$0x3FB4];
	_ =	sdelay $0x3  }
0x36: {  	p1 =	seq.s32 s10, $0x1;
	s10 =	sld [smem:$0x3FB5];
	_ =	sdelay $0x3  }
0x37: {  	[smem:$0x3FB5] =	sst s10  }
0x38: {  	s10 =	sld [smem:$0x3FB6]  }
0x39: {  	_ = 	snop;
	(pc) =	sbr.ind lr, $3  }
0x3a: {  	_ = 	snop  }
0x3b: {  	_ = 	snop  }
0x3c: {  	p2 =	seq.s32 s10, $0x1;
	s10 =	sld [smem:$0x3FB5]  }
0x3d: {  	_ =	shalt  }
0x3e: {  	_ =	shalt  }
0x3f: {  	_ =	shalt  }
0x40: {  	_ =	shalt  }
0x41: {  	_ =	shalt  }
0x42: {  	_ =	shalt  }
0x43: {  	_ =	shalt  }
0x44: {  	_ =	shalt  }
0x45: {  	_ =	shalt  }
0x46: {  	_ =	shalt  }
0x47: {  	_ =	shalt  }
0x48: {  	_ =	shalt  }
0x49: {  	_ =	shalt  }
0x4a: {  	_ =	shalt  }
0x4b: {  	_ =	shalt  }
0x4c: {  	_ =	shalt  }
0x4d: {  	_ =	shalt  }
0x4e: {  	_ =	shalt  }
0x4f: {  	_ =	shalt  }
0x50: {  	_ =	shalt  }
0x51: {  	_ =	shalt  }
0x52: {  	_ =	shalt  }
0x53: {  	_ =	shalt  }
0x54: {  	_ =	shalt  }
0x55: {  	_ =	shalt  }
0x56: {  	_ =	shalt  }
0x57: {  	_ =	shalt  }
0x58: {  	_ =	shalt  }
0x59: {  	_ =	shalt  }
0x5a: {  	_ =	shalt  }
0x5b: {  	_ =	shalt  }
0x5c: {  	_ =	shalt  }
0x5d: {  	_ =	shalt  }
0x5e: {  	_ =	shalt  }
0x5f: {  	_ =	shalt  }
0x60: {  	_ =	shalt  }
0x61: {  	_ =	shalt  }
0x62: {  	_ =	shalt  }
0x63: {  	_ =	shalt  }
0x64: {  	_ =	shalt  }
0x65: {  	_ =	shalt  }
0x66: {  	_ =	shalt  }
0x67: {  	_ =	shalt  }
0x68: {  	_ =	shalt  }
0x69: {  	_ =	shalt  }
0x6a: {  	_ =	shalt  }
0x6b: {  	_ =	shalt  }
0x6c: {  	_ =	shalt  }
0x6d: {  	_ =	shalt  }
0x6e: {  	_ =	shalt  }
0x6f: {  	_ =	shalt  }
0x70: {  	_ =	shalt  }
0x71: {  	_ =	shalt  }
0x72: {  	_ =	shalt  }
0x73: {  	_ =	shalt  }
0x74: {  	_ =	shalt  }
0x75: {  	_ =	shalt  }
0x76: {  	_ =	shalt  }
0x77: {  	_ =	shalt  }
0x78: {  	_ =	shalt  }
0x79: {  	_ =	shalt  }
0x7a: {  	_ =	shalt  }
0x7b: {  	_ =	shalt  }
0x7c: {  	_ =	shalt  }
0x7d: {  	_ =	shalt  }
0x7e: {  	_ =	shalt  }
0x7f: {  	_ =	shalt  }
0x80: {  	_ =	shalt  }
0x81: {  	_ =	shalt  }
0x82: {  	_ =	shalt  }
0x83: {  	_ =	shalt  }
0x84: {  	_ =	shalt  }
0x85: {  	_ =	shalt  }
0x86: {  	_ =	shalt  }
0x87: {  	_ =	shalt  }
.Lfunc_end0:
.L_simem_size_0:
called_computation_lowered:
.L_overlay_start_0:
0x88: {  	s2 =	sld [smem:$0x3FD9]  }
0x89: {  	s3 =	sld [smem:$0x3FFE];
	_ =	sdelay $0x1  }
0x8a: {  	s1 =	srdreg.scid  }
0x8b: {  	s0 =	sand.u32 $0x1, s1  }
0x8c: {  	s14 =	sshll.u32 s0, $0xA;
	s2 =	sadd.s32 s3, s2  }
0x8d: {  	s2 =	sadd.s32 s2, s14  }
0x8e: {  	[smem:$0x3FC1] =	sst s2  }
0x8f: {  	_ = 	snop  }
0x90: {  	s2 =	sld [smem:$0x3FD0];
	_ =	sdelay $0x2  }
0x91: {  	s15 =	simm.s32 $0xA;
	s4 =	simm.s32 $0x10  }
0x92: {  	[smem:s4], [sflag:s15] =	dma.local [hbm:s2], $0x1  }
0x93: {  	_ =	swait.eq [sflag:s15], $0x1  }
0x94: {  	[sflag:s15] =	ssyncset.done $0x0  }
0x95: {  	s16 =	sld [smem:$0x10];
	[sflag:s15] =	ssyncadd.s32 $0xFFFFFFFF  }
0x96: {  	s17 =	sld [smem:$0x11];
	(tm) =	ssettm $0x1  }
0x97: {  	s18 =	sld [smem:$0x3FFB];
	_ =	sdelay $0x3  }
0x98: {  	_ =	strace s18  }
0x99: {  	s4 =	sld [smem:$0x3FFC];
	_ =	sdelay $0x3  }
0x9a: {  	_ =	strace s4  }
0x9b: {  	s4 =	sld [smem:$0x3FFD];
	_ =	sdelay $0x3  }
0x9c: {  	_ =	strace s4  }
0x9d: {  	_ =	strace $0x8FFFFFFF  }
0x9e: {  	s19 =	sld [smem:$0x3FDB];
	_ =	sdelay $0x1  }
0x9f: {  	s5 =	simm.s32 $_scs_section_size  }
0xa0: {  	s6 =	simm.s32 $_size__tile_overlayer_lowered;
	s7 =	simm.s32 $_tile_overlayer_lowered  }
0xa1: {  	s22 =	simm.s32 $0x1BFF;
	s21 =	sshll.u32 s7, $0x1;
	s4 =	sadd.s32 s5, s19  }
0xa2: {  	s8 =	simm.s32 $0x0;
	s20 =	sshll.u32 s6, $0x1;
	s6 =	sadd.s32 s21, s4  }
0xa3: {  	[timem:s8], [sflag:s22] =	dma.local [hbm:s6], s20  }
0xa4: {  	_ =	swait.ge [sflag:s22], s20  }
0xa5: {  	s5 =	ssub.s32 $0x0, s20;
	[sflag:s22] =	ssyncset.done $0x0  }
0xa6: {  	[sflag:s22] =	ssyncadd.s32 s5;
	_ =	sdelay $0x1  }
0xa7: {  	s23 =	simm.s32 $0x1B8B  }
0xa8: {  	_ =	swait.ge [sflag:s23], $0x1  }
0xa9: {  	[sflag:s23] =	ssyncset.done $0x0  }
0xaa: {  	s25 =	simm.s32 $0x1B8E;
	s24 =	sld [smem:$0x3FFE];
	[sflag:s23] =	ssyncadd.s32 $0xFFFFFFFF  }
0xab: {  	s26 =	simm.s32 $execute0_lowered;
	[smem:$0x3FD2] =	sst s25  }
0xac: {  	s6 =	sshll.u32 s26, $0x1;
	_ =	strace $0x80000046;
	[dreg:$0x1] =	wrdreg $0xFFFFFFFF  }
0xad: {  	s28 =	simm.s32 $_size_execute0_lowered;
	s4 =	sadd.s32 s4, s6;
	[dreg:$0x0] =	wrdreg $0x0  }
0xae: {  	s6 =	sshll.u32 s28, $0x1;
	[dreg:$0x2] =	wrdreg s4  }
0xaf: {  	[dreg:$0x3] =	wrdreg s6  }
0xb0: {  	[dreg:$0x4] =	wrdreg $0xC0  }
0xb1: {  	_ =	task [dreg:s8], $0x5FFFF  }
0xb2: {  	[dreg:$0x1] =	wrdreg $0xFFFFFFFF  }
0xb3: {  	[dreg:$0x0] =	wrdreg $0x60  }
0xb4: {  	[dreg:$0x2] =	wrdreg s17  }
0xb5: {  	[dreg:$0x3] =	wrdreg s16  }
0xb6: {  	[dreg:$0x4] =	wrdreg s24  }
0xb7: {  	[dreg:$0x5] =	wrdreg $0x104800  }
0xb8: {  	[dreg:$0x6] =	wrdreg $0x145000  }
0xb9: {  	[dreg:$0x7] =	wrdreg $0x9  }
0xba: {  	_ =	task.clear_ibuf [dreg:s8], $0x8FFFF;
	_ =	strace $0x90000046  }
0xbb: {  	s29 =	simm.s32 $0x9;
	_ =	strace $0x80000048  }
0xbc: {  	_ =	swait.ge [sflag:s29], $0x1  }
0xbd: {  	[sflag:s29] =	ssyncadd.s32 $0xFFFFFFFF  }
0xbe: {  	_ =	strace $0x90000048  }
0xbf: {  	_ =	sfence  }
0xc0: {  	s30 =	sld [smem:$0x0];
	_ =	sdelay $0x2  }
0xc1: {  	s31 =	sshll.u32 s1, $0xD;
	s1 =	sshrl.u32 s1, $0x2  }
0xc2: {  	s3 =	sand.u32 $0x4000, s31;
	s1 =	sadd.s32 s1, s30  }
0xc3: {  	s0 =	sor.u32 s3, s0;
	s1 =	sshll.u32 s1, $0x11  }
0xc4: {  	s0 =	sor.u32 s1, s0  }
0xc5: {  	s0 =	sadd.s32 $0x8F2B, s0  }
0xc6: {  	[sflag:s0] =	ssyncadd.remote.s32 $0x1  }
0xc7: {  	_ =	sfence.sel $0xFFFF  }
0xc8: {  	[dreg:$0x0] =	wrdreg $0xFFFFFFFF;
	(pc) =	sbr.abs _section_cstart, $3  }
0xc9: {  	[dreg:$0x1] =	wrdreg $0xFFFFFFFF  }
0xca: {  	_ =	task.clear_ibuf [dreg:s8], $0x2FFFF;
	_ =	strace $0x9FFFFFFF  }
0xcb: {  	(tm) =	ssettm $0x7FFFFFFF  }
tec
execute0_lowered:
.L_overlay_start_1:
0x0: {  	(tag) =	ssettag $0x1  }
0x1: {  	s0 =	rddreg [dreg:$0x0]  }
0x2: {  	s1 =	srdreg.scid;
	s5 =	rddreg [dreg:$0x1]  }
0x3: {  	s6 =	rddreg [dreg:$0x2];
	s16 =	stileid.u32  }
0x4: {  	s2 =	rddreg [dreg:$0x3];
	s4 =	simm.s32 $0x0;
	s28 =	simm.s32 $0x3  }
0x5: {  	s1 =	sand.u32 $0x1, s1;
	s9 =	sshll.u32 s16, $0x4;
	[smem:$0x7FF] =	sst s4  }
0x6: {  	s13 =	sshll.u32 s16, $0x6;
	s23 =	sshll.u32 s16, $0xF;
	s15 =	sshll.u32 s16, $0xC  }
0x7: {  	s26 =	sshll.u32 s16, $0xE;
	s3 =	sshll.u32 s1, $0x4;
	s11 =	ssub.s32 $0x2, s1  }
0x8: {  	s14 =	sand.u32 $0x40, s13;
	s25 =	sadd.s32 s5, s15;
	s1 =	sshll.u32 s1, $0xB  }
0x9: {  	s19 =	sadd.s32 s26, s2;
	s15 =	simm.s32 $0x4;
	s18 =	sor.u32 $0x1C04, s13  }
0xa: {  	s26 =	simm.s32 $0x80;
	s7 =	sor.u32 s16, s3;
	s3 =	rddreg [dreg:$0x4]  }
0xb: {  	_ =	strace $0x80000047;
	s12 =	sshrl.u32 s11, $0x1;
	s0 =	sadd.s32 s0, s14  }
0xc: {  	[dreg:$0x7] =	wrdreg s25;
	s14 =	simm.s32 $0x400;
	s16 =	sor.u32 $0x1C03, s13  }
0xd: {  	s19 =	sshrl.u32 s19, $0x3;
	s8 =	sshll.u32 s7, $0x9;
	s20 =	sshll.u32 s7, $0x1  }
0xe: {  	s21 =	sshll.u32 s7, $0xB;
	s12 =	ssub.s32 s11, s12;
	s24 =	sadd.s32 s23, s3  }
0xf: {  	s7 =	sshll.u32 s7, $0x7;
	s23 =	simm.s32 $0x4000;
	s8 =	sor.u32 s9, s8  }
0x10: {  	s22 =	sand.u32 $0xF000, s21;
	s5 =	sadd.s32 s5, s21;
	s1 =	ssub.s32 s7, s1  }
0x11: {  	s12 =	smax.u32 s12, $0x1;
	s17 =	sshrl.u32 s24, $0x3;
	s24 =	simm.s32 $0x5080  }
0x12: {  	s8 =	sand.u32 $0x3070, s8;
	s0 =	sadd.s32 s22, s0;
	[dreg:$0x8] =	wrdreg s5  }
.Ltmp0:
0x13: {  	s10 =	sadd.s32 s8, s6;
	s8 =	sadd.s32 s20, s6;
	(pc) =	sbr.rel .LBB2_1-.Ltmp0, $4  }
0x14: {  	v0 =	vmov s1;
	s1 =	simm.s32 $0x0;
	[dreg:$0x6] =	wrdreg s0;
	s29 =	sadd.s32 $0x1A600, s8  }
0x15: {  	s6 =	sadd.s32 s21, s6;
	s30 =	sadd.s32 $0x12600, s10;
	[dreg:$0x9] =	wrdreg s29  }
0x16: {  	v1 =	vimm.s32 $0x0;
	v2 =	vlaneseq.u32;
	s20 =	simm.s32 $0x6100;
	v0 =	vadd.s32 $0xFFFFFF81, v0;
	s31 =	sadd.s32 $0x16600, s10;
	[dreg:$0xa] =	wrdreg s30  }
0x17: {  	v3 =	vimm.f32 $1.000000000e+00;
	v4 =	vimm.s32 $0x800;
	s21 =	simm.s32 $0x7180;
	s11 =	sadd.s32 $0x2600, s6;
	v0 =	vbroadcast v0, $0x0;
	[dreg:$0xb] =	wrdreg s31  }
.LBB2_34:
0x18: {  	s1 =	sadd.s32 $0x1, s1  }
0x19: {  	p0 =	sne.s32 s1, s12  }
.Ltmp1:
0x1a: {  	_ = 	snop;
	(pc) =	sbr.rel @!p0 .LBB2_35-.Ltmp1, $4  }
0x1b: {  	[hbm:s11], [sflag:s18] =	dma.local [spmem:s19], $0x800  }
0x1c: {  	_ =	swait.ge [sflag:s15], $0x800  }
0x1d: {  	[sflag:s15] =	ssyncset.done $0x0  }
0x1e: {  	[sflag:s15] =	ssyncadd.s32 $0xFFFFF800  }
.LBB2_1:
0x1f: {  	s0 =	rddreg [dreg:$0x6];
	s5 =	simm.s32 $0x200  }
0x20: {  	[tilespmem:s4], [sflag:$0x4] =	stream.strided.gather [hbm4b:s0+s5], $0x4000, s14, s5, $0x38;
	[tilespmem:$0x1C500] =	vst v63  }
0x21: {  	_ =	swait.ge [sflag:s15], $0x4000  }
0x22: {  	[sflag:s15] =	ssyncset.done $0x0  }
0x23: {  	s25 =	rddreg [dreg:$0x7];
	[sflag:s15] =	ssyncadd.s32 $0xFFFFC000  }
0x24: {  	[spmem:s17], [sflag:s16] =	dma.local [hbm:s25], $0x1000  }
0x25: {  	s0 =	rddreg [dreg:$0x8]  }
0x26: {  	[spmem:s19], [sflag:s18] =	dma.local [hbm:s0], $0x800  }
0x27: {  	_ =	swait.ge [sflag:s15], $0x800  }
0x28: {  	s29 =	sand.u32 $0x60, s4;
	s30 =	sand.u32 $0x3E00, s4;
	[sflag:s15] =	ssyncset.done $0x0  }
0x29: {  	s0 =	sor.u32 s29, s30;
	[sflag:s15] =	ssyncadd.s32 $0xFFFFF800  }
0x2a: {  	v5 =	vld [tilespmem:s0+$0x0]  }
0x2b: {  	s13 =	simm.s32 $0x10  }
0x2c: {  	s31 =	sand.u32 $0x70, s13  }
0x2d: {  	s0 =	sor.u32 s31, s30  }
0x2e: {  	v6 =	vld [tilespmem:s0+$0x0]  }
0x2f: {  	vm0 =	vne.s32 v5, $0x0  }
0x30: {  	v7 =	vsel vm0, $0x1, v1  }
0x31: {  	(xrf0) =	vadd.scan.msk.s32 $0xffff, v7;
	_ =	sdelay $0x1  }
0x32: {  	vm1 =	vne.s32 v6, $0x0  }
0x33: {  	v7 =	vsel vm1, $0x1, v1  }
0x34: {  	(xrf0) =	vadd.scan.msk.s32 $0xffff, v7  }
0x35: {  	v7 =	vsel vm0, $0xFFFFFFFF, v1  }
0x36: {  	v7 =	vadd.s32 v7, v1;
	v9, _, _ =	vpop (xrf0)  }
0x37: {  	v8 =	vmpcnt.ones.xlane vm0;
	v7 =	vadd.s32 v9, v7;
	_ =	sdelay $0x1  }
0x38: {  	v10 =	vsel vm1, $0xFFFFFFFF, v1;
	v8 =	vadd.s32 v1, v8  }
0x39: {  	v9 =	vadd.s32 v10, v8;
	v10 =	vnsel vm0, $0x1000, v7;
	v7, _, _ =	vpop (xrf0)  }
0x3a: {  	v7 =	vadd.s32 v7, v9  }
0x3b: {  	v9 =	vmpcnt.ones.xlane vm1;
	v7 =	vnsel vm1, $0x1000, v7;
	_ =	sdelay $0x1  }
0x3c: {  	v8 =	vadd.s32 v9, v8  }
0x3d: {  	[tilespmem:v10+s20+$0x0] =	vst.idx.msk $0xffff, v5;
	v9 =	vor.u32 s4, v2;
	vm15 =	vlt.s32 v8, $0xFF0  }
0x3e: {  	s5 =	simm.s32 $0x80;
	s0 =	simm.s32 $0x20;
	[tilespmem:v10+s21+$0x0] =	vst.idx.msk $0xffff, v9;
	v5 =	vnsel vm15, $0xFF0, v8  }
0x3f: {  	s7 =	simm.s32 $0x40;
	s6 =	sand.u32 $0x3E00, s5;
	s22 =	sand.u32 $0x60, s0;
	v8 =	vor.u32 s13, v2;
	[tilespmem:v7+s20+$0x0] =	vst.idx.msk $0xffff, v6;
	v6 =	vmov v5  }
.LBB2_2:
0x40: {  	s22 =	sor.u32 s22, s6  }
0x41: {  	s13 =	sadd.s32 $0x10, s0;
	[tilespmem:v7+s21+$0x0] =	vst.idx.msk $0xffff, v8;
	s25 =	smov.u32 s7;
	s29 =	sadd.s32 $0x20, s7  }
0x42: {  	p0 =	sne.s32 s7, $0xFE0;
	v8 =	vld [tilespmem:s22+$0x0];
	s7 =	sand.u32 $0x70, s13  }
0x43: {  	s6 =	sor.u32 s7, s6  }
0x44: {  	v9 =	vld [tilespmem:s6+$0x0];
	_ =	sdelay $0x2  }
0x45: {  	vm0 =	vne.s32 v8, $0x0  }
0x46: {  	v7 =	vsel vm0, $0xFFFFFFFF, v1;
	v10 =	vsel vm0, $0x1, v1;
	v11 =	vmpcnt.ones.xlane vm0  }
0x47: {  	vm1 =	vne.s32 v9, $0x0;
	(xrf0) =	vadd.scan.msk.s32 $0xffff, v10  }
0x48: {  	v10 =	vsel vm1, $0xFFFFFFFF, v1;
	v12 =	vsel vm1, $0x1, v1;
	v13 =	vmpcnt.ones.xlane vm1  }
0x49: {  	v5 =	vadd.s32 v5, v11;
	(xrf0) =	vadd.scan.msk.s32 $0xffff, v12  }
0x4a: {  	v10 =	vadd.s32 v10, v5;
	v5 =	vadd.s32 v13, v5  }
0x4b: {  	vm2 =	vlt.s32 v5, $0xFF0  }
0x4c: {  	v5 =	vnsel vm2, $0xFF0, v5  }
0x4d: {  	v13 =	vadd.s32 v7, v6;
	v11, _, _ =	vpop (xrf0);
	v6 =	vmov v5  }
0x4e: {  	v12 =	vadd.s32 v11, v13  }
0x4f: {  	v11 =	vnsel vm0, $0x1000, v12;
	v7, _, _ =	vpop (xrf0)  }
0x50: {  	v7 =	vadd.s32 v7, v10  }
0x51: {  	v7 =	vnsel vm1, $0x1000, v7  }
.Ltmp2:
0x52: {  	(pc) =	sbr.rel @p0 .LBB2_2-.Ltmp2, $4  }
0x53: {  	_ = 	snop  }
0x54: {  	[tilespmem:v11+s20+$0x0] =	vst.idx.msk $0xffff, v8;
	v8 =	vor.u32 s0, v2;
	s0 =	smov.u32 s25  }
0x55: {  	s5 =	sadd.s32 $0x80, s5;
	[tilespmem:v11+s21+$0x0] =	vst.idx.msk $0xffff, v8  }
0x56: {  	s7 =	smov.u32 s29;
	s6 =	sand.u32 $0x3E00, s5;
	s22 =	sand.u32 $0x60, s0;
	v8 =	vor.u32 s13, v2;
	[tilespmem:v7+s20+$0x0] =	vst.idx.msk $0xffff, v9  }
0x57: {  	_ =	sdelay $0x3  }
0x58: {  	s5 =	sor.u32 s22, s6;
	s7 =	sadd.s32 $0x10, s0;
	[tilespmem:v7+s21+$0x0] =	vst.idx.msk $0xffff, v8  }
0x59: {  	v7 =	vld [tilespmem:s5+$0x0];
	s31 =	sand.u32 $0x70, s7  }
0x5a: {  	s5 =	sor.u32 s31, s6  }
0x5b: {  	v8 =	vld [tilespmem:s5+$0x0];
	_ =	sdelay $0x2  }
0x5c: {  	vm0 =	vne.s32 v7, $0x0  }
0x5d: {  	v9 =	vsel vm0, $0x1, v1  }
0x5e: {  	vm1 =	vne.s32 v8, $0x0;
	(xrf0) =	vadd.scan.msk.s32 $0xffff, v9  }
0x5f: {  	v9 =	vsel vm1, $0x1, v1  }
0x60: {  	(xrf0) =	vadd.scan.msk.s32 $0xffff, v9  }
0x61: {  	v9 =	vsel vm0, $0xFFFFFFFF, v1  }
0x62: {  	v10 =	vmpcnt.ones.xlane vm0;
	_ =	sdelay $0x1  }
0x63: {  	v6 =	vadd.s32 v9, v6;
	v9, _, _ =	vpop (xrf0)  }
0x64: {  	v11 =	vsel vm1, $0xFFFFFFFF, v1;
	v5 =	vadd.s32 v5, v10;
	v6 =	vadd.s32 v9, v6  }
0x65: {  	v9 =	vadd.s32 v11, v5;
	v6 =	vnsel vm0, $0x1000, v6;
	v10, _, _ =	vpop (xrf0)  }
0x66: {  	v9 =	vadd.s32 v10, v9  }
0x67: {  	v9 =	vnsel vm1, $0x1000, v9  }
0x68: {  	p1 =	por $0x1, $0x1  }
.Ltmp3:
0x69: {  	v10 =	vmpcnt.ones.xlane vm1;
	(pc) =	sbr.rel @!p1 .LBB2_4-.Ltmp3, $4  }
0x6a: {  	[tilespmem:v6+s20+$0x0] =	vst.idx.msk $0xffff, v7;
	v7 =	vor.u32 s0, v2  }
0x6b: {  	v5 =	vadd.s32 v10, v5;
	[tilespmem:v6+s21+$0x0] =	vst.idx.msk $0xffff, v7  }
0x6c: {  	p0 =	por $0x0, $0x0;
	vm15 =	vlt.s32 v5, $0xFF0;
	s0 =	simm.s32 $0x0;
	v6 =	vor.u32 s7, v2;
	[tilespmem:v9+s20+$0x0] =	vst.idx.msk $0xffff, v8  }
0x6d: {  	s5 =	simm.s32 $0x20;
	s6 =	sand.u32 $0x60, s0;
	s7 =	sand.u32 $0x3E00, s0;
	v8 =	vnsel vm15, $0xFF0, v5;
	[tilespmem:v9+s21+$0x0] =	vst.idx.msk $0xffff, v6  }
0x6e: {  	s6 =	sor.u32 s6, s7  }
0x6f: {  	v5 =	vld [tilespmem:s6+$0x80];
	_ =	sdelay $0x2  }
0x70: {  	v9 =	vld [tilespmem:s6+$0x90];
	_ =	sdelay $0x1  }
0x71: {  	vm0 =	vne.s32 v5, $0x0  }
0x72: {  	v6 =	vsel vm0, $0x1, v1  }
0x73: {  	(xrf0) =	vadd.scan.msk.s32 $0xffff, v6  }
0x74: {  	vm1 =	vne.s32 v9, $0x0  }
0x75: {  	v6 =	vsel vm1, $0x1, v1  }
0x76: {  	(xrf0) =	vadd.scan.msk.s32 $0xffff, v6;
	_ =	sdelay $0x1  }
0x77: {  	v6 =	vsel vm0, $0xFFFFFFFF, v1  }
0x78: {  	v7 =	vmpcnt.ones.xlane vm0;
	v6 =	vadd.s32 v6, v8;
	v10, _, _ =	vpop (xrf0)  }
0x79: {  	v6 =	vadd.s32 v10, v6  }
0x7a: {  	v8 =	vadd.s32 v8, v7;
	v7 =	vsel vm1, $0xFFFFFFFF, v1;
	v11 =	vnsel vm0, $0x1000, v6  }
0x7b: {  	v7 =	vadd.s32 v7, v8;
	v10, _, _ =	vpop (xrf0)  }
0x7c: {  	v6 =	vadd.s32 v10, v7  }
0x7d: {  	p1 =	por $0x1, $0x1;
	v10 =	vmpcnt.ones.xlane vm1;
	v7 =	vnsel vm1, $0x1000, v6  }
.Ltmp4:
0x7e: {  	s31 =	simm.s32 $0x1000;
	(pc) =	sbr.rel @!p1 .LBB2_6-.Ltmp4, $4  }
0x7f: {  	v6 =	vadd.s32 v10, v8;
	[tilespmem:v11+s20+$0x0] =	vst.idx.msk $0xffff, v5;
	v5 =	vor.u32 s31, v2  }
0x80: {  	vm15 =	vlt.s32 v6, $0xFF0  }
0x81: {  	s13 =	simm.s32 $0x40;
	s25 =	simm.s32 $0x1010;
	s22 =	simm.s32 $0x80;
	v6 =	vnsel vm15, $0xFF0, v6;
	[tilespmem:v11+s21+$0x0] =	vst.idx.msk $0xffff, v5  }
0x82: {  	p0 =	por $0x1, $0x1;
	s6 =	sand.u32 $0x60, s5;
	s7 =	sand.u32 $0x3E00, s22;
	[tilespmem:v7+s20+$0x0] =	vst.idx.msk $0xffff, v9;
	v9 =	vor.u32 s25, v2;
	v5 =	vmov v6  }
.LBB2_7:
0x83: {  	p1 =	sne.s32 s13, $0xFE0  }
0x84: {  	s6 =	sor.u32 s6, s7;
	[tilespmem:v7+s21+$0x0] =	vst.idx.msk $0xffff, v9;
	s7 =	smov.u32 s13;
	s13 =	sadd.s32 $0x20, s13  }
0x85: {  	v8 =	vld [tilespmem:s6+$0x80]  }
0x86: {  	v9 =	vld [tilespmem:s6+$0x90];
	_ =	sdelay $0x3  }
0x87: {  	vm0 =	vne.s32 v8, $0x0  }
0x88: {  	vm1 =	vne.s32 v9, $0x0;
	v7 =	vsel vm0, $0xFFFFFFFF, v1;
	v10 =	vsel vm0, $0x1, v1  }
0x89: {  	v12 =	vmpcnt.ones.xlane vm0;
	v11 =	vsel vm1, $0x1, v1;
	(xrf0) =	vadd.scan.msk.s32 $0xffff, v10  }
0x8a: {  	v10 =	vmpcnt.ones.xlane vm1;
	(xrf0) =	vadd.scan.msk.s32 $0xffff, v11  }
0x8b: {  	v11 =	vadd.s32 v6, v12  }
0x8c: {  	v6 =	vadd.s32 v10, v11  }
0x8d: {  	vm2 =	vlt.s32 v6, $0xFF0  }
0x8e: {  	v6 =	vnsel vm2, $0xFF0, v6  }
0x8f: {  	v7 =	vadd.s32 v7, v5;
	v10 =	vsel vm1, $0xFFFFFFFF, v1;
	v5 =	vmov v6;
	v12, _, _ =	vpop (xrf0)  }
0x90: {  	v10 =	vadd.s32 v10, v11;
	v7 =	vadd.s32 v12, v7;
	v11, _, _ =	vpop (xrf0)  }
0x91: {  	v12 =	vnsel vm0, $0x1000, v7;
	v7 =	vadd.s32 v11, v10;
	_ =	sdelay $0x1  }
0x92: {  	v7 =	vnsel vm1, $0x1000, v7  }
.Ltmp5:
0x93: {  	(pc) =	sbr.rel @p1 .LBB2_7-.Ltmp5, $4  }
0x94: {  	s6 =	sadd.s32 $0x1000, s5  }
0x95: {  	[tilespmem:v12+s20+$0x0] =	vst.idx.msk $0xffff, v8;
	v8 =	vor.u32 s6, v2  }
0x96: {  	s25 =	sadd.s32 $0x1010, s5;
	s22 =	sadd.s32 $0x80, s22;
	s5 =	smov.u32 s7;
	[tilespmem:v12+s21+$0x0] =	vst.idx.msk $0xffff, v8  }
0x97: {  	s7 =	sand.u32 $0x3E00, s22;
	s6 =	sand.u32 $0x60, s5;
	[tilespmem:v7+s20+$0x0] =	vst.idx.msk $0xffff, v9;
	v9 =	vor.u32 s25, v2  }
0x98: {  	v8 =	vmov v6  }
.LBB2_9:
0x99: {  	_ =	sdelay $0x3  }
0x9a: {  	s6 =	sor.u32 s6, s7;
	[tilespmem:v7+s21+$0x0] =	vst.idx.msk @p0 $0xffff, v9  }
0x9b: {  	v6 =	vld [tilespmem:s6+$0x80];
	_ =	sdelay $0x1  }
0x9c: {  	v7 =	vld [tilespmem:s6+$0x90];
	_ =	sdelay $0x2  }
0x9d: {  	vm0 =	vne.s32 v6, $0x0  }
0x9e: {  	v56 =	vsel vm0, $0x1, v1  }
0x9f: {  	vm1 =	vne.s32 v7, $0x0;
	(xrf0) =	vadd.scan.msk.s32 $0xffff, v56  }
0xa0: {  	v57 =	vsel vm1, $0x1, v1  }
0xa1: {  	(xrf0) =	vadd.scan.msk.s32 $0xffff, v57;
	_ =	sdelay $0x2  }
0xa2: {  	v58 =	vsel vm0, $0xFFFFFFFF, v1;
	v10 =	vmpcnt.ones.xlane vm0  }
0xa3: {  	v5 =	vadd.s32 v58, v5;
	v59, _, _ =	vpop (xrf0)  }
0xa4: {  	v60 =	vsel vm1, $0xFFFFFFFF, v1;
	v8 =	vadd.s32 v8, v10;
	v5 =	vadd.s32 v59, v5  }
0xa5: {  	v61 =	vadd.s32 v60, v8;
	v62, _, _ =	vpop (xrf0);
	v5 =	vnsel vm0, $0x1000, v5  }
0xa6: {  	v9 =	vadd.s32 v62, v61  }
0xa7: {  	v9 =	vnsel vm1, $0x1000, v9;
	_ =	sdelay $0x1  }
0xa8: {  	s30 =	sadd.s32 $0x1000, s5;
	v63 =	vmpcnt.ones.xlane vm1  }
0xa9: {  	[tilespmem:v5+s20+$0x0] =	vst.idx.msk $0xffff, v6;
	v6 =	vor.u32 s30, v2  }
0xaa: {  	s31 =	sadd.s32 $0x1010, s5;
	v8 =	vadd.s32 v63, v8;
	[tilespmem:v5+s21+$0x0] =	vst.idx.msk $0xffff, v6  }
0xab: {  	vm15 =	vlt.s32 v8, $0xFF0;
	v6 =	vor.u32 s31, v2;
	[tilespmem:v9+s20+$0x0] =	vst.idx.msk $0xffff, v7  }
0xac: {  	s5 =	simm.s32 $0x0;
	v5 =	vnsel vm15, $0xFF0, v8;
	[tilespmem:v9+s21+$0x0] =	vst.idx.msk $0xffff, v6  }
.LBB2_10:
0xad: {  	s6 =	sand.u32 $0x60, s5;
	s7 =	sand.u32 $0x3E00, s0  }
0xae: {  	s6 =	sor.u32 s6, s7  }
0xaf: {  	v6 =	vld [tilespmem:s6+$0x100];
	_ =	sdelay $0x1  }
0xb0: {  	v7 =	vld [tilespmem:s6+$0x110];
	_ =	sdelay $0x2  }
0xb1: {  	vm0 =	vne.s32 v6, $0x0  }
0xb2: {  	v8 =	vsel vm0, $0x1, v1  }
0xb3: {  	vm1 =	vne.s32 v7, $0x0;
	(xrf0) =	vadd.scan.msk.s32 $0xffff, v8  }
0xb4: {  	v59 =	vsel vm1, $0x1, v1  }
0xb5: {  	(xrf0) =	vadd.scan.msk.s32 $0xffff, v59;
	_ =	sdelay $0x2  }
0xb6: {  	v60 =	vsel vm0, $0xFFFFFFFF, v1;
	v9 =	vmpcnt.ones.xlane vm0  }
0xb7: {  	v8 =	vadd.s32 v60, v5;
	v10, _, _ =	vpop (xrf0)  }
0xb8: {  	v11 =	vsel vm1, $0xFFFFFFFF, v1;
	v5 =	vadd.s32 v5, v9;
	v8 =	vadd.s32 v10, v8  }
0xb9: {  	v62 =	vadd.s32 v11, v5;
	v61, _, _ =	vpop (xrf0);
	v8 =	vnsel vm0, $0x1000, v8  }
0xba: {  	v9 =	vadd.s32 v61, v62  }
0xbb: {  	v9 =	vnsel vm1, $0x1000, v9  }
0xbc: {  	p0 =	sne.s32 s5, $0xFE0  }
.Ltmp6:
0xbd: {  	s30 =	sadd.s32 $0x2000, s5;
	v63 =	vmpcnt.ones.xlane vm1;
	(pc) =	sbr.rel @p0 .LBB2_10-.Ltmp6, $4  }
0xbe: {  	[tilespmem:v8+s20+$0x0] =	vst.idx.msk $0xffff, v6;
	v6 =	vor.u32 s30, v2  }
0xbf: {  	s31 =	sadd.s32 $0x2010, s5;
	v5 =	vadd.s32 v63, v5;
	[tilespmem:v8+s21+$0x0] =	vst.idx.msk $0xffff, v6  }
0xc0: {  	vm15 =	vlt.s32 v5, $0xFF0;
	v6 =	vor.u32 s31, v2;
	[tilespmem:v9+s20+$0x0] =	vst.idx.msk $0xffff, v7  }
0xc1: {  	s0 =	sadd.s32 $0x80, s0;
	s5 =	sadd.s32 $0x20, s5;
	v5 =	vnsel vm15, $0xFF0, v5;
	[tilespmem:v9+s21+$0x0] =	vst.idx.msk $0xffff, v6  }
0xc2: {  	s0 =	simm.s32 $0x0  }
0xc3: {  	s0 =	sand.u32 $0x3, s0  }
0xc4: {  	s0 =	sshll.u32 s0, $0x5  }
0xc5: {  	s0 =	sadd.s32 $0x0, s0  }
0xc6: {  	s5 =	sor.u32 $0x180, s0  }
0xc7: {  	v7 =	vld [tilespmem:s5+$0x0];
	_ =	sdelay $0x2  }
0xc8: {  	s0 =	sor.u32 $0x190, s0  }
0xc9: {  	v8 =	vld [tilespmem:s0+$0x0]  }
0xca: {  	vm0 =	vne.s32 v7, $0x0  }
0xcb: {  	v6 =	vsel vm0, $0x1, v1  }
0xcc: {  	(xrf0) =	vadd.scan.msk.s32 $0xffff, v6;
	_ =	sdelay $0x1  }
0xcd: {  	vm1 =	vne.s32 v8, $0x0  }
0xce: {  	v6 =	vsel vm1, $0x1, v1  }
0xcf: {  	(xrf0) =	vadd.scan.msk.s32 $0xffff, v6  }
0xd0: {  	v6 =	vsel vm0, $0xFFFFFFFF, v1  }
0xd1: {  	v6 =	vadd.s32 v6, v5;
	v10, _, _ =	vpop (xrf0)  }
0xd2: {  	v9 =	vmpcnt.ones.xlane vm0;
	v6 =	vadd.s32 v10, v6;
	_ =	sdelay $0x1  }
0xd3: {  	v11 =	vsel vm1, $0xFFFFFFFF, v1;
	v5 =	vadd.s32 v5, v9  }
0xd4: {  	v9 =	vadd.s32 v11, v5;
	v10 =	vnsel vm0, $0x1000, v6;
	v6, _, _ =	vpop (xrf0)  }
0xd5: {  	v6 =	vadd.s32 v6, v9  }
0xd6: {  	v6 =	vnsel vm1, $0x1000, v6  }
0xd7: {  	v63 =	vmpcnt.ones.xlane vm1  }
0xd8: {  	s31 =	simm.s32 $0x3000;
	s5 =	simm.s32 $0x1  }
0xd9: {  	s6 =	sand.u32 $0x3, s5;
	v5 =	vadd.s32 v63, v5;
	[tilespmem:v10+s20+$0x0] =	vst.idx.msk $0xffff, v7;
	v7 =	vor.u32 s31, v2  }
0xda: {  	s7 =	simm.s32 $0x3010;
	s13 =	simm.s32 $0x40;
	s6 =	sshll.u32 s6, $0x5;
	vm15 =	vlt.s32 v5, $0xFF0;
	[tilespmem:v10+s21+$0x0] =	vst.idx.msk $0xffff, v7  }
0xdb: {  	s22 =	simm.s32 $0x80;
	s0 =	simm.s32 $0x20;
	s6 =	sadd.s32 $0x80, s6;
	v5 =	vnsel vm15, $0xFF0, v5;
	v7 =	vor.u32 s7, v2;
	[tilespmem:v6+s20+$0x0] =	vst.idx.msk $0xffff, v8  }
.LBB2_12:
0xdc: {  	p0 =	sne.s32 s13, $0xFE0  }
0xdd: {  	s7 =	sor.u32 $0x180, s6;
	[tilespmem:v6+s21+$0x0] =	vst.idx.msk $0xffff, v7;
	s25 =	smov.u32 s13;
	s13 =	sadd.s32 $0x20, s13  }
0xde: {  	v7 =	vld [tilespmem:s7+$0x0]  }
0xdf: {  	s6 =	sor.u32 $0x190, s6  }
0xe0: {  	v8 =	vld [tilespmem:s6+$0x0];
	_ =	sdelay $0x2  }
0xe1: {  	vm0 =	vne.s32 v7, $0x0  }
0xe2: {  	v6 =	vsel vm0, $0xFFFFFFFF, v1;
	v9 =	vsel vm0, $0x1, v1;
	v10 =	vmpcnt.ones.xlane vm0  }
0xe3: {  	vm1 =	vne.s32 v8, $0x0;
	(xrf0) =	vadd.scan.msk.s32 $0xffff, v9  }
0xe4: {  	v9 =	vsel vm1, $0xFFFFFFFF, v1;
	v11 =	vsel vm1, $0x1, v1;
	v10 =	vadd.s32 v5, v10  }
0xe5: {  	v12 =	vmpcnt.ones.xlane vm1;
	v9 =	vadd.s32 v9, v10;
	(xrf0) =	vadd.scan.msk.s32 $0xffff, v11;
	_ =	sdelay $0x1  }
0xe6: {  	v11 =	vadd.s32 v12, v10  }
0xe7: {  	vm2 =	vlt.s32 v11, $0xFF0  }
0xe8: {  	v12 =	vadd.s32 v6, v5;
	v5 =	vnsel vm2, $0xFF0, v11;
	v10, _, _ =	vpop (xrf0)  }
0xe9: {  	v11 =	vadd.s32 v10, v12  }
0xea: {  	v10 =	vnsel vm0, $0x1000, v11;
	v6, _, _ =	vpop (xrf0)  }
0xeb: {  	v6 =	vadd.s32 v6, v9  }
0xec: {  	v6 =	vnsel vm1, $0x1000, v6  }
.Ltmp7:
0xed: {  	(pc) =	sbr.rel @p0 .LBB2_12-.Ltmp7, $4  }
0xee: {  	s5 =	sadd.s32 $0x1, s5;
	s6 =	sadd.s32 $0x3000, s0  }
0xef: {  	s7 =	sand.u32 $0x3, s5;
	[tilespmem:v10+s20+$0x0] =	vst.idx.msk $0xffff, v7;
	v7 =	vor.u32 s6, v2  }
0xf0: {  	s22 =	sadd.s32 $0x80, s22;
	s0 =	sadd.s32 $0x3010, s0;
	s6 =	sshll.u32 s7, $0x5;
	[tilespmem:v10+s21+$0x0] =	vst.idx.msk $0xffff, v7  }
0xf1: {  	s6 =	sadd.s32 s6, s22;
	v7 =	vor.u32 s0, v2;
	s0 =	smov.u32 s25;
	[tilespmem:v6+s20+$0x0] =	vst.idx.msk $0xffff, v8  }
0xf2: {  	_ =	sdelay $0x3  }
0xf3: {  	s5 =	sor.u32 $0x180, s6;
	[tilespmem:v6+s21+$0x0] =	vst.idx.msk $0xffff, v7  }
0xf4: {  	s25 =	sor.u32 $0x190, s6;
	v6 =	vld [tilespmem:s5+$0x0]  }
0xf5: {  	v7 =	vld [tilespmem:s25+$0x0];
	_ =	sdelay $0x3  }
0xf6: {  	vm0 =	vne.s32 v6, $0x0  }
0xf7: {  	vm1 =	vne.s32 v7, $0x0;
	v8 =	vmpcnt.ones.xlane vm0  }
0xf8: {  	v9 =	vmpcnt.ones.xlane vm1  }
0xf9: {  	v8 =	vadd.s32 v5, v8  }
0xfa: {  	v9 =	vadd.s32 v9, v8  }
0xfb: {  	v10 =	vsel vm0, $0x1, v1;
	vm2 =	vlt.s32 v9, $0xFF0  }
0xfc: {  	v59 =	vsel vm1, $0x1, v1;
	(xrf0) =	vadd.scan.msk.s32 $0xffff, v10;
	v9 =	vnsel vm2, $0xFF0, v9  }
0xfd: {  	(xrf0) =	vadd.scan.msk.s32 $0xffff, v59;
	v9 =	vxor.u32 $0x80000000, v9  }
0xfe: {  	(xrf0) =	vmax.scan.msk.u32 $0xffff, v9;
	_ =	sdelay $0x3  }
0xff: {  	v60, _, _ =	vpop (xrf0)  }
0x100: {  	v10, _, _ =	vpop (xrf0)  }
0x101: {  	v11, _, _ =	vpop (xrf0)  }
0x102: {  	(v2sf) =	vpush v11, $0xF;
	_ =	sdelay $0xe  }
0x103: {  	s6 =	spop (v2sf)  }
0x104: {  	s29 =	sadd.s32 $0x8000000F, s6  }
0x105: {  	v61 =	vsel vm0, $0xFFFFFFFF, v1;
	s7 =	sand.u32 $0xF, s29  }
0x106: {  	v5 =	vadd.s32 v61, v5;
	s13 =	sshra.s32 s29, $0x1F;
	p0 =	slt.s32 s29, $0x1;
	p1 =	sne.s32 s7, $0x0  }
0x107: {  	v62 =	vsel vm1, $0xFFFFFFFF, v1;
	v5 =	vadd.s32 v60, v5;
	s13 =	sshrl.u32 s13, $0x1C;
	p0 =	por !p0, !p1  }
0x108: {  	v8 =	vadd.s32 v62, v8;
	v5 =	vnsel vm0, $0x1000, v5;
	s5 =	sadd.s32 s13, s29;
	s13 =	simm.s32 $0x1;
	p0 =	por !p0, !p0  }
0x109: {  	v8 =	vadd.s32 v10, v8;
	s5 =	sshra.s32 s5, $0x4;
	s13 =	simm.s32 @!p0 $0x0  }
0x10a: {  	v8 =	vnsel vm1, $0x1000, v8;
	s5 =	ssub.s32 s5, s13  }
0x10b: {  	p0 =	slt.s32 s5, $0x1  }
.Ltmp8:
0x10c: {  	s30 =	sadd.s32 $0x3000, s0;
	(pc) =	sbr.rel @p0 .LBB2_14-.Ltmp8, $4  }
0x10d: {  	v63 =	vor.u32 s30, v2;
	[tilespmem:v5+s20+$0x0] =	vst.idx.msk $0xffff, v6  }
0x10e: {  	s31 =	sadd.s32 $0x3010, s0;
	[tilespmem:v5+s21+$0x0] =	vst.idx.msk $0xffff, v63  }
0x10f: {  	v5 =	vor.u32 s31, v2;
	[tilespmem:v8+s20+$0x0] =	vst.idx.msk $0xffff, v7  }
0x110: {  	[tilespmem:v8+s21+$0x0] =	vst.idx.msk $0xffff, v5  }
.Ltmp9:
0x111: {  	(pc) =	sbr.rel .LBB2_16-.Ltmp9, $2  }
0x112: {  	_ =	sdelay $0x2  }
0x113: {  	s0 =	sxor.u32 $0x80000000, s6;
	s13 =	simm.s32 $0x0;
	v5 =	vimm.s32 $0x0  }
.LBB2_19:
0x114: {  	s13 =	sadd.s32 $0x1, s13  }
0x115: {  	p0 =	sne.s32 s13, s5  }
.Ltmp10:
0x116: {  	_ = 	snop;
	(pc) =	sbr.rel @!p0 .LBB2_20-.Ltmp10, $1  }
0x117: {  	_ =	sdelay $0x3  }
.LBB2_16:
0x118: {  	s6 =	sshll.u32 s13, $0x4  }
0x119: {  	v6 =	vld [tilespmem:s6+$0x6100];
	_ =	sdelay $0x1  }
0x11a: {  	s7 =	ssub.s32 s0, s6  }
0x11b: {  	v7 =	vmov s7  }
0x11c: {  	vm0 =	vgt.s32 v7, v2  }
0x11d: {  	v6 =	vnsel vm0, $0x0, v6  }
0x11e: {  	vm0 =	veq.s32 v6, $0x0  }
0x11f: {  	v7 =	vsel vm0, $0x0, v3  }
0x120: {  	(xrf0) =	vmax.scan.msk.f32 $0xffff, v7;
	_ =	sdelay $0x5  }
0x121: {  	v7, _, _ =	vpop (xrf0)  }
0x122: {  	(v2sf) =	vpush v7, $0xF;
	_ =	sdelay $0xe  }
0x123: {  	s31 =	spop (v2sf)  }
0x124: {  	p0 =	sgt.f32 s31, $0.0e+00  }
.Ltmp11:
0x125: {  	_ = 	snop;
	(pc) =	sbr.rel @!p0 .LBB2_19-.Ltmp11, $2  }
0x126: {  	_ =	sdelay $0x2  }
0x127: {  	v7 =	vld [tilespmem:s6+$0x7180]  }
0x128: {  	_ =	sdelay $0x3  }
0x129: {  	v8 =	vshrl.u32 v7, $0x7  }
0x12a: {  	v8 =	vand.u32 $0x1FFFFE0, v8  }
0x12b: {  	v7 =	vand.u32 $0xFFF, v7;
	v8 =	vadd.s32 v8, v0  }
.LBB2_18:
0x12c: {  	v9 =	vsub.s32 $0x0, v6  }
0x12d: {  	v10 =	vadd.s32 $0xFFFFFFFF, v6;
	v9 =	vand.u32 v9, v6  }
0x12e: {  	v6 =	vand.u32 v6, v10;
	vm0 =	vne.s32 v9, $0x0  }
0x12f: {  	vm1 =	veq.s32 v6, $0x0;
	v10 =	vsel vm0, $0x1, v1  }
0x130: {  	v11 =	vsel vm1, $0x0, v3;
	(xrf0) =	vadd.scan.msk.s32 $0xffff, v10  }
0x131: {  	(xrf0) =	vmax.scan.msk.f32 $0xffff, v11;
	_ =	sdelay $0x4  }
0x132: {  	v10, _, _ =	vpop (xrf0)  }
0x133: {  	v11, _, _ =	vpop (xrf0)  }
0x134: {  	(v2sf) =	vpush v11, $0xF;
	_ =	sdelay $0xb  }
0x135: {  	v11 =	vsel vm0, $0xFFFFFFFF, v1  }
0x136: {  	v11 =	vadd.s32 v11, v5  }
0x137: {  	v10 =	vadd.s32 v10, v11  }
0x138: {  	v10 =	vnsel vm0, $0x1000, v10;
	s6 =	spop (v2sf)  }
0x139: {  	v9 =	vcvt.s32.f32 v9;
	p0 =	sgt.f32 s6, $0.0e+00  }
.Ltmp12:
0x13a: {  	v11 =	vmpcnt.ones.xlane vm0;
	(pc) =	sbr.rel @p0 .LBB2_18-.Ltmp12, $4  }
0x13b: {  	v9 =	vshrl.u32 v9, $0x17  }
0x13c: {  	v9 =	vand.u32 $0xFF, v9;
	v5 =	vadd.s32 v5, v11  }
0x13d: {  	v9 =	vadd.s32 v9, v8;
	vm15 =	vlt.s32 v5, $0xFF0;
	[tilespmem:v10+s23+$0x0] =	vst.idx.msk $0xffff, v7  }
0x13e: {  	v5 =	vnsel vm15, $0xFF0, v5;
	[tilespmem:v10+s24+$0x0] =	vst.idx.msk $0xffff, v9  }
.Ltmp13:
0x13f: {  	_ = 	snop;
	(pc) =	sbr.rel .LBB2_19-.Ltmp13, $1  }
0x140: {  	_ =	sdelay $0x3  }
.LBB2_20:
.Ltmp14:
0x141: {  	(pc) =	sbr.rel .LBB2_21-.Ltmp14, $2  }
0x142: {  	_ =	sdelay $0x2  }
0x143: {  	v5 =	vxor.u32 $0x80000000, v5  }
.LBB2_14:
0x144: {  	v5 =	vimm.s32 $0x80000000  }
.LBB2_21:
0x145: {  	(xrf0) =	vmax.scan.msk.u32 $0xffff, v5;
	_ =	sdelay $0x5  }
0x146: {  	v5, _, _ =	vpop (xrf0)  }
0x147: {  	(v2sf) =	vpush v5, $0xF;
	_ =	sdelay $0xe  }
0x148: {  	s7 =	spop (v2sf)  }
0x149: {  	s0 =	sadd.s32 $0x8000007F, s7  }
0x14a: {  	s5 =	sand.u32 $0x7F, s0  }
0x14b: {  	s6 =	sshra.s32 s0, $0x1F;
	p0 =	slt.s32 s0, $0x1;
	p1 =	sne.s32 s5, $0x0  }
0x14c: {  	s31 =	sshrl.u32 s6, $0x19;
	p0 =	por !p0, !p1  }
0x14d: {  	s5 =	simm.s32 $0x1;
	s0 =	sadd.s32 s31, s0;
	p0 =	por !p0, !p0  }
0x14e: {  	s0 =	sshra.s32 s0, $0x7;
	s5 =	simm.s32 @!p0 $0x0  }
0x14f: {  	s0 =	ssub.s32 s0, s5  }
0x150: {  	s5 =	sxor.u32 $0x80000000, s7;
	s6 =	sshll.u32 s0, $0x7  }
0x151: {  	p0 =	sge.s32 s5, s6  }
.Ltmp15:
0x152: {  	_ = 	snop;
	(pc) =	sbr.rel @p0 .LBB2_25-.Ltmp15, $1  }
0x153: {  	_ =	sdelay $0x3  }
0x154: {  	s7 =	sshll.u32 s7, $0x2  }
0x155: {  	s22 =	sshra.s32 s7, $0x2;
	s7 =	sadd.s32 $0x10, s5  }
0x156: {  	p0 =	slt.s32 s7, s6  }
.Ltmp16:
0x157: {  	_ = 	snop;
	(pc) =	sbr.rel @!p0 .LBB2_24-.Ltmp16, $3  }
0x158: {  	_ =	sdelay $0x1  }
0x159: {  	s13 =	sadd.s32 $0x4000, s22  }
0x15a: {  	s22 =	sadd.s32 $0x5080, s22;
	[tilespmem:s13+$0x0] =	vst v1  }
.LBB2_23:
0x15b: {  	s7 =	sadd.s32 $0x10, s7  }
0x15c: {  	[tilespmem:s22+$0x0] =	vst v4;
	s22 =	sadd.s32 $0x10, s22;
	s13 =	sadd.s32 $0x10, s13;
	p0 =	slt.s32 s7, s6  }
.Ltmp17:
0x15d: {  	(pc) =	sbr.rel @p0 .LBB2_23-.Ltmp17, $2  }
0x15e: {  	_ =	sdelay $0x2  }
0x15f: {  	[tilespmem:s13+$0x0] =	vst v1  }
.LBB2_24:
0x160: {  	[tilespmem:s22+$0x0] =	vst v4  }
.LBB2_25:
0x161: {  	v5 =	vmov s5  }
0x162: {  	s29 =	rddreg [dreg:$0x9];
	s6 =	simm.s32 $0x8200;
	[tilespmem:$0x8200] =	vst v5  }
0x163: {  	[hbm4b:s29+s4] =	stream.linear.scatter [tilespmem:s6], [sflag:$0x4], $0x10, $0x38;
	[tilespmem:$0x1C500] =	vst v63  }
0x164: {  	_ =	swait.ge [sflag:s15], $0x10  }
0x165: {  	[sflag:s15] =	ssyncset.done $0x0  }
0x166: {  	s30 =	rddreg [dreg:$0xa];
	[sflag:s15] =	ssyncadd.s32 $0xFFFFFFF0  }
0x167: {  	[hbm4b:s30+s26] =	stream.strided.scatter [tilespmem:s23], [sflag:$0x4], $0x1000, s14, s26, $0x38;
	[tilespmem:$0x1C500] =	vst v63  }
0x168: {  	_ =	swait.ge [sflag:s15], $0x1000  }
0x169: {  	[sflag:s15] =	ssyncset.done $0x0  }
0x16a: {  	s31 =	rddreg [dreg:$0xb];
	[sflag:s15] =	ssyncadd.s32 $0xFFFFF000  }
0x16b: {  	[hbm4b:s31+s26] =	stream.strided.scatter [tilespmem:s24], [sflag:$0x4], $0x1000, s14, s26, $0x38;
	[tilespmem:$0x1C500] =	vst v63  }
0x16c: {  	_ =	swait.ge [sflag:s15], $0x1000  }
0x16d: {  	[sflag:s15] =	ssyncset.done $0x0  }
0x16e: {  	p0 =	slt.s32 s0, $0x1;
	[sflag:s15] =	ssyncadd.s32 $0xFFFFF000  }
.Ltmp18:
0x16f: {  	_ =	swait.ge [sflag:s28], $0x1000;
	(pc) =	sbr.rel @p0 .LBB2_34-.Ltmp18, $3  }
0x170: {  	[sflag:s28] =	ssyncset.done $0x0  }
0x171: {  	[sflag:s28] =	ssyncadd.s32 $0xFFFFF000  }
0x172: {  	[bflag:$0x0] =	sbarrier.arrive $0xFFFF;
	_ =	sdelay $0x1  }
0x173: {  	v5 =	vld [tilespmem:$0x4000]  }
0x174: {  	v6 =	vld [tilespmem:$0x5080]  }
0x175: {  	v7 =	vld [tilespmem:$0x4010]  }
0x176: {  	v8 =	vld [tilespmem:$0x5090]  }
0x177: {  	v9 =	vld [tilespmem:$0x4020]  }
0x178: {  	[tilespmem:$0x8280] =	vst v5;
	v5 =	vld [tilespmem:$0x50A0]  }
0x179: {  	v60 =	vld [tilespmem:$0x4040];
	[tilespmem:$0x8300] =	vst v6  }
0x17a: {  	v61 =	vld [tilespmem:$0x50C0];
	[tilespmem:$0x8290] =	vst v7  }
0x17b: {  	v6 =	vld [tilespmem:$0x4030];
	[tilespmem:$0x8310] =	vst v8  }
0x17c: {  	v7 =	vld [tilespmem:$0x50B0];
	[tilespmem:$0x82A0] =	vst v9  }
0x17d: {  	[tilespmem:$0x8320] =	vst v5;
	v5 =	vld [tilespmem:$0x4050]  }
0x17e: {  	v62 =	vld [tilespmem:$0x50E0];
	[tilespmem:$0x82C0] =	vst v60  }
0x17f: {  	v63 =	vld [tilespmem:$0x4070];
	[tilespmem:$0x8340] =	vst v61  }
0x180: {  	[tilespmem:$0x82B0] =	vst v6;
	v6 =	vld [tilespmem:$0x50D0]  }
0x181: {  	[tilespmem:$0x8330] =	vst v7;
	v7 =	vld [tilespmem:$0x4060]  }
0x182: {  	s31 =	simm.s32 $0x0;
	[tilespmem:$0x82D0] =	vst v5;
	v5 =	vld [tilespmem:$0x50F0]  }
0x183: {  	p0 =	sne.s32 s0, $0x1;
	s25 =	sand.u32 $0x1, s31;
	[tilespmem:$0x8360] =	vst v62  }
.Ltmp19:
0x184: {  	p4 =	seq.s32 s25, $0x1;
	[tilespmem:$0x82F0] =	vst v63;
	(pc) =	sbr.rel @!p0 .LBB2_27-.Ltmp19, $4  }
0x185: {  	s5 =	simm.s32 $0x8280;
	s6 =	simm.s32 $0x8380;
	p6 =	sle.s32 @!p4 s0, $0x1;
	[tilespmem:$0x8350] =	vst v6  }
0x186: {  	s29 =	simm.s32 $0x5170;
	s30 =	simm.s32 $0x40F0;
	p2 =	por p6, p4;
	[tilespmem:$0x82E0] =	vst v7  }
0x187: {  	s13 =	simm.s32 $0x1;
	p3 =	por $0x0, $0x0;
	p5 =	por @!p2 $0x1, $0x1;
	[tilespmem:$0x8370] =	vst v5  }
0x188: {  	[tilespmem:s6], [sflag:$0x1] =	stream.indirect.gather [spmem:s3], $0x80, s5, s26, $0xb8;
	[tilespmem:$0x1C500] =	vst v63  }
0x189: {  	p0 =	por @!p4 p5, p6  }
0x18a: {  	p0 =	por p0, p4  }
0x18b: {  	s5 =	simm.s32 @!p0 $0x2  }
0x18c: {  	_ =	swait.ge @!p0 [sflag:s5], $0x4000  }
0x18d: {  	[sflag:s5] =	ssyncset.done @!p0 $0x0  }
0x18e: {  	[sflag:s5] =	ssyncadd.s32 @!p0 $0xFFFFC000  }
0x18f: {  	v5 =	vld @!p2 [tilespmem:s30+$0xFFFFFF90];
	_ =	sdelay $0x4  }
0x190: {  	[tilespmem:$0xC380] =	vst @!p2 v5  }
0x191: {  	v5 =	vld @!p2 [tilespmem:s29+$0xFFFFFF90];
	_ =	sdelay $0x4  }
0x192: {  	[tilespmem:$0xC400] =	vst @!p2 v5  }
0x193: {  	v5 =	vld @!p2 [tilespmem:s30+$0xFFFFFFA0];
	_ =	sdelay $0x4  }
0x194: {  	[tilespmem:$0xC390] =	vst @!p2 v5  }
0x195: {  	v5 =	vld @!p2 [tilespmem:s29+$0xFFFFFFA0];
	_ =	sdelay $0x4  }
0x196: {  	[tilespmem:$0xC410] =	vst @!p2 v5  }
0x197: {  	v5 =	vld @!p2 [tilespmem:s30+$0xFFFFFFB0];
	_ =	sdelay $0x4  }
0x198: {  	[tilespmem:$0xC3A0] =	vst @!p2 v5  }
0x199: {  	v5 =	vld @!p2 [tilespmem:s29+$0xFFFFFFB0];
	_ =	sdelay $0x4  }
0x19a: {  	[tilespmem:$0xC420] =	vst @!p2 v5  }
0x19b: {  	v5 =	vld @!p2 [tilespmem:s30+$0xFFFFFFC0];
	_ =	sdelay $0x4  }
0x19c: {  	[tilespmem:$0xC3B0] =	vst @!p2 v5  }
0x19d: {  	v5 =	vld @!p2 [tilespmem:s29+$0xFFFFFFC0];
	_ =	sdelay $0x4  }
0x19e: {  	[tilespmem:$0xC430] =	vst @!p2 v5  }
0x19f: {  	v5 =	vld @!p2 [tilespmem:s30+$0xFFFFFFD0];
	_ =	sdelay $0x4  }
0x1a0: {  	[tilespmem:$0xC3C0] =	vst @!p2 v5  }
0x1a1: {  	v5 =	vld @!p2 [tilespmem:s29+$0xFFFFFFD0];
	_ =	sdelay $0x4  }
0x1a2: {  	[tilespmem:$0xC440] =	vst @!p2 v5  }
0x1a3: {  	v5 =	vld @!p2 [tilespmem:s30+$0xFFFFFFE0];
	_ =	sdelay $0x4  }
0x1a4: {  	[tilespmem:$0xC3D0] =	vst @!p2 v5  }
0x1a5: {  	v5 =	vld @!p2 [tilespmem:s29+$0xFFFFFFE0];
	_ =	sdelay $0x4  }
0x1a6: {  	[tilespmem:$0xC450] =	vst @!p2 v5  }
0x1a7: {  	v5 =	vld @!p2 [tilespmem:s30+$0xFFFFFFF0];
	_ =	sdelay $0x4  }
0x1a8: {  	[tilespmem:$0xC3E0] =	vst @!p2 v5  }
0x1a9: {  	v5 =	vld @!p2 [tilespmem:s29+$0xFFFFFFF0];
	_ =	sdelay $0x4  }
0x1aa: {  	[tilespmem:$0xC460] =	vst @!p2 v5  }
0x1ab: {  	v5 =	vld @!p2 [tilespmem:s30+$0x0];
	_ =	sdelay $0x4  }
0x1ac: {  	[tilespmem:$0xC3F0] =	vst @!p2 v5  }
0x1ad: {  	v5 =	vld @!p2 [tilespmem:s29+$0x0];
	_ =	sdelay $0x2  }
0x1ae: {  	p1 =	sle.s32 s0, $0x1;
	p0 =	por p4, p4  }
0x1af: {  	s6 =	simm.s32 @!p2 $0x80;
	p3 =	por !p0, p1  }
0x1b0: {  	s7 =	simm.s32 @!p2 $0xC380;
	s5 =	simm.s32 @!p2 $0xC480;
	s22 =	simm.s32 @!p3 $0x1;
	[tilespmem:$0xC470] =	vst @!p2 v5  }
0x1b1: {  	[tilespmem:s5], [sflag:$0x2] =	stream.indirect.gather @!p2 [spmem:s3], $0x80, s7, s6, $0xb8;
	[tilespmem:$0x1C500] =	vst v63  }
0x1b2: {  	_ =	swait.ge @!p3 [sflag:s22], $0x4000  }
0x1b3: {  	[sflag:s22] =	ssyncset.done @!p3 $0x0  }
0x1b4: {  	[sflag:s22] =	ssyncadd.s32 @!p3 $0xFFFFC000  }
0x1b5: {  	v5 =	vld @!p3 [tilespmem:s30+$0xFFFFFF90];
	_ =	sdelay $0x4  }
0x1b6: {  	[tilespmem:$0x8280] =	vst @!p3 v5  }
0x1b7: {  	v5 =	vld @!p3 [tilespmem:s29+$0xFFFFFF90];
	_ =	sdelay $0x4  }
0x1b8: {  	[tilespmem:$0x8300] =	vst @!p3 v5  }
0x1b9: {  	v5 =	vld @!p3 [tilespmem:s30+$0xFFFFFFA0];
	_ =	sdelay $0x4  }
0x1ba: {  	[tilespmem:$0x8290] =	vst @!p3 v5  }
0x1bb: {  	v5 =	vld @!p3 [tilespmem:s29+$0xFFFFFFA0];
	_ =	sdelay $0x4  }
0x1bc: {  	[tilespmem:$0x8310] =	vst @!p3 v5  }
0x1bd: {  	v5 =	vld @!p3 [tilespmem:s30+$0xFFFFFFB0];
	_ =	sdelay $0x4  }
0x1be: {  	[tilespmem:$0x82A0] =	vst @!p3 v5  }
0x1bf: {  	v5 =	vld @!p3 [tilespmem:s29+$0xFFFFFFB0];
	_ =	sdelay $0x4  }
0x1c0: {  	[tilespmem:$0x8320] =	vst @!p3 v5  }
0x1c1: {  	v5 =	vld @!p3 [tilespmem:s30+$0xFFFFFFC0];
	_ =	sdelay $0x4  }
0x1c2: {  	[tilespmem:$0x82B0] =	vst @!p3 v5  }
0x1c3: {  	v5 =	vld @!p3 [tilespmem:s29+$0xFFFFFFC0];
	_ =	sdelay $0x4  }
0x1c4: {  	[tilespmem:$0x8330] =	vst @!p3 v5  }
0x1c5: {  	v5 =	vld @!p3 [tilespmem:s30+$0xFFFFFFD0];
	_ =	sdelay $0x4  }
0x1c6: {  	[tilespmem:$0x82C0] =	vst @!p3 v5  }
0x1c7: {  	v5 =	vld @!p3 [tilespmem:s29+$0xFFFFFFD0];
	_ =	sdelay $0x4  }
0x1c8: {  	[tilespmem:$0x8340] =	vst @!p3 v5  }
0x1c9: {  	v5 =	vld @!p3 [tilespmem:s30+$0xFFFFFFE0];
	_ =	sdelay $0x4  }
0x1ca: {  	[tilespmem:$0x82D0] =	vst @!p3 v5  }
0x1cb: {  	v5 =	vld @!p3 [tilespmem:s29+$0xFFFFFFE0];
	_ =	sdelay $0x4  }
0x1cc: {  	[tilespmem:$0x8350] =	vst @!p3 v5  }
0x1cd: {  	v5 =	vld @!p3 [tilespmem:s30+$0xFFFFFFF0];
	_ =	sdelay $0x4  }
0x1ce: {  	[tilespmem:$0x82E0] =	vst @!p3 v5  }
0x1cf: {  	v5 =	vld @!p3 [tilespmem:s29+$0xFFFFFFF0];
	_ =	sdelay $0x4  }
0x1d0: {  	[tilespmem:$0x8360] =	vst @!p3 v5  }
0x1d1: {  	v5 =	vld @!p3 [tilespmem:s30+$0x0];
	_ =	sdelay $0x4  }
0x1d2: {  	[tilespmem:$0x82F0] =	vst @!p3 v5  }
0x1d3: {  	v5 =	vld @!p3 [tilespmem:s29+$0x0]  }
0x1d4: {  	p1 =	sne.s32 s0, $0x2  }
0x1d5: {  	s6 =	simm.s32 @!p1 $0x0  }
0x1d6: {  	s5 =	sand.u32 $0x1, s13;
	s6 =	simm.s32 @p1 $0x1  }
0x1d7: {  	s13 =	simm.s32 @!p3 $0x8380;
	p1 =	sne.s32 s25, $0x0;
	[smem:$0x7FD] =	sst s6  }
0x1d8: {  	s6 =	simm.s32 @!p3 $0x8280;
	s7 =	simm.s32 @!p1 $0x1;
	s22 =	simm.s32 @!p3 $0x80;
	[tilespmem:$0x8370] =	vst @!p3 v5  }
0x1d9: {  	[tilespmem:s13], [sflag:$0x1] =	stream.indirect.gather @!p3 [spmem:s3], $0x80, s6, s22, $0xb8;
	[tilespmem:$0x1C500] =	vst v63  }
0x1da: {  	_ =	swait.ge @!p1 [sflag:s7], $0x4000  }
0x1db: {  	s25 =	sld [smem:$0x7FD];
	_ =	sdelay $0x2  }
0x1dc: {  	p3 =	seq.s32 s25, $0x1  }
.Ltmp20:
0x1dd: {  	p4 =	seq.s32 s5, $0x1;
	(pc) =	sbr.rel @!p3 .LBB2_29-.Ltmp20, $4  }
0x1de: {  	p6 =	sle.s32 @!p4 s0, $0x2  }
0x1df: {  	p2 =	por p6, p4  }
0x1e0: {  	s31 =	simm.s32 $0x2;
	p5 =	por @!p2 $0x0, $0x0  }
0x1e1: {  	s30 =	simm.s32 $0x4170;
	s13 =	simm.s32 $0x2;
	s22 =	simm.s32 $0x5170  }
.LBB2_30:
0x1e2: {  	s8 =	simm.s32 @p0 $0xC480;
	s22 =	sadd.s32 $0x80, s22  }
0x1e3: {  	s25 =	smov.u32 s13;
	s13 =	sadd.s32 $0x1, s13;
	s6 =	smov.u32 s5  }
0x1e4: {  	s5 =	simm.s32 @!p1 $0x8380;
	s9 =	simm.s32 @p0 $0x2;
	[sflag:s7] =	ssyncset.done @!p1 $0x0  }
0x1e5: {  	s10 =	simm.s32 @!p1 $0x8300;
	[sflag:s7] =	ssyncadd.s32 @!p1 $0xFFFFC000;
	s7 =	simm.s32 @!p1 $0x80  }
0x1e6: {  	[spmem:s2] =	stream.indirect.scatter.add.f32 @!p1 [tilespmem:s5], [sflag:$0x1], $0x80, s10, s7, $0xb8;
	[tilespmem:$0x1C500] =	vst v63  }
0x1e7: {  	p1 =	por @!p4 p5, p6;
	s5 =	simm.s32 @p0 $0xC400;
	_ =	swait.ge @p0 [sflag:s9], $0x4000  }
0x1e8: {  	s7 =	simm.s32 @p0 $0x80;
	p1 =	por p1, p4;
	[sflag:s9] =	ssyncset.done @p0 $0x0  }
0x1e9: {  	p3 =	sne.s32 s0, s13;
	s10 =	simm.s32 @!p1 $0x2;
	[sflag:s9] =	ssyncadd.s32 @p0 $0xFFFFC000  }
0x1ea: {  	[spmem:s2] =	stream.indirect.scatter.add.f32 @p0 [tilespmem:s8], [sflag:$0x2], $0x80, s5, s7, $0xb8;
	[tilespmem:$0x1C500] =	vst v63  }
0x1eb: {  	p0 =	por p4, p4;
	_ =	swait.ge @!p1 [sflag:s10], $0x4000  }
0x1ec: {  	[sflag:s10] =	ssyncset.done @!p1 $0x0  }
0x1ed: {  	[sflag:s10] =	ssyncadd.s32 @!p1 $0xFFFFC000  }
0x1ee: {  	v5 =	vld @!p2 [tilespmem:s30+$0xFFFFFF90];
	_ =	sdelay $0x4  }
0x1ef: {  	[tilespmem:$0xC380] =	vst @!p2 v5  }
0x1f0: {  	v5 =	vld @!p2 [tilespmem:s22+$0xFFFFFF90];
	_ =	sdelay $0x4  }
0x1f1: {  	[tilespmem:$0xC400] =	vst @!p2 v5  }
0x1f2: {  	v5 =	vld @!p2 [tilespmem:s30+$0xFFFFFFA0];
	_ =	sdelay $0x4  }
0x1f3: {  	[tilespmem:$0xC390] =	vst @!p2 v5  }
0x1f4: {  	v5 =	vld @!p2 [tilespmem:s22+$0xFFFFFFA0];
	_ =	sdelay $0x4  }
0x1f5: {  	[tilespmem:$0xC410] =	vst @!p2 v5  }
0x1f6: {  	v5 =	vld @!p2 [tilespmem:s30+$0xFFFFFFB0];
	_ =	sdelay $0x4  }
0x1f7: {  	[tilespmem:$0xC3A0] =	vst @!p2 v5  }
0x1f8: {  	v5 =	vld @!p2 [tilespmem:s22+$0xFFFFFFB0];
	_ =	sdelay $0x4  }
0x1f9: {  	[tilespmem:$0xC420] =	vst @!p2 v5  }
0x1fa: {  	v5 =	vld @!p2 [tilespmem:s30+$0xFFFFFFC0];
	_ =	sdelay $0x4  }
0x1fb: {  	[tilespmem:$0xC3B0] =	vst @!p2 v5  }
0x1fc: {  	v5 =	vld @!p2 [tilespmem:s22+$0xFFFFFFC0];
	_ =	sdelay $0x4  }
0x1fd: {  	[tilespmem:$0xC430] =	vst @!p2 v5  }
0x1fe: {  	v5 =	vld @!p2 [tilespmem:s30+$0xFFFFFFD0];
	_ =	sdelay $0x4  }
0x1ff: {  	[tilespmem:$0xC3C0] =	vst @!p2 v5  }
0x200: {  	v5 =	vld @!p2 [tilespmem:s22+$0xFFFFFFD0];
	_ =	sdelay $0x4  }
0x201: {  	[tilespmem:$0xC440] =	vst @!p2 v5  }
0x202: {  	v5 =	vld @!p2 [tilespmem:s30+$0xFFFFFFE0];
	_ =	sdelay $0x4  }
0x203: {  	[tilespmem:$0xC3D0] =	vst @!p2 v5  }
0x204: {  	v5 =	vld @!p2 [tilespmem:s22+$0xFFFFFFE0];
	_ =	sdelay $0x4  }
0x205: {  	[tilespmem:$0xC450] =	vst @!p2 v5  }
0x206: {  	v5 =	vld @!p2 [tilespmem:s30+$0xFFFFFFF0];
	_ =	sdelay $0x4  }
0x207: {  	[tilespmem:$0xC3E0] =	vst @!p2 v5  }
0x208: {  	v5 =	vld @!p2 [tilespmem:s22+$0xFFFFFFF0];
	_ =	sdelay $0x4  }
0x209: {  	[tilespmem:$0xC460] =	vst @!p2 v5  }
0x20a: {  	v5 =	vld @!p2 [tilespmem:s30+$0x0];
	_ =	sdelay $0x4  }
0x20b: {  	[tilespmem:$0xC3F0] =	vst @!p2 v5  }
0x20c: {  	v5 =	vld @!p2 [tilespmem:s22+$0x0];
	_ =	sdelay $0x2  }
0x20d: {  	p1 =	sge.s32 s31, s0;
	s31 =	smov.u32 s13  }
0x20e: {  	s5 =	simm.s32 @!p2 $0xC480;
	p5 =	por !p0, p1  }
0x20f: {  	s7 =	simm.s32 @!p2 $0x80;
	s8 =	simm.s32 @!p2 $0xC380;
	s9 =	simm.s32 @!p5 $0x1;
	[tilespmem:$0xC470] =	vst @!p2 v5  }
0x210: {  	[tilespmem:s5], [sflag:$0x2] =	stream.indirect.gather @!p2 [spmem:s3], $0x80, s8, s7, $0xb8;
	[tilespmem:$0x1C500] =	vst v63  }
0x211: {  	_ =	swait.ge @!p5 [sflag:s9], $0x4000  }
0x212: {  	[sflag:s9] =	ssyncset.done @!p5 $0x0  }
0x213: {  	[sflag:s9] =	ssyncadd.s32 @!p5 $0xFFFFC000  }
0x214: {  	v5 =	vld @!p5 [tilespmem:s30+$0xFFFFFF90];
	_ =	sdelay $0x4  }
0x215: {  	[tilespmem:$0x8280] =	vst @!p5 v5  }
0x216: {  	v5 =	vld @!p5 [tilespmem:s22+$0xFFFFFF90];
	_ =	sdelay $0x4  }
0x217: {  	[tilespmem:$0x8300] =	vst @!p5 v5  }
0x218: {  	v5 =	vld @!p5 [tilespmem:s30+$0xFFFFFFA0];
	_ =	sdelay $0x4  }
0x219: {  	[tilespmem:$0x8290] =	vst @!p5 v5  }
0x21a: {  	v5 =	vld @!p5 [tilespmem:s22+$0xFFFFFFA0];
	_ =	sdelay $0x4  }
0x21b: {  	[tilespmem:$0x8310] =	vst @!p5 v5  }
0x21c: {  	v5 =	vld @!p5 [tilespmem:s30+$0xFFFFFFB0];
	_ =	sdelay $0x4  }
0x21d: {  	[tilespmem:$0x82A0] =	vst @!p5 v5  }
0x21e: {  	v5 =	vld @!p5 [tilespmem:s22+$0xFFFFFFB0];
	_ =	sdelay $0x4  }
0x21f: {  	[tilespmem:$0x8320] =	vst @!p5 v5  }
0x220: {  	v5 =	vld @!p5 [tilespmem:s30+$0xFFFFFFC0];
	_ =	sdelay $0x4  }
0x221: {  	[tilespmem:$0x82B0] =	vst @!p5 v5  }
0x222: {  	v5 =	vld @!p5 [tilespmem:s22+$0xFFFFFFC0];
	_ =	sdelay $0x4  }
0x223: {  	[tilespmem:$0x8330] =	vst @!p5 v5  }
0x224: {  	v5 =	vld @!p5 [tilespmem:s30+$0xFFFFFFD0];
	_ =	sdelay $0x4  }
0x225: {  	[tilespmem:$0x82C0] =	vst @!p5 v5  }
0x226: {  	v5 =	vld @!p5 [tilespmem:s22+$0xFFFFFFD0];
	_ =	sdelay $0x4  }
0x227: {  	[tilespmem:$0x8340] =	vst @!p5 v5  }
0x228: {  	v5 =	vld @!p5 [tilespmem:s30+$0xFFFFFFE0];
	_ =	sdelay $0x4  }
0x229: {  	[tilespmem:$0x82D0] =	vst @!p5 v5  }
0x22a: {  	v5 =	vld @!p5 [tilespmem:s22+$0xFFFFFFE0];
	_ =	sdelay $0x4  }
0x22b: {  	[tilespmem:$0x8350] =	vst @!p5 v5  }
0x22c: {  	v5 =	vld @!p5 [tilespmem:s30+$0xFFFFFFF0];
	_ =	sdelay $0x4  }
0x22d: {  	[tilespmem:$0x82E0] =	vst @!p5 v5  }
0x22e: {  	v5 =	vld @!p5 [tilespmem:s22+$0xFFFFFFF0];
	_ =	sdelay $0x4  }
0x22f: {  	[tilespmem:$0x8360] =	vst @!p5 v5  }
0x230: {  	v5 =	vld @!p5 [tilespmem:s30+$0x0];
	_ =	sdelay $0x4  }
0x231: {  	[tilespmem:$0x82F0] =	vst @!p5 v5  }
0x232: {  	v5 =	vld @!p5 [tilespmem:s22+$0x0];
	_ =	sdelay $0x1  }
0x233: {  	s5 =	sand.u32 $0x1, s25  }
.Ltmp21:
0x234: {  	s8 =	simm.s32 @!p5 $0x8280;
	p4 =	seq.s32 s5, $0x1;
	(pc) =	sbr.rel @p3 .LBB2_30-.Ltmp21, $4  }
0x235: {  	p1 =	sne.s32 s6, $0x0;
	p6 =	sge.s32 @!p4 s31, s0;
	s9 =	simm.s32 @!p5 $0x8380  }
0x236: {  	s6 =	simm.s32 @!p5 $0x80;
	s7 =	simm.s32 @!p1 $0x1;
	p2 =	por p6, p4;
	[tilespmem:$0x8370] =	vst @!p5 v5  }
0x237: {  	[tilespmem:s9], [sflag:$0x1] =	stream.indirect.gather @!p5 [spmem:s3], $0x80, s8, s6, $0xb8;
	[tilespmem:$0x1C500] =	vst v63  }
0x238: {  	s30 =	sadd.s32 $0x80, s30;
	p5 =	seq.s32 @!p2 s25, $0x0;
	_ =	swait.ge @!p1 [sflag:s7], $0x4000  }
0x239: {  	s25 =	smov.u32 s5;
	s13 =	smov.u32 s31;
	p3 =	por $0x1, $0x1  }
.LBB2_32:
0x23a: {  	p0 =	por !p0, !p3;
	p1 =	por p1, !p3  }
0x23b: {  	[sflag:s7] =	ssyncset.done @!p1 $0x0;
	s5 =	simm.s32 @!p1 $0x8380;
	s6 =	simm.s32 @!p0 $0x2  }
0x23c: {  	s8 =	simm.s32 @!p1 $0x8300;
	[sflag:s7] =	ssyncadd.s32 @!p1 $0xFFFFC000;
	s7 =	simm.s32 @!p1 $0x80  }
0x23d: {  	[spmem:s2] =	stream.indirect.scatter.add.f32 @!p1 [tilespmem:s5], [sflag:$0x1], $0x80, s8, s7, $0xb8;
	[tilespmem:$0x1C500] =	vst v63  }
0x23e: {  	s5 =	simm.s32 @!p0 $0xC480;
	p1 =	por @!p4 p5, p6;
	_ =	swait.ge @!p0 [sflag:s6], $0x4000  }
0x23f: {  	s7 =	simm.s32 @!p0 $0xC400;
	p1 =	por p1, p4;
	[sflag:s6] =	ssyncset.done @!p0 $0x0  }
0x240: {  	s8 =	simm.s32 @!p0 $0x80;
	s9 =	simm.s32 @!p1 $0x2;
	[sflag:s6] =	ssyncadd.s32 @!p0 $0xFFFFC000  }
0x241: {  	[spmem:s2] =	stream.indirect.scatter.add.f32 @!p0 [tilespmem:s5], [sflag:$0x2], $0x80, s7, s8, $0xb8;
	[tilespmem:$0x1C500] =	vst v63  }
0x242: {  	_ =	swait.ge @!p1 [sflag:s9], $0x4000  }
0x243: {  	[sflag:s9] =	ssyncset.done @!p1 $0x0  }
0x244: {  	[sflag:s9] =	ssyncadd.s32 @!p1 $0xFFFFC000  }
0x245: {  	v5 =	vld @!p2 [tilespmem:s30+$0xFFFFFF90];
	_ =	sdelay $0x3  }
0x246: {  	s5 =	sadd.s32 @p3 $0x80, s22  }
0x247: {  	s29 =	smov.u32 @p3 s5;
	[tilespmem:$0xC380] =	vst @!p2 v5  }
0x248: {  	v5 =	vld @!p2 [tilespmem:s29+$0xFFFFFF90];
	_ =	sdelay $0x4  }
0x249: {  	[tilespmem:$0xC400] =	vst @!p2 v5  }
0x24a: {  	v5 =	vld @!p2 [tilespmem:s30+$0xFFFFFFA0];
	_ =	sdelay $0x4  }
0x24b: {  	[tilespmem:$0xC390] =	vst @!p2 v5  }
0x24c: {  	v5 =	vld @!p2 [tilespmem:s29+$0xFFFFFFA0];
	_ =	sdelay $0x4  }
0x24d: {  	[tilespmem:$0xC410] =	vst @!p2 v5  }
0x24e: {  	v5 =	vld @!p2 [tilespmem:s30+$0xFFFFFFB0];
	_ =	sdelay $0x4  }
0x24f: {  	[tilespmem:$0xC3A0] =	vst @!p2 v5  }
0x250: {  	v5 =	vld @!p2 [tilespmem:s29+$0xFFFFFFB0];
	_ =	sdelay $0x4  }
0x251: {  	[tilespmem:$0xC420] =	vst @!p2 v5  }
0x252: {  	v5 =	vld @!p2 [tilespmem:s30+$0xFFFFFFC0];
	_ =	sdelay $0x4  }
0x253: {  	[tilespmem:$0xC3B0] =	vst @!p2 v5  }
0x254: {  	v5 =	vld @!p2 [tilespmem:s29+$0xFFFFFFC0];
	_ =	sdelay $0x4  }
0x255: {  	[tilespmem:$0xC430] =	vst @!p2 v5  }
0x256: {  	v5 =	vld @!p2 [tilespmem:s30+$0xFFFFFFD0];
	_ =	sdelay $0x4  }
0x257: {  	[tilespmem:$0xC3C0] =	vst @!p2 v5  }
0x258: {  	v5 =	vld @!p2 [tilespmem:s29+$0xFFFFFFD0];
	_ =	sdelay $0x4  }
0x259: {  	[tilespmem:$0xC440] =	vst @!p2 v5  }
0x25a: {  	v5 =	vld @!p2 [tilespmem:s30+$0xFFFFFFE0];
	_ =	sdelay $0x4  }
0x25b: {  	[tilespmem:$0xC3D0] =	vst @!p2 v5  }
0x25c: {  	v5 =	vld @!p2 [tilespmem:s29+$0xFFFFFFE0];
	_ =	sdelay $0x4  }
0x25d: {  	[tilespmem:$0xC450] =	vst @!p2 v5  }
0x25e: {  	v5 =	vld @!p2 [tilespmem:s30+$0xFFFFFFF0];
	_ =	sdelay $0x4  }
0x25f: {  	[tilespmem:$0xC3E0] =	vst @!p2 v5  }
0x260: {  	v5 =	vld @!p2 [tilespmem:s29+$0xFFFFFFF0];
	_ =	sdelay $0x4  }
0x261: {  	[tilespmem:$0xC460] =	vst @!p2 v5  }
0x262: {  	v5 =	vld @!p2 [tilespmem:s30+$0x0];
	_ =	sdelay $0x4  }
0x263: {  	[tilespmem:$0xC3F0] =	vst @!p2 v5  }
0x264: {  	v5 =	vld @!p2 [tilespmem:s29+$0x0];
	_ =	sdelay $0x2  }
0x265: {  	p6 =	sge.s32 s13, s0;
	p0 =	por p4, p4  }
0x266: {  	s6 =	simm.s32 @!p2 $0x80;
	p1 =	por !p0, p6  }
0x267: {  	s7 =	simm.s32 @!p2 $0xC380;
	s5 =	simm.s32 @!p2 $0xC480;
	s8 =	simm.s32 @!p1 $0x1;
	[tilespmem:$0xC470] =	vst @!p2 v5  }
0x268: {  	[tilespmem:s5], [sflag:$0x2] =	stream.indirect.gather @!p2 [spmem:s3], $0x80, s7, s6, $0xb8;
	[tilespmem:$0x1C500] =	vst v63  }
0x269: {  	_ =	swait.ge @!p1 [sflag:s8], $0x4000  }
0x26a: {  	[sflag:s8] =	ssyncset.done @!p1 $0x0  }
0x26b: {  	[sflag:s8] =	ssyncadd.s32 @!p1 $0xFFFFC000  }
0x26c: {  	v5 =	vld @!p1 [tilespmem:s30+$0xFFFFFF90];
	_ =	sdelay $0x4  }
0x26d: {  	[tilespmem:$0x8280] =	vst @!p1 v5  }
0x26e: {  	v5 =	vld @!p1 [tilespmem:s29+$0xFFFFFF90];
	_ =	sdelay $0x4  }
0x26f: {  	[tilespmem:$0x8300] =	vst @!p1 v5  }
0x270: {  	v5 =	vld @!p1 [tilespmem:s30+$0xFFFFFFA0];
	_ =	sdelay $0x4  }
0x271: {  	[tilespmem:$0x8290] =	vst @!p1 v5  }
0x272: {  	v5 =	vld @!p1 [tilespmem:s29+$0xFFFFFFA0];
	_ =	sdelay $0x4  }
0x273: {  	[tilespmem:$0x8310] =	vst @!p1 v5  }
0x274: {  	v5 =	vld @!p1 [tilespmem:s30+$0xFFFFFFB0];
	_ =	sdelay $0x4  }
0x275: {  	[tilespmem:$0x82A0] =	vst @!p1 v5  }
0x276: {  	v5 =	vld @!p1 [tilespmem:s29+$0xFFFFFFB0];
	_ =	sdelay $0x4  }
0x277: {  	[tilespmem:$0x8320] =	vst @!p1 v5  }
0x278: {  	v5 =	vld @!p1 [tilespmem:s30+$0xFFFFFFC0];
	_ =	sdelay $0x4  }
0x279: {  	[tilespmem:$0x82B0] =	vst @!p1 v5  }
0x27a: {  	v5 =	vld @!p1 [tilespmem:s29+$0xFFFFFFC0];
	_ =	sdelay $0x4  }
0x27b: {  	[tilespmem:$0x8330] =	vst @!p1 v5  }
0x27c: {  	v5 =	vld @!p1 [tilespmem:s30+$0xFFFFFFD0];
	_ =	sdelay $0x4  }
0x27d: {  	[tilespmem:$0x82C0] =	vst @!p1 v5  }
0x27e: {  	v5 =	vld @!p1 [tilespmem:s29+$0xFFFFFFD0];
	_ =	sdelay $0x4  }
0x27f: {  	[tilespmem:$0x8340] =	vst @!p1 v5  }
0x280: {  	v5 =	vld @!p1 [tilespmem:s30+$0xFFFFFFE0];
	_ =	sdelay $0x4  }
0x281: {  	[tilespmem:$0x82D0] =	vst @!p1 v5  }
0x282: {  	v5 =	vld @!p1 [tilespmem:s29+$0xFFFFFFE0];
	_ =	sdelay $0x4  }
0x283: {  	[tilespmem:$0x8350] =	vst @!p1 v5  }
0x284: {  	v5 =	vld @!p1 [tilespmem:s30+$0xFFFFFFF0];
	_ =	sdelay $0x4  }
0x285: {  	[tilespmem:$0x82E0] =	vst @!p1 v5  }
0x286: {  	v5 =	vld @!p1 [tilespmem:s29+$0xFFFFFFF0];
	_ =	sdelay $0x4  }
0x287: {  	[tilespmem:$0x8360] =	vst @!p1 v5  }
0x288: {  	v5 =	vld @!p1 [tilespmem:s30+$0x0];
	_ =	sdelay $0x4  }
0x289: {  	[tilespmem:$0x82F0] =	vst @!p1 v5  }
0x28a: {  	v5 =	vld @!p1 [tilespmem:s29+$0x0];
	_ =	sdelay $0x3  }
0x28b: {  	s5 =	simm.s32 @!p1 $0x8280;
	p2 =	sne.s32 s25, $0x0  }
0x28c: {  	s6 =	simm.s32 @!p1 $0x8380;
	s7 =	simm.s32 @!p1 $0x80;
	s8 =	simm.s32 @!p2 $0x1;
	[tilespmem:$0x8370] =	vst @!p1 v5  }
0x28d: {  	[tilespmem:s6], [sflag:$0x1] =	stream.indirect.gather @!p1 [spmem:s3], $0x80, s5, s7, $0xb8;
	[tilespmem:$0x1C500] =	vst v63  }
0x28e: {  	_ =	swait.ge @!p2 [sflag:s8], $0x4000  }
0x28f: {  	s5 =	simm.s32 @!p2 $0x8380;
	s6 =	simm.s32 @p0 $0x2;
	[sflag:s8] =	ssyncset.done @!p2 $0x0  }
0x290: {  	s7 =	simm.s32 @!p2 $0x80;
	[sflag:s8] =	ssyncadd.s32 @!p2 $0xFFFFC000;
	s8 =	simm.s32 @!p2 $0x8300  }
0x291: {  	[spmem:s2] =	stream.indirect.scatter.add.f32 @!p2 [tilespmem:s5], [sflag:$0x1], $0x80, s8, s7, $0xb8;
	[tilespmem:$0x1C500] =	vst v63  }
0x292: {  	s31 =	sand.u32 $0x1, s0;
	_ =	swait.ge @p0 [sflag:s6], $0x4000  }
0x293: {  	p1 =	seq.s32 s31, $0x0;
	s5 =	simm.s32 @p0 $0xC480;
	[sflag:s6] =	ssyncset.done @p0 $0x0  }
0x294: {  	s7 =	simm.s32 @p0 $0xC400;
	s8 =	simm.s32 @p0 $0x80;
	[sflag:s6] =	ssyncadd.s32 @p0 $0xFFFFC000  }
0x295: {  	[spmem:s2] =	stream.indirect.scatter.add.f32 @p0 [tilespmem:s5], [sflag:$0x2], $0x80, s7, s8, $0xb8;
	[tilespmem:$0x1C500] =	vst v63  }
0x296: {  	p0 =	seq.s32 s0, $0x1;
	s0 =	simm.s32 @p1 $0x2  }
0x297: {  	_ =	swait.ge @p1 [sflag:s0], $0x4000  }
0x298: {  	[sflag:s0] =	ssyncset.done @p1 $0x0  }
.Ltmp22:
0x299: {  	[sflag:s0] =	ssyncadd.s32 @p1 $0xFFFFC000;
	s0 =	simm.s32 @p1 $0x1;
	(pc) =	sbr.rel @p0 .LBB2_34-.Ltmp22, $4  }
0x29a: {  	s0 =	simm.s32 @!p1 $0x1  }
0x29b: {  	_ =	swait.ge @!p1 [sflag:s0], $0x4000  }
0x29c: {  	[sflag:s0] =	ssyncset.done @!p1 $0x0  }
0x29d: {  	[sflag:s0] =	ssyncadd.s32 @!p1 $0xFFFFC000;
	s0 =	simm.s32 @!p1 $0x2  }
.Ltmp23:
0x29e: {  	(pc) =	sbr.rel .LBB2_34-.Ltmp23, $4  }
0x29f: {  	_ = 	snop  }
0x2a0: {  	_ =	swait.ge [sflag:s0], $0x4000  }
0x2a1: {  	[sflag:s0] =	ssyncset.done $0x0  }
0x2a2: {  	[sflag:s0] =	ssyncadd.s32 $0xFFFFC000  }
.LBB2_4:
.Ltmp24:
0x2a3: {  	(pc) =	sbr.rel .LBB2_9-.Ltmp24, $2  }
0x2a4: {  	_ =	sdelay $0x2  }
0x2a5: {  	v5 =	vmov v8;
	s5 =	simm.s32 $0x0  }
.LBB2_6:
.Ltmp25:
0x2a6: {  	(pc) =	sbr.rel .LBB2_9-.Ltmp25, $2  }
0x2a7: {  	_ =	sdelay $0x2  }
0x2a8: {  	v8 =	vmov v6;
	v5 =	vmov v6  }
.LBB2_27:
.Ltmp26:
0x2a9: {  	(pc) =	sbr.rel .LBB2_32-.Ltmp26, $2  }
0x2aa: {  	_ =	sdelay $0x2  }
0x2ab: {  	s22 =	simm.s32 $0x5170  }
.LBB2_29:
.Ltmp27:
0x2ac: {  	(pc) =	sbr.rel .LBB2_32-.Ltmp27, $3  }
0x2ad: {  	_ =	sdelay $0x1  }
0x2ae: {  	s22 =	simm.s32 $0x5170  }
0x2af: {  	s25 =	smov.u32 s5;
	s13 =	simm.s32 $0x2;
	p3 =	por $0x1, $0x1  }
.LBB2_35:
0x2b0: {  	_ =	sfence.sel $0x180000  }
0x2b1: {  	[bflag:$0x0] =	sbarrier.arrive $0xFFFF  }
0x2b2: {  	_ =	strace $0x90000047  }
0x2b3: {  	s0 =	stileid.u32;
	[bflag:$0x2] =	sbarrier.arrive $0xFFFF  }
0x2b4: {  	p0 =	sne.s32 s0, $0x0;
	s0 =	rddreg [dreg:$0x5]  }
0x2b5: {  	s0 =	sadd.s32 @!p0 $0x100000, s0  }
0x2b6: {  	[sflag:s0] =	ssyncadd.tile.s32 @!p0 $0x1;
	_ =	shalt  }
.Lfunc_end2:
_tile_overlayer_lowered:
.L_overlay_start_2:
0x2b7: {  	(tag) =	ssettag $0x2  }
0x2b8: {  	s0 =	rddreg [dreg:$0x0];
	s2 =	stileid.u32  }
0x2b9: {  	s1 =	rddreg [dreg:$0x1];
	p0 =	sne.s32 s2, $0x0  }
0x2ba: {  	s3 =	rddreg [dreg:$0x2];
	[bflag:$0x3] =	sbarrier.arrive $0xFFFF;
	s2 =	simm.s32 @!p0 $0x1C04  }
0x2bb: {  	[timem:s3], [sflag:s2] =	dma.local @!p0 [hbm:s0], s1  }
0x2bc: {  	s0 =	simm.s32 @!p0 $0x4  }
0x2bd: {  	_ =	swait.ge @!p0 [sflag:s0], s1  }
0x2be: {  	s1 =	ssub.s32 @!p0 $0x0, s1;
	[sflag:s0] =	ssyncset.done @!p0 $0x0  }
0x2bf: {  	[sflag:s0] =	ssyncadd.s32 @!p0 s1  }
0x2c0: {  	[bflag:$0x3] =	sbarrier.arrive $0xFFFF  }
0x2c1: {  	_ =	shalt  }

</sc_bundles>
